<compile_context>
chip_gen: v7x
topology: tpu7x:2x2x1
jax: 0.10.2.dev20260603
libtpu: 0.0.44.dev20260713+nightly
codegen_flags: <defaults>
</compile_context>

<pallas_src>
import functools

import jax
import jax.numpy as jnp
from jax import lax
from jax.experimental import pallas as pl
from jax.experimental.pallas import tpu as pltpu
from jax.experimental.pallas import tpu_sc as plsc

B = 4
L = 2048
D = 1024
NW = 32
LPW = L // NW
TPW = B * LPW
CHUNK = 8
NCHUNK = TPW // CHUNK
NBUF = 8
PD = 5
PHL = 32
CPP = 16
LBLK = 4
LANES = 16


@jax.jit
def _sc_embed(idx, table, pos_table):
    mesh = plsc.VectorSubcoreMesh(core_axis_name="c", subcore_axis_name="s")

    @functools.partial(
        pl.kernel,
        out_type=jax.ShapeDtypeStruct((B * L, D), jnp.float32),
        mesh=mesh,
        scratch_types=[
            pltpu.VMEM((B, LPW), jnp.int32),
            pltpu.VMEM((NBUF, CHUNK, D), jnp.float32),
            pltpu.VMEM((PHL, D), jnp.float32),
            pltpu.SemaphoreType.DMA((NBUF,)),
            pltpu.SemaphoreType.DMA((NBUF,)),
        ],
    )
    def k(idx_hbm, table_hbm, pos_hbm, out_hbm, idx_v, tok_v, pos_v, sg, so):
        wid = lax.axis_index("s") * 2 + lax.axis_index("c")
        lbase = wid * LPW
        for bb in range(B):
            pltpu.sync_copy(idx_hbm.at[bb, pl.ds(lbase, LPW)], idx_v.at[bb])
        pltpu.sync_copy(pos_hbm.at[pl.ds(lbase, PHL)], pos_v)

        def decomp(c):
            p = c // CPP
            kk = lax.rem(c, CPP)
            bb = kk // LBLK
            loff = p * PHL + lax.rem(kk, LBLK) * CHUNK
            return bb, loff, lax.rem(kk, LBLK) * CHUNK

        def gather(c, b):
            bb, loff, _ = decomp(c)
            ii = idx_v.at[bb].at[pl.ds(loff, CHUNK)]
            return pltpu.make_async_copy(
                table_hbm.at[ii], tok_v.at[b], sg.at[b])

        def out_store(c, b):
            bb, loff, _ = decomp(c)
            row0 = bb * L + lbase + loff
            return pltpu.make_async_copy(
                tok_v.at[b], out_hbm.at[pl.ds(row0, CHUNK)], so.at[b])

        for b in range(PD):
            gather(b, b).start()

        @pl.loop(0, NCHUNK, step=NBUF)
        def _group(c0):
            @pl.when(c0 == CPP)
            def _repos():
                pltpu.sync_copy(
                    pos_hbm.at[pl.ds(lbase + PHL, PHL)], pos_v)

            for b in range(NBUF):
                c = c0 + b
                gather(c, b).wait()
                _, _, pr0 = decomp(c)

                @plsc.parallel_loop(0, CHUNK * D, step=LANES, unroll=8)
                def _elt(i):
                    r = i >> 10
                    col = pl.multiple_of(i & (D - 1), LANES)
                    v = pos_v[pr0 + r, pl.ds(col, LANES)]
                    plsc.addupdate(tok_v.at[b].at[r, pl.ds(col, LANES)], v)

                out_store(c, b).start()

                cp = c + PD
                bp = (b + PD) % NBUF

                @pl.when(cp < NCHUNK)
                def _prefetch():
                    @pl.when(cp >= NBUF)
                    def _drain():
                        out_store(cp - NBUF, bp).wait()

                    gather(cp, bp).start()

        for b in range(NBUF):
            out_store(NCHUNK - NBUF + b, b).wait()

    return k(idx, table, pos_table)


def kernel(x, table, pos_table):
    out = _sc_embed(x.astype(jnp.int32), table, pos_table)
    return out.reshape(B, L, D)

# --- scband reference (transcript-rebuilt; emitter-appended) ---
"""Pipeline reference for scband-transformer-embedding-26010321945079 (READ-ONLY COPY).

The authoritative reference and input builder live on the scoring server;
editing this copy changes nothing except your own understanding.
"""

import jax, jax.numpy as jnp
import numpy as np

VOCAB = 100000
D_MODEL = 1024
B = 4
L = 2048

def setup_inputs(seed: int = 0) -> dict:
    key = jax.random.key(seed)
    k1, k2, k3 = jax.random.split(key, 3)
    x = jax.random.randint(k1, (B, L), 0, VOCAB, dtype=jnp.int64)
    table = jax.random.normal(k2, (VOCAB, D_MODEL), dtype=jnp.float32) * 0.02
    pos_table = jax.random.normal(k3, (L, D_MODEL), dtype=jnp.float32) * 0.02
    return {"x": x, "table": table, "pos_table": pos_table}

def reference(x, table, pos_table):
    # token embedding lookup (gather)
    tok = jnp.take(table, x, axis=0)  # [B, L, D]
    # positional embedding added to token embeddings (pos_embed applied after token_embed in nn.Sequential)
    out = tok + pos_table[None, :x.shape[1], :]
    # dropout with p=0 is identity
    return out

if __name__ == "__main__":
    import jax
    _d = setup_inputs()
    print(jax.jit(kernel)(*tuple(_d.values())))

</pallas_src>

<mosaic_0001>
#map = affine_map<(d0, d1) -> (0, 0)>
module attributes {stable_mosaic.version = 14 : i64} {
  func.func @k(%arg0: i32, %arg1: i32, %arg2: memref<4x2048xi32, #tpu.memory_space<hbm>>, %arg3: memref<100000x1024xf32, #tpu.memory_space<hbm>>, %arg4: memref<2048x1024xf32, #tpu.memory_space<hbm>>, %arg5: memref<8192x1024xf32, #tpu.memory_space<hbm>>, %arg6: memref<4x64xi32, #tpu.memory_space<vmem>>, %arg7: memref<8x8x1024xf32, #tpu.memory_space<vmem>>, %arg8: memref<32x1024xf32, #tpu.memory_space<vmem>>, %arg9: memref<8x!tpu.dma_semaphore, #tpu.memory_space<semaphore_mem>>, %arg10: memref<8x!tpu.dma_semaphore, #tpu.memory_space<semaphore_mem>>) attributes {dimension_semantics = [#tpu.dimension_semantics<core_parallel>, #tpu.dimension_semantics<subcore_parallel>], iteration_bounds = array<i64: 2, 16>, scalar_prefetch = 0 : i64, scratch_operands = 5 : i64, tpu.core_type = #tpu.core_type<sc_vector_subcore>, window_params = [{transform_indices = #map}, {transform_indices = #map}, {transform_indices = #map}, {transform_indices = #map}]} {
    %mul3A = arith.constant 2 : i32
    %mul3A_0 = arith.muli %arg1, %mul3A : i32
    %add3A = arith.addi %mul3A_0, %arg0 : i32
    %mul3A_1 = arith.constant 64 : i32
    %mul3A_2 = arith.muli %add3A, %mul3A_1 : i32
    %run_scoped3A = arith.constant 0 : i32
    %run_scoped3A_3 = arith.constant 0 : i32
    "tpu.region"() ({
      %run_scoped3A_720 = tpu.sem_alloc : memref<!tpu.dma_semaphore, #tpu.memory_space<semaphore_mem>>
      %dma_start3A_721 = arith.constant 0 : i32
      %dma_start3A_722 = tpu.memref_slice %arg6[%run_scoped3A_3, %dma_start3A_721] : memref<4x64xi32, #tpu.memory_space<vmem>> -> memref<1x64xi32, #tpu.memory_space<vmem>>
      %dma_start3A_723 = tpu.memref_squeeze %dma_start3A_722 : memref<1x64xi32, #tpu.memory_space<vmem>> -> memref<64xi32, #tpu.memory_space<vmem>>
      %dma_start3A_724 = tpu.memref_slice %arg2[%run_scoped3A, %mul3A_2] : memref<4x2048xi32, #tpu.memory_space<hbm>> -> memref<1x64xi32, #tpu.memory_space<hbm>>
      %dma_start3A_725 = tpu.memref_squeeze %dma_start3A_724 : memref<1x64xi32, #tpu.memory_space<hbm>> -> memref<64xi32, #tpu.memory_space<hbm>>
      %dma_start3A_726 = arith.constant 0 : i32
      %dma_start3A_727 = tpu.memref_slice %arg6[%run_scoped3A_3, %dma_start3A_726] : memref<4x64xi32, #tpu.memory_space<vmem>> -> memref<1x64xi32, #tpu.memory_space<vmem>>
      %dma_start3A_728 = tpu.memref_squeeze %dma_start3A_727 : memref<1x64xi32, #tpu.memory_space<vmem>> -> memref<64xi32, #tpu.memory_space<vmem>>
      %dma_start3A_729 = tpu.memref_slice %arg2[%run_scoped3A, %mul3A_2] : memref<4x2048xi32, #tpu.memory_space<hbm>> -> memref<1x64xi32, #tpu.memory_space<hbm>>
      %dma_start3A_730 = tpu.memref_squeeze %dma_start3A_729 : memref<1x64xi32, #tpu.memory_space<hbm>> -> memref<64xi32, #tpu.memory_space<hbm>>
      tpu.enqueue_dma source(%dma_start3A_730 : memref<64xi32, #tpu.memory_space<hbm>>) target(%dma_start3A_728 : memref<64xi32, #tpu.memory_space<vmem>>) target_semaphore(%run_scoped3A_720 : memref<!tpu.dma_semaphore, #tpu.memory_space<semaphore_mem>>)
      %dma_wait3A_731 = arith.constant 0 : i32
      %dma_wait3A_732 = tpu.memref_slice %arg6[%run_scoped3A_3, %dma_wait3A_731] : memref<4x64xi32, #tpu.memory_space<vmem>> -> memref<1x64xi32, #tpu.memory_space<vmem>>
      %dma_wait3A_733 = tpu.memref_squeeze %dma_wait3A_732 : memref<1x64xi32, #tpu.memory_space<vmem>> -> memref<64xi32, #tpu.memory_space<vmem>>
      %dma_wait3A_734 = tpu.memref_slice %arg2[%run_scoped3A, %mul3A_2] : memref<4x2048xi32, #tpu.memory_space<hbm>> -> memref<1x64xi32, #tpu.memory_space<hbm>>
      %dma_wait3A_735 = tpu.memref_squeeze %dma_wait3A_734 : memref<1x64xi32, #tpu.memory_space<hbm>> -> memref<64xi32, #tpu.memory_space<hbm>>
      %dma_wait3A_736 = arith.constant 0 : i32
      %dma_wait3A_737 = tpu.memref_slice %arg6[%run_scoped3A_3, %dma_wait3A_736] : memref<4x64xi32, #tpu.memory_space<vmem>> -> memref<1x64xi32, #tpu.memory_space<vmem>>
      %dma_wait3A_738 = tpu.memref_squeeze %dma_wait3A_737 : memref<1x64xi32, #tpu.memory_space<vmem>> -> memref<64xi32, #tpu.memory_space<vmem>>
      %dma_wait3A_739 = tpu.memref_slice %arg2[%run_scoped3A, %mul3A_2] : memref<4x2048xi32, #tpu.memory_space<hbm>> -> memref<1x64xi32, #tpu.memory_space<hbm>>
      %dma_wait3A_740 = tpu.memref_squeeze %dma_wait3A_739 : memref<1x64xi32, #tpu.memory_space<hbm>> -> memref<64xi32, #tpu.memory_space<hbm>>
      tpu.wait_dma2 semaphore(%run_scoped3A_720 : memref<!tpu.dma_semaphore, #tpu.memory_space<semaphore_mem>>) src(%dma_wait3A_740 : memref<64xi32, #tpu.memory_space<hbm>>) dst(%dma_wait3A_738 : memref<64xi32, #tpu.memory_space<vmem>>)
      tpu.yield
    }) : () -> ()
    %run_scoped3A_4 = arith.constant 1 : i32
    %run_scoped3A_5 = arith.constant 1 : i32
    "tpu.region"() ({
      %run_scoped3A_720 = tpu.sem_alloc : memref<!tpu.dma_semaphore, #tpu.memory_space<semaphore_mem>>
      %dma_start3A_721 = arith.constant 0 : i32
      %dma_start3A_722 = tpu.memref_slice %arg6[%run_scoped3A_5, %dma_start3A_721] : memref<4x64xi32, #tpu.memory_space<vmem>> -> memref<1x64xi32, #tpu.memory_space<vmem>>
      %dma_start3A_723 = tpu.memref_squeeze %dma_start3A_722 : memref<1x64xi32, #tpu.memory_space<vmem>> -> memref<64xi32, #tpu.memory_space<vmem>>
      %dma_start3A_724 = tpu.memref_slice %arg2[%run_scoped3A_4, %mul3A_2] : memref<4x2048xi32, #tpu.memory_space<hbm>> -> memref<1x64xi32, #tpu.memory_space<hbm>>
      %dma_start3A_725 = tpu.memref_squeeze %dma_start3A_724 : memref<1x64xi32, #tpu.memory_space<hbm>> -> memref<64xi32, #tpu.memory_space<hbm>>
      %dma_start3A_726 = arith.constant 0 : i32
      %dma_start3A_727 = tpu.memref_slice %arg6[%run_scoped3A_5, %dma_start3A_726] : memref<4x64xi32, #tpu.memory_space<vmem>> -> memref<1x64xi32, #tpu.memory_space<vmem>>
      %dma_start3A_728 = tpu.memref_squeeze %dma_start3A_727 : memref<1x64xi32, #tpu.memory_space<vmem>> -> memref<64xi32, #tpu.memory_space<vmem>>
      %dma_start3A_729 = tpu.memref_slice %arg2[%run_scoped3A_4, %mul3A_2] : memref<4x2048xi32, #tpu.memory_space<hbm>> -> memref<1x64xi32, #tpu.memory_space<hbm>>
      %dma_start3A_730 = tpu.memref_squeeze %dma_start3A_729 : memref<1x64xi32, #tpu.memory_space<hbm>> -> memref<64xi32, #tpu.memory_space<hbm>>
      tpu.enqueue_dma source(%dma_start3A_730 : memref<64xi32, #tpu.memory_space<hbm>>) target(%dma_start3A_728 : memref<64xi32, #tpu.memory_space<vmem>>) target_semaphore(%run_scoped3A_720 : memref<!tpu.dma_semaphore, #tpu.memory_space<semaphore_mem>>)
      %dma_wait3A_731 = arith.constant 0 : i32
      %dma_wait3A_732 = tpu.memref_slice %arg6[%run_scoped3A_5, %dma_wait3A_731] : memref<4x64xi32, #tpu.memory_space<vmem>> -> memref<1x64xi32, #tpu.memory_space<vmem>>
      %dma_wait3A_733 = tpu.memref_squeeze %dma_wait3A_732 : memref<1x64xi32, #tpu.memory_space<vmem>> -> memref<64xi32, #tpu.memory_space<vmem>>
      %dma_wait3A_734 = tpu.memref_slice %arg2[%run_scoped3A_4, %mul3A_2] : memref<4x2048xi32, #tpu.memory_space<hbm>> -> memref<1x64xi32, #tpu.memory_space<hbm>>
      %dma_wait3A_735 = tpu.memref_squeeze %dma_wait3A_734 : memref<1x64xi32, #tpu.memory_space<hbm>> -> memref<64xi32, #tpu.memory_space<hbm>>
      %dma_wait3A_736 = arith.constant 0 : i32
      %dma_wait3A_737 = tpu.memref_slice %arg6[%run_scoped3A_5, %dma_wait3A_736] : memref<4x64xi32, #tpu.memory_space<vmem>> -> memref<1x64xi32, #tpu.memory_space<vmem>>
      %dma_wait3A_738 = tpu.memref_squeeze %dma_wait3A_737 : memref<1x64xi32, #tpu.memory_space<vmem>> -> memref<64xi32, #tpu.memory_space<vmem>>
      %dma_wait3A_739 = tpu.memref_slice %arg2[%run_scoped3A_4, %mul3A_2] : memref<4x2048xi32, #tpu.memory_space<hbm>> -> memref<1x64xi32, #tpu.memory_space<hbm>>
      %dma_wait3A_740 = tpu.memref_squeeze %dma_wait3A_739 : memref<1x64xi32, #tpu.memory_space<hbm>> -> memref<64xi32, #tpu.memory_space<hbm>>
      tpu.wait_dma2 semaphore(%run_scoped3A_720 : memref<!tpu.dma_semaphore, #tpu.memory_space<semaphore_mem>>) src(%dma_wait3A_740 : memref<64xi32, #tpu.memory_space<hbm>>) dst(%dma_wait3A_738 : memref<64xi32, #tpu.memory_space<vmem>>)
      tpu.yield
    }) : () -> ()
    %run_scoped3A_6 = arith.constant 2 : i32
    %run_scoped3A_7 = arith.constant 2 : i32
    "tpu.region"() ({
      %run_scoped3A_720 = tpu.sem_alloc : memref<!tpu.dma_semaphore, #tpu.memory_space<semaphore_mem>>
      %dma_start3A_721 = arith.constant 0 : i32
      %dma_start3A_722 = tpu.memref_slice %arg6[%run_scoped3A_7, %dma_start3A_721] : memref<4x64xi32, #tpu.memory_space<vmem>> -> memref<1x64xi32, #tpu.memory_space<vmem>>
      %dma_start3A_723 = tpu.memref_squeeze %dma_start3A_722 : memref<1x64xi32, #tpu.memory_space<vmem>> -> memref<64xi32, #tpu.memory_space<vmem>>
      %dma_start3A_724 = tpu.memref_slice %arg2[%run_scoped3A_6, %mul3A_2] : memref<4x2048xi32, #tpu.memory_space<hbm>> -> memref<1x64xi32, #tpu.memory_space<hbm>>
      %dma_start3A_725 = tpu.memref_squeeze %dma_start3A_724 : memref<1x64xi32, #tpu.memory_space<hbm>> -> memref<64xi32, #tpu.memory_space<hbm>>
      %dma_start3A_726 = arith.constant 0 : i32
      %dma_start3A_727 = tpu.memref_slice %arg6[%run_scoped3A_7, %dma_start3A_726] : memref<4x64xi32, #tpu.memory_space<vmem>> -> memref<1x64xi32, #tpu.memory_space<vmem>>
      %dma_start3A_728 = tpu.memref_squeeze %dma_start3A_727 : memref<1x64xi32, #tpu.memory_space<vmem>> -> memref<64xi32, #tpu.memory_space<vmem>>
      %dma_start3A_729 = tpu.memref_slice %arg2[%run_scoped3A_6, %mul3A_2] : memref<4x2048xi32, #tpu.memory_space<hbm>> -> memref<1x64xi32, #tpu.memory_space<hbm>>
      %dma_start3A_730 = tpu.memref_squeeze %dma_start3A_729 : memref<1x64xi32, #tpu.memory_space<hbm>> -> memref<64xi32, #tpu.memory_space<hbm>>
      tpu.enqueue_dma source(%dma_start3A_730 : memref<64xi32, #tpu.memory_space<hbm>>) target(%dma_start3A_728 : memref<64xi32, #tpu.memory_space<vmem>>) target_semaphore(%run_scoped3A_720 : memref<!tpu.dma_semaphore, #tpu.memory_space<semaphore_mem>>)
      %dma_wait3A_731 = arith.constant 0 : i32
      %dma_wait3A_732 = tpu.memref_slice %arg6[%run_scoped3A_7, %dma_wait3A_731] : memref<4x64xi32, #tpu.memory_space<vmem>> -> memref<1x64xi32, #tpu.memory_space<vmem>>
      %dma_wait3A_733 = tpu.memref_squeeze %dma_wait3A_732 : memref<1x64xi32, #tpu.memory_space<vmem>> -> memref<64xi32, #tpu.memory_space<vmem>>
      %dma_wait3A_734 = tpu.memref_slice %arg2[%run_scoped3A_6, %mul3A_2] : memref<4x2048xi32, #tpu.memory_space<hbm>> -> memref<1x64xi32, #tpu.memory_space<hbm>>
      %dma_wait3A_735 = tpu.memref_squeeze %dma_wait3A_734 : memref<1x64xi32, #tpu.memory_space<hbm>> -> memref<64xi32, #tpu.memory_space<hbm>>
      %dma_wait3A_736 = arith.constant 0 : i32
      %dma_wait3A_737 = tpu.memref_slice %arg6[%run_scoped3A_7, %dma_wait3A_736] : memref<4x64xi32, #tpu.memory_space<vmem>> -> memref<1x64xi32, #tpu.memory_space<vmem>>
      %dma_wait3A_738 = tpu.memref_squeeze %dma_wait3A_737 : memref<1x64xi32, #tpu.memory_space<vmem>> -> memref<64xi32, #tpu.memory_space<vmem>>
      %dma_wait3A_739 = tpu.memref_slice %arg2[%run_scoped3A_6, %mul3A_2] : memref<4x2048xi32, #tpu.memory_space<hbm>> -> memref<1x64xi32, #tpu.memory_space<hbm>>
      %dma_wait3A_740 = tpu.memref_squeeze %dma_wait3A_739 : memref<1x64xi32, #tpu.memory_space<hbm>> -> memref<64xi32, #tpu.memory_space<hbm>>
      tpu.wait_dma2 semaphore(%run_scoped3A_720 : memref<!tpu.dma_semaphore, #tpu.memory_space<semaphore_mem>>) src(%dma_wait3A_740 : memref<64xi32, #tpu.memory_space<hbm>>) dst(%dma_wait3A_738 : memref<64xi32, #tpu.memory_space<vmem>>)
      tpu.yield
    }) : () -> ()
    %run_scoped3A_8 = arith.constant 3 : i32
    %run_scoped3A_9 = arith.constant 3 : i32
    "tpu.region"() ({
      %run_scoped3A_720 = tpu.sem_alloc : memref<!tpu.dma_semaphore, #tpu.memory_space<semaphore_mem>>
      %dma_start3A_721 = arith.constant 0 : i32
      %dma_start3A_722 = tpu.memref_slice %arg6[%run_scoped3A_9, %dma_start3A_721] : memref<4x64xi32, #tpu.memory_space<vmem>> -> memref<1x64xi32, #tpu.memory_space<vmem>>
      %dma_start3A_723 = tpu.memref_squeeze %dma_start3A_722 : memref<1x64xi32, #tpu.memory_space<vmem>> -> memref<64xi32, #tpu.memory_space<vmem>>
      %dma_start3A_724 = tpu.memref_slice %arg2[%run_scoped3A_8, %mul3A_2] : memref<4x2048xi32, #tpu.memory_space<hbm>> -> memref<1x64xi32, #tpu.memory_space<hbm>>
      %dma_start3A_725 = tpu.memref_squeeze %dma_start3A_724 : memref<1x64xi32, #tpu.memory_space<hbm>> -> memref<64xi32, #tpu.memory_space<hbm>>
      %dma_start3A_726 = arith.constant 0 : i32
      %dma_start3A_727 = tpu.memref_slice %arg6[%run_scoped3A_9, %dma_start3A_726] : memref<4x64xi32, #tpu.memory_space<vmem>> -> memref<1x64xi32, #tpu.memory_space<vmem>>
      %dma_start3A_728 = tpu.memref_squeeze %dma_start3A_727 : memref<1x64xi32, #tpu.memory_space<vmem>> -> memref<64xi32, #tpu.memory_space<vmem>>
      %dma_start3A_729 = tpu.memref_slice %arg2[%run_scoped3A_8, %mul3A_2] : memref<4x2048xi32, #tpu.memory_space<hbm>> -> memref<1x64xi32, #tpu.memory_space<hbm>>
      %dma_start3A_730 = tpu.memref_squeeze %dma_start3A_729 : memref<1x64xi32, #tpu.memory_space<hbm>> -> memref<64xi32, #tpu.memory_space<hbm>>
      tpu.enqueue_dma source(%dma_start3A_730 : memref<64xi32, #tpu.memory_space<hbm>>) target(%dma_start3A_728 : memref<64xi32, #tpu.memory_space<vmem>>) target_semaphore(%run_scoped3A_720 : memref<!tpu.dma_semaphore, #tpu.memory_space<semaphore_mem>>)
      %dma_wait3A_731 = arith.constant 0 : i32
      %dma_wait3A_732 = tpu.memref_slice %arg6[%run_scoped3A_9, %dma_wait3A_731] : memref<4x64xi32, #tpu.memory_space<vmem>> -> memref<1x64xi32, #tpu.memory_space<vmem>>
      %dma_wait3A_733 = tpu.memref_squeeze %dma_wait3A_732 : memref<1x64xi32, #tpu.memory_space<vmem>> -> memref<64xi32, #tpu.memory_space<vmem>>
      %dma_wait3A_734 = tpu.memref_slice %arg2[%run_scoped3A_8, %mul3A_2] : memref<4x2048xi32, #tpu.memory_space<hbm>> -> memref<1x64xi32, #tpu.memory_space<hbm>>
      %dma_wait3A_735 = tpu.memref_squeeze %dma_wait3A_734 : memref<1x64xi32, #tpu.memory_space<hbm>> -> memref<64xi32, #tpu.memory_space<hbm>>
      %dma_wait3A_736 = arith.constant 0 : i32
      %dma_wait3A_737 = tpu.memref_slice %arg6[%run_scoped3A_9, %dma_wait3A_736] : memref<4x64xi32, #tpu.memory_space<vmem>> -> memref<1x64xi32, #tpu.memory_space<vmem>>
      %dma_wait3A_738 = tpu.memref_squeeze %dma_wait3A_737 : memref<1x64xi32, #tpu.memory_space<vmem>> -> memref<64xi32, #tpu.memory_space<vmem>>
      %dma_wait3A_739 = tpu.memref_slice %arg2[%run_scoped3A_8, %mul3A_2] : memref<4x2048xi32, #tpu.memory_space<hbm>> -> memref<1x64xi32, #tpu.memory_space<hbm>>
      %dma_wait3A_740 = tpu.memref_squeeze %dma_wait3A_739 : memref<1x64xi32, #tpu.memory_space<hbm>> -> memref<64xi32, #tpu.memory_space<hbm>>
      tpu.wait_dma2 semaphore(%run_scoped3A_720 : memref<!tpu.dma_semaphore, #tpu.memory_space<semaphore_mem>>) src(%dma_wait3A_740 : memref<64xi32, #tpu.memory_space<hbm>>) dst(%dma_wait3A_738 : memref<64xi32, #tpu.memory_space<vmem>>)
      tpu.yield
    }) : () -> ()
    "tpu.region"() ({
      %run_scoped3A_720 = tpu.sem_alloc : memref<!tpu.dma_semaphore, #tpu.memory_space<semaphore_mem>>
      %dma_start3A_721 = arith.constant 0 : i32
      %dma_start3A_722 = tpu.memref_slice %arg4[%mul3A_2, %dma_start3A_721] : memref<2048x1024xf32, #tpu.memory_space<hbm>> -> memref<32x1024xf32, #tpu.memory_space<hbm>>
      %dma_start3A_723 = arith.constant 0 : i32
      %dma_start3A_724 = tpu.memref_slice %arg4[%mul3A_2, %dma_start3A_723] : memref<2048x1024xf32, #tpu.memory_space<hbm>> -> memref<32x1024xf32, #tpu.memory_space<hbm>>
      tpu.enqueue_dma source(%dma_start3A_724 : memref<32x1024xf32, #tpu.memory_space<hbm>>) target(%arg8 : memref<32x1024xf32, #tpu.memory_space<vmem>>) target_semaphore(%run_scoped3A_720 : memref<!tpu.dma_semaphore, #tpu.memory_space<semaphore_mem>>)
      %dma_wait3A_725 = arith.constant 0 : i32
      %dma_wait3A_726 = tpu.memref_slice %arg4[%mul3A_2, %dma_wait3A_725] : memref<2048x1024xf32, #tpu.memory_space<hbm>> -> memref<32x1024xf32, #tpu.memory_space<hbm>>
      %dma_wait3A_727 = arith.constant 0 : i32
      %dma_wait3A_728 = tpu.memref_slice %arg4[%mul3A_2, %dma_wait3A_727] : memref<2048x1024xf32, #tpu.memory_space<hbm>> -> memref<32x1024xf32, #tpu.memory_space<hbm>>
      tpu.wait_dma2 semaphore(%run_scoped3A_720 : memref<!tpu.dma_semaphore, #tpu.memory_space<semaphore_mem>>) src(%dma_wait3A_728 : memref<32x1024xf32, #tpu.memory_space<hbm>>) dst(%arg8 : memref<32x1024xf32, #tpu.memory_space<vmem>>)
      tpu.yield
    }) : () -> ()
    %rem3A = arith.constant 0 : i32
    %rem3A_10 = arith.constant 16 : i32
    %rem3A_11 = arith.remsi %rem3A, %rem3A_10 : i32
    %jit3A = arith.constant 4 : i32
    %div3A = arith.divsi %rem3A_11, %jit3A : i32
    %sign3A = arith.constant 0 : i32
    %sign3A_12 = arith.cmpi sgt, %rem3A_11, %sign3A : i32
    %sign3A_13 = arith.extui %sign3A_12 : i1 to i32
    %sign3A_14 = arith.constant 0 : i32
    %sign3A_15 = arith.cmpi slt, %rem3A_11, %sign3A_14 : i32
    %sign3A_16 = arith.extui %sign3A_15 : i1 to i32
    %sign3A_17 = arith.subi %sign3A_13, %sign3A_16 : i32
    %sign3A_18 = arith.constant 0 : i32
    %sign3A_19 = arith.cmpi sgt, %jit3A, %sign3A_18 : i32
    %sign3A_20 = arith.extui %sign3A_19 : i1 to i32
    %sign3A_21 = arith.constant 0 : i32
    %sign3A_22 = arith.cmpi slt, %jit3A, %sign3A_21 : i32
    %sign3A_23 = arith.extui %sign3A_22 : i1 to i32
    %sign3A_24 = arith.subi %sign3A_20, %sign3A_23 : i32
    %ne3A = arith.cmpi ne, %sign3A_17, %sign3A_24 : i32
    %rem3A_25 = arith.remsi %rem3A_11, %jit3A : i32
    %ne3A_26 = arith.constant 0 : i32
    %ne3A_27 = arith.cmpi ne, %rem3A_25, %ne3A_26 : i32
    %and3A = arith.andi %ne3A, %ne3A_27 : i1
    %sub3A = arith.constant 1 : i32
    %sub3A_28 = arith.subi %div3A, %sub3A : i32
    %select_n3A = arith.select %and3A, %sub3A_28, %div3A : i32
    %rem3A_29 = arith.constant 4 : i32
    %rem3A_30 = arith.remsi %rem3A_11, %rem3A_29 : i32
    %mul3A_31 = arith.constant 8 : i32
    %mul3A_32 = arith.muli %rem3A_30, %mul3A_31 : i32
    %add3A_33 = arith.constant 0 : i32
    %add3A_34 = arith.addi %add3A_33, %mul3A_32 : i32
    %rem3A_35 = arith.constant 4 : i32
    %rem3A_36 = arith.remsi %rem3A_11, %rem3A_35 : i32
    %mul3A_37 = arith.constant 8 : i32
    %mul3A_38 = arith.muli %rem3A_36, %mul3A_37 : i32
    %dma_start3A = arith.constant 0 : i32
    %dma_start3A_39 = arith.constant 0 : i32
    %dma_start3A_40 = arith.constant 0 : i32
    %dma_start3A_41 = arith.constant 0 : i32
    %dma_start3A_42 = tpu.memref_slice %arg7[%dma_start3A, %dma_start3A_40, %dma_start3A_41] : memref<8x8x1024xf32, #tpu.memory_space<vmem>> -> memref<1x8x1024xf32, #tpu.memory_space<vmem>>
    %dma_start3A_43 = tpu.memref_squeeze %dma_start3A_42 : memref<1x8x1024xf32, #tpu.memory_space<vmem>> -> memref<8x1024xf32, #tpu.memory_space<vmem>>
    %dma_start3A_44 = arith.constant 0 : i32
    %dma_start3A_45 = tpu.memref_slice %arg6[%select_n3A, %dma_start3A_44] : memref<4x64xi32, #tpu.memory_space<vmem>> -> memref<1x64xi32, #tpu.memory_space<vmem>>
    %dma_start3A_46 = tpu.memref_squeeze %dma_start3A_45 : memref<1x64xi32, #tpu.memory_space<vmem>> -> memref<64xi32, #tpu.memory_space<vmem>>
    %dma_start3A_47 = tpu.memref_slice %dma_start3A_46[%add3A_34] : memref<64xi32, #tpu.memory_space<vmem>> -> memref<8xi32, #tpu.memory_space<vmem>>
    %dma_start3A_48 = arith.constant 0 : i32
    %dma_start3A_49 = arith.constant 0 : i32
    %dma_start3A_50 = tpu.memref_slice %arg3[%dma_start3A_48, %dma_start3A_49] : memref<100000x1024xf32, #tpu.memory_space<hbm>> -> memref<100000x1024xf32, #tpu.memory_space<hbm>>
    %dma_start3A_51 = tpu.memref_slice %arg9[%dma_start3A_39] : memref<8x!tpu.dma_semaphore, #tpu.memory_space<semaphore_mem>> -> memref<1x!tpu.dma_semaphore, #tpu.memory_space<semaphore_mem>>
    %dma_start3A_52 = tpu.memref_squeeze %dma_start3A_51 : memref<1x!tpu.dma_semaphore, #tpu.memory_space<semaphore_mem>> -> memref<!tpu.dma_semaphore, #tpu.memory_space<semaphore_mem>>
    tpu.enqueue_indirect_dma source(%dma_start3A_50 : memref<100000x1024xf32, #tpu.memory_space<hbm>>) target(%dma_start3A_43 : memref<8x1024xf32, #tpu.memory_space<vmem>>) offsets(%dma_start3A_47 : memref<8xi32, #tpu.memory_space<vmem>>) semaphore(%dma_start3A_52 : memref<!tpu.dma_semaphore, #tpu.memory_space<semaphore_mem>>)
    %rem3A_53 = arith.constant 1 : i32
    %rem3A_54 = arith.constant 16 : i32
    %rem3A_55 = arith.remsi %rem3A_53, %rem3A_54 : i32
    %jit3A_56 = arith.constant 4 : i32
    %div3A_57 = arith.divsi %rem3A_55, %jit3A_56 : i32
    %sign3A_58 = arith.constant 0 : i32
    %sign3A_59 = arith.cmpi sgt, %rem3A_55, %sign3A_58 : i32
    %sign3A_60 = arith.extui %sign3A_59 : i1 to i32
    %sign3A_61 = arith.constant 0 : i32
    %sign3A_62 = arith.cmpi slt, %rem3A_55, %sign3A_61 : i32
    %sign3A_63 = arith.extui %sign3A_62 : i1 to i32
    %sign3A_64 = arith.subi %sign3A_60, %sign3A_63 : i32
    %sign3A_65 = arith.constant 0 : i32
    %sign3A_66 = arith.cmpi sgt, %jit3A_56, %sign3A_65 : i32
    %sign3A_67 = arith.extui %sign3A_66 : i1 to i32
    %sign3A_68 = arith.constant 0 : i32
    %sign3A_69 = arith.cmpi slt, %jit3A_56, %sign3A_68 : i32
    %sign3A_70 = arith.extui %sign3A_69 : i1 to i32
    %sign3A_71 = arith.subi %sign3A_67, %sign3A_70 : i32
    %ne3A_72 = arith.cmpi ne, %sign3A_64, %sign3A_71 : i32
    %rem3A_73 = arith.remsi %rem3A_55, %jit3A_56 : i32
    %ne3A_74 = arith.constant 0 : i32
    %ne3A_75 = arith.cmpi ne, %rem3A_73, %ne3A_74 : i32
    %and3A_76 = arith.andi %ne3A_72, %ne3A_75 : i1
    %sub3A_77 = arith.constant 1 : i32
    %sub3A_78 = arith.subi %div3A_57, %sub3A_77 : i32
    %select_n3A_79 = arith.select %and3A_76, %sub3A_78, %div3A_57 : i32
    %rem3A_80 = arith.constant 4 : i32
    %rem3A_81 = arith.remsi %rem3A_55, %rem3A_80 : i32
    %mul3A_82 = arith.constant 8 : i32
    %mul3A_83 = arith.muli %rem3A_81, %mul3A_82 : i32
    %add3A_84 = arith.constant 0 : i32
    %add3A_85 = arith.addi %add3A_84, %mul3A_83 : i32
    %rem3A_86 = arith.constant 4 : i32
    %rem3A_87 = arith.remsi %rem3A_55, %rem3A_86 : i32
    %mul3A_88 = arith.constant 8 : i32
    %mul3A_89 = arith.muli %rem3A_87, %mul3A_88 : i32
    %dma_start3A_90 = arith.constant 1 : i32
    %dma_start3A_91 = arith.constant 1 : i32
    %dma_start3A_92 = arith.constant 0 : i32
    %dma_start3A_93 = arith.constant 0 : i32
    %dma_start3A_94 = tpu.memref_slice %arg7[%dma_start3A_90, %dma_start3A_92, %dma_start3A_93] : memref<8x8x1024xf32, #tpu.memory_space<vmem>> -> memref<1x8x1024xf32, #tpu.memory_space<vmem>>
    %dma_start3A_95 = tpu.memref_squeeze %dma_start3A_94 : memref<1x8x1024xf32, #tpu.memory_space<vmem>> -> memref<8x1024xf32, #tpu.memory_space<vmem>>
    %dma_start3A_96 = arith.constant 0 : i32
    %dma_start3A_97 = tpu.memref_slice %arg6[%select_n3A_79, %dma_start3A_96] : memref<4x64xi32, #tpu.memory_space<vmem>> -> memref<1x64xi32, #tpu.memory_space<vmem>>
    %dma_start3A_98 = tpu.memref_squeeze %dma_start3A_97 : memref<1x64xi32, #tpu.memory_space<vmem>> -> memref<64xi32, #tpu.memory_space<vmem>>
    %dma_start3A_99 = tpu.memref_slice %dma_start3A_98[%add3A_85] : memref<64xi32, #tpu.memory_space<vmem>> -> memref<8xi32, #tpu.memory_space<vmem>>
    %dma_start3A_100 = arith.constant 0 : i32
    %dma_start3A_101 = arith.constant 0 : i32
    %dma_start3A_102 = tpu.memref_slice %arg3[%dma_start3A_100, %dma_start3A_101] : memref<100000x1024xf32, #tpu.memory_space<hbm>> -> memref<100000x1024xf32, #tpu.memory_space<hbm>>
    %dma_start3A_103 = tpu.memref_slice %arg9[%dma_start3A_91] : memref<8x!tpu.dma_semaphore, #tpu.memory_space<semaphore_mem>> -> memref<1x!tpu.dma_semaphore, #tpu.memory_space<semaphore_mem>>
    %dma_start3A_104 = tpu.memref_squeeze %dma_start3A_103 : memref<1x!tpu.dma_semaphore, #tpu.memory_space<semaphore_mem>> -> memref<!tpu.dma_semaphore, #tpu.memory_space<semaphore_mem>>
    tpu.enqueue_indirect_dma source(%dma_start3A_102 : memref<100000x1024xf32, #tpu.memory_space<hbm>>) target(%dma_start3A_95 : memref<8x1024xf32, #tpu.memory_space<vmem>>) offsets(%dma_start3A_99 : memref<8xi32, #tpu.memory_space<vmem>>) semaphore(%dma_start3A_104 : memref<!tpu.dma_semaphore, #tpu.memory_space<semaphore_mem>>)
    %rem3A_105 = arith.constant 2 : i32
    %rem3A_106 = arith.constant 16 : i32
    %rem3A_107 = arith.remsi %rem3A_105, %rem3A_106 : i32
    %jit3A_108 = arith.constant 4 : i32
    %div3A_109 = arith.divsi %rem3A_107, %jit3A_108 : i32
    %sign3A_110 = arith.constant 0 : i32
    %sign3A_111 = arith.cmpi sgt, %rem3A_107, %sign3A_110 : i32
    %sign3A_112 = arith.extui %sign3A_111 : i1 to i32
    %sign3A_113 = arith.constant 0 : i32
    %sign3A_114 = arith.cmpi slt, %rem3A_107, %sign3A_113 : i32
    %sign3A_115 = arith.extui %sign3A_114 : i1 to i32
    %sign3A_116 = arith.subi %sign3A_112, %sign3A_115 : i32
    %sign3A_117 = arith.constant 0 : i32
    %sign3A_118 = arith.cmpi sgt, %jit3A_108, %sign3A_117 : i32
    %sign3A_119 = arith.extui %sign3A_118 : i1 to i32
    %sign3A_120 = arith.constant 0 : i32
    %sign3A_121 = arith.cmpi slt, %jit3A_108, %sign3A_120 : i32
    %sign3A_122 = arith.extui %sign3A_121 : i1 to i32
    %sign3A_123 = arith.subi %sign3A_119, %sign3A_122 : i32
    %ne3A_124 = arith.cmpi ne, %sign3A_116, %sign3A_123 : i32
    %rem3A_125 = arith.remsi %rem3A_107, %jit3A_108 : i32
    %ne3A_126 = arith.constant 0 : i32
    %ne3A_127 = arith.cmpi ne, %rem3A_125, %ne3A_126 : i32
    %and3A_128 = arith.andi %ne3A_124, %ne3A_127 : i1
    %sub3A_129 = arith.constant 1 : i32
    %sub3A_130 = arith.subi %div3A_109, %sub3A_129 : i32
    %select_n3A_131 = arith.select %and3A_128, %sub3A_130, %div3A_109 : i32
    %rem3A_132 = arith.constant 4 : i32
    %rem3A_133 = arith.remsi %rem3A_107, %rem3A_132 : i32
    %mul3A_134 = arith.constant 8 : i32
    %mul3A_135 = arith.muli %rem3A_133, %mul3A_134 : i32
    %add3A_136 = arith.constant 0 : i32
    %add3A_137 = arith.addi %add3A_136, %mul3A_135 : i32
    %rem3A_138 = arith.constant 4 : i32
    %rem3A_139 = arith.remsi %rem3A_107, %rem3A_138 : i32
    %mul3A_140 = arith.constant 8 : i32
    %mul3A_141 = arith.muli %rem3A_139, %mul3A_140 : i32
    %dma_start3A_142 = arith.constant 2 : i32
    %dma_start3A_143 = arith.constant 2 : i32
    %dma_start3A_144 = arith.constant 0 : i32
    %dma_start3A_145 = arith.constant 0 : i32
    %dma_start3A_146 = tpu.memref_slice %arg7[%dma_start3A_142, %dma_start3A_144, %dma_start3A_145] : memref<8x8x1024xf32, #tpu.memory_space<vmem>> -> memref<1x8x1024xf32, #tpu.memory_space<vmem>>
    %dma_start3A_147 = tpu.memref_squeeze %dma_start3A_146 : memref<1x8x1024xf32, #tpu.memory_space<vmem>> -> memref<8x1024xf32, #tpu.memory_space<vmem>>
    %dma_start3A_148 = arith.constant 0 : i32
    %dma_start3A_149 = tpu.memref_slice %arg6[%select_n3A_131, %dma_start3A_148] : memref<4x64xi32, #tpu.memory_space<vmem>> -> memref<1x64xi32, #tpu.memory_space<vmem>>
    %dma_start3A_150 = tpu.memref_squeeze %dma_start3A_149 : memref<1x64xi32, #tpu.memory_space<vmem>> -> memref<64xi32, #tpu.memory_space<vmem>>
    %dma_start3A_151 = tpu.memref_slice %dma_start3A_150[%add3A_137] : memref<64xi32, #tpu.memory_space<vmem>> -> memref<8xi32, #tpu.memory_space<vmem>>
    %dma_start3A_152 = arith.constant 0 : i32
    %dma_start3A_153 = arith.constant 0 : i32
    %dma_start3A_154 = tpu.memref_slice %arg3[%dma_start3A_152, %dma_start3A_153] : memref<100000x1024xf32, #tpu.memory_space<hbm>> -> memref<100000x1024xf32, #tpu.memory_space<hbm>>
    %dma_start3A_155 = tpu.memref_slice %arg9[%dma_start3A_143] : memref<8x!tpu.dma_semaphore, #tpu.memory_space<semaphore_mem>> -> memref<1x!tpu.dma_semaphore, #tpu.memory_space<semaphore_mem>>
    %dma_start3A_156 = tpu.memref_squeeze %dma_start3A_155 : memref<1x!tpu.dma_semaphore, #tpu.memory_space<semaphore_mem>> -> memref<!tpu.dma_semaphore, #tpu.memory_space<semaphore_mem>>
    tpu.enqueue_indirect_dma source(%dma_start3A_154 : memref<100000x1024xf32, #tpu.memory_space<hbm>>) target(%dma_start3A_147 : memref<8x1024xf32, #tpu.memory_space<vmem>>) offsets(%dma_start3A_151 : memref<8xi32, #tpu.memory_space<vmem>>) semaphore(%dma_start3A_156 : memref<!tpu.dma_semaphore, #tpu.memory_space<semaphore_mem>>)
    %rem3A_157 = arith.constant 3 : i32
    %rem3A_158 = arith.constant 16 : i32
    %rem3A_159 = arith.remsi %rem3A_157, %rem3A_158 : i32
    %jit3A_160 = arith.constant 4 : i32
    %div3A_161 = arith.divsi %rem3A_159, %jit3A_160 : i32
    %sign3A_162 = arith.constant 0 : i32
    %sign3A_163 = arith.cmpi sgt, %rem3A_159, %sign3A_162 : i32
    %sign3A_164 = arith.extui %sign3A_163 : i1 to i32
    %sign3A_165 = arith.constant 0 : i32
    %sign3A_166 = arith.cmpi slt, %rem3A_159, %sign3A_165 : i32
    %sign3A_167 = arith.extui %sign3A_166 : i1 to i32
    %sign3A_168 = arith.subi %sign3A_164, %sign3A_167 : i32
    %sign3A_169 = arith.constant 0 : i32
    %sign3A_170 = arith.cmpi sgt, %jit3A_160, %sign3A_169 : i32
    %sign3A_171 = arith.extui %sign3A_170 : i1 to i32
    %sign3A_172 = arith.constant 0 : i32
    %sign3A_173 = arith.cmpi slt, %jit3A_160, %sign3A_172 : i32
    %sign3A_174 = arith.extui %sign3A_173 : i1 to i32
    %sign3A_175 = arith.subi %sign3A_171, %sign3A_174 : i32
    %ne3A_176 = arith.cmpi ne, %sign3A_168, %sign3A_175 : i32
    %rem3A_177 = arith.remsi %rem3A_159, %jit3A_160 : i32
    %ne3A_178 = arith.constant 0 : i32
    %ne3A_179 = arith.cmpi ne, %rem3A_177, %ne3A_178 : i32
    %and3A_180 = arith.andi %ne3A_176, %ne3A_179 : i1
    %sub3A_181 = arith.constant 1 : i32
    %sub3A_182 = arith.subi %div3A_161, %sub3A_181 : i32
    %select_n3A_183 = arith.select %and3A_180, %sub3A_182, %div3A_161 : i32
    %rem3A_184 = arith.constant 4 : i32
    %rem3A_185 = arith.remsi %rem3A_159, %rem3A_184 : i32
    %mul3A_186 = arith.constant 8 : i32
    %mul3A_187 = arith.muli %rem3A_185, %mul3A_186 : i32
    %add3A_188 = arith.constant 0 : i32
    %add3A_189 = arith.addi %add3A_188, %mul3A_187 : i32
    %rem3A_190 = arith.constant 4 : i32
    %rem3A_191 = arith.remsi %rem3A_159, %rem3A_190 : i32
    %mul3A_192 = arith.constant 8 : i32
    %mul3A_193 = arith.muli %rem3A_191, %mul3A_192 : i32
    %dma_start3A_194 = arith.constant 3 : i32
    %dma_start3A_195 = arith.constant 3 : i32
    %dma_start3A_196 = arith.constant 0 : i32
    %dma_start3A_197 = arith.constant 0 : i32
    %dma_start3A_198 = tpu.memref_slice %arg7[%dma_start3A_194, %dma_start3A_196, %dma_start3A_197] : memref<8x8x1024xf32, #tpu.memory_space<vmem>> -> memref<1x8x1024xf32, #tpu.memory_space<vmem>>
    %dma_start3A_199 = tpu.memref_squeeze %dma_start3A_198 : memref<1x8x1024xf32, #tpu.memory_space<vmem>> -> memref<8x1024xf32, #tpu.memory_space<vmem>>
    %dma_start3A_200 = arith.constant 0 : i32
    %dma_start3A_201 = tpu.memref_slice %arg6[%select_n3A_183, %dma_start3A_200] : memref<4x64xi32, #tpu.memory_space<vmem>> -> memref<1x64xi32, #tpu.memory_space<vmem>>
    %dma_start3A_202 = tpu.memref_squeeze %dma_start3A_201 : memref<1x64xi32, #tpu.memory_space<vmem>> -> memref<64xi32, #tpu.memory_space<vmem>>
    %dma_start3A_203 = tpu.memref_slice %dma_start3A_202[%add3A_189] : memref<64xi32, #tpu.memory_space<vmem>> -> memref<8xi32, #tpu.memory_space<vmem>>
    %dma_start3A_204 = arith.constant 0 : i32
    %dma_start3A_205 = arith.constant 0 : i32
    %dma_start3A_206 = tpu.memref_slice %arg3[%dma_start3A_204, %dma_start3A_205] : memref<100000x1024xf32, #tpu.memory_space<hbm>> -> memref<100000x1024xf32, #tpu.memory_space<hbm>>
    %dma_start3A_207 = tpu.memref_slice %arg9[%dma_start3A_195] : memref<8x!tpu.dma_semaphore, #tpu.memory_space<semaphore_mem>> -> memref<1x!tpu.dma_semaphore, #tpu.memory_space<semaphore_mem>>
    %dma_start3A_208 = tpu.memref_squeeze %dma_start3A_207 : memref<1x!tpu.dma_semaphore, #tpu.memory_space<semaphore_mem>> -> memref<!tpu.dma_semaphore, #tpu.memory_space<semaphore_mem>>
    tpu.enqueue_indirect_dma source(%dma_start3A_206 : memref<100000x1024xf32, #tpu.memory_space<hbm>>) target(%dma_start3A_199 : memref<8x1024xf32, #tpu.memory_space<vmem>>) offsets(%dma_start3A_203 : memref<8xi32, #tpu.memory_space<vmem>>) semaphore(%dma_start3A_208 : memref<!tpu.dma_semaphore, #tpu.memory_space<semaphore_mem>>)
    %rem3A_209 = arith.constant 4 : i32
    %rem3A_210 = arith.constant 16 : i32
    %rem3A_211 = arith.remsi %rem3A_209, %rem3A_210 : i32
    %jit3A_212 = arith.constant 4 : i32
    %div3A_213 = arith.divsi %rem3A_211, %jit3A_212 : i32
    %sign3A_214 = arith.constant 0 : i32
    %sign3A_215 = arith.cmpi sgt, %rem3A_211, %sign3A_214 : i32
    %sign3A_216 = arith.extui %sign3A_215 : i1 to i32
    %sign3A_217 = arith.constant 0 : i32
    %sign3A_218 = arith.cmpi slt, %rem3A_211, %sign3A_217 : i32
    %sign3A_219 = arith.extui %sign3A_218 : i1 to i32
    %sign3A_220 = arith.subi %sign3A_216, %sign3A_219 : i32
    %sign3A_221 = arith.constant 0 : i32
    %sign3A_222 = arith.cmpi sgt, %jit3A_212, %sign3A_221 : i32
    %sign3A_223 = arith.extui %sign3A_222 : i1 to i32
    %sign3A_224 = arith.constant 0 : i32
    %sign3A_225 = arith.cmpi slt, %jit3A_212, %sign3A_224 : i32
    %sign3A_226 = arith.extui %sign3A_225 : i1 to i32
    %sign3A_227 = arith.subi %sign3A_223, %sign3A_226 : i32
    %ne3A_228 = arith.cmpi ne, %sign3A_220, %sign3A_227 : i32
    %rem3A_229 = arith.remsi %rem3A_211, %jit3A_212 : i32
    %ne3A_230 = arith.constant 0 : i32
    %ne3A_231 = arith.cmpi ne, %rem3A_229, %ne3A_230 : i32
    %and3A_232 = arith.andi %ne3A_228, %ne3A_231 : i1
    %sub3A_233 = arith.constant 1 : i32
    %sub3A_234 = arith.subi %div3A_213, %sub3A_233 : i32
    %select_n3A_235 = arith.select %and3A_232, %sub3A_234, %div3A_213 : i32
    %rem3A_236 = arith.constant 4 : i32
    %rem3A_237 = arith.remsi %rem3A_211, %rem3A_236 : i32
    %mul3A_238 = arith.constant 8 : i32
    %mul3A_239 = arith.muli %rem3A_237, %mul3A_238 : i32
    %add3A_240 = arith.constant 0 : i32
    %add3A_241 = arith.addi %add3A_240, %mul3A_239 : i32
    %rem3A_242 = arith.constant 4 : i32
    %rem3A_243 = arith.remsi %rem3A_211, %rem3A_242 : i32
    %mul3A_244 = arith.constant 8 : i32
    %mul3A_245 = arith.muli %rem3A_243, %mul3A_244 : i32
    %dma_start3A_246 = arith.constant 4 : i32
    %dma_start3A_247 = arith.constant 4 : i32
    %dma_start3A_248 = arith.constant 0 : i32
    %dma_start3A_249 = arith.constant 0 : i32
    %dma_start3A_250 = tpu.memref_slice %arg7[%dma_start3A_246, %dma_start3A_248, %dma_start3A_249] : memref<8x8x1024xf32, #tpu.memory_space<vmem>> -> memref<1x8x1024xf32, #tpu.memory_space<vmem>>
    %dma_start3A_251 = tpu.memref_squeeze %dma_start3A_250 : memref<1x8x1024xf32, #tpu.memory_space<vmem>> -> memref<8x1024xf32, #tpu.memory_space<vmem>>
    %dma_start3A_252 = arith.constant 0 : i32
    %dma_start3A_253 = tpu.memref_slice %arg6[%select_n3A_235, %dma_start3A_252] : memref<4x64xi32, #tpu.memory_space<vmem>> -> memref<1x64xi32, #tpu.memory_space<vmem>>
    %dma_start3A_254 = tpu.memref_squeeze %dma_start3A_253 : memref<1x64xi32, #tpu.memory_space<vmem>> -> memref<64xi32, #tpu.memory_space<vmem>>
    %dma_start3A_255 = tpu.memref_slice %dma_start3A_254[%add3A_241] : memref<64xi32, #tpu.memory_space<vmem>> -> memref<8xi32, #tpu.memory_space<vmem>>
    %dma_start3A_256 = arith.constant 0 : i32
    %dma_start3A_257 = arith.constant 0 : i32
    %dma_start3A_258 = tpu.memref_slice %arg3[%dma_start3A_256, %dma_start3A_257] : memref<100000x1024xf32, #tpu.memory_space<hbm>> -> memref<100000x1024xf32, #tpu.memory_space<hbm>>
    %dma_start3A_259 = tpu.memref_slice %arg9[%dma_start3A_247] : memref<8x!tpu.dma_semaphore, #tpu.memory_space<semaphore_mem>> -> memref<1x!tpu.dma_semaphore, #tpu.memory_space<semaphore_mem>>
    %dma_start3A_260 = tpu.memref_squeeze %dma_start3A_259 : memref<1x!tpu.dma_semaphore, #tpu.memory_space<semaphore_mem>> -> memref<!tpu.dma_semaphore, #tpu.memory_space<semaphore_mem>>
    tpu.enqueue_indirect_dma source(%dma_start3A_258 : memref<100000x1024xf32, #tpu.memory_space<hbm>>) target(%dma_start3A_251 : memref<8x1024xf32, #tpu.memory_space<vmem>>) offsets(%dma_start3A_255 : memref<8xi32, #tpu.memory_space<vmem>>) semaphore(%dma_start3A_260 : memref<!tpu.dma_semaphore, #tpu.memory_space<semaphore_mem>>)
    %scan3A = arith.constant 0 : i32
    %scan3A_261 = arith.constant 4 : i32
    %scan3A_262 = arith.addi %scan3A, %scan3A_261 : i32
    %scan3A_263 = arith.constant 1 : i32
    scf.for %scan3A_720 = %scan3A to %scan3A_262 step %scan3A_263  : i32 {
      %mul3A_721 = arith.constant 8 : i32
      %mul3A_722 = arith.muli %scan3A_720, %mul3A_721 : i32
      %add3A_723 = arith.constant 0 : i32
      %add3A_724 = arith.addi %add3A_723, %mul3A_722 : i32
      %eq3A = arith.constant 16 : i32
      %eq3A_725 = arith.cmpi eq, %add3A_724, %eq3A : i32
      %convert_element_type3A = arith.extui %eq3A_725 : i1 to i32
      %cond3A = arith.constant 0 : i32
      %cond3A_726 = arith.cmpi ne, %convert_element_type3A, %cond3A : i32
      scf.if %cond3A_726 {
        %add3A_2565 = arith.constant 32 : i32
        %add3A_2566 = arith.addi %mul3A_2, %add3A_2565 : i32
        "tpu.region"() ({
          %run_scoped3A_2567 = tpu.sem_alloc : memref<!tpu.dma_semaphore, #tpu.memory_space<semaphore_mem>>
          %dma_start3A_2568 = arith.constant 0 : i32
          %dma_start3A_2569 = tpu.memref_slice %arg4[%add3A_2566, %dma_start3A_2568] : memref<2048x1024xf32, #tpu.memory_space<hbm>> -> memref<32x1024xf32, #tpu.memory_space<hbm>>
          %dma_start3A_2570 = arith.constant 0 : i32
          %dma_start3A_2571 = tpu.memref_slice %arg4[%add3A_2566, %dma_start3A_2570] : memref<2048x1024xf32, #tpu.memory_space<hbm>> -> memref<32x1024xf32, #tpu.memory_space<hbm>>
          tpu.enqueue_dma source(%dma_start3A_2571 : memref<32x1024xf32, #tpu.memory_space<hbm>>) target(%arg8 : memref<32x1024xf32, #tpu.memory_space<vmem>>) target_semaphore(%run_scoped3A_2567 : memref<!tpu.dma_semaphore, #tpu.memory_space<semaphore_mem>>)
          %dma_wait3A_2572 = arith.constant 0 : i32
          %dma_wait3A_2573 = tpu.memref_slice %arg4[%add3A_2566, %dma_wait3A_2572] : memref<2048x1024xf32, #tpu.memory_space<hbm>> -> memref<32x1024xf32, #tpu.memory_space<hbm>>
          %dma_wait3A_2574 = arith.constant 0 : i32
          %dma_wait3A_2575 = tpu.memref_slice %arg4[%add3A_2566, %dma_wait3A_2574] : memref<2048x1024xf32, #tpu.memory_space<hbm>> -> memref<32x1024xf32, #tpu.memory_space<hbm>>
          tpu.wait_dma2 semaphore(%run_scoped3A_2567 : memref<!tpu.dma_semaphore, #tpu.memory_space<semaphore_mem>>) src(%dma_wait3A_2575 : memref<32x1024xf32, #tpu.memory_space<hbm>>) dst(%arg8 : memref<32x1024xf32, #tpu.memory_space<vmem>>)
          tpu.yield
        }) : () -> ()
      } else {
      }
      %add3A_727 = arith.constant 0 : i32
      %add3A_728 = arith.addi %add3A_724, %add3A_727 : i32
      %jit3A_729 = arith.constant 16 : i32
      %div3A_730 = arith.divsi %add3A_728, %jit3A_729 : i32
      %sign3A_731 = arith.constant 0 : i32
      %sign3A_732 = arith.cmpi sgt, %add3A_728, %sign3A_731 : i32
      %sign3A_733 = arith.extui %sign3A_732 : i1 to i32
      %sign3A_734 = arith.constant 0 : i32
      %sign3A_735 = arith.cmpi slt, %add3A_728, %sign3A_734 : i32
      %sign3A_736 = arith.extui %sign3A_735 : i1 to i32
      %sign3A_737 = arith.subi %sign3A_733, %sign3A_736 : i32
      %sign3A_738 = arith.constant 0 : i32
      %sign3A_739 = arith.cmpi sgt, %jit3A_729, %sign3A_738 : i32
      %sign3A_740 = arith.extui %sign3A_739 : i1 to i32
      %sign3A_741 = arith.constant 0 : i32
      %sign3A_742 = arith.cmpi slt, %jit3A_729, %sign3A_741 : i32
      %sign3A_743 = arith.extui %sign3A_742 : i1 to i32
      %sign3A_744 = arith.subi %sign3A_740, %sign3A_743 : i32
      %ne3A_745 = arith.cmpi ne, %sign3A_737, %sign3A_744 : i32
      %rem3A_746 = arith.remsi %add3A_728, %jit3A_729 : i32
      %ne3A_747 = arith.constant 0 : i32
      %ne3A_748 = arith.cmpi ne, %rem3A_746, %ne3A_747 : i32
      %and3A_749 = arith.andi %ne3A_745, %ne3A_748 : i1
      %sub3A_750 = arith.constant 1 : i32
      %sub3A_751 = arith.subi %div3A_730, %sub3A_750 : i32
      %select_n3A_752 = arith.select %and3A_749, %sub3A_751, %div3A_730 : i32
      %rem3A_753 = arith.constant 16 : i32
      %rem3A_754 = arith.remsi %add3A_728, %rem3A_753 : i32
      %jit3A_755 = arith.constant 4 : i32
      %div3A_756 = arith.divsi %rem3A_754, %jit3A_755 : i32
      %sign3A_757 = arith.constant 0 : i32
      %sign3A_758 = arith.cmpi sgt, %rem3A_754, %sign3A_757 : i32
      %sign3A_759 = arith.extui %sign3A_758 : i1 to i32
      %sign3A_760 = arith.constant 0 : i32
      %sign3A_761 = arith.cmpi slt, %rem3A_754, %sign3A_760 : i32
      %sign3A_762 = arith.extui %sign3A_761 : i1 to i32
      %sign3A_763 = arith.subi %sign3A_759, %sign3A_762 : i32
      %sign3A_764 = arith.constant 0 : i32
      %sign3A_765 = arith.cmpi sgt, %jit3A_755, %sign3A_764 : i32
      %sign3A_766 = arith.extui %sign3A_765 : i1 to i32
      %sign3A_767 = arith.constant 0 : i32
      %sign3A_768 = arith.cmpi slt, %jit3A_755, %sign3A_767 : i32
      %sign3A_769 = arith.extui %sign3A_768 : i1 to i32
      %sign3A_770 = arith.subi %sign3A_766, %sign3A_769 : i32
      %ne3A_771 = arith.cmpi ne, %sign3A_763, %sign3A_770 : i32
      %rem3A_772 = arith.remsi %rem3A_754, %jit3A_755 : i32
      %ne3A_773 = arith.constant 0 : i32
      %ne3A_774 = arith.cmpi ne, %rem3A_772, %ne3A_773 : i32
      %and3A_775 = arith.andi %ne3A_771, %ne3A_774 : i1
      %sub3A_776 = arith.constant 1 : i32
      %sub3A_777 = arith.subi %div3A_756, %sub3A_776 : i32
      %select_n3A_778 = arith.select %and3A_775, %sub3A_777, %div3A_756 : i32
      %mul3A_779 = arith.constant 32 : i32
      %mul3A_780 = arith.muli %select_n3A_752, %mul3A_779 : i32
      %rem3A_781 = arith.constant 4 : i32
      %rem3A_782 = arith.remsi %rem3A_754, %rem3A_781 : i32
      %mul3A_783 = arith.constant 8 : i32
      %mul3A_784 = arith.muli %rem3A_782, %mul3A_783 : i32
      %add3A_785 = arith.addi %mul3A_780, %mul3A_784 : i32
      %rem3A_786 = arith.constant 4 : i32
      %rem3A_787 = arith.remsi %rem3A_754, %rem3A_786 : i32
      %mul3A_788 = arith.constant 8 : i32
      %mul3A_789 = arith.muli %rem3A_787, %mul3A_788 : i32
      %dma_wait3A_790 = arith.constant 0 : i32
      %dma_wait3A_791 = arith.constant 0 : i32
      %dma_wait3A_792 = arith.constant 0 : i32
      %dma_wait3A_793 = arith.constant 0 : i32
      %dma_wait3A_794 = tpu.memref_slice %arg7[%dma_wait3A_790, %dma_wait3A_792, %dma_wait3A_793] : memref<8x8x1024xf32, #tpu.memory_space<vmem>> -> memref<1x8x1024xf32, #tpu.memory_space<vmem>>
      %dma_wait3A_795 = tpu.memref_squeeze %dma_wait3A_794 : memref<1x8x1024xf32, #tpu.memory_space<vmem>> -> memref<8x1024xf32, #tpu.memory_space<vmem>>
      %dma_wait3A_796 = arith.constant 0 : i32
      %dma_wait3A_797 = tpu.memref_slice %arg6[%select_n3A_778, %dma_wait3A_796] : memref<4x64xi32, #tpu.memory_space<vmem>> -> memref<1x64xi32, #tpu.memory_space<vmem>>
      %dma_wait3A_798 = tpu.memref_squeeze %dma_wait3A_797 : memref<1x64xi32, #tpu.memory_space<vmem>> -> memref<64xi32, #tpu.memory_space<vmem>>
      %dma_wait3A_799 = tpu.memref_slice %dma_wait3A_798[%add3A_785] : memref<64xi32, #tpu.memory_space<vmem>> -> memref<8xi32, #tpu.memory_space<vmem>>
      %dma_wait3A_800 = arith.constant 0 : i32
      %dma_wait3A_801 = arith.constant 0 : i32
      %dma_wait3A_802 = tpu.memref_slice %arg3[%dma_wait3A_800, %dma_wait3A_801] : memref<100000x1024xf32, #tpu.memory_space<hbm>> -> memref<100000x1024xf32, #tpu.memory_space<hbm>>
      %dma_wait3A_803 = tpu.memref_slice %arg9[%dma_wait3A_791] : memref<8x!tpu.dma_semaphore, #tpu.memory_space<semaphore_mem>> -> memref<1x!tpu.dma_semaphore, #tpu.memory_space<semaphore_mem>>
      %dma_wait3A_804 = tpu.memref_squeeze %dma_wait3A_803 : memref<1x!tpu.dma_semaphore, #tpu.memory_space<semaphore_mem>> -> memref<!tpu.dma_semaphore, #tpu.memory_space<semaphore_mem>>
      tpu.wait_indirect_dma semaphore(%dma_wait3A_804 : memref<!tpu.dma_semaphore, #tpu.memory_space<semaphore_mem>>) src(%dma_wait3A_802 : memref<100000x1024xf32, #tpu.memory_space<hbm>>) dst(%dma_wait3A_795 : memref<8x1024xf32, #tpu.memory_space<vmem>>)
      %jit3A_805 = arith.constant 16 : i32
      %div3A_806 = arith.divsi %add3A_728, %jit3A_805 : i32
      %sign3A_807 = arith.constant 0 : i32
      %sign3A_808 = arith.cmpi sgt, %add3A_728, %sign3A_807 : i32
      %sign3A_809 = arith.extui %sign3A_808 : i1 to i32
      %sign3A_810 = arith.constant 0 : i32
      %sign3A_811 = arith.cmpi slt, %add3A_728, %sign3A_810 : i32
      %sign3A_812 = arith.extui %sign3A_811 : i1 to i32
      %sign3A_813 = arith.subi %sign3A_809, %sign3A_812 : i32
      %sign3A_814 = arith.constant 0 : i32
      %sign3A_815 = arith.cmpi sgt, %jit3A_805, %sign3A_814 : i32
      %sign3A_816 = arith.extui %sign3A_815 : i1 to i32
      %sign3A_817 = arith.constant 0 : i32
      %sign3A_818 = arith.cmpi slt, %jit3A_805, %sign3A_817 : i32
      %sign3A_819 = arith.extui %sign3A_818 : i1 to i32
      %sign3A_820 = arith.subi %sign3A_816, %sign3A_819 : i32
      %ne3A_821 = arith.cmpi ne, %sign3A_813, %sign3A_820 : i32
      %rem3A_822 = arith.remsi %add3A_728, %jit3A_805 : i32
      %ne3A_823 = arith.constant 0 : i32
      %ne3A_824 = arith.cmpi ne, %rem3A_822, %ne3A_823 : i32
      %and3A_825 = arith.andi %ne3A_821, %ne3A_824 : i1
      %sub3A_826 = arith.constant 1 : i32
      %sub3A_827 = arith.subi %div3A_806, %sub3A_826 : i32
      %select_n3A_828 = arith.select %and3A_825, %sub3A_827, %div3A_806 : i32
      %rem3A_829 = arith.constant 16 : i32
      %rem3A_830 = arith.remsi %add3A_728, %rem3A_829 : i32
      %jit3A_831 = arith.constant 4 : i32
      %div3A_832 = arith.divsi %rem3A_830, %jit3A_831 : i32
      %sign3A_833 = arith.constant 0 : i32
      %sign3A_834 = arith.cmpi sgt, %rem3A_830, %sign3A_833 : i32
      %sign3A_835 = arith.extui %sign3A_834 : i1 to i32
      %sign3A_836 = arith.constant 0 : i32
      %sign3A_837 = arith.cmpi slt, %rem3A_830, %sign3A_836 : i32
      %sign3A_838 = arith.extui %sign3A_837 : i1 to i32
      %sign3A_839 = arith.subi %sign3A_835, %sign3A_838 : i32
      %sign3A_840 = arith.constant 0 : i32
      %sign3A_841 = arith.cmpi sgt, %jit3A_831, %sign3A_840 : i32
      %sign3A_842 = arith.extui %sign3A_841 : i1 to i32
      %sign3A_843 = arith.constant 0 : i32
      %sign3A_844 = arith.cmpi slt, %jit3A_831, %sign3A_843 : i32
      %sign3A_845 = arith.extui %sign3A_844 : i1 to i32
      %sign3A_846 = arith.subi %sign3A_842, %sign3A_845 : i32
      %ne3A_847 = arith.cmpi ne, %sign3A_839, %sign3A_846 : i32
      %rem3A_848 = arith.remsi %rem3A_830, %jit3A_831 : i32
      %ne3A_849 = arith.constant 0 : i32
      %ne3A_850 = arith.cmpi ne, %rem3A_848, %ne3A_849 : i32
      %and3A_851 = arith.andi %ne3A_847, %ne3A_850 : i1
      %sub3A_852 = arith.constant 1 : i32
      %sub3A_853 = arith.subi %div3A_832, %sub3A_852 : i32
      %select_n3A_854 = arith.select %and3A_851, %sub3A_853, %div3A_832 : i32
      %mul3A_855 = arith.constant 32 : i32
      %mul3A_856 = arith.muli %select_n3A_828, %mul3A_855 : i32
      %rem3A_857 = arith.constant 4 : i32
      %rem3A_858 = arith.remsi %rem3A_830, %rem3A_857 : i32
      %mul3A_859 = arith.constant 8 : i32
      %mul3A_860 = arith.muli %rem3A_858, %mul3A_859 : i32
      %add3A_861 = arith.addi %mul3A_856, %mul3A_860 : i32
      %rem3A_862 = arith.constant 4 : i32
      %rem3A_863 = arith.remsi %rem3A_830, %rem3A_862 : i32
      %mul3A_864 = arith.constant 8 : i32
      %mul3A_865 = arith.muli %rem3A_863, %mul3A_864 : i32
      %parallel_loop3A = arith.constant 0 : i32
      %parallel_loop3A_866 = arith.constant 8192 : i32
      %parallel_loop3A_867 = arith.constant 16 : i32
      scf.for %parallel_loop3A_2565 = %parallel_loop3A to %parallel_loop3A_866 step %parallel_loop3A_867  : i32 {
        %parallel_loop3A_2566 = arith.constant 10 : i32
        %parallel_loop3A_2567 = arith.shrsi %parallel_loop3A_2565, %parallel_loop3A_2566 : i32
        %parallel_loop3A_2568 = arith.constant 1023 : i32
        %parallel_loop3A_2569 = arith.andi %parallel_loop3A_2565, %parallel_loop3A_2568 : i32
        %parallel_loop3A_2570 = tpu.assume_multiple %parallel_loop3A_2569, 16 : i32
        %parallel_loop3A_2571 = arith.addi %mul3A_865, %parallel_loop3A_2567 : i32
        %parallel_loop3A_2572 = arith.index_cast %parallel_loop3A_2571 : i32 to index
        %parallel_loop3A_2573 = arith.index_cast %parallel_loop3A_2570 : i32 to index
        %parallel_loop3A_2574 = tpu.vector_load %arg8[%parallel_loop3A_2572, %parallel_loop3A_2573] {strides = array<i32>} : memref<32x1024xf32, #tpu.memory_space<vmem>>, vector<1x16xf32>,
        %parallel_loop3A_2575 = vector.shape_cast %parallel_loop3A_2574 : vector<1x16xf32> to vector<16xf32>
        %parallel_loop3A_2576 = arith.constant 0 : i32
        %parallel_loop3A_2577 = arith.constant 0 : i32
        %parallel_loop3A_2578 = arith.constant 0 : i32
        %parallel_loop3A_2579 = tpu.memref_slice %arg7[%parallel_loop3A_2576, %parallel_loop3A_2577, %parallel_loop3A_2578] : memref<8x8x1024xf32, #tpu.memory_space<vmem>> -> memref<1x8x1024xf32, #tpu.memory_space<vmem>>
        %parallel_loop3A_2580 = tpu.memref_squeeze %parallel_loop3A_2579 : memref<1x8x1024xf32, #tpu.memory_space<vmem>> -> memref<8x1024xf32, #tpu.memory_space<vmem>>
        %parallel_loop3A_2581 = arith.index_cast %parallel_loop3A_2567 : i32 to index
        %parallel_loop3A_2582 = arith.index_cast %parallel_loop3A_2570 : i32 to index
        %parallel_loop3A_2583 = tpu.vector_load %parallel_loop3A_2580[%parallel_loop3A_2581, %parallel_loop3A_2582] {strides = array<i32>} : memref<8x1024xf32, #tpu.memory_space<vmem>>, vector<1x16xf32>,
        %parallel_loop3A_2584 = vector.shape_cast %parallel_loop3A_2583 : vector<1x16xf32> to vector<16xf32>
        %parallel_loop3A_2585 = vector.shape_cast %parallel_loop3A_2575 : vector<16xf32> to vector<1x16xf32>
        tpu.vector_store %parallel_loop3A_2580[%parallel_loop3A_2581, %parallel_loop3A_2582], %parallel_loop3A_2585 {add = true, strides = array<i32>} : memref<8x1024xf32, #tpu.memory_space<vmem>>, vector<1x16xf32>,
      } {sc.loop_unroll_factor = 8 : i64, sc.parallel_access}
      %jit3A_868 = arith.constant 16 : i32
      %div3A_869 = arith.divsi %add3A_728, %jit3A_868 : i32
      %sign3A_870 = arith.constant 0 : i32
      %sign3A_871 = arith.cmpi sgt, %add3A_728, %sign3A_870 : i32
      %sign3A_872 = arith.extui %sign3A_871 : i1 to i32
      %sign3A_873 = arith.constant 0 : i32
      %sign3A_874 = arith.cmpi slt, %add3A_728, %sign3A_873 : i32
      %sign3A_875 = arith.extui %sign3A_874 : i1 to i32
      %sign3A_876 = arith.subi %sign3A_872, %sign3A_875 : i32
      %sign3A_877 = arith.constant 0 : i32
      %sign3A_878 = arith.cmpi sgt, %jit3A_868, %sign3A_877 : i32
      %sign3A_879 = arith.extui %sign3A_878 : i1 to i32
      %sign3A_880 = arith.constant 0 : i32
      %sign3A_881 = arith.cmpi slt, %jit3A_868, %sign3A_880 : i32
      %sign3A_882 = arith.extui %sign3A_881 : i1 to i32
      %sign3A_883 = arith.subi %sign3A_879, %sign3A_882 : i32
      %ne3A_884 = arith.cmpi ne, %sign3A_876, %sign3A_883 : i32
      %rem3A_885 = arith.remsi %add3A_728, %jit3A_868 : i32
      %ne3A_886 = arith.constant 0 : i32
      %ne3A_887 = arith.cmpi ne, %rem3A_885, %ne3A_886 : i32
      %and3A_888 = arith.andi %ne3A_884, %ne3A_887 : i1
      %sub3A_889 = arith.constant 1 : i32
      %sub3A_890 = arith.subi %div3A_869, %sub3A_889 : i32
      %select_n3A_891 = arith.select %and3A_888, %sub3A_890, %div3A_869 : i32
      %rem3A_892 = arith.constant 16 : i32
      %rem3A_893 = arith.remsi %add3A_728, %rem3A_892 : i32
      %jit3A_894 = arith.constant 4 : i32
      %div3A_895 = arith.divsi %rem3A_893, %jit3A_894 : i32
      %sign3A_896 = arith.constant 0 : i32
      %sign3A_897 = arith.cmpi sgt, %rem3A_893, %sign3A_896 : i32
      %sign3A_898 = arith.extui %sign3A_897 : i1 to i32
      %sign3A_899 = arith.constant 0 : i32
      %sign3A_900 = arith.cmpi slt, %rem3A_893, %sign3A_899 : i32
      %sign3A_901 = arith.extui %sign3A_900 : i1 to i32
      %sign3A_902 = arith.subi %sign3A_898, %sign3A_901 : i32
      %sign3A_903 = arith.constant 0 : i32
      %sign3A_904 = arith.cmpi sgt, %jit3A_894, %sign3A_903 : i32
      %sign3A_905 = arith.extui %sign3A_904 : i1 to i32
      %sign3A_906 = arith.constant 0 : i32
      %sign3A_907 = arith.cmpi slt, %jit3A_894, %sign3A_906 : i32
      %sign3A_908 = arith.extui %sign3A_907 : i1 to i32
      %sign3A_909 = arith.subi %sign3A_905, %sign3A_908 : i32
      %ne3A_910 = arith.cmpi ne, %sign3A_902, %sign3A_909 : i32
      %rem3A_911 = arith.remsi %rem3A_893, %jit3A_894 : i32
      %ne3A_912 = arith.constant 0 : i32
      %ne3A_913 = arith.cmpi ne, %rem3A_911, %ne3A_912 : i32
      %and3A_914 = arith.andi %ne3A_910, %ne3A_913 : i1
      %sub3A_915 = arith.constant 1 : i32
      %sub3A_916 = arith.subi %div3A_895, %sub3A_915 : i32
      %select_n3A_917 = arith.select %and3A_914, %sub3A_916, %div3A_895 : i32
      %mul3A_918 = arith.constant 32 : i32
      %mul3A_919 = arith.muli %select_n3A_891, %mul3A_918 : i32
      %rem3A_920 = arith.constant 4 : i32
      %rem3A_921 = arith.remsi %rem3A_893, %rem3A_920 : i32
      %mul3A_922 = arith.constant 8 : i32
      %mul3A_923 = arith.muli %rem3A_921, %mul3A_922 : i32
      %add3A_924 = arith.addi %mul3A_919, %mul3A_923 : i32
      %rem3A_925 = arith.constant 4 : i32
      %rem3A_926 = arith.remsi %rem3A_893, %rem3A_925 : i32
      %mul3A_927 = arith.constant 8 : i32
      %mul3A_928 = arith.muli %rem3A_926, %mul3A_927 : i32
      %mul3A_929 = arith.constant 2048 : i32
      %mul3A_930 = arith.muli %select_n3A_917, %mul3A_929 : i32
      %add3A_931 = arith.addi %mul3A_930, %mul3A_2 : i32
      %add3A_932 = arith.addi %add3A_931, %add3A_924 : i32
      %dma_start3A_933 = arith.constant 0 : i32
      %dma_start3A_934 = arith.constant 0 : i32
      %dma_start3A_935 = arith.constant 0 : i32
      %dma_start3A_936 = arith.constant 0 : i32
      %dma_start3A_937 = tpu.memref_slice %arg7[%dma_start3A_933, %dma_start3A_935, %dma_start3A_936] : memref<8x8x1024xf32, #tpu.memory_space<vmem>> -> memref<1x8x1024xf32, #tpu.memory_space<vmem>>
      %dma_start3A_938 = tpu.memref_squeeze %dma_start3A_937 : memref<1x8x1024xf32, #tpu.memory_space<vmem>> -> memref<8x1024xf32, #tpu.memory_space<vmem>>
      %dma_start3A_939 = arith.constant 0 : i32
      %dma_start3A_940 = tpu.memref_slice %arg5[%add3A_932, %dma_start3A_939] : memref<8192x1024xf32, #tpu.memory_space<hbm>> -> memref<8x1024xf32, #tpu.memory_space<hbm>>
      %dma_start3A_941 = tpu.memref_slice %arg10[%dma_start3A_934] : memref<8x!tpu.dma_semaphore, #tpu.memory_space<semaphore_mem>> -> memref<1x!tpu.dma_semaphore, #tpu.memory_space<semaphore_mem>>
      %dma_start3A_942 = tpu.memref_squeeze %dma_start3A_941 : memref<1x!tpu.dma_semaphore, #tpu.memory_space<semaphore_mem>> -> memref<!tpu.dma_semaphore, #tpu.memory_space<semaphore_mem>>
      %dma_start3A_943 = arith.constant 0 : i32
      %dma_start3A_944 = tpu.memref_slice %arg5[%add3A_932, %dma_start3A_943] : memref<8192x1024xf32, #tpu.memory_space<hbm>> -> memref<8x1024xf32, #tpu.memory_space<hbm>>
      %dma_start3A_945 = arith.constant 0 : i32
      %dma_start3A_946 = arith.constant 0 : i32
      %dma_start3A_947 = tpu.memref_slice %arg7[%dma_start3A_933, %dma_start3A_945, %dma_start3A_946] : memref<8x8x1024xf32, #tpu.memory_space<vmem>> -> memref<1x8x1024xf32, #tpu.memory_space<vmem>>
      %dma_start3A_948 = tpu.memref_squeeze %dma_start3A_947 : memref<1x8x1024xf32, #tpu.memory_space<vmem>> -> memref<8x1024xf32, #tpu.memory_space<vmem>>
      tpu.enqueue_dma source(%dma_start3A_948 : memref<8x1024xf32, #tpu.memory_space<vmem>>) target(%dma_start3A_944 : memref<8x1024xf32, #tpu.memory_space<hbm>>) target_semaphore(%dma_start3A_942 : memref<!tpu.dma_semaphore, #tpu.memory_space<semaphore_mem>>)
      %add3A_949 = arith.constant 5 : i32
      %add3A_950 = arith.addi %add3A_728, %add3A_949 : i32
      %lt3A = arith.constant 32 : i32
      %lt3A_951 = arith.cmpi slt, %add3A_950, %lt3A : i32
      %convert_element_type3A_952 = arith.extui %lt3A_951 : i1 to i32
      %cond3A_953 = arith.constant 0 : i32
      %cond3A_954 = arith.cmpi ne, %convert_element_type3A_952, %cond3A_953 : i32
      scf.if %cond3A_954 {
        %ge3A = arith.constant 8 : i32
        %ge3A_2565 = arith.cmpi sge, %add3A_950, %ge3A : i32
        %convert_element_type3A_2566 = arith.extui %ge3A_2565 : i1 to i32
        %cond3A_2567 = arith.constant 0 : i32
        %cond3A_2568 = arith.cmpi ne, %convert_element_type3A_2566, %cond3A_2567 : i32
        scf.if %cond3A_2568 {
          %sub3A_2645 = arith.constant 8 : i32
          %sub3A_2646 = arith.subi %add3A_950, %sub3A_2645 : i32
          %jit3A_2647 = arith.constant 16 : i32
          %div3A_2648 = arith.divsi %sub3A_2646, %jit3A_2647 : i32
          %sign3A_2649 = arith.constant 0 : i32
          %sign3A_2650 = arith.cmpi sgt, %sub3A_2646, %sign3A_2649 : i32
          %sign3A_2651 = arith.extui %sign3A_2650 : i1 to i32
          %sign3A_2652 = arith.constant 0 : i32
          %sign3A_2653 = arith.cmpi slt, %sub3A_2646, %sign3A_2652 : i32
          %sign3A_2654 = arith.extui %sign3A_2653 : i1 to i32
          %sign3A_2655 = arith.subi %sign3A_2651, %sign3A_2654 : i32
          %sign3A_2656 = arith.constant 0 : i32
          %sign3A_2657 = arith.cmpi sgt, %jit3A_2647, %sign3A_2656 : i32
          %sign3A_2658 = arith.extui %sign3A_2657 : i1 to i32
          %sign3A_2659 = arith.constant 0 : i32
          %sign3A_2660 = arith.cmpi slt, %jit3A_2647, %sign3A_2659 : i32
          %sign3A_2661 = arith.extui %sign3A_2660 : i1 to i32
          %sign3A_2662 = arith.subi %sign3A_2658, %sign3A_2661 : i32
          %ne3A_2663 = arith.cmpi ne, %sign3A_2655, %sign3A_2662 : i32
          %rem3A_2664 = arith.remsi %sub3A_2646, %jit3A_2647 : i32
          %ne3A_2665 = arith.constant 0 : i32
          %ne3A_2666 = arith.cmpi ne, %rem3A_2664, %ne3A_2665 : i32
          %and3A_2667 = arith.andi %ne3A_2663, %ne3A_2666 : i1
          %sub3A_2668 = arith.constant 1 : i32
          %sub3A_2669 = arith.subi %div3A_2648, %sub3A_2668 : i32
          %select_n3A_2670 = arith.select %and3A_2667, %sub3A_2669, %div3A_2648 : i32
          %rem3A_2671 = arith.constant 16 : i32
          %rem3A_2672 = arith.remsi %sub3A_2646, %rem3A_2671 : i32
          %jit3A_2673 = arith.constant 4 : i32
          %div3A_2674 = arith.divsi %rem3A_2672, %jit3A_2673 : i32
          %sign3A_2675 = arith.constant 0 : i32
          %sign3A_2676 = arith.cmpi sgt, %rem3A_2672, %sign3A_2675 : i32
          %sign3A_2677 = arith.extui %sign3A_2676 : i1 to i32
          %sign3A_2678 = arith.constant 0 : i32
          %sign3A_2679 = arith.cmpi slt, %rem3A_2672, %sign3A_2678 : i32
          %sign3A_2680 = arith.extui %sign3A_2679 : i1 to i32
          %sign3A_2681 = arith.subi %sign3A_2677, %sign3A_2680 : i32
          %sign3A_2682 = arith.constant 0 : i32
          %sign3A_2683 = arith.cmpi sgt, %jit3A_2673, %sign3A_2682 : i32
          %sign3A_2684 = arith.extui %sign3A_2683 : i1 to i32
          %sign3A_2685 = arith.constant 0 : i32
          %sign3A_2686 = arith.cmpi slt, %jit3A_2673, %sign3A_2685 : i32
          %sign3A_2687 = arith.extui %sign3A_2686 : i1 to i32
          %sign3A_2688 = arith.subi %sign3A_2684, %sign3A_2687 : i32
          %ne3A_2689 = arith.cmpi ne, %sign3A_2681, %sign3A_2688 : i32
          %rem3A_2690 = arith.remsi %rem3A_2672, %jit3A_2673 : i32
          %ne3A_2691 = arith.constant 0 : i32
          %ne3A_2692 = arith.cmpi ne, %rem3A_2690, %ne3A_2691 : i32
          %and3A_2693 = arith.andi %ne3A_2689, %ne3A_2692 : i1
          %sub3A_2694 = arith.constant 1 : i32
          %sub3A_2695 = arith.subi %div3A_2674, %sub3A_2694 : i32
          %select_n3A_2696 = arith.select %and3A_2693, %sub3A_2695, %div3A_2674 : i32
          %mul3A_2697 = arith.constant 32 : i32
          %mul3A_2698 = arith.muli %select_n3A_2670, %mul3A_2697 : i32
          %rem3A_2699 = arith.constant 4 : i32
          %rem3A_2700 = arith.remsi %rem3A_2672, %rem3A_2699 : i32
          %mul3A_2701 = arith.constant 8 : i32
          %mul3A_2702 = arith.muli %rem3A_2700, %mul3A_2701 : i32
          %add3A_2703 = arith.addi %mul3A_2698, %mul3A_2702 : i32
          %rem3A_2704 = arith.constant 4 : i32
          %rem3A_2705 = arith.remsi %rem3A_2672, %rem3A_2704 : i32
          %mul3A_2706 = arith.constant 8 : i32
          %mul3A_2707 = arith.muli %rem3A_2705, %mul3A_2706 : i32
          %mul3A_2708 = arith.constant 2048 : i32
          %mul3A_2709 = arith.muli %select_n3A_2696, %mul3A_2708 : i32
          %add3A_2710 = arith.addi %mul3A_2709, %mul3A_2 : i32
          %add3A_2711 = arith.addi %add3A_2710, %add3A_2703 : i32
          %dma_wait3A_2712 = arith.constant 5 : i32
          %dma_wait3A_2713 = arith.constant 5 : i32
          %dma_wait3A_2714 = arith.constant 0 : i32
          %dma_wait3A_2715 = arith.constant 0 : i32
          %dma_wait3A_2716 = tpu.memref_slice %arg7[%dma_wait3A_2712, %dma_wait3A_2714, %dma_wait3A_2715] : memref<8x8x1024xf32, #tpu.memory_space<vmem>> -> memref<1x8x1024xf32, #tpu.memory_space<vmem>>
          %dma_wait3A_2717 = tpu.memref_squeeze %dma_wait3A_2716 : memref<1x8x1024xf32, #tpu.memory_space<vmem>> -> memref<8x1024xf32, #tpu.memory_space<vmem>>
          %dma_wait3A_2718 = arith.constant 0 : i32
          %dma_wait3A_2719 = tpu.memref_slice %arg5[%add3A_2711, %dma_wait3A_2718] : memref<8192x1024xf32, #tpu.memory_space<hbm>> -> memref<8x1024xf32, #tpu.memory_space<hbm>>
          %dma_wait3A_2720 = tpu.memref_slice %arg10[%dma_wait3A_2713] : memref<8x!tpu.dma_semaphore, #tpu.memory_space<semaphore_mem>> -> memref<1x!tpu.dma_semaphore, #tpu.memory_space<semaphore_mem>>
          %dma_wait3A_2721 = tpu.memref_squeeze %dma_wait3A_2720 : memref<1x!tpu.dma_semaphore, #tpu.memory_space<semaphore_mem>> -> memref<!tpu.dma_semaphore, #tpu.memory_space<semaphore_mem>>
          %dma_wait3A_2722 = arith.constant 0 : i32
          %dma_wait3A_2723 = tpu.memref_slice %arg5[%add3A_2711, %dma_wait3A_2722] : memref<8192x1024xf32, #tpu.memory_space<hbm>> -> memref<8x1024xf32, #tpu.memory_space<hbm>>
          %dma_wait3A_2724 = arith.constant 0 : i32
          %dma_wait3A_2725 = arith.constant 0 : i32
          %dma_wait3A_2726 = tpu.memref_slice %arg7[%dma_wait3A_2712, %dma_wait3A_2724, %dma_wait3A_2725] : memref<8x8x1024xf32, #tpu.memory_space<vmem>> -> memref<1x8x1024xf32, #tpu.memory_space<vmem>>
          %dma_wait3A_2727 = tpu.memref_squeeze %dma_wait3A_2726 : memref<1x8x1024xf32, #tpu.memory_space<vmem>> -> memref<8x1024xf32, #tpu.memory_space<vmem>>
          tpu.wait_dma2 semaphore(%dma_wait3A_2721 : memref<!tpu.dma_semaphore, #tpu.memory_space<semaphore_mem>>) src(%dma_wait3A_2727 : memref<8x1024xf32, #tpu.memory_space<vmem>>) dst(%dma_wait3A_2723 : memref<8x1024xf32, #tpu.memory_space<hbm>>)
        } else {
        }
        %jit3A_2569 = arith.constant 16 : i32
        %div3A_2570 = arith.divsi %add3A_950, %jit3A_2569 : i32
        %sign3A_2571 = arith.constant 0 : i32
        %sign3A_2572 = arith.cmpi sgt, %add3A_950, %sign3A_2571 : i32
        %sign3A_2573 = arith.extui %sign3A_2572 : i1 to i32
        %sign3A_2574 = arith.constant 0 : i32
        %sign3A_2575 = arith.cmpi slt, %add3A_950, %sign3A_2574 : i32
        %sign3A_2576 = arith.extui %sign3A_2575 : i1 to i32
        %sign3A_2577 = arith.subi %sign3A_2573, %sign3A_2576 : i32
        %sign3A_2578 = arith.constant 0 : i32
        %sign3A_2579 = arith.cmpi sgt, %jit3A_2569, %sign3A_2578 : i32
        %sign3A_2580 = arith.extui %sign3A_2579 : i1 to i32
        %sign3A_2581 = arith.constant 0 : i32
        %sign3A_2582 = arith.cmpi slt, %jit3A_2569, %sign3A_2581 : i32
        %sign3A_2583 = arith.extui %sign3A_2582 : i1 to i32
        %sign3A_2584 = arith.subi %sign3A_2580, %sign3A_2583 : i32
        %ne3A_2585 = arith.cmpi ne, %sign3A_2577, %sign3A_2584 : i32
        %rem3A_2586 = arith.remsi %add3A_950, %jit3A_2569 : i32
        %ne3A_2587 = arith.constant 0 : i32
        %ne3A_2588 = arith.cmpi ne, %rem3A_2586, %ne3A_2587 : i32
        %and3A_2589 = arith.andi %ne3A_2585, %ne3A_2588 : i1
        %sub3A_2590 = arith.constant 1 : i32
        %sub3A_2591 = arith.subi %div3A_2570, %sub3A_2590 : i32
        %select_n3A_2592 = arith.select %and3A_2589, %sub3A_2591, %div3A_2570 : i32
        %rem3A_2593 = arith.constant 16 : i32
        %rem3A_2594 = arith.remsi %add3A_950, %rem3A_2593 : i32
        %jit3A_2595 = arith.constant 4 : i32
        %div3A_2596 = arith.divsi %rem3A_2594, %jit3A_2595 : i32
        %sign3A_2597 = arith.constant 0 : i32
        %sign3A_2598 = arith.cmpi sgt, %rem3A_2594, %sign3A_2597 : i32
        %sign3A_2599 = arith.extui %sign3A_2598 : i1 to i32
        %sign3A_2600 = arith.constant 0 : i32
        %sign3A_2601 = arith.cmpi slt, %rem3A_2594, %sign3A_2600 : i32
        %sign3A_2602 = arith.extui %sign3A_2601 : i1 to i32
        %sign3A_2603 = arith.subi %sign3A_2599, %sign3A_2602 : i32
        %sign3A_2604 = arith.constant 0 : i32
        %sign3A_2605 = arith.cmpi sgt, %jit3A_2595, %sign3A_2604 : i32
        %sign3A_2606 = arith.extui %sign3A_2605 : i1 to i32
        %sign3A_2607 = arith.constant 0 : i32
        %sign3A_2608 = arith.cmpi slt, %jit3A_2595, %sign3A_2607 : i32
        %sign3A_2609 = arith.extui %sign3A_2608 : i1 to i32
        %sign3A_2610 = arith.subi %sign3A_2606, %sign3A_2609 : i32
        %ne3A_2611 = arith.cmpi ne, %sign3A_2603, %sign3A_2610 : i32
        %rem3A_2612 = arith.remsi %rem3A_2594, %jit3A_2595 : i32
        %ne3A_2613 = arith.constant 0 : i32
        %ne3A_2614 = arith.cmpi ne, %rem3A_2612, %ne3A_2613 : i32
        %and3A_2615 = arith.andi %ne3A_2611, %ne3A_2614 : i1
        %sub3A_2616 = arith.constant 1 : i32
        %sub3A_2617 = arith.subi %div3A_2596, %sub3A_2616 : i32
        %select_n3A_2618 = arith.select %and3A_2615, %sub3A_2617, %div3A_2596 : i32
        %mul3A_2619 = arith.constant 32 : i32
        %mul3A_2620 = arith.muli %select_n3A_2592, %mul3A_2619 : i32
        %rem3A_2621 = arith.constant 4 : i32
        %rem3A_2622 = arith.remsi %rem3A_2594, %rem3A_2621 : i32
        %mul3A_2623 = arith.constant 8 : i32
        %mul3A_2624 = arith.muli %rem3A_2622, %mul3A_2623 : i32
        %add3A_2625 = arith.addi %mul3A_2620, %mul3A_2624 : i32
        %rem3A_2626 = arith.constant 4 : i32
        %rem3A_2627 = arith.remsi %rem3A_2594, %rem3A_2626 : i32
        %mul3A_2628 = arith.constant 8 : i32
        %mul3A_2629 = arith.muli %rem3A_2627, %mul3A_2628 : i32
        %dma_start3A_2630 = arith.constant 5 : i32
        %dma_start3A_2631 = arith.constant 5 : i32
        %dma_start3A_2632 = arith.constant 0 : i32
        %dma_start3A_2633 = arith.constant 0 : i32
        %dma_start3A_2634 = tpu.memref_slice %arg7[%dma_start3A_2630, %dma_start3A_2632, %dma_start3A_2633] : memref<8x8x1024xf32, #tpu.memory_space<vmem>> -> memref<1x8x1024xf32, #tpu.memory_space<vmem>>
        %dma_start3A_2635 = tpu.memref_squeeze %dma_start3A_2634 : memref<1x8x1024xf32, #tpu.memory_space<vmem>> -> memref<8x1024xf32, #tpu.memory_space<vmem>>
        %dma_start3A_2636 = arith.constant 0 : i32
        %dma_start3A_2637 = tpu.memref_slice %arg6[%select_n3A_2618, %dma_start3A_2636] : memref<4x64xi32, #tpu.memory_space<vmem>> -> memref<1x64xi32, #tpu.memory_space<vmem>>
        %dma_start3A_2638 = tpu.memref_squeeze %dma_start3A_2637 : memref<1x64xi32, #tpu.memory_space<vmem>> -> memref<64xi32, #tpu.memory_space<vmem>>
        %dma_start3A_2639 = tpu.memref_slice %dma_start3A_2638[%add3A_2625] : memref<64xi32, #tpu.memory_space<vmem>> -> memref<8xi32, #tpu.memory_space<vmem>>
        %dma_start3A_2640 = arith.constant 0 : i32
        %dma_start3A_2641 = arith.constant 0 : i32
        %dma_start3A_2642 = tpu.memref_slice %arg3[%dma_start3A_2640, %dma_start3A_2641] : memref<100000x1024xf32, #tpu.memory_space<hbm>> -> memref<100000x1024xf32, #tpu.memory_space<hbm>>
        %dma_start3A_2643 = tpu.memref_slice %arg9[%dma_start3A_2631] : memref<8x!tpu.dma_semaphore, #tpu.memory_space<semaphore_mem>> -> memref<1x!tpu.dma_semaphore, #tpu.memory_space<semaphore_mem>>
        %dma_start3A_2644 = tpu.memref_squeeze %dma_start3A_2643 : memref<1x!tpu.dma_semaphore, #tpu.memory_space<semaphore_mem>> -> memref<!tpu.dma_semaphore, #tpu.memory_space<semaphore_mem>>
        tpu.enqueue_indirect_dma source(%dma_start3A_2642 : memref<100000x1024xf32, #tpu.memory_space<hbm>>) target(%dma_start3A_2635 : memref<8x1024xf32, #tpu.memory_space<vmem>>) offsets(%dma_start3A_2639 : memref<8xi32, #tpu.memory_space<vmem>>) semaphore(%dma_start3A_2644 : memref<!tpu.dma_semaphore, #tpu.memory_space<semaphore_mem>>)
      } else {
      }
      %add3A_955 = arith.constant 1 : i32
      %add3A_956 = arith.addi %add3A_724, %add3A_955 : i32
      %jit3A_957 = arith.constant 16 : i32
      %div3A_958 = arith.divsi %add3A_956, %jit3A_957 : i32
      %sign3A_959 = arith.constant 0 : i32
      %sign3A_960 = arith.cmpi sgt, %add3A_956, %sign3A_959 : i32
      %sign3A_961 = arith.extui %sign3A_960 : i1 to i32
      %sign3A_962 = arith.constant 0 : i32
      %sign3A_963 = arith.cmpi slt, %add3A_956, %sign3A_962 : i32
      %sign3A_964 = arith.extui %sign3A_963 : i1 to i32
      %sign3A_965 = arith.subi %sign3A_961, %sign3A_964 : i32
      %sign3A_966 = arith.constant 0 : i32
      %sign3A_967 = arith.cmpi sgt, %jit3A_957, %sign3A_966 : i32
      %sign3A_968 = arith.extui %sign3A_967 : i1 to i32
      %sign3A_969 = arith.constant 0 : i32
      %sign3A_970 = arith.cmpi slt, %jit3A_957, %sign3A_969 : i32
      %sign3A_971 = arith.extui %sign3A_970 : i1 to i32
      %sign3A_972 = arith.subi %sign3A_968, %sign3A_971 : i32
      %ne3A_973 = arith.cmpi ne, %sign3A_965, %sign3A_972 : i32
      %rem3A_974 = arith.remsi %add3A_956, %jit3A_957 : i32
      %ne3A_975 = arith.constant 0 : i32
      %ne3A_976 = arith.cmpi ne, %rem3A_974, %ne3A_975 : i32
      %and3A_977 = arith.andi %ne3A_973, %ne3A_976 : i1
      %sub3A_978 = arith.constant 1 : i32
      %sub3A_979 = arith.subi %div3A_958, %sub3A_978 : i32
      %select_n3A_980 = arith.select %and3A_977, %sub3A_979, %div3A_958 : i32
      %rem3A_981 = arith.constant 16 : i32
      %rem3A_982 = arith.remsi %add3A_956, %rem3A_981 : i32
      %jit3A_983 = arith.constant 4 : i32
      %div3A_984 = arith.divsi %rem3A_982, %jit3A_983 : i32
      %sign3A_985 = arith.constant 0 : i32
      %sign3A_986 = arith.cmpi sgt, %rem3A_982, %sign3A_985 : i32
      %sign3A_987 = arith.extui %sign3A_986 : i1 to i32
      %sign3A_988 = arith.constant 0 : i32
      %sign3A_989 = arith.cmpi slt, %rem3A_982, %sign3A_988 : i32
      %sign3A_990 = arith.extui %sign3A_989 : i1 to i32
      %sign3A_991 = arith.subi %sign3A_987, %sign3A_990 : i32
      %sign3A_992 = arith.constant 0 : i32
      %sign3A_993 = arith.cmpi sgt, %jit3A_983, %sign3A_992 : i32
      %sign3A_994 = arith.extui %sign3A_993 : i1 to i32
      %sign3A_995 = arith.constant 0 : i32
      %sign3A_996 = arith.cmpi slt, %jit3A_983, %sign3A_995 : i32
      %sign3A_997 = arith.extui %sign3A_996 : i1 to i32
      %sign3A_998 = arith.subi %sign3A_994, %sign3A_997 : i32
      %ne3A_999 = arith.cmpi ne, %sign3A_991, %sign3A_998 : i32
      %rem3A_1000 = arith.remsi %rem3A_982, %jit3A_983 : i32
      %ne3A_1001 = arith.constant 0 : i32
      %ne3A_1002 = arith.cmpi ne, %rem3A_1000, %ne3A_1001 : i32
      %and3A_1003 = arith.andi %ne3A_999, %ne3A_1002 : i1
      %sub3A_1004 = arith.constant 1 : i32
      %sub3A_1005 = arith.subi %div3A_984, %sub3A_1004 : i32
      %select_n3A_1006 = arith.select %and3A_1003, %sub3A_1005, %div3A_984 : i32
      %mul3A_1007 = arith.constant 32 : i32
      %mul3A_1008 = arith.muli %select_n3A_980, %mul3A_1007 : i32
      %rem3A_1009 = arith.constant 4 : i32
      %rem3A_1010 = arith.remsi %rem3A_982, %rem3A_1009 : i32
      %mul3A_1011 = arith.constant 8 : i32
      %mul3A_1012 = arith.muli %rem3A_1010, %mul3A_1011 : i32
      %add3A_1013 = arith.addi %mul3A_1008, %mul3A_1012 : i32
      %rem3A_1014 = arith.constant 4 : i32
      %rem3A_1015 = arith.remsi %rem3A_982, %rem3A_1014 : i32
      %mul3A_1016 = arith.constant 8 : i32
      %mul3A_1017 = arith.muli %rem3A_1015, %mul3A_1016 : i32
      %dma_wait3A_1018 = arith.constant 1 : i32
      %dma_wait3A_1019 = arith.constant 1 : i32
      %dma_wait3A_1020 = arith.constant 0 : i32
      %dma_wait3A_1021 = arith.constant 0 : i32
      %dma_wait3A_1022 = tpu.memref_slice %arg7[%dma_wait3A_1018, %dma_wait3A_1020, %dma_wait3A_1021] : memref<8x8x1024xf32, #tpu.memory_space<vmem>> -> memref<1x8x1024xf32, #tpu.memory_space<vmem>>
      %dma_wait3A_1023 = tpu.memref_squeeze %dma_wait3A_1022 : memref<1x8x1024xf32, #tpu.memory_space<vmem>> -> memref<8x1024xf32, #tpu.memory_space<vmem>>
      %dma_wait3A_1024 = arith.constant 0 : i32
      %dma_wait3A_1025 = tpu.memref_slice %arg6[%select_n3A_1006, %dma_wait3A_1024] : memref<4x64xi32, #tpu.memory_space<vmem>> -> memref<1x64xi32, #tpu.memory_space<vmem>>
      %dma_wait3A_1026 = tpu.memref_squeeze %dma_wait3A_1025 : memref<1x64xi32, #tpu.memory_space<vmem>> -> memref<64xi32, #tpu.memory_space<vmem>>
      %dma_wait3A_1027 = tpu.memref_slice %dma_wait3A_1026[%add3A_1013] : memref<64xi32, #tpu.memory_space<vmem>> -> memref<8xi32, #tpu.memory_space<vmem>>
      %dma_wait3A_1028 = arith.constant 0 : i32
      %dma_wait3A_1029 = arith.constant 0 : i32
      %dma_wait3A_1030 = tpu.memref_slice %arg3[%dma_wait3A_1028, %dma_wait3A_1029] : memref<100000x1024xf32, #tpu.memory_space<hbm>> -> memref<100000x1024xf32, #tpu.memory_space<hbm>>
      %dma_wait3A_1031 = tpu.memref_slice %arg9[%dma_wait3A_1019] : memref<8x!tpu.dma_semaphore, #tpu.memory_space<semaphore_mem>> -> memref<1x!tpu.dma_semaphore, #tpu.memory_space<semaphore_mem>>
      %dma_wait3A_1032 = tpu.memref_squeeze %dma_wait3A_1031 : memref<1x!tpu.dma_semaphore, #tpu.memory_space<semaphore_mem>> -> memref<!tpu.dma_semaphore, #tpu.memory_space<semaphore_mem>>
      tpu.wait_indirect_dma semaphore(%dma_wait3A_1032 : memref<!tpu.dma_semaphore, #tpu.memory_space<semaphore_mem>>) src(%dma_wait3A_1030 : memref<100000x1024xf32, #tpu.memory_space<hbm>>) dst(%dma_wait3A_1023 : memref<8x1024xf32, #tpu.memory_space<vmem>>)
      %jit3A_1033 = arith.constant 16 : i32
      %div3A_1034 = arith.divsi %add3A_956, %jit3A_1033 : i32
      %sign3A_1035 = arith.constant 0 : i32
      %sign3A_1036 = arith.cmpi sgt, %add3A_956, %sign3A_1035 : i32
      %sign3A_1037 = arith.extui %sign3A_1036 : i1 to i32
      %sign3A_1038 = arith.constant 0 : i32
      %sign3A_1039 = arith.cmpi slt, %add3A_956, %sign3A_1038 : i32
      %sign3A_1040 = arith.extui %sign3A_1039 : i1 to i32
      %sign3A_1041 = arith.subi %sign3A_1037, %sign3A_1040 : i32
      %sign3A_1042 = arith.constant 0 : i32
      %sign3A_1043 = arith.cmpi sgt, %jit3A_1033, %sign3A_1042 : i32
      %sign3A_1044 = arith.extui %sign3A_1043 : i1 to i32
      %sign3A_1045 = arith.constant 0 : i32
      %sign3A_1046 = arith.cmpi slt, %jit3A_1033, %sign3A_1045 : i32
      %sign3A_1047 = arith.extui %sign3A_1046 : i1 to i32
      %sign3A_1048 = arith.subi %sign3A_1044, %sign3A_1047 : i32
      %ne3A_1049 = arith.cmpi ne, %sign3A_1041, %sign3A_1048 : i32
      %rem3A_1050 = arith.remsi %add3A_956, %jit3A_1033 : i32
      %ne3A_1051 = arith.constant 0 : i32
      %ne3A_1052 = arith.cmpi ne, %rem3A_1050, %ne3A_1051 : i32
      %and3A_1053 = arith.andi %ne3A_1049, %ne3A_1052 : i1
      %sub3A_1054 = arith.constant 1 : i32
      %sub3A_1055 = arith.subi %div3A_1034, %sub3A_1054 : i32
      %select_n3A_1056 = arith.select %and3A_1053, %sub3A_1055, %div3A_1034 : i32
      %rem3A_1057 = arith.constant 16 : i32
      %rem3A_1058 = arith.remsi %add3A_956, %rem3A_1057 : i32
      %jit3A_1059 = arith.constant 4 : i32
      %div3A_1060 = arith.divsi %rem3A_1058, %jit3A_1059 : i32
      %sign3A_1061 = arith.constant 0 : i32
      %sign3A_1062 = arith.cmpi sgt, %rem3A_1058, %sign3A_1061 : i32
      %sign3A_1063 = arith.extui %sign3A_1062 : i1 to i32
      %sign3A_1064 = arith.constant 0 : i32
      %sign3A_1065 = arith.cmpi slt, %rem3A_1058, %sign3A_1064 : i32
      %sign3A_1066 = arith.extui %sign3A_1065 : i1 to i32
      %sign3A_1067 = arith.subi %sign3A_1063, %sign3A_1066 : i32
      %sign3A_1068 = arith.constant 0 : i32
      %sign3A_1069 = arith.cmpi sgt, %jit3A_1059, %sign3A_1068 : i32
      %sign3A_1070 = arith.extui %sign3A_1069 : i1 to i32
      %sign3A_1071 = arith.constant 0 : i32
      %sign3A_1072 = arith.cmpi slt, %jit3A_1059, %sign3A_1071 : i32
      %sign3A_1073 = arith.extui %sign3A_1072 : i1 to i32
      %sign3A_1074 = arith.subi %sign3A_1070, %sign3A_1073 : i32
      %ne3A_1075 = arith.cmpi ne, %sign3A_1067, %sign3A_1074 : i32
      %rem3A_1076 = arith.remsi %rem3A_1058, %jit3A_1059 : i32
      %ne3A_1077 = arith.constant 0 : i32
      %ne3A_1078 = arith.cmpi ne, %rem3A_1076, %ne3A_1077 : i32
      %and3A_1079 = arith.andi %ne3A_1075, %ne3A_1078 : i1
      %sub3A_1080 = arith.constant 1 : i32
      %sub3A_1081 = arith.subi %div3A_1060, %sub3A_1080 : i32
      %select_n3A_1082 = arith.select %and3A_1079, %sub3A_1081, %div3A_1060 : i32
      %mul3A_1083 = arith.constant 32 : i32
      %mul3A_1084 = arith.muli %select_n3A_1056, %mul3A_1083 : i32
      %rem3A_1085 = arith.constant 4 : i32
      %rem3A_1086 = arith.remsi %rem3A_1058, %rem3A_1085 : i32
      %mul3A_1087 = arith.constant 8 : i32
      %mul3A_1088 = arith.muli %rem3A_1086, %mul3A_1087 : i32
      %add3A_1089 = arith.addi %mul3A_1084, %mul3A_1088 : i32
      %rem3A_1090 = arith.constant 4 : i32
      %rem3A_1091 = arith.remsi %rem3A_1058, %rem3A_1090 : i32
      %mul3A_1092 = arith.constant 8 : i32
      %mul3A_1093 = arith.muli %rem3A_1091, %mul3A_1092 : i32
      %parallel_loop3A_1094 = arith.constant 0 : i32
      %parallel_loop3A_1095 = arith.constant 8192 : i32
      %parallel_loop3A_1096 = arith.constant 16 : i32
      scf.for %parallel_loop3A_2565 = %parallel_loop3A_1094 to %parallel_loop3A_1095 step %parallel_loop3A_1096  : i32 {
        %parallel_loop3A_2566 = arith.constant 10 : i32
        %parallel_loop3A_2567 = arith.shrsi %parallel_loop3A_2565, %parallel_loop3A_2566 : i32
        %parallel_loop3A_2568 = arith.constant 1023 : i32
        %parallel_loop3A_2569 = arith.andi %parallel_loop3A_2565, %parallel_loop3A_2568 : i32
        %parallel_loop3A_2570 = tpu.assume_multiple %parallel_loop3A_2569, 16 : i32
        %parallel_loop3A_2571 = arith.addi %mul3A_1093, %parallel_loop3A_2567 : i32
        %parallel_loop3A_2572 = arith.index_cast %parallel_loop3A_2571 : i32 to index
        %parallel_loop3A_2573 = arith.index_cast %parallel_loop3A_2570 : i32 to index
        %parallel_loop3A_2574 = tpu.vector_load %arg8[%parallel_loop3A_2572, %parallel_loop3A_2573] {strides = array<i32>} : memref<32x1024xf32, #tpu.memory_space<vmem>>, vector<1x16xf32>,
        %parallel_loop3A_2575 = vector.shape_cast %parallel_loop3A_2574 : vector<1x16xf32> to vector<16xf32>
        %parallel_loop3A_2576 = arith.constant 1 : i32
        %parallel_loop3A_2577 = arith.constant 0 : i32
        %parallel_loop3A_2578 = arith.constant 0 : i32
        %parallel_loop3A_2579 = tpu.memref_slice %arg7[%parallel_loop3A_2576, %parallel_loop3A_2577, %parallel_loop3A_2578] : memref<8x8x1024xf32, #tpu.memory_space<vmem>> -> memref<1x8x1024xf32, #tpu.memory_space<vmem>>
        %parallel_loop3A_2580 = tpu.memref_squeeze %parallel_loop3A_2579 : memref<1x8x1024xf32, #tpu.memory_space<vmem>> -> memref<8x1024xf32, #tpu.memory_space<vmem>>
        %parallel_loop3A_2581 = arith.index_cast %parallel_loop3A_2567 : i32 to index
        %parallel_loop3A_2582 = arith.index_cast %parallel_loop3A_2570 : i32 to index
        %parallel_loop3A_2583 = tpu.vector_load %parallel_loop3A_2580[%parallel_loop3A_2581, %parallel_loop3A_2582] {strides = array<i32>} : memref<8x1024xf32, #tpu.memory_space<vmem>>, vector<1x16xf32>,
        %parallel_loop3A_2584 = vector.shape_cast %parallel_loop3A_2583 : vector<1x16xf32> to vector<16xf32>
        %parallel_loop3A_2585 = vector.shape_cast %parallel_loop3A_2575 : vector<16xf32> to vector<1x16xf32>
        tpu.vector_store %parallel_loop3A_2580[%parallel_loop3A_2581, %parallel_loop3A_2582], %parallel_loop3A_2585 {add = true, strides = array<i32>} : memref<8x1024xf32, #tpu.memory_space<vmem>>, vector<1x16xf32>,
      } {sc.loop_unroll_factor = 8 : i64, sc.parallel_access}
      %jit3A_1097 = arith.constant 16 : i32
      %div3A_1098 = arith.divsi %add3A_956, %jit3A_1097 : i32
      %sign3A_1099 = arith.constant 0 : i32
      %sign3A_1100 = arith.cmpi sgt, %add3A_956, %sign3A_1099 : i32
      %sign3A_1101 = arith.extui %sign3A_1100 : i1 to i32
      %sign3A_1102 = arith.constant 0 : i32
      %sign3A_1103 = arith.cmpi slt, %add3A_956, %sign3A_1102 : i32
      %sign3A_1104 = arith.extui %sign3A_1103 : i1 to i32
      %sign3A_1105 = arith.subi %sign3A_1101, %sign3A_1104 : i32
      %sign3A_1106 = arith.constant 0 : i32
      %sign3A_1107 = arith.cmpi sgt, %jit3A_1097, %sign3A_1106 : i32
      %sign3A_1108 = arith.extui %sign3A_1107 : i1 to i32
      %sign3A_1109 = arith.constant 0 : i32
      %sign3A_1110 = arith.cmpi slt, %jit3A_1097, %sign3A_1109 : i32
      %sign3A_1111 = arith.extui %sign3A_1110 : i1 to i32
      %sign3A_1112 = arith.subi %sign3A_1108, %sign3A_1111 : i32
      %ne3A_1113 = arith.cmpi ne, %sign3A_1105, %sign3A_1112 : i32
      %rem3A_1114 = arith.remsi %add3A_956, %jit3A_1097 : i32
      %ne3A_1115 = arith.constant 0 : i32
      %ne3A_1116 = arith.cmpi ne, %rem3A_1114, %ne3A_1115 : i32
      %and3A_1117 = arith.andi %ne3A_1113, %ne3A_1116 : i1
      %sub3A_1118 = arith.constant 1 : i32
      %sub3A_1119 = arith.subi %div3A_1098, %sub3A_1118 : i32
      %select_n3A_1120 = arith.select %and3A_1117, %sub3A_1119, %div3A_1098 : i32
      %rem3A_1121 = arith.constant 16 : i32
      %rem3A_1122 = arith.remsi %add3A_956, %rem3A_1121 : i32
      %jit3A_1123 = arith.constant 4 : i32
      %div3A_1124 = arith.divsi %rem3A_1122, %jit3A_1123 : i32
      %sign3A_1125 = arith.constant 0 : i32
      %sign3A_1126 = arith.cmpi sgt, %rem3A_1122, %sign3A_1125 : i32
      %sign3A_1127 = arith.extui %sign3A_1126 : i1 to i32
      %sign3A_1128 = arith.constant 0 : i32
      %sign3A_1129 = arith.cmpi slt, %rem3A_1122, %sign3A_1128 : i32
      %sign3A_1130 = arith.extui %sign3A_1129 : i1 to i32
      %sign3A_1131 = arith.subi %sign3A_1127, %sign3A_1130 : i32
      %sign3A_1132 = arith.constant 0 : i32
      %sign3A_1133 = arith.cmpi sgt, %jit3A_1123, %sign3A_1132 : i32
      %sign3A_1134 = arith.extui %sign3A_1133 : i1 to i32
      %sign3A_1135 = arith.constant 0 : i32
      %sign3A_1136 = arith.cmpi slt, %jit3A_1123, %sign3A_1135 : i32
      %sign3A_1137 = arith.extui %sign3A_1136 : i1 to i32
      %sign3A_1138 = arith.subi %sign3A_1134, %sign3A_1137 : i32
      %ne3A_1139 = arith.cmpi ne, %sign3A_1131, %sign3A_1138 : i32
      %rem3A_1140 = arith.remsi %rem3A_1122, %jit3A_1123 : i32
      %ne3A_1141 = arith.constant 0 : i32
      %ne3A_1142 = arith.cmpi ne, %rem3A_1140, %ne3A_1141 : i32
      %and3A_1143 = arith.andi %ne3A_1139, %ne3A_1142 : i1
      %sub3A_1144 = arith.constant 1 : i32
      %sub3A_1145 = arith.subi %div3A_1124, %sub3A_1144 : i32
      %select_n3A_1146 = arith.select %and3A_1143, %sub3A_1145, %div3A_1124 : i32
      %mul3A_1147 = arith.constant 32 : i32
      %mul3A_1148 = arith.muli %select_n3A_1120, %mul3A_1147 : i32
      %rem3A_1149 = arith.constant 4 : i32
      %rem3A_1150 = arith.remsi %rem3A_1122, %rem3A_1149 : i32
      %mul3A_1151 = arith.constant 8 : i32
      %mul3A_1152 = arith.muli %rem3A_1150, %mul3A_1151 : i32
      %add3A_1153 = arith.addi %mul3A_1148, %mul3A_1152 : i32
      %rem3A_1154 = arith.constant 4 : i32
      %rem3A_1155 = arith.remsi %rem3A_1122, %rem3A_1154 : i32
      %mul3A_1156 = arith.constant 8 : i32
      %mul3A_1157 = arith.muli %rem3A_1155, %mul3A_1156 : i32
      %mul3A_1158 = arith.constant 2048 : i32
      %mul3A_1159 = arith.muli %select_n3A_1146, %mul3A_1158 : i32
      %add3A_1160 = arith.addi %mul3A_1159, %mul3A_2 : i32
      %add3A_1161 = arith.addi %add3A_1160, %add3A_1153 : i32
      %dma_start3A_1162 = arith.constant 1 : i32
      %dma_start3A_1163 = arith.constant 1 : i32
      %dma_start3A_1164 = arith.constant 0 : i32
      %dma_start3A_1165 = arith.constant 0 : i32
      %dma_start3A_1166 = tpu.memref_slice %arg7[%dma_start3A_1162, %dma_start3A_1164, %dma_start3A_1165] : memref<8x8x1024xf32, #tpu.memory_space<vmem>> -> memref<1x8x1024xf32, #tpu.memory_space<vmem>>
      %dma_start3A_1167 = tpu.memref_squeeze %dma_start3A_1166 : memref<1x8x1024xf32, #tpu.memory_space<vmem>> -> memref<8x1024xf32, #tpu.memory_space<vmem>>
      %dma_start3A_1168 = arith.constant 0 : i32
      %dma_start3A_1169 = tpu.memref_slice %arg5[%add3A_1161, %dma_start3A_1168] : memref<8192x1024xf32, #tpu.memory_space<hbm>> -> memref<8x1024xf32, #tpu.memory_space<hbm>>
      %dma_start3A_1170 = tpu.memref_slice %arg10[%dma_start3A_1163] : memref<8x!tpu.dma_semaphore, #tpu.memory_space<semaphore_mem>> -> memref<1x!tpu.dma_semaphore, #tpu.memory_space<semaphore_mem>>
      %dma_start3A_1171 = tpu.memref_squeeze %dma_start3A_1170 : memref<1x!tpu.dma_semaphore, #tpu.memory_space<semaphore_mem>> -> memref<!tpu.dma_semaphore, #tpu.memory_space<semaphore_mem>>
      %dma_start3A_1172 = arith.constant 0 : i32
      %dma_start3A_1173 = tpu.memref_slice %arg5[%add3A_1161, %dma_start3A_1172] : memref<8192x1024xf32, #tpu.memory_space<hbm>> -> memref<8x1024xf32, #tpu.memory_space<hbm>>
      %dma_start3A_1174 = arith.constant 0 : i32
      %dma_start3A_1175 = arith.constant 0 : i32
      %dma_start3A_1176 = tpu.memref_slice %arg7[%dma_start3A_1162, %dma_start3A_1174, %dma_start3A_1175] : memref<8x8x1024xf32, #tpu.memory_space<vmem>> -> memref<1x8x1024xf32, #tpu.memory_space<vmem>>
      %dma_start3A_1177 = tpu.memref_squeeze %dma_start3A_1176 : memref<1x8x1024xf32, #tpu.memory_space<vmem>> -> memref<8x1024xf32, #tpu.memory_space<vmem>>
      tpu.enqueue_dma source(%dma_start3A_1177 : memref<8x1024xf32, #tpu.memory_space<vmem>>) target(%dma_start3A_1173 : memref<8x1024xf32, #tpu.memory_space<hbm>>) target_semaphore(%dma_start3A_1171 : memref<!tpu.dma_semaphore, #tpu.memory_space<semaphore_mem>>)
      %add3A_1178 = arith.constant 5 : i32
      %add3A_1179 = arith.addi %add3A_956, %add3A_1178 : i32
      %lt3A_1180 = arith.constant 32 : i32
      %lt3A_1181 = arith.cmpi slt, %add3A_1179, %lt3A_1180 : i32
      %convert_element_type3A_1182 = arith.extui %lt3A_1181 : i1 to i32
      %cond3A_1183 = arith.constant 0 : i32
      %cond3A_1184 = arith.cmpi ne, %convert_element_type3A_1182, %cond3A_1183 : i32
      scf.if %cond3A_1184 {
        %ge3A = arith.constant 8 : i32
        %ge3A_2565 = arith.cmpi sge, %add3A_1179, %ge3A : i32
        %convert_element_type3A_2566 = arith.extui %ge3A_2565 : i1 to i32
        %cond3A_2567 = arith.constant 0 : i32
        %cond3A_2568 = arith.cmpi ne, %convert_element_type3A_2566, %cond3A_2567 : i32
        scf.if %cond3A_2568 {
          %sub3A_2645 = arith.constant 8 : i32
          %sub3A_2646 = arith.subi %add3A_1179, %sub3A_2645 : i32
          %jit3A_2647 = arith.constant 16 : i32
          %div3A_2648 = arith.divsi %sub3A_2646, %jit3A_2647 : i32
          %sign3A_2649 = arith.constant 0 : i32
          %sign3A_2650 = arith.cmpi sgt, %sub3A_2646, %sign3A_2649 : i32
          %sign3A_2651 = arith.extui %sign3A_2650 : i1 to i32
          %sign3A_2652 = arith.constant 0 : i32
          %sign3A_2653 = arith.cmpi slt, %sub3A_2646, %sign3A_2652 : i32
          %sign3A_2654 = arith.extui %sign3A_2653 : i1 to i32
          %sign3A_2655 = arith.subi %sign3A_2651, %sign3A_2654 : i32
          %sign3A_2656 = arith.constant 0 : i32
          %sign3A_2657 = arith.cmpi sgt, %jit3A_2647, %sign3A_2656 : i32
          %sign3A_2658 = arith.extui %sign3A_2657 : i1 to i32
          %sign3A_2659 = arith.constant 0 : i32
          %sign3A_2660 = arith.cmpi slt, %jit3A_2647, %sign3A_2659 : i32
          %sign3A_2661 = arith.extui %sign3A_2660 : i1 to i32
          %sign3A_2662 = arith.subi %sign3A_2658, %sign3A_2661 : i32
          %ne3A_2663 = arith.cmpi ne, %sign3A_2655, %sign3A_2662 : i32
          %rem3A_2664 = arith.remsi %sub3A_2646, %jit3A_2647 : i32
          %ne3A_2665 = arith.constant 0 : i32
          %ne3A_2666 = arith.cmpi ne, %rem3A_2664, %ne3A_2665 : i32
          %and3A_2667 = arith.andi %ne3A_2663, %ne3A_2666 : i1
          %sub3A_2668 = arith.constant 1 : i32
          %sub3A_2669 = arith.subi %div3A_2648, %sub3A_2668 : i32
          %select_n3A_2670 = arith.select %and3A_2667, %sub3A_2669, %div3A_2648 : i32
          %rem3A_2671 = arith.constant 16 : i32
          %rem3A_2672 = arith.remsi %sub3A_2646, %rem3A_2671 : i32
          %jit3A_2673 = arith.constant 4 : i32
          %div3A_2674 = arith.divsi %rem3A_2672, %jit3A_2673 : i32
          %sign3A_2675 = arith.constant 0 : i32
          %sign3A_2676 = arith.cmpi sgt, %rem3A_2672, %sign3A_2675 : i32
          %sign3A_2677 = arith.extui %sign3A_2676 : i1 to i32
          %sign3A_2678 = arith.constant 0 : i32
          %sign3A_2679 = arith.cmpi slt, %rem3A_2672, %sign3A_2678 : i32
          %sign3A_2680 = arith.extui %sign3A_2679 : i1 to i32
          %sign3A_2681 = arith.subi %sign3A_2677, %sign3A_2680 : i32
          %sign3A_2682 = arith.constant 0 : i32
          %sign3A_2683 = arith.cmpi sgt, %jit3A_2673, %sign3A_2682 : i32
          %sign3A_2684 = arith.extui %sign3A_2683 : i1 to i32
          %sign3A_2685 = arith.constant 0 : i32
          %sign3A_2686 = arith.cmpi slt, %jit3A_2673, %sign3A_2685 : i32
          %sign3A_2687 = arith.extui %sign3A_2686 : i1 to i32
          %sign3A_2688 = arith.subi %sign3A_2684, %sign3A_2687 : i32
          %ne3A_2689 = arith.cmpi ne, %sign3A_2681, %sign3A_2688 : i32
          %rem3A_2690 = arith.remsi %rem3A_2672, %jit3A_2673 : i32
          %ne3A_2691 = arith.constant 0 : i32
          %ne3A_2692 = arith.cmpi ne, %rem3A_2690, %ne3A_2691 : i32
          %and3A_2693 = arith.andi %ne3A_2689, %ne3A_2692 : i1
          %sub3A_2694 = arith.constant 1 : i32
          %sub3A_2695 = arith.subi %div3A_2674, %sub3A_2694 : i32
          %select_n3A_2696 = arith.select %and3A_2693, %sub3A_2695, %div3A_2674 : i32
          %mul3A_2697 = arith.constant 32 : i32
          %mul3A_2698 = arith.muli %select_n3A_2670, %mul3A_2697 : i32
          %rem3A_2699 = arith.constant 4 : i32
          %rem3A_2700 = arith.remsi %rem3A_2672, %rem3A_2699 : i32
          %mul3A_2701 = arith.constant 8 : i32
          %mul3A_2702 = arith.muli %rem3A_2700, %mul3A_2701 : i32
          %add3A_2703 = arith.addi %mul3A_2698, %mul3A_2702 : i32
          %rem3A_2704 = arith.constant 4 : i32
          %rem3A_2705 = arith.remsi %rem3A_2672, %rem3A_2704 : i32
          %mul3A_2706 = arith.constant 8 : i32
          %mul3A_2707 = arith.muli %rem3A_2705, %mul3A_2706 : i32
          %mul3A_2708 = arith.constant 2048 : i32
          %mul3A_2709 = arith.muli %select_n3A_2696, %mul3A_2708 : i32
          %add3A_2710 = arith.addi %mul3A_2709, %mul3A_2 : i32
          %add3A_2711 = arith.addi %add3A_2710, %add3A_2703 : i32
          %dma_wait3A_2712 = arith.constant 6 : i32
          %dma_wait3A_2713 = arith.constant 6 : i32
          %dma_wait3A_2714 = arith.constant 0 : i32
          %dma_wait3A_2715 = arith.constant 0 : i32
          %dma_wait3A_2716 = tpu.memref_slice %arg7[%dma_wait3A_2712, %dma_wait3A_2714, %dma_wait3A_2715] : memref<8x8x1024xf32, #tpu.memory_space<vmem>> -> memref<1x8x1024xf32, #tpu.memory_space<vmem>>
          %dma_wait3A_2717 = tpu.memref_squeeze %dma_wait3A_2716 : memref<1x8x1024xf32, #tpu.memory_space<vmem>> -> memref<8x1024xf32, #tpu.memory_space<vmem>>
          %dma_wait3A_2718 = arith.constant 0 : i32
          %dma_wait3A_2719 = tpu.memref_slice %arg5[%add3A_2711, %dma_wait3A_2718] : memref<8192x1024xf32, #tpu.memory_space<hbm>> -> memref<8x1024xf32, #tpu.memory_space<hbm>>
          %dma_wait3A_2720 = tpu.memref_slice %arg10[%dma_wait3A_2713] : memref<8x!tpu.dma_semaphore, #tpu.memory_space<semaphore_mem>> -> memref<1x!tpu.dma_semaphore, #tpu.memory_space<semaphore_mem>>
          %dma_wait3A_2721 = tpu.memref_squeeze %dma_wait3A_2720 : memref<1x!tpu.dma_semaphore, #tpu.memory_space<semaphore_mem>> -> memref<!tpu.dma_semaphore, #tpu.memory_space<semaphore_mem>>
          %dma_wait3A_2722 = arith.constant 0 : i32
          %dma_wait3A_2723 = tpu.memref_slice %arg5[%add3A_2711, %dma_wait3A_2722] : memref<8192x1024xf32, #tpu.memory_space<hbm>> -> memref<8x1024xf32, #tpu.memory_space<hbm>>
          %dma_wait3A_2724 = arith.constant 0 : i32
          %dma_wait3A_2725 = arith.constant 0 : i32
          %dma_wait3A_2726 = tpu.memref_slice %arg7[%dma_wait3A_2712, %dma_wait3A_2724, %dma_wait3A_2725] : memref<8x8x1024xf32, #tpu.memory_space<vmem>> -> memref<1x8x1024xf32, #tpu.memory_space<vmem>>
          %dma_wait3A_2727 = tpu.memref_squeeze %dma_wait3A_2726 : memref<1x8x1024xf32, #tpu.memory_space<vmem>> -> memref<8x1024xf32, #tpu.memory_space<vmem>>
          tpu.wait_dma2 semaphore(%dma_wait3A_2721 : memref<!tpu.dma_semaphore, #tpu.memory_space<semaphore_mem>>) src(%dma_wait3A_2727 : memref<8x1024xf32, #tpu.memory_space<vmem>>) dst(%dma_wait3A_2723 : memref<8x1024xf32, #tpu.memory_space<hbm>>)
        } else {
        }
        %jit3A_2569 = arith.constant 16 : i32
        %div3A_2570 = arith.divsi %add3A_1179, %jit3A_2569 : i32
        %sign3A_2571 = arith.constant 0 : i32
        %sign3A_2572 = arith.cmpi sgt, %add3A_1179, %sign3A_2571 : i32
        %sign3A_2573 = arith.extui %sign3A_2572 : i1 to i32
        %sign3A_2574 = arith.constant 0 : i32
        %sign3A_2575 = arith.cmpi slt, %add3A_1179, %sign3A_2574 : i32
        %sign3A_2576 = arith.extui %sign3A_2575 : i1 to i32
        %sign3A_2577 = arith.subi %sign3A_2573, %sign3A_2576 : i32
        %sign3A_2578 = arith.constant 0 : i32
        %sign3A_2579 = arith.cmpi sgt, %jit3A_2569, %sign3A_2578 : i32
        %sign3A_2580 = arith.extui %sign3A_2579 : i1 to i32
        %sign3A_2581 = arith.constant 0 : i32
        %sign3A_2582 = arith.cmpi slt, %jit3A_2569, %sign3A_2581 : i32
        %sign3A_2583 = arith.extui %sign3A_2582 : i1 to i32
        %sign3A_2584 = arith.subi %sign3A_2580, %sign3A_2583 : i32
        %ne3A_2585 = arith.cmpi ne, %sign3A_2577, %sign3A_2584 : i32
        %rem3A_2586 = arith.remsi %add3A_1179, %jit3A_2569 : i32
        %ne3A_2587 = arith.constant 0 : i32
        %ne3A_2588 = arith.cmpi ne, %rem3A_2586, %ne3A_2587 : i32
        %and3A_2589 = arith.andi %ne3A_2585, %ne3A_2588 : i1
        %sub3A_2590 = arith.constant 1 : i32
        %sub3A_2591 = arith.subi %div3A_2570, %sub3A_2590 : i32
        %select_n3A_2592 = arith.select %and3A_2589, %sub3A_2591, %div3A_2570 : i32
        %rem3A_2593 = arith.constant 16 : i32
        %rem3A_2594 = arith.remsi %add3A_1179, %rem3A_2593 : i32
        %jit3A_2595 = arith.constant 4 : i32
        %div3A_2596 = arith.divsi %rem3A_2594, %jit3A_2595 : i32
        %sign3A_2597 = arith.constant 0 : i32
        %sign3A_2598 = arith.cmpi sgt, %rem3A_2594, %sign3A_2597 : i32
        %sign3A_2599 = arith.extui %sign3A_2598 : i1 to i32
        %sign3A_2600 = arith.constant 0 : i32
        %sign3A_2601 = arith.cmpi slt, %rem3A_2594, %sign3A_2600 : i32
        %sign3A_2602 = arith.extui %sign3A_2601 : i1 to i32
        %sign3A_2603 = arith.subi %sign3A_2599, %sign3A_2602 : i32
        %sign3A_2604 = arith.constant 0 : i32
        %sign3A_2605 = arith.cmpi sgt, %jit3A_2595, %sign3A_2604 : i32
        %sign3A_2606 = arith.extui %sign3A_2605 : i1 to i32
        %sign3A_2607 = arith.constant 0 : i32
        %sign3A_2608 = arith.cmpi slt, %jit3A_2595, %sign3A_2607 : i32
        %sign3A_2609 = arith.extui %sign3A_2608 : i1 to i32
        %sign3A_2610 = arith.subi %sign3A_2606, %sign3A_2609 : i32
        %ne3A_2611 = arith.cmpi ne, %sign3A_2603, %sign3A_2610 : i32
        %rem3A_2612 = arith.remsi %rem3A_2594, %jit3A_2595 : i32
        %ne3A_2613 = arith.constant 0 : i32
        %ne3A_2614 = arith.cmpi ne, %rem3A_2612, %ne3A_2613 : i32
        %and3A_2615 = arith.andi %ne3A_2611, %ne3A_2614 : i1
        %sub3A_2616 = arith.constant 1 : i32
        %sub3A_2617 = arith.subi %div3A_2596, %sub3A_2616 : i32
        %select_n3A_2618 = arith.select %and3A_2615, %sub3A_2617, %div3A_2596 : i32
        %mul3A_2619 = arith.constant 32 : i32
        %mul3A_2620 = arith.muli %select_n3A_2592, %mul3A_2619 : i32
        %rem3A_2621 = arith.constant 4 : i32
        %rem3A_2622 = arith.remsi %rem3A_2594, %rem3A_2621 : i32
        %mul3A_2623 = arith.constant 8 : i32
        %mul3A_2624 = arith.muli %rem3A_2622, %mul3A_2623 : i32
        %add3A_2625 = arith.addi %mul3A_2620, %mul3A_2624 : i32
        %rem3A_2626 = arith.constant 4 : i32
        %rem3A_2627 = arith.remsi %rem3A_2594, %rem3A_2626 : i32
        %mul3A_2628 = arith.constant 8 : i32
        %mul3A_2629 = arith.muli %rem3A_2627, %mul3A_2628 : i32
        %dma_start3A_2630 = arith.constant 6 : i32
        %dma_start3A_2631 = arith.constant 6 : i32
        %dma_start3A_2632 = arith.constant 0 : i32
        %dma_start3A_2633 = arith.constant 0 : i32
        %dma_start3A_2634 = tpu.memref_slice %arg7[%dma_start3A_2630, %dma_start3A_2632, %dma_start3A_2633] : memref<8x8x1024xf32, #tpu.memory_space<vmem>> -> memref<1x8x1024xf32, #tpu.memory_space<vmem>>
        %dma_start3A_2635 = tpu.memref_squeeze %dma_start3A_2634 : memref<1x8x1024xf32, #tpu.memory_space<vmem>> -> memref<8x1024xf32, #tpu.memory_space<vmem>>
        %dma_start3A_2636 = arith.constant 0 : i32
        %dma_start3A_2637 = tpu.memref_slice %arg6[%select_n3A_2618, %dma_start3A_2636] : memref<4x64xi32, #tpu.memory_space<vmem>> -> memref<1x64xi32, #tpu.memory_space<vmem>>
        %dma_start3A_2638 = tpu.memref_squeeze %dma_start3A_2637 : memref<1x64xi32, #tpu.memory_space<vmem>> -> memref<64xi32, #tpu.memory_space<vmem>>
        %dma_start3A_2639 = tpu.memref_slice %dma_start3A_2638[%add3A_2625] : memref<64xi32, #tpu.memory_space<vmem>> -> memref<8xi32, #tpu.memory_space<vmem>>
        %dma_start3A_2640 = arith.constant 0 : i32
        %dma_start3A_2641 = arith.constant 0 : i32
        %dma_start3A_2642 = tpu.memref_slice %arg3[%dma_start3A_2640, %dma_start3A_2641] : memref<100000x1024xf32, #tpu.memory_space<hbm>> -> memref<100000x1024xf32, #tpu.memory_space<hbm>>
        %dma_start3A_2643 = tpu.memref_slice %arg9[%dma_start3A_2631] : memref<8x!tpu.dma_semaphore, #tpu.memory_space<semaphore_mem>> -> memref<1x!tpu.dma_semaphore, #tpu.memory_space<semaphore_mem>>
        %dma_start3A_2644 = tpu.memref_squeeze %dma_start3A_2643 : memref<1x!tpu.dma_semaphore, #tpu.memory_space<semaphore_mem>> -> memref<!tpu.dma_semaphore, #tpu.memory_space<semaphore_mem>>
        tpu.enqueue_indirect_dma source(%dma_start3A_2642 : memref<100000x1024xf32, #tpu.memory_space<hbm>>) target(%dma_start3A_2635 : memref<8x1024xf32, #tpu.memory_space<vmem>>) offsets(%dma_start3A_2639 : memref<8xi32, #tpu.memory_space<vmem>>) semaphore(%dma_start3A_2644 : memref<!tpu.dma_semaphore, #tpu.memory_space<semaphore_mem>>)
      } else {
      }
      %add3A_1185 = arith.constant 2 : i32
      %add3A_1186 = arith.addi %add3A_724, %add3A_1185 : i32
      %jit3A_1187 = arith.constant 16 : i32
      %div3A_1188 = arith.divsi %add3A_1186, %jit3A_1187 : i32
      %sign3A_1189 = arith.constant 0 : i32
      %sign3A_1190 = arith.cmpi sgt, %add3A_1186, %sign3A_1189 : i32
      %sign3A_1191 = arith.extui %sign3A_1190 : i1 to i32
      %sign3A_1192 = arith.constant 0 : i32
      %sign3A_1193 = arith.cmpi slt, %add3A_1186, %sign3A_1192 : i32
      %sign3A_1194 = arith.extui %sign3A_1193 : i1 to i32
      %sign3A_1195 = arith.subi %sign3A_1191, %sign3A_1194 : i32
      %sign3A_1196 = arith.constant 0 : i32
      %sign3A_1197 = arith.cmpi sgt, %jit3A_1187, %sign3A_1196 : i32
      %sign3A_1198 = arith.extui %sign3A_1197 : i1 to i32
      %sign3A_1199 = arith.constant 0 : i32
      %sign3A_1200 = arith.cmpi slt, %jit3A_1187, %sign3A_1199 : i32
      %sign3A_1201 = arith.extui %sign3A_1200 : i1 to i32
      %sign3A_1202 = arith.subi %sign3A_1198, %sign3A_1201 : i32
      %ne3A_1203 = arith.cmpi ne, %sign3A_1195, %sign3A_1202 : i32
      %rem3A_1204 = arith.remsi %add3A_1186, %jit3A_1187 : i32
      %ne3A_1205 = arith.constant 0 : i32
      %ne3A_1206 = arith.cmpi ne, %rem3A_1204, %ne3A_1205 : i32
      %and3A_1207 = arith.andi %ne3A_1203, %ne3A_1206 : i1
      %sub3A_1208 = arith.constant 1 : i32
      %sub3A_1209 = arith.subi %div3A_1188, %sub3A_1208 : i32
      %select_n3A_1210 = arith.select %and3A_1207, %sub3A_1209, %div3A_1188 : i32
      %rem3A_1211 = arith.constant 16 : i32
      %rem3A_1212 = arith.remsi %add3A_1186, %rem3A_1211 : i32
      %jit3A_1213 = arith.constant 4 : i32
      %div3A_1214 = arith.divsi %rem3A_1212, %jit3A_1213 : i32
      %sign3A_1215 = arith.constant 0 : i32
      %sign3A_1216 = arith.cmpi sgt, %rem3A_1212, %sign3A_1215 : i32
      %sign3A_1217 = arith.extui %sign3A_1216 : i1 to i32
      %sign3A_1218 = arith.constant 0 : i32
      %sign3A_1219 = arith.cmpi slt, %rem3A_1212, %sign3A_1218 : i32
      %sign3A_1220 = arith.extui %sign3A_1219 : i1 to i32
      %sign3A_1221 = arith.subi %sign3A_1217, %sign3A_1220 : i32
      %sign3A_1222 = arith.constant 0 : i32
      %sign3A_1223 = arith.cmpi sgt, %jit3A_1213, %sign3A_1222 : i32
      %sign3A_1224 = arith.extui %sign3A_1223 : i1 to i32
      %sign3A_1225 = arith.constant 0 : i32
      %sign3A_1226 = arith.cmpi slt, %jit3A_1213, %sign3A_1225 : i32
      %sign3A_1227 = arith.extui %sign3A_1226 : i1 to i32
      %sign3A_1228 = arith.subi %sign3A_1224, %sign3A_1227 : i32
      %ne3A_1229 = arith.cmpi ne, %sign3A_1221, %sign3A_1228 : i32
      %rem3A_1230 = arith.remsi %rem3A_1212, %jit3A_1213 : i32
      %ne3A_1231 = arith.constant 0 : i32
      %ne3A_1232 = arith.cmpi ne, %rem3A_1230, %ne3A_1231 : i32
      %and3A_1233 = arith.andi %ne3A_1229, %ne3A_1232 : i1
      %sub3A_1234 = arith.constant 1 : i32
      %sub3A_1235 = arith.subi %div3A_1214, %sub3A_1234 : i32
      %select_n3A_1236 = arith.select %and3A_1233, %sub3A_1235, %div3A_1214 : i32
      %mul3A_1237 = arith.constant 32 : i32
      %mul3A_1238 = arith.muli %select_n3A_1210, %mul3A_1237 : i32
      %rem3A_1239 = arith.constant 4 : i32
      %rem3A_1240 = arith.remsi %rem3A_1212, %rem3A_1239 : i32
      %mul3A_1241 = arith.constant 8 : i32
      %mul3A_1242 = arith.muli %rem3A_1240, %mul3A_1241 : i32
      %add3A_1243 = arith.addi %mul3A_1238, %mul3A_1242 : i32
      %rem3A_1244 = arith.constant 4 : i32
      %rem3A_1245 = arith.remsi %rem3A_1212, %rem3A_1244 : i32
      %mul3A_1246 = arith.constant 8 : i32
      %mul3A_1247 = arith.muli %rem3A_1245, %mul3A_1246 : i32
      %dma_wait3A_1248 = arith.constant 2 : i32
      %dma_wait3A_1249 = arith.constant 2 : i32
      %dma_wait3A_1250 = arith.constant 0 : i32
      %dma_wait3A_1251 = arith.constant 0 : i32
      %dma_wait3A_1252 = tpu.memref_slice %arg7[%dma_wait3A_1248, %dma_wait3A_1250, %dma_wait3A_1251] : memref<8x8x1024xf32, #tpu.memory_space<vmem>> -> memref<1x8x1024xf32, #tpu.memory_space<vmem>>
      %dma_wait3A_1253 = tpu.memref_squeeze %dma_wait3A_1252 : memref<1x8x1024xf32, #tpu.memory_space<vmem>> -> memref<8x1024xf32, #tpu.memory_space<vmem>>
      %dma_wait3A_1254 = arith.constant 0 : i32
      %dma_wait3A_1255 = tpu.memref_slice %arg6[%select_n3A_1236, %dma_wait3A_1254] : memref<4x64xi32, #tpu.memory_space<vmem>> -> memref<1x64xi32, #tpu.memory_space<vmem>>
      %dma_wait3A_1256 = tpu.memref_squeeze %dma_wait3A_1255 : memref<1x64xi32, #tpu.memory_space<vmem>> -> memref<64xi32, #tpu.memory_space<vmem>>
      %dma_wait3A_1257 = tpu.memref_slice %dma_wait3A_1256[%add3A_1243] : memref<64xi32, #tpu.memory_space<vmem>> -> memref<8xi32, #tpu.memory_space<vmem>>
      %dma_wait3A_1258 = arith.constant 0 : i32
      %dma_wait3A_1259 = arith.constant 0 : i32
      %dma_wait3A_1260 = tpu.memref_slice %arg3[%dma_wait3A_1258, %dma_wait3A_1259] : memref<100000x1024xf32, #tpu.memory_space<hbm>> -> memref<100000x1024xf32, #tpu.memory_space<hbm>>
      %dma_wait3A_1261 = tpu.memref_slice %arg9[%dma_wait3A_1249] : memref<8x!tpu.dma_semaphore, #tpu.memory_space<semaphore_mem>> -> memref<1x!tpu.dma_semaphore, #tpu.memory_space<semaphore_mem>>
      %dma_wait3A_1262 = tpu.memref_squeeze %dma_wait3A_1261 : memref<1x!tpu.dma_semaphore, #tpu.memory_space<semaphore_mem>> -> memref<!tpu.dma_semaphore, #tpu.memory_space<semaphore_mem>>
      tpu.wait_indirect_dma semaphore(%dma_wait3A_1262 : memref<!tpu.dma_semaphore, #tpu.memory_space<semaphore_mem>>) src(%dma_wait3A_1260 : memref<100000x1024xf32, #tpu.memory_space<hbm>>) dst(%dma_wait3A_1253 : memref<8x1024xf32, #tpu.memory_space<vmem>>)
      %jit3A_1263 = arith.constant 16 : i32
      %div3A_1264 = arith.divsi %add3A_1186, %jit3A_1263 : i32
      %sign3A_1265 = arith.constant 0 : i32
      %sign3A_1266 = arith.cmpi sgt, %add3A_1186, %sign3A_1265 : i32
      %sign3A_1267 = arith.extui %sign3A_1266 : i1 to i32
      %sign3A_1268 = arith.constant 0 : i32
      %sign3A_1269 = arith.cmpi slt, %add3A_1186, %sign3A_1268 : i32
      %sign3A_1270 = arith.extui %sign3A_1269 : i1 to i32
      %sign3A_1271 = arith.subi %sign3A_1267, %sign3A_1270 : i32
      %sign3A_1272 = arith.constant 0 : i32
      %sign3A_1273 = arith.cmpi sgt, %jit3A_1263, %sign3A_1272 : i32
      %sign3A_1274 = arith.extui %sign3A_1273 : i1 to i32
      %sign3A_1275 = arith.constant 0 : i32
      %sign3A_1276 = arith.cmpi slt, %jit3A_1263, %sign3A_1275 : i32
      %sign3A_1277 = arith.extui %sign3A_1276 : i1 to i32
      %sign3A_1278 = arith.subi %sign3A_1274, %sign3A_1277 : i32
      %ne3A_1279 = arith.cmpi ne, %sign3A_1271, %sign3A_1278 : i32
      %rem3A_1280 = arith.remsi %add3A_1186, %jit3A_1263 : i32
      %ne3A_1281 = arith.constant 0 : i32
      %ne3A_1282 = arith.cmpi ne, %rem3A_1280, %ne3A_1281 : i32
      %and3A_1283 = arith.andi %ne3A_1279, %ne3A_1282 : i1
      %sub3A_1284 = arith.constant 1 : i32
      %sub3A_1285 = arith.subi %div3A_1264, %sub3A_1284 : i32
      %select_n3A_1286 = arith.select %and3A_1283, %sub3A_1285, %div3A_1264 : i32
      %rem3A_1287 = arith.constant 16 : i32
      %rem3A_1288 = arith.remsi %add3A_1186, %rem3A_1287 : i32
      %jit3A_1289 = arith.constant 4 : i32
      %div3A_1290 = arith.divsi %rem3A_1288, %jit3A_1289 : i32
      %sign3A_1291 = arith.constant 0 : i32
      %sign3A_1292 = arith.cmpi sgt, %rem3A_1288, %sign3A_1291 : i32
      %sign3A_1293 = arith.extui %sign3A_1292 : i1 to i32
      %sign3A_1294 = arith.constant 0 : i32
      %sign3A_1295 = arith.cmpi slt, %rem3A_1288, %sign3A_1294 : i32
      %sign3A_1296 = arith.extui %sign3A_1295 : i1 to i32
      %sign3A_1297 = arith.subi %sign3A_1293, %sign3A_1296 : i32
      %sign3A_1298 = arith.constant 0 : i32
      %sign3A_1299 = arith.cmpi sgt, %jit3A_1289, %sign3A_1298 : i32
      %sign3A_1300 = arith.extui %sign3A_1299 : i1 to i32
      %sign3A_1301 = arith.constant 0 : i32
      %sign3A_1302 = arith.cmpi slt, %jit3A_1289, %sign3A_1301 : i32
      %sign3A_1303 = arith.extui %sign3A_1302 : i1 to i32
      %sign3A_1304 = arith.subi %sign3A_1300, %sign3A_1303 : i32
      %ne3A_1305 = arith.cmpi ne, %sign3A_1297, %sign3A_1304 : i32
      %rem3A_1306 = arith.remsi %rem3A_1288, %jit3A_1289 : i32
      %ne3A_1307 = arith.constant 0 : i32
      %ne3A_1308 = arith.cmpi ne, %rem3A_1306, %ne3A_1307 : i32
      %and3A_1309 = arith.andi %ne3A_1305, %ne3A_1308 : i1
      %sub3A_1310 = arith.constant 1 : i32
      %sub3A_1311 = arith.subi %div3A_1290, %sub3A_1310 : i32
      %select_n3A_1312 = arith.select %and3A_1309, %sub3A_1311, %div3A_1290 : i32
      %mul3A_1313 = arith.constant 32 : i32
      %mul3A_1314 = arith.muli %select_n3A_1286, %mul3A_1313 : i32
      %rem3A_1315 = arith.constant 4 : i32
      %rem3A_1316 = arith.remsi %rem3A_1288, %rem3A_1315 : i32
      %mul3A_1317 = arith.constant 8 : i32
      %mul3A_1318 = arith.muli %rem3A_1316, %mul3A_1317 : i32
      %add3A_1319 = arith.addi %mul3A_1314, %mul3A_1318 : i32
      %rem3A_1320 = arith.constant 4 : i32
      %rem3A_1321 = arith.remsi %rem3A_1288, %rem3A_1320 : i32
      %mul3A_1322 = arith.constant 8 : i32
      %mul3A_1323 = arith.muli %rem3A_1321, %mul3A_1322 : i32
      %parallel_loop3A_1324 = arith.constant 0 : i32
      %parallel_loop3A_1325 = arith.constant 8192 : i32
      %parallel_loop3A_1326 = arith.constant 16 : i32
      scf.for %parallel_loop3A_2565 = %parallel_loop3A_1324 to %parallel_loop3A_1325 step %parallel_loop3A_1326  : i32 {
        %parallel_loop3A_2566 = arith.constant 10 : i32
        %parallel_loop3A_2567 = arith.shrsi %parallel_loop3A_2565, %parallel_loop3A_2566 : i32
        %parallel_loop3A_2568 = arith.constant 1023 : i32
        %parallel_loop3A_2569 = arith.andi %parallel_loop3A_2565, %parallel_loop3A_2568 : i32
        %parallel_loop3A_2570 = tpu.assume_multiple %parallel_loop3A_2569, 16 : i32
        %parallel_loop3A_2571 = arith.addi %mul3A_1323, %parallel_loop3A_2567 : i32
        %parallel_loop3A_2572 = arith.index_cast %parallel_loop3A_2571 : i32 to index
        %parallel_loop3A_2573 = arith.index_cast %parallel_loop3A_2570 : i32 to index
        %parallel_loop3A_2574 = tpu.vector_load %arg8[%parallel_loop3A_2572, %parallel_loop3A_2573] {strides = array<i32>} : memref<32x1024xf32, #tpu.memory_space<vmem>>, vector<1x16xf32>,
        %parallel_loop3A_2575 = vector.shape_cast %parallel_loop3A_2574 : vector<1x16xf32> to vector<16xf32>
        %parallel_loop3A_2576 = arith.constant 2 : i32
        %parallel_loop3A_2577 = arith.constant 0 : i32
        %parallel_loop3A_2578 = arith.constant 0 : i32
        %parallel_loop3A_2579 = tpu.memref_slice %arg7[%parallel_loop3A_2576, %parallel_loop3A_2577, %parallel_loop3A_2578] : memref<8x8x1024xf32, #tpu.memory_space<vmem>> -> memref<1x8x1024xf32, #tpu.memory_space<vmem>>
        %parallel_loop3A_2580 = tpu.memref_squeeze %parallel_loop3A_2579 : memref<1x8x1024xf32, #tpu.memory_space<vmem>> -> memref<8x1024xf32, #tpu.memory_space<vmem>>
        %parallel_loop3A_2581 = arith.index_cast %parallel_loop3A_2567 : i32 to index
        %parallel_loop3A_2582 = arith.index_cast %parallel_loop3A_2570 : i32 to index
        %parallel_loop3A_2583 = tpu.vector_load %parallel_loop3A_2580[%parallel_loop3A_2581, %parallel_loop3A_2582] {strides = array<i32>} : memref<8x1024xf32, #tpu.memory_space<vmem>>, vector<1x16xf32>,
        %parallel_loop3A_2584 = vector.shape_cast %parallel_loop3A_2583 : vector<1x16xf32> to vector<16xf32>
        %parallel_loop3A_2585 = vector.shape_cast %parallel_loop3A_2575 : vector<16xf32> to vector<1x16xf32>
        tpu.vector_store %parallel_loop3A_2580[%parallel_loop3A_2581, %parallel_loop3A_2582], %parallel_loop3A_2585 {add = true, strides = array<i32>} : memref<8x1024xf32, #tpu.memory_space<vmem>>, vector<1x16xf32>,
      } {sc.loop_unroll_factor = 8 : i64, sc.parallel_access}
      %jit3A_1327 = arith.constant 16 : i32
      %div3A_1328 = arith.divsi %add3A_1186, %jit3A_1327 : i32
      %sign3A_1329 = arith.constant 0 : i32
      %sign3A_1330 = arith.cmpi sgt, %add3A_1186, %sign3A_1329 : i32
      %sign3A_1331 = arith.extui %sign3A_1330 : i1 to i32
      %sign3A_1332 = arith.constant 0 : i32
      %sign3A_1333 = arith.cmpi slt, %add3A_1186, %sign3A_1332 : i32
      %sign3A_1334 = arith.extui %sign3A_1333 : i1 to i32
      %sign3A_1335 = arith.subi %sign3A_1331, %sign3A_1334 : i32
      %sign3A_1336 = arith.constant 0 : i32
      %sign3A_1337 = arith.cmpi sgt, %jit3A_1327, %sign3A_1336 : i32
      %sign3A_1338 = arith.extui %sign3A_1337 : i1 to i32
      %sign3A_1339 = arith.constant 0 : i32
      %sign3A_1340 = arith.cmpi slt, %jit3A_1327, %sign3A_1339 : i32
      %sign3A_1341 = arith.extui %sign3A_1340 : i1 to i32
      %sign3A_1342 = arith.subi %sign3A_1338, %sign3A_1341 : i32
      %ne3A_1343 = arith.cmpi ne, %sign3A_1335, %sign3A_1342 : i32
      %rem3A_1344 = arith.remsi %add3A_1186, %jit3A_1327 : i32
      %ne3A_1345 = arith.constant 0 : i32
      %ne3A_1346 = arith.cmpi ne, %rem3A_1344, %ne3A_1345 : i32
      %and3A_1347 = arith.andi %ne3A_1343, %ne3A_1346 : i1
      %sub3A_1348 = arith.constant 1 : i32
      %sub3A_1349 = arith.subi %div3A_1328, %sub3A_1348 : i32
      %select_n3A_1350 = arith.select %and3A_1347, %sub3A_1349, %div3A_1328 : i32
      %rem3A_1351 = arith.constant 16 : i32
      %rem3A_1352 = arith.remsi %add3A_1186, %rem3A_1351 : i32
      %jit3A_1353 = arith.constant 4 : i32
      %div3A_1354 = arith.divsi %rem3A_1352, %jit3A_1353 : i32
      %sign3A_1355 = arith.constant 0 : i32
      %sign3A_1356 = arith.cmpi sgt, %rem3A_1352, %sign3A_1355 : i32
      %sign3A_1357 = arith.extui %sign3A_1356 : i1 to i32
      %sign3A_1358 = arith.constant 0 : i32
      %sign3A_1359 = arith.cmpi slt, %rem3A_1352, %sign3A_1358 : i32
      %sign3A_1360 = arith.extui %sign3A_1359 : i1 to i32
      %sign3A_1361 = arith.subi %sign3A_1357, %sign3A_1360 : i32
      %sign3A_1362 = arith.constant 0 : i32
      %sign3A_1363 = arith.cmpi sgt, %jit3A_1353, %sign3A_1362 : i32
      %sign3A_1364 = arith.extui %sign3A_1363 : i1 to i32
      %sign3A_1365 = arith.constant 0 : i32
      %sign3A_1366 = arith.cmpi slt, %jit3A_1353, %sign3A_1365 : i32
      %sign3A_1367 = arith.extui %sign3A_1366 : i1 to i32
      %sign3A_1368 = arith.subi %sign3A_1364, %sign3A_1367 : i32
      %ne3A_1369 = arith.cmpi ne, %sign3A_1361, %sign3A_1368 : i32
      %rem3A_1370 = arith.remsi %rem3A_1352, %jit3A_1353 : i32
      %ne3A_1371 = arith.constant 0 : i32
      %ne3A_1372 = arith.cmpi ne, %rem3A_1370, %ne3A_1371 : i32
      %and3A_1373 = arith.andi %ne3A_1369, %ne3A_1372 : i1
      %sub3A_1374 = arith.constant 1 : i32
      %sub3A_1375 = arith.subi %div3A_1354, %sub3A_1374 : i32
      %select_n3A_1376 = arith.select %and3A_1373, %sub3A_1375, %div3A_1354 : i32
      %mul3A_1377 = arith.constant 32 : i32
      %mul3A_1378 = arith.muli %select_n3A_1350, %mul3A_1377 : i32
      %rem3A_1379 = arith.constant 4 : i32
      %rem3A_1380 = arith.remsi %rem3A_1352, %rem3A_1379 : i32
      %mul3A_1381 = arith.constant 8 : i32
      %mul3A_1382 = arith.muli %rem3A_1380, %mul3A_1381 : i32
      %add3A_1383 = arith.addi %mul3A_1378, %mul3A_1382 : i32
      %rem3A_1384 = arith.constant 4 : i32
      %rem3A_1385 = arith.remsi %rem3A_1352, %rem3A_1384 : i32
      %mul3A_1386 = arith.constant 8 : i32
      %mul3A_1387 = arith.muli %rem3A_1385, %mul3A_1386 : i32
      %mul3A_1388 = arith.constant 2048 : i32
      %mul3A_1389 = arith.muli %select_n3A_1376, %mul3A_1388 : i32
      %add3A_1390 = arith.addi %mul3A_1389, %mul3A_2 : i32
      %add3A_1391 = arith.addi %add3A_1390, %add3A_1383 : i32
      %dma_start3A_1392 = arith.constant 2 : i32
      %dma_start3A_1393 = arith.constant 2 : i32
      %dma_start3A_1394 = arith.constant 0 : i32
      %dma_start3A_1395 = arith.constant 0 : i32
      %dma_start3A_1396 = tpu.memref_slice %arg7[%dma_start3A_1392, %dma_start3A_1394, %dma_start3A_1395] : memref<8x8x1024xf32, #tpu.memory_space<vmem>> -> memref<1x8x1024xf32, #tpu.memory_space<vmem>>
      %dma_start3A_1397 = tpu.memref_squeeze %dma_start3A_1396 : memref<1x8x1024xf32, #tpu.memory_space<vmem>> -> memref<8x1024xf32, #tpu.memory_space<vmem>>
      %dma_start3A_1398 = arith.constant 0 : i32
      %dma_start3A_1399 = tpu.memref_slice %arg5[%add3A_1391, %dma_start3A_1398] : memref<8192x1024xf32, #tpu.memory_space<hbm>> -> memref<8x1024xf32, #tpu.memory_space<hbm>>
      %dma_start3A_1400 = tpu.memref_slice %arg10[%dma_start3A_1393] : memref<8x!tpu.dma_semaphore, #tpu.memory_space<semaphore_mem>> -> memref<1x!tpu.dma_semaphore, #tpu.memory_space<semaphore_mem>>
      %dma_start3A_1401 = tpu.memref_squeeze %dma_start3A_1400 : memref<1x!tpu.dma_semaphore, #tpu.memory_space<semaphore_mem>> -> memref<!tpu.dma_semaphore, #tpu.memory_space<semaphore_mem>>
      %dma_start3A_1402 = arith.constant 0 : i32
      %dma_start3A_1403 = tpu.memref_slice %arg5[%add3A_1391, %dma_start3A_1402] : memref<8192x1024xf32, #tpu.memory_space<hbm>> -> memref<8x1024xf32, #tpu.memory_space<hbm>>
      %dma_start3A_1404 = arith.constant 0 : i32
      %dma_start3A_1405 = arith.constant 0 : i32
      %dma_start3A_1406 = tpu.memref_slice %arg7[%dma_start3A_1392, %dma_start3A_1404, %dma_start3A_1405] : memref<8x8x1024xf32, #tpu.memory_space<vmem>> -> memref<1x8x1024xf32, #tpu.memory_space<vmem>>
      %dma_start3A_1407 = tpu.memref_squeeze %dma_start3A_1406 : memref<1x8x1024xf32, #tpu.memory_space<vmem>> -> memref<8x1024xf32, #tpu.memory_space<vmem>>
      tpu.enqueue_dma source(%dma_start3A_1407 : memref<8x1024xf32, #tpu.memory_space<vmem>>) target(%dma_start3A_1403 : memref<8x1024xf32, #tpu.memory_space<hbm>>) target_semaphore(%dma_start3A_1401 : memref<!tpu.dma_semaphore, #tpu.memory_space<semaphore_mem>>)
      %add3A_1408 = arith.constant 5 : i32
      %add3A_1409 = arith.addi %add3A_1186, %add3A_1408 : i32
      %lt3A_1410 = arith.constant 32 : i32
      %lt3A_1411 = arith.cmpi slt, %add3A_1409, %lt3A_1410 : i32
      %convert_element_type3A_1412 = arith.extui %lt3A_1411 : i1 to i32
      %cond3A_1413 = arith.constant 0 : i32
      %cond3A_1414 = arith.cmpi ne, %convert_element_type3A_1412, %cond3A_1413 : i32
      scf.if %cond3A_1414 {
        %ge3A = arith.constant 8 : i32
        %ge3A_2565 = arith.cmpi sge, %add3A_1409, %ge3A : i32
        %convert_element_type3A_2566 = arith.extui %ge3A_2565 : i1 to i32
        %cond3A_2567 = arith.constant 0 : i32
        %cond3A_2568 = arith.cmpi ne, %convert_element_type3A_2566, %cond3A_2567 : i32
        scf.if %cond3A_2568 {
          %sub3A_2645 = arith.constant 8 : i32
          %sub3A_2646 = arith.subi %add3A_1409, %sub3A_2645 : i32
          %jit3A_2647 = arith.constant 16 : i32
          %div3A_2648 = arith.divsi %sub3A_2646, %jit3A_2647 : i32
          %sign3A_2649 = arith.constant 0 : i32
          %sign3A_2650 = arith.cmpi sgt, %sub3A_2646, %sign3A_2649 : i32
          %sign3A_2651 = arith.extui %sign3A_2650 : i1 to i32
          %sign3A_2652 = arith.constant 0 : i32
          %sign3A_2653 = arith.cmpi slt, %sub3A_2646, %sign3A_2652 : i32
          %sign3A_2654 = arith.extui %sign3A_2653 : i1 to i32
          %sign3A_2655 = arith.subi %sign3A_2651, %sign3A_2654 : i32
          %sign3A_2656 = arith.constant 0 : i32
          %sign3A_2657 = arith.cmpi sgt, %jit3A_2647, %sign3A_2656 : i32
          %sign3A_2658 = arith.extui %sign3A_2657 : i1 to i32
          %sign3A_2659 = arith.constant 0 : i32
          %sign3A_2660 = arith.cmpi slt, %jit3A_2647, %sign3A_2659 : i32
          %sign3A_2661 = arith.extui %sign3A_2660 : i1 to i32
          %sign3A_2662 = arith.subi %sign3A_2658, %sign3A_2661 : i32
          %ne3A_2663 = arith.cmpi ne, %sign3A_2655, %sign3A_2662 : i32
          %rem3A_2664 = arith.remsi %sub3A_2646, %jit3A_2647 : i32
          %ne3A_2665 = arith.constant 0 : i32
          %ne3A_2666 = arith.cmpi ne, %rem3A_2664, %ne3A_2665 : i32
          %and3A_2667 = arith.andi %ne3A_2663, %ne3A_2666 : i1
          %sub3A_2668 = arith.constant 1 : i32
          %sub3A_2669 = arith.subi %div3A_2648, %sub3A_2668 : i32
          %select_n3A_2670 = arith.select %and3A_2667, %sub3A_2669, %div3A_2648 : i32
          %rem3A_2671 = arith.constant 16 : i32
          %rem3A_2672 = arith.remsi %sub3A_2646, %rem3A_2671 : i32
          %jit3A_2673 = arith.constant 4 : i32
          %div3A_2674 = arith.divsi %rem3A_2672, %jit3A_2673 : i32
          %sign3A_2675 = arith.constant 0 : i32
          %sign3A_2676 = arith.cmpi sgt, %rem3A_2672, %sign3A_2675 : i32
          %sign3A_2677 = arith.extui %sign3A_2676 : i1 to i32
          %sign3A_2678 = arith.constant 0 : i32
          %sign3A_2679 = arith.cmpi slt, %rem3A_2672, %sign3A_2678 : i32
          %sign3A_2680 = arith.extui %sign3A_2679 : i1 to i32
          %sign3A_2681 = arith.subi %sign3A_2677, %sign3A_2680 : i32
          %sign3A_2682 = arith.constant 0 : i32
          %sign3A_2683 = arith.cmpi sgt, %jit3A_2673, %sign3A_2682 : i32
          %sign3A_2684 = arith.extui %sign3A_2683 : i1 to i32
          %sign3A_2685 = arith.constant 0 : i32
          %sign3A_2686 = arith.cmpi slt, %jit3A_2673, %sign3A_2685 : i32
          %sign3A_2687 = arith.extui %sign3A_2686 : i1 to i32
          %sign3A_2688 = arith.subi %sign3A_2684, %sign3A_2687 : i32
          %ne3A_2689 = arith.cmpi ne, %sign3A_2681, %sign3A_2688 : i32
          %rem3A_2690 = arith.remsi %rem3A_2672, %jit3A_2673 : i32
          %ne3A_2691 = arith.constant 0 : i32
          %ne3A_2692 = arith.cmpi ne, %rem3A_2690, %ne3A_2691 : i32
          %and3A_2693 = arith.andi %ne3A_2689, %ne3A_2692 : i1
          %sub3A_2694 = arith.constant 1 : i32
          %sub3A_2695 = arith.subi %div3A_2674, %sub3A_2694 : i32
          %select_n3A_2696 = arith.select %and3A_2693, %sub3A_2695, %div3A_2674 : i32
          %mul3A_2697 = arith.constant 32 : i32
          %mul3A_2698 = arith.muli %select_n3A_2670, %mul3A_2697 : i32
          %rem3A_2699 = arith.constant 4 : i32
          %rem3A_2700 = arith.remsi %rem3A_2672, %rem3A_2699 : i32
          %mul3A_2701 = arith.constant 8 : i32
          %mul3A_2702 = arith.muli %rem3A_2700, %mul3A_2701 : i32
          %add3A_2703 = arith.addi %mul3A_2698, %mul3A_2702 : i32
          %rem3A_2704 = arith.constant 4 : i32
          %rem3A_2705 = arith.remsi %rem3A_2672, %rem3A_2704 : i32
          %mul3A_2706 = arith.constant 8 : i32
          %mul3A_2707 = arith.muli %rem3A_2705, %mul3A_2706 : i32
          %mul3A_2708 = arith.constant 2048 : i32
          %mul3A_2709 = arith.muli %select_n3A_2696, %mul3A_2708 : i32
          %add3A_2710 = arith.addi %mul3A_2709, %mul3A_2 : i32
          %add3A_2711 = arith.addi %add3A_2710, %add3A_2703 : i32
          %dma_wait3A_2712 = arith.constant 7 : i32
          %dma_wait3A_2713 = arith.constant 7 : i32
          %dma_wait3A_2714 = arith.constant 0 : i32
          %dma_wait3A_2715 = arith.constant 0 : i32
          %dma_wait3A_2716 = tpu.memref_slice %arg7[%dma_wait3A_2712, %dma_wait3A_2714, %dma_wait3A_2715] : memref<8x8x1024xf32, #tpu.memory_space<vmem>> -> memref<1x8x1024xf32, #tpu.memory_space<vmem>>
          %dma_wait3A_2717 = tpu.memref_squeeze %dma_wait3A_2716 : memref<1x8x1024xf32, #tpu.memory_space<vmem>> -> memref<8x1024xf32, #tpu.memory_space<vmem>>
          %dma_wait3A_2718 = arith.constant 0 : i32
          %dma_wait3A_2719 = tpu.memref_slice %arg5[%add3A_2711, %dma_wait3A_2718] : memref<8192x1024xf32, #tpu.memory_space<hbm>> -> memref<8x1024xf32, #tpu.memory_space<hbm>>
          %dma_wait3A_2720 = tpu.memref_slice %arg10[%dma_wait3A_2713] : memref<8x!tpu.dma_semaphore, #tpu.memory_space<semaphore_mem>> -> memref<1x!tpu.dma_semaphore, #tpu.memory_space<semaphore_mem>>
          %dma_wait3A_2721 = tpu.memref_squeeze %dma_wait3A_2720 : memref<1x!tpu.dma_semaphore, #tpu.memory_space<semaphore_mem>> -> memref<!tpu.dma_semaphore, #tpu.memory_space<semaphore_mem>>
          %dma_wait3A_2722 = arith.constant 0 : i32
          %dma_wait3A_2723 = tpu.memref_slice %arg5[%add3A_2711, %dma_wait3A_2722] : memref<8192x1024xf32, #tpu.memory_space<hbm>> -> memref<8x1024xf32, #tpu.memory_space<hbm>>
          %dma_wait3A_2724 = arith.constant 0 : i32
          %dma_wait3A_2725 = arith.constant 0 : i32
          %dma_wait3A_2726 = tpu.memref_slice %arg7[%dma_wait3A_2712, %dma_wait3A_2724, %dma_wait3A_2725] : memref<8x8x1024xf32, #tpu.memory_space<vmem>> -> memref<1x8x1024xf32, #tpu.memory_space<vmem>>
          %dma_wait3A_2727 = tpu.memref_squeeze %dma_wait3A_2726 : memref<1x8x1024xf32, #tpu.memory_space<vmem>> -> memref<8x1024xf32, #tpu.memory_space<vmem>>
          tpu.wait_dma2 semaphore(%dma_wait3A_2721 : memref<!tpu.dma_semaphore, #tpu.memory_space<semaphore_mem>>) src(%dma_wait3A_2727 : memref<8x1024xf32, #tpu.memory_space<vmem>>) dst(%dma_wait3A_2723 : memref<8x1024xf32, #tpu.memory_space<hbm>>)
        } else {
        }
        %jit3A_2569 = arith.constant 16 : i32
        %div3A_2570 = arith.divsi %add3A_1409, %jit3A_2569 : i32
        %sign3A_2571 = arith.constant 0 : i32
        %sign3A_2572 = arith.cmpi sgt, %add3A_1409, %sign3A_2571 : i32
        %sign3A_2573 = arith.extui %sign3A_2572 : i1 to i32
        %sign3A_2574 = arith.constant 0 : i32
        %sign3A_2575 = arith.cmpi slt, %add3A_1409, %sign3A_2574 : i32
        %sign3A_2576 = arith.extui %sign3A_2575 : i1 to i32
        %sign3A_2577 = arith.subi %sign3A_2573, %sign3A_2576 : i32
        %sign3A_2578 = arith.constant 0 : i32
        %sign3A_2579 = arith.cmpi sgt, %jit3A_2569, %sign3A_2578 : i32
        %sign3A_2580 = arith.extui %sign3A_2579 : i1 to i32
        %sign3A_2581 = arith.constant 0 : i32
        %sign3A_2582 = arith.cmpi slt, %jit3A_2569, %sign3A_2581 : i32
        %sign3A_2583 = arith.extui %sign3A_2582 : i1 to i32
        %sign3A_2584 = arith.subi %sign3A_2580, %sign3A_2583 : i32
        %ne3A_2585 = arith.cmpi ne, %sign3A_2577, %sign3A_2584 : i32
        %rem3A_2586 = arith.remsi %add3A_1409, %jit3A_2569 : i32
        %ne3A_2587 = arith.constant 0 : i32
        %ne3A_2588 = arith.cmpi ne, %rem3A_2586, %ne3A_2587 : i32
        %and3A_2589 = arith.andi %ne3A_2585, %ne3A_2588 : i1
        %sub3A_2590 = arith.constant 1 : i32
        %sub3A_2591 = arith.subi %div3A_2570, %sub3A_2590 : i32
        %select_n3A_2592 = arith.select %and3A_2589, %sub3A_2591, %div3A_2570 : i32
        %rem3A_2593 = arith.constant 16 : i32
        %rem3A_2594 = arith.remsi %add3A_1409, %rem3A_2593 : i32
        %jit3A_2595 = arith.constant 4 : i32
        %div3A_2596 = arith.divsi %rem3A_2594, %jit3A_2595 : i32
        %sign3A_2597 = arith.constant 0 : i32
        %sign3A_2598 = arith.cmpi sgt, %rem3A_2594, %sign3A_2597 : i32
        %sign3A_2599 = arith.extui %sign3A_2598 : i1 to i32
        %sign3A_2600 = arith.constant 0 : i32
        %sign3A_2601 = arith.cmpi slt, %rem3A_2594, %sign3A_2600 : i32
        %sign3A_2602 = arith.extui %sign3A_2601 : i1 to i32
        %sign3A_2603 = arith.subi %sign3A_2599, %sign3A_2602 : i32
        %sign3A_2604 = arith.constant 0 : i32
        %sign3A_2605 = arith.cmpi sgt, %jit3A_2595, %sign3A_2604 : i32
        %sign3A_2606 = arith.extui %sign3A_2605 : i1 to i32
        %sign3A_2607 = arith.constant 0 : i32
        %sign3A_2608 = arith.cmpi slt, %jit3A_2595, %sign3A_2607 : i32
        %sign3A_2609 = arith.extui %sign3A_2608 : i1 to i32
        %sign3A_2610 = arith.subi %sign3A_2606, %sign3A_2609 : i32
        %ne3A_2611 = arith.cmpi ne, %sign3A_2603, %sign3A_2610 : i32
        %rem3A_2612 = arith.remsi %rem3A_2594, %jit3A_2595 : i32
        %ne3A_2613 = arith.constant 0 : i32
        %ne3A_2614 = arith.cmpi ne, %rem3A_2612, %ne3A_2613 : i32
        %and3A_2615 = arith.andi %ne3A_2611, %ne3A_2614 : i1
        %sub3A_2616 = arith.constant 1 : i32
        %sub3A_2617 = arith.subi %div3A_2596, %sub3A_2616 : i32
        %select_n3A_2618 = arith.select %and3A_2615, %sub3A_2617, %div3A_2596 : i32
        %mul3A_2619 = arith.constant 32 : i32
        %mul3A_2620 = arith.muli %select_n3A_2592, %mul3A_2619 : i32
        %rem3A_2621 = arith.constant 4 : i32
        %rem3A_2622 = arith.remsi %rem3A_2594, %rem3A_2621 : i32
        %mul3A_2623 = arith.constant 8 : i32
        %mul3A_2624 = arith.muli %rem3A_2622, %mul3A_2623 : i32
        %add3A_2625 = arith.addi %mul3A_2620, %mul3A_2624 : i32
        %rem3A_2626 = arith.constant 4 : i32
        %rem3A_2627 = arith.remsi %rem3A_2594, %rem3A_2626 : i32
        %mul3A_2628 = arith.constant 8 : i32
        %mul3A_2629 = arith.muli %rem3A_2627, %mul3A_2628 : i32
        %dma_start3A_2630 = arith.constant 7 : i32
        %dma_start3A_2631 = arith.constant 7 : i32
        %dma_start3A_2632 = arith.constant 0 : i32
        %dma_start3A_2633 = arith.constant 0 : i32
        %dma_start3A_2634 = tpu.memref_slice %arg7[%dma_start3A_2630, %dma_start3A_2632, %dma_start3A_2633] : memref<8x8x1024xf32, #tpu.memory_space<vmem>> -> memref<1x8x1024xf32, #tpu.memory_space<vmem>>
        %dma_start3A_2635 = tpu.memref_squeeze %dma_start3A_2634 : memref<1x8x1024xf32, #tpu.memory_space<vmem>> -> memref<8x1024xf32, #tpu.memory_space<vmem>>
        %dma_start3A_2636 = arith.constant 0 : i32
        %dma_start3A_2637 = tpu.memref_slice %arg6[%select_n3A_2618, %dma_start3A_2636] : memref<4x64xi32, #tpu.memory_space<vmem>> -> memref<1x64xi32, #tpu.memory_space<vmem>>
        %dma_start3A_2638 = tpu.memref_squeeze %dma_start3A_2637 : memref<1x64xi32, #tpu.memory_space<vmem>> -> memref<64xi32, #tpu.memory_space<vmem>>
        %dma_start3A_2639 = tpu.memref_slice %dma_start3A_2638[%add3A_2625] : memref<64xi32, #tpu.memory_space<vmem>> -> memref<8xi32, #tpu.memory_space<vmem>>
        %dma_start3A_2640 = arith.constant 0 : i32
        %dma_start3A_2641 = arith.constant 0 : i32
        %dma_start3A_2642 = tpu.memref_slice %arg3[%dma_start3A_2640, %dma_start3A_2641] : memref<100000x1024xf32, #tpu.memory_space<hbm>> -> memref<100000x1024xf32, #tpu.memory_space<hbm>>
        %dma_start3A_2643 = tpu.memref_slice %arg9[%dma_start3A_2631] : memref<8x!tpu.dma_semaphore, #tpu.memory_space<semaphore_mem>> -> memref<1x!tpu.dma_semaphore, #tpu.memory_space<semaphore_mem>>
        %dma_start3A_2644 = tpu.memref_squeeze %dma_start3A_2643 : memref<1x!tpu.dma_semaphore, #tpu.memory_space<semaphore_mem>> -> memref<!tpu.dma_semaphore, #tpu.memory_space<semaphore_mem>>
        tpu.enqueue_indirect_dma source(%dma_start3A_2642 : memref<100000x1024xf32, #tpu.memory_space<hbm>>) target(%dma_start3A_2635 : memref<8x1024xf32, #tpu.memory_space<vmem>>) offsets(%dma_start3A_2639 : memref<8xi32, #tpu.memory_space<vmem>>) semaphore(%dma_start3A_2644 : memref<!tpu.dma_semaphore, #tpu.memory_space<semaphore_mem>>)
      } else {
      }
      %add3A_1415 = arith.constant 3 : i32
      %add3A_1416 = arith.addi %add3A_724, %add3A_1415 : i32
      %jit3A_1417 = arith.constant 16 : i32
      %div3A_1418 = arith.divsi %add3A_1416, %jit3A_1417 : i32
      %sign3A_1419 = arith.constant 0 : i32
      %sign3A_1420 = arith.cmpi sgt, %add3A_1416, %sign3A_1419 : i32
      %sign3A_1421 = arith.extui %sign3A_1420 : i1 to i32
      %sign3A_1422 = arith.constant 0 : i32
      %sign3A_1423 = arith.cmpi slt, %add3A_1416, %sign3A_1422 : i32
      %sign3A_1424 = arith.extui %sign3A_1423 : i1 to i32
      %sign3A_1425 = arith.subi %sign3A_1421, %sign3A_1424 : i32
      %sign3A_1426 = arith.constant 0 : i32
      %sign3A_1427 = arith.cmpi sgt, %jit3A_1417, %sign3A_1426 : i32
      %sign3A_1428 = arith.extui %sign3A_1427 : i1 to i32
      %sign3A_1429 = arith.constant 0 : i32
      %sign3A_1430 = arith.cmpi slt, %jit3A_1417, %sign3A_1429 : i32
      %sign3A_1431 = arith.extui %sign3A_1430 : i1 to i32
      %sign3A_1432 = arith.subi %sign3A_1428, %sign3A_1431 : i32
      %ne3A_1433 = arith.cmpi ne, %sign3A_1425, %sign3A_1432 : i32
      %rem3A_1434 = arith.remsi %add3A_1416, %jit3A_1417 : i32
      %ne3A_1435 = arith.constant 0 : i32
      %ne3A_1436 = arith.cmpi ne, %rem3A_1434, %ne3A_1435 : i32
      %and3A_1437 = arith.andi %ne3A_1433, %ne3A_1436 : i1
      %sub3A_1438 = arith.constant 1 : i32
      %sub3A_1439 = arith.subi %div3A_1418, %sub3A_1438 : i32
      %select_n3A_1440 = arith.select %and3A_1437, %sub3A_1439, %div3A_1418 : i32
      %rem3A_1441 = arith.constant 16 : i32
      %rem3A_1442 = arith.remsi %add3A_1416, %rem3A_1441 : i32
      %jit3A_1443 = arith.constant 4 : i32
      %div3A_1444 = arith.divsi %rem3A_1442, %jit3A_1443 : i32
      %sign3A_1445 = arith.constant 0 : i32
      %sign3A_1446 = arith.cmpi sgt, %rem3A_1442, %sign3A_1445 : i32
      %sign3A_1447 = arith.extui %sign3A_1446 : i1 to i32
      %sign3A_1448 = arith.constant 0 : i32
      %sign3A_1449 = arith.cmpi slt, %rem3A_1442, %sign3A_1448 : i32
      %sign3A_1450 = arith.extui %sign3A_1449 : i1 to i32
      %sign3A_1451 = arith.subi %sign3A_1447, %sign3A_1450 : i32
      %sign3A_1452 = arith.constant 0 : i32
      %sign3A_1453 = arith.cmpi sgt, %jit3A_1443, %sign3A_1452 : i32
      %sign3A_1454 = arith.extui %sign3A_1453 : i1 to i32
      %sign3A_1455 = arith.constant 0 : i32
      %sign3A_1456 = arith.cmpi slt, %jit3A_1443, %sign3A_1455 : i32
      %sign3A_1457 = arith.extui %sign3A_1456 : i1 to i32
      %sign3A_1458 = arith.subi %sign3A_1454, %sign3A_1457 : i32
      %ne3A_1459 = arith.cmpi ne, %sign3A_1451, %sign3A_1458 : i32
      %rem3A_1460 = arith.remsi %rem3A_1442, %jit3A_1443 : i32
      %ne3A_1461 = arith.constant 0 : i32
      %ne3A_1462 = arith.cmpi ne, %rem3A_1460, %ne3A_1461 : i32
      %and3A_1463 = arith.andi %ne3A_1459, %ne3A_1462 : i1
      %sub3A_1464 = arith.constant 1 : i32
      %sub3A_1465 = arith.subi %div3A_1444, %sub3A_1464 : i32
      %select_n3A_1466 = arith.select %and3A_1463, %sub3A_1465, %div3A_1444 : i32
      %mul3A_1467 = arith.constant 32 : i32
      %mul3A_1468 = arith.muli %select_n3A_1440, %mul3A_1467 : i32
      %rem3A_1469 = arith.constant 4 : i32
      %rem3A_1470 = arith.remsi %rem3A_1442, %rem3A_1469 : i32
      %mul3A_1471 = arith.constant 8 : i32
      %mul3A_1472 = arith.muli %rem3A_1470, %mul3A_1471 : i32
      %add3A_1473 = arith.addi %mul3A_1468, %mul3A_1472 : i32
      %rem3A_1474 = arith.constant 4 : i32
      %rem3A_1475 = arith.remsi %rem3A_1442, %rem3A_1474 : i32
      %mul3A_1476 = arith.constant 8 : i32
      %mul3A_1477 = arith.muli %rem3A_1475, %mul3A_1476 : i32
      %dma_wait3A_1478 = arith.constant 3 : i32
      %dma_wait3A_1479 = arith.constant 3 : i32
      %dma_wait3A_1480 = arith.constant 0 : i32
      %dma_wait3A_1481 = arith.constant 0 : i32
      %dma_wait3A_1482 = tpu.memref_slice %arg7[%dma_wait3A_1478, %dma_wait3A_1480, %dma_wait3A_1481] : memref<8x8x1024xf32, #tpu.memory_space<vmem>> -> memref<1x8x1024xf32, #tpu.memory_space<vmem>>
      %dma_wait3A_1483 = tpu.memref_squeeze %dma_wait3A_1482 : memref<1x8x1024xf32, #tpu.memory_space<vmem>> -> memref<8x1024xf32, #tpu.memory_space<vmem>>
      %dma_wait3A_1484 = arith.constant 0 : i32
      %dma_wait3A_1485 = tpu.memref_slice %arg6[%select_n3A_1466, %dma_wait3A_1484] : memref<4x64xi32, #tpu.memory_space<vmem>> -> memref<1x64xi32, #tpu.memory_space<vmem>>
      %dma_wait3A_1486 = tpu.memref_squeeze %dma_wait3A_1485 : memref<1x64xi32, #tpu.memory_space<vmem>> -> memref<64xi32, #tpu.memory_space<vmem>>
      %dma_wait3A_1487 = tpu.memref_slice %dma_wait3A_1486[%add3A_1473] : memref<64xi32, #tpu.memory_space<vmem>> -> memref<8xi32, #tpu.memory_space<vmem>>
      %dma_wait3A_1488 = arith.constant 0 : i32
      %dma_wait3A_1489 = arith.constant 0 : i32
      %dma_wait3A_1490 = tpu.memref_slice %arg3[%dma_wait3A_1488, %dma_wait3A_1489] : memref<100000x1024xf32, #tpu.memory_space<hbm>> -> memref<100000x1024xf32, #tpu.memory_space<hbm>>
      %dma_wait3A_1491 = tpu.memref_slice %arg9[%dma_wait3A_1479] : memref<8x!tpu.dma_semaphore, #tpu.memory_space<semaphore_mem>> -> memref<1x!tpu.dma_semaphore, #tpu.memory_space<semaphore_mem>>
      %dma_wait3A_1492 = tpu.memref_squeeze %dma_wait3A_1491 : memref<1x!tpu.dma_semaphore, #tpu.memory_space<semaphore_mem>> -> memref<!tpu.dma_semaphore, #tpu.memory_space<semaphore_mem>>
      tpu.wait_indirect_dma semaphore(%dma_wait3A_1492 : memref<!tpu.dma_semaphore, #tpu.memory_space<semaphore_mem>>) src(%dma_wait3A_1490 : memref<100000x1024xf32, #tpu.memory_space<hbm>>) dst(%dma_wait3A_1483 : memref<8x1024xf32, #tpu.memory_space<vmem>>)
      %jit3A_1493 = arith.constant 16 : i32
      %div3A_1494 = arith.divsi %add3A_1416, %jit3A_1493 : i32
      %sign3A_1495 = arith.constant 0 : i32
      %sign3A_1496 = arith.cmpi sgt, %add3A_1416, %sign3A_1495 : i32
      %sign3A_1497 = arith.extui %sign3A_1496 : i1 to i32
      %sign3A_1498 = arith.constant 0 : i32
      %sign3A_1499 = arith.cmpi slt, %add3A_1416, %sign3A_1498 : i32
      %sign3A_1500 = arith.extui %sign3A_1499 : i1 to i32
      %sign3A_1501 = arith.subi %sign3A_1497, %sign3A_1500 : i32
      %sign3A_1502 = arith.constant 0 : i32
      %sign3A_1503 = arith.cmpi sgt, %jit3A_1493, %sign3A_1502 : i32
      %sign3A_1504 = arith.extui %sign3A_1503 : i1 to i32
      %sign3A_1505 = arith.constant 0 : i32
      %sign3A_1506 = arith.cmpi slt, %jit3A_1493, %sign3A_1505 : i32
      %sign3A_1507 = arith.extui %sign3A_1506 : i1 to i32
      %sign3A_1508 = arith.subi %sign3A_1504, %sign3A_1507 : i32
      %ne3A_1509 = arith.cmpi ne, %sign3A_1501, %sign3A_1508 : i32
      %rem3A_1510 = arith.remsi %add3A_1416, %jit3A_1493 : i32
      %ne3A_1511 = arith.constant 0 : i32
      %ne3A_1512 = arith.cmpi ne, %rem3A_1510, %ne3A_1511 : i32
      %and3A_1513 = arith.andi %ne3A_1509, %ne3A_1512 : i1
      %sub3A_1514 = arith.constant 1 : i32
      %sub3A_1515 = arith.subi %div3A_1494, %sub3A_1514 : i32
      %select_n3A_1516 = arith.select %and3A_1513, %sub3A_1515, %div3A_1494 : i32
      %rem3A_1517 = arith.constant 16 : i32
      %rem3A_1518 = arith.remsi %add3A_1416, %rem3A_1517 : i32
      %jit3A_1519 = arith.constant 4 : i32
      %div3A_1520 = arith.divsi %rem3A_1518, %jit3A_1519 : i32
      %sign3A_1521 = arith.constant 0 : i32
      %sign3A_1522 = arith.cmpi sgt, %rem3A_1518, %sign3A_1521 : i32
      %sign3A_1523 = arith.extui %sign3A_1522 : i1 to i32
      %sign3A_1524 = arith.constant 0 : i32
      %sign3A_1525 = arith.cmpi slt, %rem3A_1518, %sign3A_1524 : i32
      %sign3A_1526 = arith.extui %sign3A_1525 : i1 to i32
      %sign3A_1527 = arith.subi %sign3A_1523, %sign3A_1526 : i32
      %sign3A_1528 = arith.constant 0 : i32
      %sign3A_1529 = arith.cmpi sgt, %jit3A_1519, %sign3A_1528 : i32
      %sign3A_1530 = arith.extui %sign3A_1529 : i1 to i32
      %sign3A_1531 = arith.constant 0 : i32
      %sign3A_1532 = arith.cmpi slt, %jit3A_1519, %sign3A_1531 : i32
      %sign3A_1533 = arith.extui %sign3A_1532 : i1 to i32
      %sign3A_1534 = arith.subi %sign3A_1530, %sign3A_1533 : i32
      %ne3A_1535 = arith.cmpi ne, %sign3A_1527, %sign3A_1534 : i32
      %rem3A_1536 = arith.remsi %rem3A_1518, %jit3A_1519 : i32
      %ne3A_1537 = arith.constant 0 : i32
      %ne3A_1538 = arith.cmpi ne, %rem3A_1536, %ne3A_1537 : i32
      %and3A_1539 = arith.andi %ne3A_1535, %ne3A_1538 : i1
      %sub3A_1540 = arith.constant 1 : i32
      %sub3A_1541 = arith.subi %div3A_1520, %sub3A_1540 : i32
      %select_n3A_1542 = arith.select %and3A_1539, %sub3A_1541, %div3A_1520 : i32
      %mul3A_1543 = arith.constant 32 : i32
      %mul3A_1544 = arith.muli %select_n3A_1516, %mul3A_1543 : i32
      %rem3A_1545 = arith.constant 4 : i32
      %rem3A_1546 = arith.remsi %rem3A_1518, %rem3A_1545 : i32
      %mul3A_1547 = arith.constant 8 : i32
      %mul3A_1548 = arith.muli %rem3A_1546, %mul3A_1547 : i32
      %add3A_1549 = arith.addi %mul3A_1544, %mul3A_1548 : i32
      %rem3A_1550 = arith.constant 4 : i32
      %rem3A_1551 = arith.remsi %rem3A_1518, %rem3A_1550 : i32
      %mul3A_1552 = arith.constant 8 : i32
      %mul3A_1553 = arith.muli %rem3A_1551, %mul3A_1552 : i32
      %parallel_loop3A_1554 = arith.constant 0 : i32
      %parallel_loop3A_1555 = arith.constant 8192 : i32
      %parallel_loop3A_1556 = arith.constant 16 : i32
      scf.for %parallel_loop3A_2565 = %parallel_loop3A_1554 to %parallel_loop3A_1555 step %parallel_loop3A_1556  : i32 {
        %parallel_loop3A_2566 = arith.constant 10 : i32
        %parallel_loop3A_2567 = arith.shrsi %parallel_loop3A_2565, %parallel_loop3A_2566 : i32
        %parallel_loop3A_2568 = arith.constant 1023 : i32
        %parallel_loop3A_2569 = arith.andi %parallel_loop3A_2565, %parallel_loop3A_2568 : i32
        %parallel_loop3A_2570 = tpu.assume_multiple %parallel_loop3A_2569, 16 : i32
        %parallel_loop3A_2571 = arith.addi %mul3A_1553, %parallel_loop3A_2567 : i32
        %parallel_loop3A_2572 = arith.index_cast %parallel_loop3A_2571 : i32 to index
        %parallel_loop3A_2573 = arith.index_cast %parallel_loop3A_2570 : i32 to index
        %parallel_loop3A_2574 = tpu.vector_load %arg8[%parallel_loop3A_2572, %parallel_loop3A_2573] {strides = array<i32>} : memref<32x1024xf32, #tpu.memory_space<vmem>>, vector<1x16xf32>,
        %parallel_loop3A_2575 = vector.shape_cast %parallel_loop3A_2574 : vector<1x16xf32> to vector<16xf32>
        %parallel_loop3A_2576 = arith.constant 3 : i32
        %parallel_loop3A_2577 = arith.constant 0 : i32
        %parallel_loop3A_2578 = arith.constant 0 : i32
        %parallel_loop3A_2579 = tpu.memref_slice %arg7[%parallel_loop3A_2576, %parallel_loop3A_2577, %parallel_loop3A_2578] : memref<8x8x1024xf32, #tpu.memory_space<vmem>> -> memref<1x8x1024xf32, #tpu.memory_space<vmem>>
        %parallel_loop3A_2580 = tpu.memref_squeeze %parallel_loop3A_2579 : memref<1x8x1024xf32, #tpu.memory_space<vmem>> -> memref<8x1024xf32, #tpu.memory_space<vmem>>
        %parallel_loop3A_2581 = arith.index_cast %parallel_loop3A_2567 : i32 to index
        %parallel_loop3A_2582 = arith.index_cast %parallel_loop3A_2570 : i32 to index
        %parallel_loop3A_2583 = tpu.vector_load %parallel_loop3A_2580[%parallel_loop3A_2581, %parallel_loop3A_2582] {strides = array<i32>} : memref<8x1024xf32, #tpu.memory_space<vmem>>, vector<1x16xf32>,
        %parallel_loop3A_2584 = vector.shape_cast %parallel_loop3A_2583 : vector<1x16xf32> to vector<16xf32>
        %parallel_loop3A_2585 = vector.shape_cast %parallel_loop3A_2575 : vector<16xf32> to vector<1x16xf32>
        tpu.vector_store %parallel_loop3A_2580[%parallel_loop3A_2581, %parallel_loop3A_2582], %parallel_loop3A_2585 {add = true, strides = array<i32>} : memref<8x1024xf32, #tpu.memory_space<vmem>>, vector<1x16xf32>,
      } {sc.loop_unroll_factor = 8 : i64, sc.parallel_access}
      %jit3A_1557 = arith.constant 16 : i32
      %div3A_1558 = arith.divsi %add3A_1416, %jit3A_1557 : i32
      %sign3A_1559 = arith.constant 0 : i32
      %sign3A_1560 = arith.cmpi sgt, %add3A_1416, %sign3A_1559 : i32
      %sign3A_1561 = arith.extui %sign3A_1560 : i1 to i32
      %sign3A_1562 = arith.constant 0 : i32
      %sign3A_1563 = arith.cmpi slt, %add3A_1416, %sign3A_1562 : i32
      %sign3A_1564 = arith.extui %sign3A_1563 : i1 to i32
      %sign3A_1565 = arith.subi %sign3A_1561, %sign3A_1564 : i32
      %sign3A_1566 = arith.constant 0 : i32
      %sign3A_1567 = arith.cmpi sgt, %jit3A_1557, %sign3A_1566 : i32
      %sign3A_1568 = arith.extui %sign3A_1567 : i1 to i32
      %sign3A_1569 = arith.constant 0 : i32
      %sign3A_1570 = arith.cmpi slt, %jit3A_1557, %sign3A_1569 : i32
      %sign3A_1571 = arith.extui %sign3A_1570 : i1 to i32
      %sign3A_1572 = arith.subi %sign3A_1568, %sign3A_1571 : i32
      %ne3A_1573 = arith.cmpi ne, %sign3A_1565, %sign3A_1572 : i32
      %rem3A_1574 = arith.remsi %add3A_1416, %jit3A_1557 : i32
      %ne3A_1575 = arith.constant 0 : i32
      %ne3A_1576 = arith.cmpi ne, %rem3A_1574, %ne3A_1575 : i32
      %and3A_1577 = arith.andi %ne3A_1573, %ne3A_1576 : i1
      %sub3A_1578 = arith.constant 1 : i32
      %sub3A_1579 = arith.subi %div3A_1558, %sub3A_1578 : i32
      %select_n3A_1580 = arith.select %and3A_1577, %sub3A_1579, %div3A_1558 : i32
      %rem3A_1581 = arith.constant 16 : i32
      %rem3A_1582 = arith.remsi %add3A_1416, %rem3A_1581 : i32
      %jit3A_1583 = arith.constant 4 : i32
      %div3A_1584 = arith.divsi %rem3A_1582, %jit3A_1583 : i32
      %sign3A_1585 = arith.constant 0 : i32
      %sign3A_1586 = arith.cmpi sgt, %rem3A_1582, %sign3A_1585 : i32
      %sign3A_1587 = arith.extui %sign3A_1586 : i1 to i32
      %sign3A_1588 = arith.constant 0 : i32
      %sign3A_1589 = arith.cmpi slt, %rem3A_1582, %sign3A_1588 : i32
      %sign3A_1590 = arith.extui %sign3A_1589 : i1 to i32
      %sign3A_1591 = arith.subi %sign3A_1587, %sign3A_1590 : i32
      %sign3A_1592 = arith.constant 0 : i32
      %sign3A_1593 = arith.cmpi sgt, %jit3A_1583, %sign3A_1592 : i32
      %sign3A_1594 = arith.extui %sign3A_1593 : i1 to i32
      %sign3A_1595 = arith.constant 0 : i32
      %sign3A_1596 = arith.cmpi slt, %jit3A_1583, %sign3A_1595 : i32
      %sign3A_1597 = arith.extui %sign3A_1596 : i1 to i32
      %sign3A_1598 = arith.subi %sign3A_1594, %sign3A_1597 : i32
      %ne3A_1599 = arith.cmpi ne, %sign3A_1591, %sign3A_1598 : i32
      %rem3A_1600 = arith.remsi %rem3A_1582, %jit3A_1583 : i32
      %ne3A_1601 = arith.constant 0 : i32
      %ne3A_1602 = arith.cmpi ne, %rem3A_1600, %ne3A_1601 : i32
      %and3A_1603 = arith.andi %ne3A_1599, %ne3A_1602 : i1
      %sub3A_1604 = arith.constant 1 : i32
      %sub3A_1605 = arith.subi %div3A_1584, %sub3A_1604 : i32
      %select_n3A_1606 = arith.select %and3A_1603, %sub3A_1605, %div3A_1584 : i32
      %mul3A_1607 = arith.constant 32 : i32
      %mul3A_1608 = arith.muli %select_n3A_1580, %mul3A_1607 : i32
      %rem3A_1609 = arith.constant 4 : i32
      %rem3A_1610 = arith.remsi %rem3A_1582, %rem3A_1609 : i32
      %mul3A_1611 = arith.constant 8 : i32
      %mul3A_1612 = arith.muli %rem3A_1610, %mul3A_1611 : i32
      %add3A_1613 = arith.addi %mul3A_1608, %mul3A_1612 : i32
      %rem3A_1614 = arith.constant 4 : i32
      %rem3A_1615 = arith.remsi %rem3A_1582, %rem3A_1614 : i32
      %mul3A_1616 = arith.constant 8 : i32
      %mul3A_1617 = arith.muli %rem3A_1615, %mul3A_1616 : i32
      %mul3A_1618 = arith.constant 2048 : i32
      %mul3A_1619 = arith.muli %select_n3A_1606, %mul3A_1618 : i32
      %add3A_1620 = arith.addi %mul3A_1619, %mul3A_2 : i32
      %add3A_1621 = arith.addi %add3A_1620, %add3A_1613 : i32
      %dma_start3A_1622 = arith.constant 3 : i32
      %dma_start3A_1623 = arith.constant 3 : i32
      %dma_start3A_1624 = arith.constant 0 : i32
      %dma_start3A_1625 = arith.constant 0 : i32
      %dma_start3A_1626 = tpu.memref_slice %arg7[%dma_start3A_1622, %dma_start3A_1624, %dma_start3A_1625] : memref<8x8x1024xf32, #tpu.memory_space<vmem>> -> memref<1x8x1024xf32, #tpu.memory_space<vmem>>
      %dma_start3A_1627 = tpu.memref_squeeze %dma_start3A_1626 : memref<1x8x1024xf32, #tpu.memory_space<vmem>> -> memref<8x1024xf32, #tpu.memory_space<vmem>>
      %dma_start3A_1628 = arith.constant 0 : i32
      %dma_start3A_1629 = tpu.memref_slice %arg5[%add3A_1621, %dma_start3A_1628] : memref<8192x1024xf32, #tpu.memory_space<hbm>> -> memref<8x1024xf32, #tpu.memory_space<hbm>>
      %dma_start3A_1630 = tpu.memref_slice %arg10[%dma_start3A_1623] : memref<8x!tpu.dma_semaphore, #tpu.memory_space<semaphore_mem>> -> memref<1x!tpu.dma_semaphore, #tpu.memory_space<semaphore_mem>>
      %dma_start3A_1631 = tpu.memref_squeeze %dma_start3A_1630 : memref<1x!tpu.dma_semaphore, #tpu.memory_space<semaphore_mem>> -> memref<!tpu.dma_semaphore, #tpu.memory_space<semaphore_mem>>
      %dma_start3A_1632 = arith.constant 0 : i32
      %dma_start3A_1633 = tpu.memref_slice %arg5[%add3A_1621, %dma_start3A_1632] : memref<8192x1024xf32, #tpu.memory_space<hbm>> -> memref<8x1024xf32, #tpu.memory_space<hbm>>
      %dma_start3A_1634 = arith.constant 0 : i32
      %dma_start3A_1635 = arith.constant 0 : i32
      %dma_start3A_1636 = tpu.memref_slice %arg7[%dma_start3A_1622, %dma_start3A_1634, %dma_start3A_1635] : memref<8x8x1024xf32, #tpu.memory_space<vmem>> -> memref<1x8x1024xf32, #tpu.memory_space<vmem>>
      %dma_start3A_1637 = tpu.memref_squeeze %dma_start3A_1636 : memref<1x8x1024xf32, #tpu.memory_space<vmem>> -> memref<8x1024xf32, #tpu.memory_space<vmem>>
      tpu.enqueue_dma source(%dma_start3A_1637 : memref<8x1024xf32, #tpu.memory_space<vmem>>) target(%dma_start3A_1633 : memref<8x1024xf32, #tpu.memory_space<hbm>>) target_semaphore(%dma_start3A_1631 : memref<!tpu.dma_semaphore, #tpu.memory_space<semaphore_mem>>)
      %add3A_1638 = arith.constant 5 : i32
      %add3A_1639 = arith.addi %add3A_1416, %add3A_1638 : i32
      %lt3A_1640 = arith.constant 32 : i32
      %lt3A_1641 = arith.cmpi slt, %add3A_1639, %lt3A_1640 : i32
      %convert_element_type3A_1642 = arith.extui %lt3A_1641 : i1 to i32
      %cond3A_1643 = arith.constant 0 : i32
      %cond3A_1644 = arith.cmpi ne, %convert_element_type3A_1642, %cond3A_1643 : i32
      scf.if %cond3A_1644 {
        %ge3A = arith.constant 8 : i32
        %ge3A_2565 = arith.cmpi sge, %add3A_1639, %ge3A : i32
        %convert_element_type3A_2566 = arith.extui %ge3A_2565 : i1 to i32
        %cond3A_2567 = arith.constant 0 : i32
        %cond3A_2568 = arith.cmpi ne, %convert_element_type3A_2566, %cond3A_2567 : i32
        scf.if %cond3A_2568 {
          %sub3A_2645 = arith.constant 8 : i32
          %sub3A_2646 = arith.subi %add3A_1639, %sub3A_2645 : i32
          %jit3A_2647 = arith.constant 16 : i32
          %div3A_2648 = arith.divsi %sub3A_2646, %jit3A_2647 : i32
          %sign3A_2649 = arith.constant 0 : i32
          %sign3A_2650 = arith.cmpi sgt, %sub3A_2646, %sign3A_2649 : i32
          %sign3A_2651 = arith.extui %sign3A_2650 : i1 to i32
          %sign3A_2652 = arith.constant 0 : i32
          %sign3A_2653 = arith.cmpi slt, %sub3A_2646, %sign3A_2652 : i32
          %sign3A_2654 = arith.extui %sign3A_2653 : i1 to i32
          %sign3A_2655 = arith.subi %sign3A_2651, %sign3A_2654 : i32
          %sign3A_2656 = arith.constant 0 : i32
          %sign3A_2657 = arith.cmpi sgt, %jit3A_2647, %sign3A_2656 : i32
          %sign3A_2658 = arith.extui %sign3A_2657 : i1 to i32
          %sign3A_2659 = arith.constant 0 : i32
          %sign3A_2660 = arith.cmpi slt, %jit3A_2647, %sign3A_2659 : i32
          %sign3A_2661 = arith.extui %sign3A_2660 : i1 to i32
          %sign3A_2662 = arith.subi %sign3A_2658, %sign3A_2661 : i32
          %ne3A_2663 = arith.cmpi ne, %sign3A_2655, %sign3A_2662 : i32
          %rem3A_2664 = arith.remsi %sub3A_2646, %jit3A_2647 : i32
          %ne3A_2665 = arith.constant 0 : i32
          %ne3A_2666 = arith.cmpi ne, %rem3A_2664, %ne3A_2665 : i32
          %and3A_2667 = arith.andi %ne3A_2663, %ne3A_2666 : i1
          %sub3A_2668 = arith.constant 1 : i32
          %sub3A_2669 = arith.subi %div3A_2648, %sub3A_2668 : i32
          %select_n3A_2670 = arith.select %and3A_2667, %sub3A_2669, %div3A_2648 : i32
          %rem3A_2671 = arith.constant 16 : i32
          %rem3A_2672 = arith.remsi %sub3A_2646, %rem3A_2671 : i32
          %jit3A_2673 = arith.constant 4 : i32
          %div3A_2674 = arith.divsi %rem3A_2672, %jit3A_2673 : i32
          %sign3A_2675 = arith.constant 0 : i32
          %sign3A_2676 = arith.cmpi sgt, %rem3A_2672, %sign3A_2675 : i32
          %sign3A_2677 = arith.extui %sign3A_2676 : i1 to i32
          %sign3A_2678 = arith.constant 0 : i32
          %sign3A_2679 = arith.cmpi slt, %rem3A_2672, %sign3A_2678 : i32
          %sign3A_2680 = arith.extui %sign3A_2679 : i1 to i32
          %sign3A_2681 = arith.subi %sign3A_2677, %sign3A_2680 : i32
          %sign3A_2682 = arith.constant 0 : i32
          %sign3A_2683 = arith.cmpi sgt, %jit3A_2673, %sign3A_2682 : i32
          %sign3A_2684 = arith.extui %sign3A_2683 : i1 to i32
          %sign3A_2685 = arith.constant 0 : i32
          %sign3A_2686 = arith.cmpi slt, %jit3A_2673, %sign3A_2685 : i32
          %sign3A_2687 = arith.extui %sign3A_2686 : i1 to i32
          %sign3A_2688 = arith.subi %sign3A_2684, %sign3A_2687 : i32
          %ne3A_2689 = arith.cmpi ne, %sign3A_2681, %sign3A_2688 : i32
          %rem3A_2690 = arith.remsi %rem3A_2672, %jit3A_2673 : i32
          %ne3A_2691 = arith.constant 0 : i32
          %ne3A_2692 = arith.cmpi ne, %rem3A_2690, %ne3A_2691 : i32
          %and3A_2693 = arith.andi %ne3A_2689, %ne3A_2692 : i1
          %sub3A_2694 = arith.constant 1 : i32
          %sub3A_2695 = arith.subi %div3A_2674, %sub3A_2694 : i32
          %select_n3A_2696 = arith.select %and3A_2693, %sub3A_2695, %div3A_2674 : i32
          %mul3A_2697 = arith.constant 32 : i32
          %mul3A_2698 = arith.muli %select_n3A_2670, %mul3A_2697 : i32
          %rem3A_2699 = arith.constant 4 : i32
          %rem3A_2700 = arith.remsi %rem3A_2672, %rem3A_2699 : i32
          %mul3A_2701 = arith.constant 8 : i32
          %mul3A_2702 = arith.muli %rem3A_2700, %mul3A_2701 : i32
          %add3A_2703 = arith.addi %mul3A_2698, %mul3A_2702 : i32
          %rem3A_2704 = arith.constant 4 : i32
          %rem3A_2705 = arith.remsi %rem3A_2672, %rem3A_2704 : i32
          %mul3A_2706 = arith.constant 8 : i32
          %mul3A_2707 = arith.muli %rem3A_2705, %mul3A_2706 : i32
          %mul3A_2708 = arith.constant 2048 : i32
          %mul3A_2709 = arith.muli %select_n3A_2696, %mul3A_2708 : i32
          %add3A_2710 = arith.addi %mul3A_2709, %mul3A_2 : i32
          %add3A_2711 = arith.addi %add3A_2710, %add3A_2703 : i32
          %dma_wait3A_2712 = arith.constant 0 : i32
          %dma_wait3A_2713 = arith.constant 0 : i32
          %dma_wait3A_2714 = arith.constant 0 : i32
          %dma_wait3A_2715 = arith.constant 0 : i32
          %dma_wait3A_2716 = tpu.memref_slice %arg7[%dma_wait3A_2712, %dma_wait3A_2714, %dma_wait3A_2715] : memref<8x8x1024xf32, #tpu.memory_space<vmem>> -> memref<1x8x1024xf32, #tpu.memory_space<vmem>>
          %dma_wait3A_2717 = tpu.memref_squeeze %dma_wait3A_2716 : memref<1x8x1024xf32, #tpu.memory_space<vmem>> -> memref<8x1024xf32, #tpu.memory_space<vmem>>
          %dma_wait3A_2718 = arith.constant 0 : i32
          %dma_wait3A_2719 = tpu.memref_slice %arg5[%add3A_2711, %dma_wait3A_2718] : memref<8192x1024xf32, #tpu.memory_space<hbm>> -> memref<8x1024xf32, #tpu.memory_space<hbm>>
          %dma_wait3A_2720 = tpu.memref_slice %arg10[%dma_wait3A_2713] : memref<8x!tpu.dma_semaphore, #tpu.memory_space<semaphore_mem>> -> memref<1x!tpu.dma_semaphore, #tpu.memory_space<semaphore_mem>>
          %dma_wait3A_2721 = tpu.memref_squeeze %dma_wait3A_2720 : memref<1x!tpu.dma_semaphore, #tpu.memory_space<semaphore_mem>> -> memref<!tpu.dma_semaphore, #tpu.memory_space<semaphore_mem>>
          %dma_wait3A_2722 = arith.constant 0 : i32
          %dma_wait3A_2723 = tpu.memref_slice %arg5[%add3A_2711, %dma_wait3A_2722] : memref<8192x1024xf32, #tpu.memory_space<hbm>> -> memref<8x1024xf32, #tpu.memory_space<hbm>>
          %dma_wait3A_2724 = arith.constant 0 : i32
          %dma_wait3A_2725 = arith.constant 0 : i32
          %dma_wait3A_2726 = tpu.memref_slice %arg7[%dma_wait3A_2712, %dma_wait3A_2724, %dma_wait3A_2725] : memref<8x8x1024xf32, #tpu.memory_space<vmem>> -> memref<1x8x1024xf32, #tpu.memory_space<vmem>>
          %dma_wait3A_2727 = tpu.memref_squeeze %dma_wait3A_2726 : memref<1x8x1024xf32, #tpu.memory_space<vmem>> -> memref<8x1024xf32, #tpu.memory_space<vmem>>
          tpu.wait_dma2 semaphore(%dma_wait3A_2721 : memref<!tpu.dma_semaphore, #tpu.memory_space<semaphore_mem>>) src(%dma_wait3A_2727 : memref<8x1024xf32, #tpu.memory_space<vmem>>) dst(%dma_wait3A_2723 : memref<8x1024xf32, #tpu.memory_space<hbm>>)
        } else {
        }
        %jit3A_2569 = arith.constant 16 : i32
        %div3A_2570 = arith.divsi %add3A_1639, %jit3A_2569 : i32
        %sign3A_2571 = arith.constant 0 : i32
        %sign3A_2572 = arith.cmpi sgt, %add3A_1639, %sign3A_2571 : i32
        %sign3A_2573 = arith.extui %sign3A_2572 : i1 to i32
        %sign3A_2574 = arith.constant 0 : i32
        %sign3A_2575 = arith.cmpi slt, %add3A_1639, %sign3A_2574 : i32
        %sign3A_2576 = arith.extui %sign3A_2575 : i1 to i32
        %sign3A_2577 = arith.subi %sign3A_2573, %sign3A_2576 : i32
        %sign3A_2578 = arith.constant 0 : i32
        %sign3A_2579 = arith.cmpi sgt, %jit3A_2569, %sign3A_2578 : i32
        %sign3A_2580 = arith.extui %sign3A_2579 : i1 to i32
        %sign3A_2581 = arith.constant 0 : i32
        %sign3A_2582 = arith.cmpi slt, %jit3A_2569, %sign3A_2581 : i32
        %sign3A_2583 = arith.extui %sign3A_2582 : i1 to i32
        %sign3A_2584 = arith.subi %sign3A_2580, %sign3A_2583 : i32
        %ne3A_2585 = arith.cmpi ne, %sign3A_2577, %sign3A_2584 : i32
        %rem3A_2586 = arith.remsi %add3A_1639, %jit3A_2569 : i32
        %ne3A_2587 = arith.constant 0 : i32
        %ne3A_2588 = arith.cmpi ne, %rem3A_2586, %ne3A_2587 : i32
        %and3A_2589 = arith.andi %ne3A_2585, %ne3A_2588 : i1
        %sub3A_2590 = arith.constant 1 : i32
        %sub3A_2591 = arith.subi %div3A_2570, %sub3A_2590 : i32
        %select_n3A_2592 = arith.select %and3A_2589, %sub3A_2591, %div3A_2570 : i32
        %rem3A_2593 = arith.constant 16 : i32
        %rem3A_2594 = arith.remsi %add3A_1639, %rem3A_2593 : i32
        %jit3A_2595 = arith.constant 4 : i32
        %div3A_2596 = arith.divsi %rem3A_2594, %jit3A_2595 : i32
        %sign3A_2597 = arith.constant 0 : i32
        %sign3A_2598 = arith.cmpi sgt, %rem3A_2594, %sign3A_2597 : i32
        %sign3A_2599 = arith.extui %sign3A_2598 : i1 to i32
        %sign3A_2600 = arith.constant 0 : i32
        %sign3A_2601 = arith.cmpi slt, %rem3A_2594, %sign3A_2600 : i32
        %sign3A_2602 = arith.extui %sign3A_2601 : i1 to i32
        %sign3A_2603 = arith.subi %sign3A_2599, %sign3A_2602 : i32
        %sign3A_2604 = arith.constant 0 : i32
        %sign3A_2605 = arith.cmpi sgt, %jit3A_2595, %sign3A_2604 : i32
        %sign3A_2606 = arith.extui %sign3A_2605 : i1 to i32
        %sign3A_2607 = arith.constant 0 : i32
        %sign3A_2608 = arith.cmpi slt, %jit3A_2595, %sign3A_2607 : i32
        %sign3A_2609 = arith.extui %sign3A_2608 : i1 to i32
        %sign3A_2610 = arith.subi %sign3A_2606, %sign3A_2609 : i32
        %ne3A_2611 = arith.cmpi ne, %sign3A_2603, %sign3A_2610 : i32
        %rem3A_2612 = arith.remsi %rem3A_2594, %jit3A_2595 : i32
        %ne3A_2613 = arith.constant 0 : i32
        %ne3A_2614 = arith.cmpi ne, %rem3A_2612, %ne3A_2613 : i32
        %and3A_2615 = arith.andi %ne3A_2611, %ne3A_2614 : i1
        %sub3A_2616 = arith.constant 1 : i32
        %sub3A_2617 = arith.subi %div3A_2596, %sub3A_2616 : i32
        %select_n3A_2618 = arith.select %and3A_2615, %sub3A_2617, %div3A_2596 : i32
        %mul3A_2619 = arith.constant 32 : i32
        %mul3A_2620 = arith.muli %select_n3A_2592, %mul3A_2619 : i32
        %rem3A_2621 = arith.constant 4 : i32
        %rem3A_2622 = arith.remsi %rem3A_2594, %rem3A_2621 : i32
        %mul3A_2623 = arith.constant 8 : i32
        %mul3A_2624 = arith.muli %rem3A_2622, %mul3A_2623 : i32
        %add3A_2625 = arith.addi %mul3A_2620, %mul3A_2624 : i32
        %rem3A_2626 = arith.constant 4 : i32
        %rem3A_2627 = arith.remsi %rem3A_2594, %rem3A_2626 : i32
        %mul3A_2628 = arith.constant 8 : i32
        %mul3A_2629 = arith.muli %rem3A_2627, %mul3A_2628 : i32
        %dma_start3A_2630 = arith.constant 0 : i32
        %dma_start3A_2631 = arith.constant 0 : i32
        %dma_start3A_2632 = arith.constant 0 : i32
        %dma_start3A_2633 = arith.constant 0 : i32
        %dma_start3A_2634 = tpu.memref_slice %arg7[%dma_start3A_2630, %dma_start3A_2632, %dma_start3A_2633] : memref<8x8x1024xf32, #tpu.memory_space<vmem>> -> memref<1x8x1024xf32, #tpu.memory_space<vmem>>
        %dma_start3A_2635 = tpu.memref_squeeze %dma_start3A_2634 : memref<1x8x1024xf32, #tpu.memory_space<vmem>> -> memref<8x1024xf32, #tpu.memory_space<vmem>>
        %dma_start3A_2636 = arith.constant 0 : i32
        %dma_start3A_2637 = tpu.memref_slice %arg6[%select_n3A_2618, %dma_start3A_2636] : memref<4x64xi32, #tpu.memory_space<vmem>> -> memref<1x64xi32, #tpu.memory_space<vmem>>
        %dma_start3A_2638 = tpu.memref_squeeze %dma_start3A_2637 : memref<1x64xi32, #tpu.memory_space<vmem>> -> memref<64xi32, #tpu.memory_space<vmem>>
        %dma_start3A_2639 = tpu.memref_slice %dma_start3A_2638[%add3A_2625] : memref<64xi32, #tpu.memory_space<vmem>> -> memref<8xi32, #tpu.memory_space<vmem>>
        %dma_start3A_2640 = arith.constant 0 : i32
        %dma_start3A_2641 = arith.constant 0 : i32
        %dma_start3A_2642 = tpu.memref_slice %arg3[%dma_start3A_2640, %dma_start3A_2641] : memref<100000x1024xf32, #tpu.memory_space<hbm>> -> memref<100000x1024xf32, #tpu.memory_space<hbm>>
        %dma_start3A_2643 = tpu.memref_slice %arg9[%dma_start3A_2631] : memref<8x!tpu.dma_semaphore, #tpu.memory_space<semaphore_mem>> -> memref<1x!tpu.dma_semaphore, #tpu.memory_space<semaphore_mem>>
        %dma_start3A_2644 = tpu.memref_squeeze %dma_start3A_2643 : memref<1x!tpu.dma_semaphore, #tpu.memory_space<semaphore_mem>> -> memref<!tpu.dma_semaphore, #tpu.memory_space<semaphore_mem>>
        tpu.enqueue_indirect_dma source(%dma_start3A_2642 : memref<100000x1024xf32, #tpu.memory_space<hbm>>) target(%dma_start3A_2635 : memref<8x1024xf32, #tpu.memory_space<vmem>>) offsets(%dma_start3A_2639 : memref<8xi32, #tpu.memory_space<vmem>>) semaphore(%dma_start3A_2644 : memref<!tpu.dma_semaphore, #tpu.memory_space<semaphore_mem>>)
      } else {
      }
      %add3A_1645 = arith.constant 4 : i32
      %add3A_1646 = arith.addi %add3A_724, %add3A_1645 : i32
      %jit3A_1647 = arith.constant 16 : i32
      %div3A_1648 = arith.divsi %add3A_1646, %jit3A_1647 : i32
      %sign3A_1649 = arith.constant 0 : i32
      %sign3A_1650 = arith.cmpi sgt, %add3A_1646, %sign3A_1649 : i32
      %sign3A_1651 = arith.extui %sign3A_1650 : i1 to i32
      %sign3A_1652 = arith.constant 0 : i32
      %sign3A_1653 = arith.cmpi slt, %add3A_1646, %sign3A_1652 : i32
      %sign3A_1654 = arith.extui %sign3A_1653 : i1 to i32
      %sign3A_1655 = arith.subi %sign3A_1651, %sign3A_1654 : i32
      %sign3A_1656 = arith.constant 0 : i32
      %sign3A_1657 = arith.cmpi sgt, %jit3A_1647, %sign3A_1656 : i32
      %sign3A_1658 = arith.extui %sign3A_1657 : i1 to i32
      %sign3A_1659 = arith.constant 0 : i32
      %sign3A_1660 = arith.cmpi slt, %jit3A_1647, %sign3A_1659 : i32
      %sign3A_1661 = arith.extui %sign3A_1660 : i1 to i32
      %sign3A_1662 = arith.subi %sign3A_1658, %sign3A_1661 : i32
      %ne3A_1663 = arith.cmpi ne, %sign3A_1655, %sign3A_1662 : i32
      %rem3A_1664 = arith.remsi %add3A_1646, %jit3A_1647 : i32
      %ne3A_1665 = arith.constant 0 : i32
      %ne3A_1666 = arith.cmpi ne, %rem3A_1664, %ne3A_1665 : i32
      %and3A_1667 = arith.andi %ne3A_1663, %ne3A_1666 : i1
      %sub3A_1668 = arith.constant 1 : i32
      %sub3A_1669 = arith.subi %div3A_1648, %sub3A_1668 : i32
      %select_n3A_1670 = arith.select %and3A_1667, %sub3A_1669, %div3A_1648 : i32
      %rem3A_1671 = arith.constant 16 : i32
      %rem3A_1672 = arith.remsi %add3A_1646, %rem3A_1671 : i32
      %jit3A_1673 = arith.constant 4 : i32
      %div3A_1674 = arith.divsi %rem3A_1672, %jit3A_1673 : i32
      %sign3A_1675 = arith.constant 0 : i32
      %sign3A_1676 = arith.cmpi sgt, %rem3A_1672, %sign3A_1675 : i32
      %sign3A_1677 = arith.extui %sign3A_1676 : i1 to i32
      %sign3A_1678 = arith.constant 0 : i32
      %sign3A_1679 = arith.cmpi slt, %rem3A_1672, %sign3A_1678 : i32
      %sign3A_1680 = arith.extui %sign3A_1679 : i1 to i32
      %sign3A_1681 = arith.subi %sign3A_1677, %sign3A_1680 : i32
      %sign3A_1682 = arith.constant 0 : i32
      %sign3A_1683 = arith.cmpi sgt, %jit3A_1673, %sign3A_1682 : i32
      %sign3A_1684 = arith.extui %sign3A_1683 : i1 to i32
      %sign3A_1685 = arith.constant 0 : i32
      %sign3A_1686 = arith.cmpi slt, %jit3A_1673, %sign3A_1685 : i32
      %sign3A_1687 = arith.extui %sign3A_1686 : i1 to i32
      %sign3A_1688 = arith.subi %sign3A_1684, %sign3A_1687 : i32
      %ne3A_1689 = arith.cmpi ne, %sign3A_1681, %sign3A_1688 : i32
      %rem3A_1690 = arith.remsi %rem3A_1672, %jit3A_1673 : i32
      %ne3A_1691 = arith.constant 0 : i32
      %ne3A_1692 = arith.cmpi ne, %rem3A_1690, %ne3A_1691 : i32
      %and3A_1693 = arith.andi %ne3A_1689, %ne3A_1692 : i1
      %sub3A_1694 = arith.constant 1 : i32
      %sub3A_1695 = arith.subi %div3A_1674, %sub3A_1694 : i32
      %select_n3A_1696 = arith.select %and3A_1693, %sub3A_1695, %div3A_1674 : i32
      %mul3A_1697 = arith.constant 32 : i32
      %mul3A_1698 = arith.muli %select_n3A_1670, %mul3A_1697 : i32
      %rem3A_1699 = arith.constant 4 : i32
      %rem3A_1700 = arith.remsi %rem3A_1672, %rem3A_1699 : i32
      %mul3A_1701 = arith.constant 8 : i32
      %mul3A_1702 = arith.muli %rem3A_1700, %mul3A_1701 : i32
      %add3A_1703 = arith.addi %mul3A_1698, %mul3A_1702 : i32
      %rem3A_1704 = arith.constant 4 : i32
      %rem3A_1705 = arith.remsi %rem3A_1672, %rem3A_1704 : i32
      %mul3A_1706 = arith.constant 8 : i32
      %mul3A_1707 = arith.muli %rem3A_1705, %mul3A_1706 : i32
      %dma_wait3A_1708 = arith.constant 4 : i32
      %dma_wait3A_1709 = arith.constant 4 : i32
      %dma_wait3A_1710 = arith.constant 0 : i32
      %dma_wait3A_1711 = arith.constant 0 : i32
      %dma_wait3A_1712 = tpu.memref_slice %arg7[%dma_wait3A_1708, %dma_wait3A_1710, %dma_wait3A_1711] : memref<8x8x1024xf32, #tpu.memory_space<vmem>> -> memref<1x8x1024xf32, #tpu.memory_space<vmem>>
      %dma_wait3A_1713 = tpu.memref_squeeze %dma_wait3A_1712 : memref<1x8x1024xf32, #tpu.memory_space<vmem>> -> memref<8x1024xf32, #tpu.memory_space<vmem>>
      %dma_wait3A_1714 = arith.constant 0 : i32
      %dma_wait3A_1715 = tpu.memref_slice %arg6[%select_n3A_1696, %dma_wait3A_1714] : memref<4x64xi32, #tpu.memory_space<vmem>> -> memref<1x64xi32, #tpu.memory_space<vmem>>
      %dma_wait3A_1716 = tpu.memref_squeeze %dma_wait3A_1715 : memref<1x64xi32, #tpu.memory_space<vmem>> -> memref<64xi32, #tpu.memory_space<vmem>>
      %dma_wait3A_1717 = tpu.memref_slice %dma_wait3A_1716[%add3A_1703] : memref<64xi32, #tpu.memory_space<vmem>> -> memref<8xi32, #tpu.memory_space<vmem>>
      %dma_wait3A_1718 = arith.constant 0 : i32
      %dma_wait3A_1719 = arith.constant 0 : i32
      %dma_wait3A_1720 = tpu.memref_slice %arg3[%dma_wait3A_1718, %dma_wait3A_1719] : memref<100000x1024xf32, #tpu.memory_space<hbm>> -> memref<100000x1024xf32, #tpu.memory_space<hbm>>
      %dma_wait3A_1721 = tpu.memref_slice %arg9[%dma_wait3A_1709] : memref<8x!tpu.dma_semaphore, #tpu.memory_space<semaphore_mem>> -> memref<1x!tpu.dma_semaphore, #tpu.memory_space<semaphore_mem>>
      %dma_wait3A_1722 = tpu.memref_squeeze %dma_wait3A_1721 : memref<1x!tpu.dma_semaphore, #tpu.memory_space<semaphore_mem>> -> memref<!tpu.dma_semaphore, #tpu.memory_space<semaphore_mem>>
      tpu.wait_indirect_dma semaphore(%dma_wait3A_1722 : memref<!tpu.dma_semaphore, #tpu.memory_space<semaphore_mem>>) src(%dma_wait3A_1720 : memref<100000x1024xf32, #tpu.memory_space<hbm>>) dst(%dma_wait3A_1713 : memref<8x1024xf32, #tpu.memory_space<vmem>>)
      %jit3A_1723 = arith.constant 16 : i32
      %div3A_1724 = arith.divsi %add3A_1646, %jit3A_1723 : i32
      %sign3A_1725 = arith.constant 0 : i32
      %sign3A_1726 = arith.cmpi sgt, %add3A_1646, %sign3A_1725 : i32
      %sign3A_1727 = arith.extui %sign3A_1726 : i1 to i32
      %sign3A_1728 = arith.constant 0 : i32
      %sign3A_1729 = arith.cmpi slt, %add3A_1646, %sign3A_1728 : i32
      %sign3A_1730 = arith.extui %sign3A_1729 : i1 to i32
      %sign3A_1731 = arith.subi %sign3A_1727, %sign3A_1730 : i32
      %sign3A_1732 = arith.constant 0 : i32
      %sign3A_1733 = arith.cmpi sgt, %jit3A_1723, %sign3A_1732 : i32
      %sign3A_1734 = arith.extui %sign3A_1733 : i1 to i32
      %sign3A_1735 = arith.constant 0 : i32
      %sign3A_1736 = arith.cmpi slt, %jit3A_1723, %sign3A_1735 : i32
      %sign3A_1737 = arith.extui %sign3A_1736 : i1 to i32
      %sign3A_1738 = arith.subi %sign3A_1734, %sign3A_1737 : i32
      %ne3A_1739 = arith.cmpi ne, %sign3A_1731, %sign3A_1738 : i32
      %rem3A_1740 = arith.remsi %add3A_1646, %jit3A_1723 : i32
      %ne3A_1741 = arith.constant 0 : i32
      %ne3A_1742 = arith.cmpi ne, %rem3A_1740, %ne3A_1741 : i32
      %and3A_1743 = arith.andi %ne3A_1739, %ne3A_1742 : i1
      %sub3A_1744 = arith.constant 1 : i32
      %sub3A_1745 = arith.subi %div3A_1724, %sub3A_1744 : i32
      %select_n3A_1746 = arith.select %and3A_1743, %sub3A_1745, %div3A_1724 : i32
      %rem3A_1747 = arith.constant 16 : i32
      %rem3A_1748 = arith.remsi %add3A_1646, %rem3A_1747 : i32
      %jit3A_1749 = arith.constant 4 : i32
      %div3A_1750 = arith.divsi %rem3A_1748, %jit3A_1749 : i32
      %sign3A_1751 = arith.constant 0 : i32
      %sign3A_1752 = arith.cmpi sgt, %rem3A_1748, %sign3A_1751 : i32
      %sign3A_1753 = arith.extui %sign3A_1752 : i1 to i32
      %sign3A_1754 = arith.constant 0 : i32
      %sign3A_1755 = arith.cmpi slt, %rem3A_1748, %sign3A_1754 : i32
      %sign3A_1756 = arith.extui %sign3A_1755 : i1 to i32
      %sign3A_1757 = arith.subi %sign3A_1753, %sign3A_1756 : i32
      %sign3A_1758 = arith.constant 0 : i32
      %sign3A_1759 = arith.cmpi sgt, %jit3A_1749, %sign3A_1758 : i32
      %sign3A_1760 = arith.extui %sign3A_1759 : i1 to i32
      %sign3A_1761 = arith.constant 0 : i32
      %sign3A_1762 = arith.cmpi slt, %jit3A_1749, %sign3A_1761 : i32
      %sign3A_1763 = arith.extui %sign3A_1762 : i1 to i32
      %sign3A_1764 = arith.subi %sign3A_1760, %sign3A_1763 : i32
      %ne3A_1765 = arith.cmpi ne, %sign3A_1757, %sign3A_1764 : i32
      %rem3A_1766 = arith.remsi %rem3A_1748, %jit3A_1749 : i32
      %ne3A_1767 = arith.constant 0 : i32
      %ne3A_1768 = arith.cmpi ne, %rem3A_1766, %ne3A_1767 : i32
      %and3A_1769 = arith.andi %ne3A_1765, %ne3A_1768 : i1
      %sub3A_1770 = arith.constant 1 : i32
      %sub3A_1771 = arith.subi %div3A_1750, %sub3A_1770 : i32
      %select_n3A_1772 = arith.select %and3A_1769, %sub3A_1771, %div3A_1750 : i32
      %mul3A_1773 = arith.constant 32 : i32
      %mul3A_1774 = arith.muli %select_n3A_1746, %mul3A_1773 : i32
      %rem3A_1775 = arith.constant 4 : i32
      %rem3A_1776 = arith.remsi %rem3A_1748, %rem3A_1775 : i32
      %mul3A_1777 = arith.constant 8 : i32
      %mul3A_1778 = arith.muli %rem3A_1776, %mul3A_1777 : i32
      %add3A_1779 = arith.addi %mul3A_1774, %mul3A_1778 : i32
      %rem3A_1780 = arith.constant 4 : i32
      %rem3A_1781 = arith.remsi %rem3A_1748, %rem3A_1780 : i32
      %mul3A_1782 = arith.constant 8 : i32
      %mul3A_1783 = arith.muli %rem3A_1781, %mul3A_1782 : i32
      %parallel_loop3A_1784 = arith.constant 0 : i32
      %parallel_loop3A_1785 = arith.constant 8192 : i32
      %parallel_loop3A_1786 = arith.constant 16 : i32
      scf.for %parallel_loop3A_2565 = %parallel_loop3A_1784 to %parallel_loop3A_1785 step %parallel_loop3A_1786  : i32 {
        %parallel_loop3A_2566 = arith.constant 10 : i32
        %parallel_loop3A_2567 = arith.shrsi %parallel_loop3A_2565, %parallel_loop3A_2566 : i32
        %parallel_loop3A_2568 = arith.constant 1023 : i32
        %parallel_loop3A_2569 = arith.andi %parallel_loop3A_2565, %parallel_loop3A_2568 : i32
        %parallel_loop3A_2570 = tpu.assume_multiple %parallel_loop3A_2569, 16 : i32
        %parallel_loop3A_2571 = arith.addi %mul3A_1783, %parallel_loop3A_2567 : i32
        %parallel_loop3A_2572 = arith.index_cast %parallel_loop3A_2571 : i32 to index
        %parallel_loop3A_2573 = arith.index_cast %parallel_loop3A_2570 : i32 to index
        %parallel_loop3A_2574 = tpu.vector_load %arg8[%parallel_loop3A_2572, %parallel_loop3A_2573] {strides = array<i32>} : memref<32x1024xf32, #tpu.memory_space<vmem>>, vector<1x16xf32>,
        %parallel_loop3A_2575 = vector.shape_cast %parallel_loop3A_2574 : vector<1x16xf32> to vector<16xf32>
        %parallel_loop3A_2576 = arith.constant 4 : i32
        %parallel_loop3A_2577 = arith.constant 0 : i32
        %parallel_loop3A_2578 = arith.constant 0 : i32
        %parallel_loop3A_2579 = tpu.memref_slice %arg7[%parallel_loop3A_2576, %parallel_loop3A_2577, %parallel_loop3A_2578] : memref<8x8x1024xf32, #tpu.memory_space<vmem>> -> memref<1x8x1024xf32, #tpu.memory_space<vmem>>
        %parallel_loop3A_2580 = tpu.memref_squeeze %parallel_loop3A_2579 : memref<1x8x1024xf32, #tpu.memory_space<vmem>> -> memref<8x1024xf32, #tpu.memory_space<vmem>>
        %parallel_loop3A_2581 = arith.index_cast %parallel_loop3A_2567 : i32 to index
        %parallel_loop3A_2582 = arith.index_cast %parallel_loop3A_2570 : i32 to index
        %parallel_loop3A_2583 = tpu.vector_load %parallel_loop3A_2580[%parallel_loop3A_2581, %parallel_loop3A_2582] {strides = array<i32>} : memref<8x1024xf32, #tpu.memory_space<vmem>>, vector<1x16xf32>,
        %parallel_loop3A_2584 = vector.shape_cast %parallel_loop3A_2583 : vector<1x16xf32> to vector<16xf32>
        %parallel_loop3A_2585 = vector.shape_cast %parallel_loop3A_2575 : vector<16xf32> to vector<1x16xf32>
        tpu.vector_store %parallel_loop3A_2580[%parallel_loop3A_2581, %parallel_loop3A_2582], %parallel_loop3A_2585 {add = true, strides = array<i32>} : memref<8x1024xf32, #tpu.memory_space<vmem>>, vector<1x16xf32>,
      } {sc.loop_unroll_factor = 8 : i64, sc.parallel_access}
      %jit3A_1787 = arith.constant 16 : i32
      %div3A_1788 = arith.divsi %add3A_1646, %jit3A_1787 : i32
      %sign3A_1789 = arith.constant 0 : i32
      %sign3A_1790 = arith.cmpi sgt, %add3A_1646, %sign3A_1789 : i32
      %sign3A_1791 = arith.extui %sign3A_1790 : i1 to i32
      %sign3A_1792 = arith.constant 0 : i32
      %sign3A_1793 = arith.cmpi slt, %add3A_1646, %sign3A_1792 : i32
      %sign3A_1794 = arith.extui %sign3A_1793 : i1 to i32
      %sign3A_1795 = arith.subi %sign3A_1791, %sign3A_1794 : i32
      %sign3A_1796 = arith.constant 0 : i32
      %sign3A_1797 = arith.cmpi sgt, %jit3A_1787, %sign3A_1796 : i32
      %sign3A_1798 = arith.extui %sign3A_1797 : i1 to i32
      %sign3A_1799 = arith.constant 0 : i32
      %sign3A_1800 = arith.cmpi slt, %jit3A_1787, %sign3A_1799 : i32
      %sign3A_1801 = arith.extui %sign3A_1800 : i1 to i32
      %sign3A_1802 = arith.subi %sign3A_1798, %sign3A_1801 : i32
      %ne3A_1803 = arith.cmpi ne, %sign3A_1795, %sign3A_1802 : i32
      %rem3A_1804 = arith.remsi %add3A_1646, %jit3A_1787 : i32
      %ne3A_1805 = arith.constant 0 : i32
      %ne3A_1806 = arith.cmpi ne, %rem3A_1804, %ne3A_1805 : i32
      %and3A_1807 = arith.andi %ne3A_1803, %ne3A_1806 : i1
      %sub3A_1808 = arith.constant 1 : i32
      %sub3A_1809 = arith.subi %div3A_1788, %sub3A_1808 : i32
      %select_n3A_1810 = arith.select %and3A_1807, %sub3A_1809, %div3A_1788 : i32
      %rem3A_1811 = arith.constant 16 : i32
      %rem3A_1812 = arith.remsi %add3A_1646, %rem3A_1811 : i32
      %jit3A_1813 = arith.constant 4 : i32
      %div3A_1814 = arith.divsi %rem3A_1812, %jit3A_1813 : i32
      %sign3A_1815 = arith.constant 0 : i32
      %sign3A_1816 = arith.cmpi sgt, %rem3A_1812, %sign3A_1815 : i32
      %sign3A_1817 = arith.extui %sign3A_1816 : i1 to i32
      %sign3A_1818 = arith.constant 0 : i32
      %sign3A_1819 = arith.cmpi slt, %rem3A_1812, %sign3A_1818 : i32
      %sign3A_1820 = arith.extui %sign3A_1819 : i1 to i32
      %sign3A_1821 = arith.subi %sign3A_1817, %sign3A_1820 : i32
      %sign3A_1822 = arith.constant 0 : i32
      %sign3A_1823 = arith.cmpi sgt, %jit3A_1813, %sign3A_1822 : i32
      %sign3A_1824 = arith.extui %sign3A_1823 : i1 to i32
      %sign3A_1825 = arith.constant 0 : i32
      %sign3A_1826 = arith.cmpi slt, %jit3A_1813, %sign3A_1825 : i32
      %sign3A_1827 = arith.extui %sign3A_1826 : i1 to i32
      %sign3A_1828 = arith.subi %sign3A_1824, %sign3A_1827 : i32
      %ne3A_1829 = arith.cmpi ne, %sign3A_1821, %sign3A_1828 : i32
      %rem3A_1830 = arith.remsi %rem3A_1812, %jit3A_1813 : i32
      %ne3A_1831 = arith.constant 0 : i32
      %ne3A_1832 = arith.cmpi ne, %rem3A_1830, %ne3A_1831 : i32
      %and3A_1833 = arith.andi %ne3A_1829, %ne3A_1832 : i1
      %sub3A_1834 = arith.constant 1 : i32
      %sub3A_1835 = arith.subi %div3A_1814, %sub3A_1834 : i32
      %select_n3A_1836 = arith.select %and3A_1833, %sub3A_1835, %div3A_1814 : i32
      %mul3A_1837 = arith.constant 32 : i32
      %mul3A_1838 = arith.muli %select_n3A_1810, %mul3A_1837 : i32
      %rem3A_1839 = arith.constant 4 : i32
      %rem3A_1840 = arith.remsi %rem3A_1812, %rem3A_1839 : i32
      %mul3A_1841 = arith.constant 8 : i32
      %mul3A_1842 = arith.muli %rem3A_1840, %mul3A_1841 : i32
      %add3A_1843 = arith.addi %mul3A_1838, %mul3A_1842 : i32
      %rem3A_1844 = arith.constant 4 : i32
      %rem3A_1845 = arith.remsi %rem3A_1812, %rem3A_1844 : i32
      %mul3A_1846 = arith.constant 8 : i32
      %mul3A_1847 = arith.muli %rem3A_1845, %mul3A_1846 : i32
      %mul3A_1848 = arith.constant 2048 : i32
      %mul3A_1849 = arith.muli %select_n3A_1836, %mul3A_1848 : i32
      %add3A_1850 = arith.addi %mul3A_1849, %mul3A_2 : i32
      %add3A_1851 = arith.addi %add3A_1850, %add3A_1843 : i32
      %dma_start3A_1852 = arith.constant 4 : i32
      %dma_start3A_1853 = arith.constant 4 : i32
      %dma_start3A_1854 = arith.constant 0 : i32
      %dma_start3A_1855 = arith.constant 0 : i32
      %dma_start3A_1856 = tpu.memref_slice %arg7[%dma_start3A_1852, %dma_start3A_1854, %dma_start3A_1855] : memref<8x8x1024xf32, #tpu.memory_space<vmem>> -> memref<1x8x1024xf32, #tpu.memory_space<vmem>>
      %dma_start3A_1857 = tpu.memref_squeeze %dma_start3A_1856 : memref<1x8x1024xf32, #tpu.memory_space<vmem>> -> memref<8x1024xf32, #tpu.memory_space<vmem>>
      %dma_start3A_1858 = arith.constant 0 : i32
      %dma_start3A_1859 = tpu.memref_slice %arg5[%add3A_1851, %dma_start3A_1858] : memref<8192x1024xf32, #tpu.memory_space<hbm>> -> memref<8x1024xf32, #tpu.memory_space<hbm>>
      %dma_start3A_1860 = tpu.memref_slice %arg10[%dma_start3A_1853] : memref<8x!tpu.dma_semaphore, #tpu.memory_space<semaphore_mem>> -> memref<1x!tpu.dma_semaphore, #tpu.memory_space<semaphore_mem>>
      %dma_start3A_1861 = tpu.memref_squeeze %dma_start3A_1860 : memref<1x!tpu.dma_semaphore, #tpu.memory_space<semaphore_mem>> -> memref<!tpu.dma_semaphore, #tpu.memory_space<semaphore_mem>>
      %dma_start3A_1862 = arith.constant 0 : i32
      %dma_start3A_1863 = tpu.memref_slice %arg5[%add3A_1851, %dma_start3A_1862] : memref<8192x1024xf32, #tpu.memory_space<hbm>> -> memref<8x1024xf32, #tpu.memory_space<hbm>>
      %dma_start3A_1864 = arith.constant 0 : i32
      %dma_start3A_1865 = arith.constant 0 : i32
      %dma_start3A_1866 = tpu.memref_slice %arg7[%dma_start3A_1852, %dma_start3A_1864, %dma_start3A_1865] : memref<8x8x1024xf32, #tpu.memory_space<vmem>> -> memref<1x8x1024xf32, #tpu.memory_space<vmem>>
      %dma_start3A_1867 = tpu.memref_squeeze %dma_start3A_1866 : memref<1x8x1024xf32, #tpu.memory_space<vmem>> -> memref<8x1024xf32, #tpu.memory_space<vmem>>
      tpu.enqueue_dma source(%dma_start3A_1867 : memref<8x1024xf32, #tpu.memory_space<vmem>>) target(%dma_start3A_1863 : memref<8x1024xf32, #tpu.memory_space<hbm>>) target_semaphore(%dma_start3A_1861 : memref<!tpu.dma_semaphore, #tpu.memory_space<semaphore_mem>>)
      %add3A_1868 = arith.constant 5 : i32
      %add3A_1869 = arith.addi %add3A_1646, %add3A_1868 : i32
      %lt3A_1870 = arith.constant 32 : i32
      %lt3A_1871 = arith.cmpi slt, %add3A_1869, %lt3A_1870 : i32
      %convert_element_type3A_1872 = arith.extui %lt3A_1871 : i1 to i32
      %cond3A_1873 = arith.constant 0 : i32
      %cond3A_1874 = arith.cmpi ne, %convert_element_type3A_1872, %cond3A_1873 : i32
      scf.if %cond3A_1874 {
        %ge3A = arith.constant 8 : i32
        %ge3A_2565 = arith.cmpi sge, %add3A_1869, %ge3A : i32
        %convert_element_type3A_2566 = arith.extui %ge3A_2565 : i1 to i32
        %cond3A_2567 = arith.constant 0 : i32
        %cond3A_2568 = arith.cmpi ne, %convert_element_type3A_2566, %cond3A_2567 : i32
        scf.if %cond3A_2568 {
          %sub3A_2645 = arith.constant 8 : i32
          %sub3A_2646 = arith.subi %add3A_1869, %sub3A_2645 : i32
          %jit3A_2647 = arith.constant 16 : i32
          %div3A_2648 = arith.divsi %sub3A_2646, %jit3A_2647 : i32
          %sign3A_2649 = arith.constant 0 : i32
          %sign3A_2650 = arith.cmpi sgt, %sub3A_2646, %sign3A_2649 : i32
          %sign3A_2651 = arith.extui %sign3A_2650 : i1 to i32
          %sign3A_2652 = arith.constant 0 : i32
          %sign3A_2653 = arith.cmpi slt, %sub3A_2646, %sign3A_2652 : i32
          %sign3A_2654 = arith.extui %sign3A_2653 : i1 to i32
          %sign3A_2655 = arith.subi %sign3A_2651, %sign3A_2654 : i32
          %sign3A_2656 = arith.constant 0 : i32
          %sign3A_2657 = arith.cmpi sgt, %jit3A_2647, %sign3A_2656 : i32
          %sign3A_2658 = arith.extui %sign3A_2657 : i1 to i32
          %sign3A_2659 = arith.constant 0 : i32
          %sign3A_2660 = arith.cmpi slt, %jit3A_2647, %sign3A_2659 : i32
          %sign3A_2661 = arith.extui %sign3A_2660 : i1 to i32
          %sign3A_2662 = arith.subi %sign3A_2658, %sign3A_2661 : i32
          %ne3A_2663 = arith.cmpi ne, %sign3A_2655, %sign3A_2662 : i32
          %rem3A_2664 = arith.remsi %sub3A_2646, %jit3A_2647 : i32
          %ne3A_2665 = arith.constant 0 : i32
          %ne3A_2666 = arith.cmpi ne, %rem3A_2664, %ne3A_2665 : i32
          %and3A_2667 = arith.andi %ne3A_2663, %ne3A_2666 : i1
          %sub3A_2668 = arith.constant 1 : i32
          %sub3A_2669 = arith.subi %div3A_2648, %sub3A_2668 : i32
          %select_n3A_2670 = arith.select %and3A_2667, %sub3A_2669, %div3A_2648 : i32
          %rem3A_2671 = arith.constant 16 : i32
          %rem3A_2672 = arith.remsi %sub3A_2646, %rem3A_2671 : i32
          %jit3A_2673 = arith.constant 4 : i32
          %div3A_2674 = arith.divsi %rem3A_2672, %jit3A_2673 : i32
          %sign3A_2675 = arith.constant 0 : i32
          %sign3A_2676 = arith.cmpi sgt, %rem3A_2672, %sign3A_2675 : i32
          %sign3A_2677 = arith.extui %sign3A_2676 : i1 to i32
          %sign3A_2678 = arith.constant 0 : i32
          %sign3A_2679 = arith.cmpi slt, %rem3A_2672, %sign3A_2678 : i32
          %sign3A_2680 = arith.extui %sign3A_2679 : i1 to i32
          %sign3A_2681 = arith.subi %sign3A_2677, %sign3A_2680 : i32
          %sign3A_2682 = arith.constant 0 : i32
          %sign3A_2683 = arith.cmpi sgt, %jit3A_2673, %sign3A_2682 : i32
          %sign3A_2684 = arith.extui %sign3A_2683 : i1 to i32
          %sign3A_2685 = arith.constant 0 : i32
          %sign3A_2686 = arith.cmpi slt, %jit3A_2673, %sign3A_2685 : i32
          %sign3A_2687 = arith.extui %sign3A_2686 : i1 to i32
          %sign3A_2688 = arith.subi %sign3A_2684, %sign3A_2687 : i32
          %ne3A_2689 = arith.cmpi ne, %sign3A_2681, %sign3A_2688 : i32
          %rem3A_2690 = arith.remsi %rem3A_2672, %jit3A_2673 : i32
          %ne3A_2691 = arith.constant 0 : i32
          %ne3A_2692 = arith.cmpi ne, %rem3A_2690, %ne3A_2691 : i32
          %and3A_2693 = arith.andi %ne3A_2689, %ne3A_2692 : i1
          %sub3A_2694 = arith.constant 1 : i32
          %sub3A_2695 = arith.subi %div3A_2674, %sub3A_2694 : i32
          %select_n3A_2696 = arith.select %and3A_2693, %sub3A_2695, %div3A_2674 : i32
          %mul3A_2697 = arith.constant 32 : i32
          %mul3A_2698 = arith.muli %select_n3A_2670, %mul3A_2697 : i32
          %rem3A_2699 = arith.constant 4 : i32
          %rem3A_2700 = arith.remsi %rem3A_2672, %rem3A_2699 : i32
          %mul3A_2701 = arith.constant 8 : i32
          %mul3A_2702 = arith.muli %rem3A_2700, %mul3A_2701 : i32
          %add3A_2703 = arith.addi %mul3A_2698, %mul3A_2702 : i32
          %rem3A_2704 = arith.constant 4 : i32
          %rem3A_2705 = arith.remsi %rem3A_2672, %rem3A_2704 : i32
          %mul3A_2706 = arith.constant 8 : i32
          %mul3A_2707 = arith.muli %rem3A_2705, %mul3A_2706 : i32
          %mul3A_2708 = arith.constant 2048 : i32
          %mul3A_2709 = arith.muli %select_n3A_2696, %mul3A_2708 : i32
          %add3A_2710 = arith.addi %mul3A_2709, %mul3A_2 : i32
          %add3A_2711 = arith.addi %add3A_2710, %add3A_2703 : i32
          %dma_wait3A_2712 = arith.constant 1 : i32
          %dma_wait3A_2713 = arith.constant 1 : i32
          %dma_wait3A_2714 = arith.constant 0 : i32
          %dma_wait3A_2715 = arith.constant 0 : i32
          %dma_wait3A_2716 = tpu.memref_slice %arg7[%dma_wait3A_2712, %dma_wait3A_2714, %dma_wait3A_2715] : memref<8x8x1024xf32, #tpu.memory_space<vmem>> -> memref<1x8x1024xf32, #tpu.memory_space<vmem>>
          %dma_wait3A_2717 = tpu.memref_squeeze %dma_wait3A_2716 : memref<1x8x1024xf32, #tpu.memory_space<vmem>> -> memref<8x1024xf32, #tpu.memory_space<vmem>>
          %dma_wait3A_2718 = arith.constant 0 : i32
          %dma_wait3A_2719 = tpu.memref_slice %arg5[%add3A_2711, %dma_wait3A_2718] : memref<8192x1024xf32, #tpu.memory_space<hbm>> -> memref<8x1024xf32, #tpu.memory_space<hbm>>
          %dma_wait3A_2720 = tpu.memref_slice %arg10[%dma_wait3A_2713] : memref<8x!tpu.dma_semaphore, #tpu.memory_space<semaphore_mem>> -> memref<1x!tpu.dma_semaphore, #tpu.memory_space<semaphore_mem>>
          %dma_wait3A_2721 = tpu.memref_squeeze %dma_wait3A_2720 : memref<1x!tpu.dma_semaphore, #tpu.memory_space<semaphore_mem>> -> memref<!tpu.dma_semaphore, #tpu.memory_space<semaphore_mem>>
          %dma_wait3A_2722 = arith.constant 0 : i32
          %dma_wait3A_2723 = tpu.memref_slice %arg5[%add3A_2711, %dma_wait3A_2722] : memref<8192x1024xf32, #tpu.memory_space<hbm>> -> memref<8x1024xf32, #tpu.memory_space<hbm>>
          %dma_wait3A_2724 = arith.constant 0 : i32
          %dma_wait3A_2725 = arith.constant 0 : i32
          %dma_wait3A_2726 = tpu.memref_slice %arg7[%dma_wait3A_2712, %dma_wait3A_2724, %dma_wait3A_2725] : memref<8x8x1024xf32, #tpu.memory_space<vmem>> -> memref<1x8x1024xf32, #tpu.memory_space<vmem>>
          %dma_wait3A_2727 = tpu.memref_squeeze %dma_wait3A_2726 : memref<1x8x1024xf32, #tpu.memory_space<vmem>> -> memref<8x1024xf32, #tpu.memory_space<vmem>>
          tpu.wait_dma2 semaphore(%dma_wait3A_2721 : memref<!tpu.dma_semaphore, #tpu.memory_space<semaphore_mem>>) src(%dma_wait3A_2727 : memref<8x1024xf32, #tpu.memory_space<vmem>>) dst(%dma_wait3A_2723 : memref<8x1024xf32, #tpu.memory_space<hbm>>)
        } else {
        }
        %jit3A_2569 = arith.constant 16 : i32
        %div3A_2570 = arith.divsi %add3A_1869, %jit3A_2569 : i32
        %sign3A_2571 = arith.constant 0 : i32
        %sign3A_2572 = arith.cmpi sgt, %add3A_1869, %sign3A_2571 : i32
        %sign3A_2573 = arith.extui %sign3A_2572 : i1 to i32
        %sign3A_2574 = arith.constant 0 : i32
        %sign3A_2575 = arith.cmpi slt, %add3A_1869, %sign3A_2574 : i32
        %sign3A_2576 = arith.extui %sign3A_2575 : i1 to i32
        %sign3A_2577 = arith.subi %sign3A_2573, %sign3A_2576 : i32
        %sign3A_2578 = arith.constant 0 : i32
        %sign3A_2579 = arith.cmpi sgt, %jit3A_2569, %sign3A_2578 : i32
        %sign3A_2580 = arith.extui %sign3A_2579 : i1 to i32
        %sign3A_2581 = arith.constant 0 : i32
        %sign3A_2582 = arith.cmpi slt, %jit3A_2569, %sign3A_2581 : i32
        %sign3A_2583 = arith.extui %sign3A_2582 : i1 to i32
        %sign3A_2584 = arith.subi %sign3A_2580, %sign3A_2583 : i32
        %ne3A_2585 = arith.cmpi ne, %sign3A_2577, %sign3A_2584 : i32
        %rem3A_2586 = arith.remsi %add3A_1869, %jit3A_2569 : i32
        %ne3A_2587 = arith.constant 0 : i32
        %ne3A_2588 = arith.cmpi ne, %rem3A_2586, %ne3A_2587 : i32
        %and3A_2589 = arith.andi %ne3A_2585, %ne3A_2588 : i1
        %sub3A_2590 = arith.constant 1 : i32
        %sub3A_2591 = arith.subi %div3A_2570, %sub3A_2590 : i32
        %select_n3A_2592 = arith.select %and3A_2589, %sub3A_2591, %div3A_2570 : i32
        %rem3A_2593 = arith.constant 16 : i32
        %rem3A_2594 = arith.remsi %add3A_1869, %rem3A_2593 : i32
        %jit3A_2595 = arith.constant 4 : i32
        %div3A_2596 = arith.divsi %rem3A_2594, %jit3A_2595 : i32
        %sign3A_2597 = arith.constant 0 : i32
        %sign3A_2598 = arith.cmpi sgt, %rem3A_2594, %sign3A_2597 : i32
        %sign3A_2599 = arith.extui %sign3A_2598 : i1 to i32
        %sign3A_2600 = arith.constant 0 : i32
        %sign3A_2601 = arith.cmpi slt, %rem3A_2594, %sign3A_2600 : i32
        %sign3A_2602 = arith.extui %sign3A_2601 : i1 to i32
        %sign3A_2603 = arith.subi %sign3A_2599, %sign3A_2602 : i32
        %sign3A_2604 = arith.constant 0 : i32
        %sign3A_2605 = arith.cmpi sgt, %jit3A_2595, %sign3A_2604 : i32
        %sign3A_2606 = arith.extui %sign3A_2605 : i1 to i32
        %sign3A_2607 = arith.constant 0 : i32
        %sign3A_2608 = arith.cmpi slt, %jit3A_2595, %sign3A_2607 : i32
        %sign3A_2609 = arith.extui %sign3A_2608 : i1 to i32
        %sign3A_2610 = arith.subi %sign3A_2606, %sign3A_2609 : i32
        %ne3A_2611 = arith.cmpi ne, %sign3A_2603, %sign3A_2610 : i32
        %rem3A_2612 = arith.remsi %rem3A_2594, %jit3A_2595 : i32
        %ne3A_2613 = arith.constant 0 : i32
        %ne3A_2614 = arith.cmpi ne, %rem3A_2612, %ne3A_2613 : i32
        %and3A_2615 = arith.andi %ne3A_2611, %ne3A_2614 : i1
        %sub3A_2616 = arith.constant 1 : i32
        %sub3A_2617 = arith.subi %div3A_2596, %sub3A_2616 : i32
        %select_n3A_2618 = arith.select %and3A_2615, %sub3A_2617, %div3A_2596 : i32
        %mul3A_2619 = arith.constant 32 : i32
        %mul3A_2620 = arith.muli %select_n3A_2592, %mul3A_2619 : i32
        %rem3A_2621 = arith.constant 4 : i32
        %rem3A_2622 = arith.remsi %rem3A_2594, %rem3A_2621 : i32
        %mul3A_2623 = arith.constant 8 : i32
        %mul3A_2624 = arith.muli %rem3A_2622, %mul3A_2623 : i32
        %add3A_2625 = arith.addi %mul3A_2620, %mul3A_2624 : i32
        %rem3A_2626 = arith.constant 4 : i32
        %rem3A_2627 = arith.remsi %rem3A_2594, %rem3A_2626 : i32
        %mul3A_2628 = arith.constant 8 : i32
        %mul3A_2629 = arith.muli %rem3A_2627, %mul3A_2628 : i32
        %dma_start3A_2630 = arith.constant 1 : i32
        %dma_start3A_2631 = arith.constant 1 : i32
        %dma_start3A_2632 = arith.constant 0 : i32
        %dma_start3A_2633 = arith.constant 0 : i32
        %dma_start3A_2634 = tpu.memref_slice %arg7[%dma_start3A_2630, %dma_start3A_2632, %dma_start3A_2633] : memref<8x8x1024xf32, #tpu.memory_space<vmem>> -> memref<1x8x1024xf32, #tpu.memory_space<vmem>>
        %dma_start3A_2635 = tpu.memref_squeeze %dma_start3A_2634 : memref<1x8x1024xf32, #tpu.memory_space<vmem>> -> memref<8x1024xf32, #tpu.memory_space<vmem>>
        %dma_start3A_2636 = arith.constant 0 : i32
        %dma_start3A_2637 = tpu.memref_slice %arg6[%select_n3A_2618, %dma_start3A_2636] : memref<4x64xi32, #tpu.memory_space<vmem>> -> memref<1x64xi32, #tpu.memory_space<vmem>>
        %dma_start3A_2638 = tpu.memref_squeeze %dma_start3A_2637 : memref<1x64xi32, #tpu.memory_space<vmem>> -> memref<64xi32, #tpu.memory_space<vmem>>
        %dma_start3A_2639 = tpu.memref_slice %dma_start3A_2638[%add3A_2625] : memref<64xi32, #tpu.memory_space<vmem>> -> memref<8xi32, #tpu.memory_space<vmem>>
        %dma_start3A_2640 = arith.constant 0 : i32
        %dma_start3A_2641 = arith.constant 0 : i32
        %dma_start3A_2642 = tpu.memref_slice %arg3[%dma_start3A_2640, %dma_start3A_2641] : memref<100000x1024xf32, #tpu.memory_space<hbm>> -> memref<100000x1024xf32, #tpu.memory_space<hbm>>
        %dma_start3A_2643 = tpu.memref_slice %arg9[%dma_start3A_2631] : memref<8x!tpu.dma_semaphore, #tpu.memory_space<semaphore_mem>> -> memref<1x!tpu.dma_semaphore, #tpu.memory_space<semaphore_mem>>
        %dma_start3A_2644 = tpu.memref_squeeze %dma_start3A_2643 : memref<1x!tpu.dma_semaphore, #tpu.memory_space<semaphore_mem>> -> memref<!tpu.dma_semaphore, #tpu.memory_space<semaphore_mem>>
        tpu.enqueue_indirect_dma source(%dma_start3A_2642 : memref<100000x1024xf32, #tpu.memory_space<hbm>>) target(%dma_start3A_2635 : memref<8x1024xf32, #tpu.memory_space<vmem>>) offsets(%dma_start3A_2639 : memref<8xi32, #tpu.memory_space<vmem>>) semaphore(%dma_start3A_2644 : memref<!tpu.dma_semaphore, #tpu.memory_space<semaphore_mem>>)
      } else {
      }
      %add3A_1875 = arith.constant 5 : i32
      %add3A_1876 = arith.addi %add3A_724, %add3A_1875 : i32
      %jit3A_1877 = arith.constant 16 : i32
      %div3A_1878 = arith.divsi %add3A_1876, %jit3A_1877 : i32
      %sign3A_1879 = arith.constant 0 : i32
      %sign3A_1880 = arith.cmpi sgt, %add3A_1876, %sign3A_1879 : i32
      %sign3A_1881 = arith.extui %sign3A_1880 : i1 to i32
      %sign3A_1882 = arith.constant 0 : i32
      %sign3A_1883 = arith.cmpi slt, %add3A_1876, %sign3A_1882 : i32
      %sign3A_1884 = arith.extui %sign3A_1883 : i1 to i32
      %sign3A_1885 = arith.subi %sign3A_1881, %sign3A_1884 : i32
      %sign3A_1886 = arith.constant 0 : i32
      %sign3A_1887 = arith.cmpi sgt, %jit3A_1877, %sign3A_1886 : i32
      %sign3A_1888 = arith.extui %sign3A_1887 : i1 to i32
      %sign3A_1889 = arith.constant 0 : i32
      %sign3A_1890 = arith.cmpi slt, %jit3A_1877, %sign3A_1889 : i32
      %sign3A_1891 = arith.extui %sign3A_1890 : i1 to i32
      %sign3A_1892 = arith.subi %sign3A_1888, %sign3A_1891 : i32
      %ne3A_1893 = arith.cmpi ne, %sign3A_1885, %sign3A_1892 : i32
      %rem3A_1894 = arith.remsi %add3A_1876, %jit3A_1877 : i32
      %ne3A_1895 = arith.constant 0 : i32
      %ne3A_1896 = arith.cmpi ne, %rem3A_1894, %ne3A_1895 : i32
      %and3A_1897 = arith.andi %ne3A_1893, %ne3A_1896 : i1
      %sub3A_1898 = arith.constant 1 : i32
      %sub3A_1899 = arith.subi %div3A_1878, %sub3A_1898 : i32
      %select_n3A_1900 = arith.select %and3A_1897, %sub3A_1899, %div3A_1878 : i32
      %rem3A_1901 = arith.constant 16 : i32
      %rem3A_1902 = arith.remsi %add3A_1876, %rem3A_1901 : i32
      %jit3A_1903 = arith.constant 4 : i32
      %div3A_1904 = arith.divsi %rem3A_1902, %jit3A_1903 : i32
      %sign3A_1905 = arith.constant 0 : i32
      %sign3A_1906 = arith.cmpi sgt, %rem3A_1902, %sign3A_1905 : i32
      %sign3A_1907 = arith.extui %sign3A_1906 : i1 to i32
      %sign3A_1908 = arith.constant 0 : i32
      %sign3A_1909 = arith.cmpi slt, %rem3A_1902, %sign3A_1908 : i32
      %sign3A_1910 = arith.extui %sign3A_1909 : i1 to i32
      %sign3A_1911 = arith.subi %sign3A_1907, %sign3A_1910 : i32
      %sign3A_1912 = arith.constant 0 : i32
      %sign3A_1913 = arith.cmpi sgt, %jit3A_1903, %sign3A_1912 : i32
      %sign3A_1914 = arith.extui %sign3A_1913 : i1 to i32
      %sign3A_1915 = arith.constant 0 : i32
      %sign3A_1916 = arith.cmpi slt, %jit3A_1903, %sign3A_1915 : i32
      %sign3A_1917 = arith.extui %sign3A_1916 : i1 to i32
      %sign3A_1918 = arith.subi %sign3A_1914, %sign3A_1917 : i32
      %ne3A_1919 = arith.cmpi ne, %sign3A_1911, %sign3A_1918 : i32
      %rem3A_1920 = arith.remsi %rem3A_1902, %jit3A_1903 : i32
      %ne3A_1921 = arith.constant 0 : i32
      %ne3A_1922 = arith.cmpi ne, %rem3A_1920, %ne3A_1921 : i32
      %and3A_1923 = arith.andi %ne3A_1919, %ne3A_1922 : i1
      %sub3A_1924 = arith.constant 1 : i32
      %sub3A_1925 = arith.subi %div3A_1904, %sub3A_1924 : i32
      %select_n3A_1926 = arith.select %and3A_1923, %sub3A_1925, %div3A_1904 : i32
      %mul3A_1927 = arith.constant 32 : i32
      %mul3A_1928 = arith.muli %select_n3A_1900, %mul3A_1927 : i32
      %rem3A_1929 = arith.constant 4 : i32
      %rem3A_1930 = arith.remsi %rem3A_1902, %rem3A_1929 : i32
      %mul3A_1931 = arith.constant 8 : i32
      %mul3A_1932 = arith.muli %rem3A_1930, %mul3A_1931 : i32
      %add3A_1933 = arith.addi %mul3A_1928, %mul3A_1932 : i32
      %rem3A_1934 = arith.constant 4 : i32
      %rem3A_1935 = arith.remsi %rem3A_1902, %rem3A_1934 : i32
      %mul3A_1936 = arith.constant 8 : i32
      %mul3A_1937 = arith.muli %rem3A_1935, %mul3A_1936 : i32
      %dma_wait3A_1938 = arith.constant 5 : i32
      %dma_wait3A_1939 = arith.constant 5 : i32
      %dma_wait3A_1940 = arith.constant 0 : i32
      %dma_wait3A_1941 = arith.constant 0 : i32
      %dma_wait3A_1942 = tpu.memref_slice %arg7[%dma_wait3A_1938, %dma_wait3A_1940, %dma_wait3A_1941] : memref<8x8x1024xf32, #tpu.memory_space<vmem>> -> memref<1x8x1024xf32, #tpu.memory_space<vmem>>
      %dma_wait3A_1943 = tpu.memref_squeeze %dma_wait3A_1942 : memref<1x8x1024xf32, #tpu.memory_space<vmem>> -> memref<8x1024xf32, #tpu.memory_space<vmem>>
      %dma_wait3A_1944 = arith.constant 0 : i32
      %dma_wait3A_1945 = tpu.memref_slice %arg6[%select_n3A_1926, %dma_wait3A_1944] : memref<4x64xi32, #tpu.memory_space<vmem>> -> memref<1x64xi32, #tpu.memory_space<vmem>>
      %dma_wait3A_1946 = tpu.memref_squeeze %dma_wait3A_1945 : memref<1x64xi32, #tpu.memory_space<vmem>> -> memref<64xi32, #tpu.memory_space<vmem>>
      %dma_wait3A_1947 = tpu.memref_slice %dma_wait3A_1946[%add3A_1933] : memref<64xi32, #tpu.memory_space<vmem>> -> memref<8xi32, #tpu.memory_space<vmem>>
      %dma_wait3A_1948 = arith.constant 0 : i32
      %dma_wait3A_1949 = arith.constant 0 : i32
      %dma_wait3A_1950 = tpu.memref_slice %arg3[%dma_wait3A_1948, %dma_wait3A_1949] : memref<100000x1024xf32, #tpu.memory_space<hbm>> -> memref<100000x1024xf32, #tpu.memory_space<hbm>>
      %dma_wait3A_1951 = tpu.memref_slice %arg9[%dma_wait3A_1939] : memref<8x!tpu.dma_semaphore, #tpu.memory_space<semaphore_mem>> -> memref<1x!tpu.dma_semaphore, #tpu.memory_space<semaphore_mem>>
      %dma_wait3A_1952 = tpu.memref_squeeze %dma_wait3A_1951 : memref<1x!tpu.dma_semaphore, #tpu.memory_space<semaphore_mem>> -> memref<!tpu.dma_semaphore, #tpu.memory_space<semaphore_mem>>
      tpu.wait_indirect_dma semaphore(%dma_wait3A_1952 : memref<!tpu.dma_semaphore, #tpu.memory_space<semaphore_mem>>) src(%dma_wait3A_1950 : memref<100000x1024xf32, #tpu.memory_space<hbm>>) dst(%dma_wait3A_1943 : memref<8x1024xf32, #tpu.memory_space<vmem>>)
      %jit3A_1953 = arith.constant 16 : i32
      %div3A_1954 = arith.divsi %add3A_1876, %jit3A_1953 : i32
      %sign3A_1955 = arith.constant 0 : i32
      %sign3A_1956 = arith.cmpi sgt, %add3A_1876, %sign3A_1955 : i32
      %sign3A_1957 = arith.extui %sign3A_1956 : i1 to i32
      %sign3A_1958 = arith.constant 0 : i32
      %sign3A_1959 = arith.cmpi slt, %add3A_1876, %sign3A_1958 : i32
      %sign3A_1960 = arith.extui %sign3A_1959 : i1 to i32
      %sign3A_1961 = arith.subi %sign3A_1957, %sign3A_1960 : i32
      %sign3A_1962 = arith.constant 0 : i32
      %sign3A_1963 = arith.cmpi sgt, %jit3A_1953, %sign3A_1962 : i32
      %sign3A_1964 = arith.extui %sign3A_1963 : i1 to i32
      %sign3A_1965 = arith.constant 0 : i32
      %sign3A_1966 = arith.cmpi slt, %jit3A_1953, %sign3A_1965 : i32
      %sign3A_1967 = arith.extui %sign3A_1966 : i1 to i32
      %sign3A_1968 = arith.subi %sign3A_1964, %sign3A_1967 : i32
      %ne3A_1969 = arith.cmpi ne, %sign3A_1961, %sign3A_1968 : i32
      %rem3A_1970 = arith.remsi %add3A_1876, %jit3A_1953 : i32
      %ne3A_1971 = arith.constant 0 : i32
      %ne3A_1972 = arith.cmpi ne, %rem3A_1970, %ne3A_1971 : i32
      %and3A_1973 = arith.andi %ne3A_1969, %ne3A_1972 : i1
      %sub3A_1974 = arith.constant 1 : i32
      %sub3A_1975 = arith.subi %div3A_1954, %sub3A_1974 : i32
      %select_n3A_1976 = arith.select %and3A_1973, %sub3A_1975, %div3A_1954 : i32
      %rem3A_1977 = arith.constant 16 : i32
      %rem3A_1978 = arith.remsi %add3A_1876, %rem3A_1977 : i32
      %jit3A_1979 = arith.constant 4 : i32
      %div3A_1980 = arith.divsi %rem3A_1978, %jit3A_1979 : i32
      %sign3A_1981 = arith.constant 0 : i32
      %sign3A_1982 = arith.cmpi sgt, %rem3A_1978, %sign3A_1981 : i32
      %sign3A_1983 = arith.extui %sign3A_1982 : i1 to i32
      %sign3A_1984 = arith.constant 0 : i32
      %sign3A_1985 = arith.cmpi slt, %rem3A_1978, %sign3A_1984 : i32
      %sign3A_1986 = arith.extui %sign3A_1985 : i1 to i32
      %sign3A_1987 = arith.subi %sign3A_1983, %sign3A_1986 : i32
      %sign3A_1988 = arith.constant 0 : i32
      %sign3A_1989 = arith.cmpi sgt, %jit3A_1979, %sign3A_1988 : i32
      %sign3A_1990 = arith.extui %sign3A_1989 : i1 to i32
      %sign3A_1991 = arith.constant 0 : i32
      %sign3A_1992 = arith.cmpi slt, %jit3A_1979, %sign3A_1991 : i32
      %sign3A_1993 = arith.extui %sign3A_1992 : i1 to i32
      %sign3A_1994 = arith.subi %sign3A_1990, %sign3A_1993 : i32
      %ne3A_1995 = arith.cmpi ne, %sign3A_1987, %sign3A_1994 : i32
      %rem3A_1996 = arith.remsi %rem3A_1978, %jit3A_1979 : i32
      %ne3A_1997 = arith.constant 0 : i32
      %ne3A_1998 = arith.cmpi ne, %rem3A_1996, %ne3A_1997 : i32
      %and3A_1999 = arith.andi %ne3A_1995, %ne3A_1998 : i1
      %sub3A_2000 = arith.constant 1 : i32
      %sub3A_2001 = arith.subi %div3A_1980, %sub3A_2000 : i32
      %select_n3A_2002 = arith.select %and3A_1999, %sub3A_2001, %div3A_1980 : i32
      %mul3A_2003 = arith.constant 32 : i32
      %mul3A_2004 = arith.muli %select_n3A_1976, %mul3A_2003 : i32
      %rem3A_2005 = arith.constant 4 : i32
      %rem3A_2006 = arith.remsi %rem3A_1978, %rem3A_2005 : i32
      %mul3A_2007 = arith.constant 8 : i32
      %mul3A_2008 = arith.muli %rem3A_2006, %mul3A_2007 : i32
      %add3A_2009 = arith.addi %mul3A_2004, %mul3A_2008 : i32
      %rem3A_2010 = arith.constant 4 : i32
      %rem3A_2011 = arith.remsi %rem3A_1978, %rem3A_2010 : i32
      %mul3A_2012 = arith.constant 8 : i32
      %mul3A_2013 = arith.muli %rem3A_2011, %mul3A_2012 : i32
      %parallel_loop3A_2014 = arith.constant 0 : i32
      %parallel_loop3A_2015 = arith.constant 8192 : i32
      %parallel_loop3A_2016 = arith.constant 16 : i32
      scf.for %parallel_loop3A_2565 = %parallel_loop3A_2014 to %parallel_loop3A_2015 step %parallel_loop3A_2016  : i32 {
        %parallel_loop3A_2566 = arith.constant 10 : i32
        %parallel_loop3A_2567 = arith.shrsi %parallel_loop3A_2565, %parallel_loop3A_2566 : i32
        %parallel_loop3A_2568 = arith.constant 1023 : i32
        %parallel_loop3A_2569 = arith.andi %parallel_loop3A_2565, %parallel_loop3A_2568 : i32
        %parallel_loop3A_2570 = tpu.assume_multiple %parallel_loop3A_2569, 16 : i32
        %parallel_loop3A_2571 = arith.addi %mul3A_2013, %parallel_loop3A_2567 : i32
        %parallel_loop3A_2572 = arith.index_cast %parallel_loop3A_2571 : i32 to index
        %parallel_loop3A_2573 = arith.index_cast %parallel_loop3A_2570 : i32 to index
        %parallel_loop3A_2574 = tpu.vector_load %arg8[%parallel_loop3A_2572, %parallel_loop3A_2573] {strides = array<i32>} : memref<32x1024xf32, #tpu.memory_space<vmem>>, vector<1x16xf32>,
        %parallel_loop3A_2575 = vector.shape_cast %parallel_loop3A_2574 : vector<1x16xf32> to vector<16xf32>
        %parallel_loop3A_2576 = arith.constant 5 : i32
        %parallel_loop3A_2577 = arith.constant 0 : i32
        %parallel_loop3A_2578 = arith.constant 0 : i32
        %parallel_loop3A_2579 = tpu.memref_slice %arg7[%parallel_loop3A_2576, %parallel_loop3A_2577, %parallel_loop3A_2578] : memref<8x8x1024xf32, #tpu.memory_space<vmem>> -> memref<1x8x1024xf32, #tpu.memory_space<vmem>>
        %parallel_loop3A_2580 = tpu.memref_squeeze %parallel_loop3A_2579 : memref<1x8x1024xf32, #tpu.memory_space<vmem>> -> memref<8x1024xf32, #tpu.memory_space<vmem>>
        %parallel_loop3A_2581 = arith.index_cast %parallel_loop3A_2567 : i32 to index
        %parallel_loop3A_2582 = arith.index_cast %parallel_loop3A_2570 : i32 to index
        %parallel_loop3A_2583 = tpu.vector_load %parallel_loop3A_2580[%parallel_loop3A_2581, %parallel_loop3A_2582] {strides = array<i32>} : memref<8x1024xf32, #tpu.memory_space<vmem>>, vector<1x16xf32>,
        %parallel_loop3A_2584 = vector.shape_cast %parallel_loop3A_2583 : vector<1x16xf32> to vector<16xf32>
        %parallel_loop3A_2585 = vector.shape_cast %parallel_loop3A_2575 : vector<16xf32> to vector<1x16xf32>
        tpu.vector_store %parallel_loop3A_2580[%parallel_loop3A_2581, %parallel_loop3A_2582], %parallel_loop3A_2585 {add = true, strides = array<i32>} : memref<8x1024xf32, #tpu.memory_space<vmem>>, vector<1x16xf32>,
      } {sc.loop_unroll_factor = 8 : i64, sc.parallel_access}
      %jit3A_2017 = arith.constant 16 : i32
      %div3A_2018 = arith.divsi %add3A_1876, %jit3A_2017 : i32
      %sign3A_2019 = arith.constant 0 : i32
      %sign3A_2020 = arith.cmpi sgt, %add3A_1876, %sign3A_2019 : i32
      %sign3A_2021 = arith.extui %sign3A_2020 : i1 to i32
      %sign3A_2022 = arith.constant 0 : i32
      %sign3A_2023 = arith.cmpi slt, %add3A_1876, %sign3A_2022 : i32
      %sign3A_2024 = arith.extui %sign3A_2023 : i1 to i32
      %sign3A_2025 = arith.subi %sign3A_2021, %sign3A_2024 : i32
      %sign3A_2026 = arith.constant 0 : i32
      %sign3A_2027 = arith.cmpi sgt, %jit3A_2017, %sign3A_2026 : i32
      %sign3A_2028 = arith.extui %sign3A_2027 : i1 to i32
      %sign3A_2029 = arith.constant 0 : i32
      %sign3A_2030 = arith.cmpi slt, %jit3A_2017, %sign3A_2029 : i32
      %sign3A_2031 = arith.extui %sign3A_2030 : i1 to i32
      %sign3A_2032 = arith.subi %sign3A_2028, %sign3A_2031 : i32
      %ne3A_2033 = arith.cmpi ne, %sign3A_2025, %sign3A_2032 : i32
      %rem3A_2034 = arith.remsi %add3A_1876, %jit3A_2017 : i32
      %ne3A_2035 = arith.constant 0 : i32
      %ne3A_2036 = arith.cmpi ne, %rem3A_2034, %ne3A_2035 : i32
      %and3A_2037 = arith.andi %ne3A_2033, %ne3A_2036 : i1
      %sub3A_2038 = arith.constant 1 : i32
      %sub3A_2039 = arith.subi %div3A_2018, %sub3A_2038 : i32
      %select_n3A_2040 = arith.select %and3A_2037, %sub3A_2039, %div3A_2018 : i32
      %rem3A_2041 = arith.constant 16 : i32
      %rem3A_2042 = arith.remsi %add3A_1876, %rem3A_2041 : i32
      %jit3A_2043 = arith.constant 4 : i32
      %div3A_2044 = arith.divsi %rem3A_2042, %jit3A_2043 : i32
      %sign3A_2045 = arith.constant 0 : i32
      %sign3A_2046 = arith.cmpi sgt, %rem3A_2042, %sign3A_2045 : i32
      %sign3A_2047 = arith.extui %sign3A_2046 : i1 to i32
      %sign3A_2048 = arith.constant 0 : i32
      %sign3A_2049 = arith.cmpi slt, %rem3A_2042, %sign3A_2048 : i32
      %sign3A_2050 = arith.extui %sign3A_2049 : i1 to i32
      %sign3A_2051 = arith.subi %sign3A_2047, %sign3A_2050 : i32
      %sign3A_2052 = arith.constant 0 : i32
      %sign3A_2053 = arith.cmpi sgt, %jit3A_2043, %sign3A_2052 : i32
      %sign3A_2054 = arith.extui %sign3A_2053 : i1 to i32
      %sign3A_2055 = arith.constant 0 : i32
      %sign3A_2056 = arith.cmpi slt, %jit3A_2043, %sign3A_2055 : i32
      %sign3A_2057 = arith.extui %sign3A_2056 : i1 to i32
      %sign3A_2058 = arith.subi %sign3A_2054, %sign3A_2057 : i32
      %ne3A_2059 = arith.cmpi ne, %sign3A_2051, %sign3A_2058 : i32
      %rem3A_2060 = arith.remsi %rem3A_2042, %jit3A_2043 : i32
      %ne3A_2061 = arith.constant 0 : i32
      %ne3A_2062 = arith.cmpi ne, %rem3A_2060, %ne3A_2061 : i32
      %and3A_2063 = arith.andi %ne3A_2059, %ne3A_2062 : i1
      %sub3A_2064 = arith.constant 1 : i32
      %sub3A_2065 = arith.subi %div3A_2044, %sub3A_2064 : i32
      %select_n3A_2066 = arith.select %and3A_2063, %sub3A_2065, %div3A_2044 : i32
      %mul3A_2067 = arith.constant 32 : i32
      %mul3A_2068 = arith.muli %select_n3A_2040, %mul3A_2067 : i32
      %rem3A_2069 = arith.constant 4 : i32
      %rem3A_2070 = arith.remsi %rem3A_2042, %rem3A_2069 : i32
      %mul3A_2071 = arith.constant 8 : i32
      %mul3A_2072 = arith.muli %rem3A_2070, %mul3A_2071 : i32
      %add3A_2073 = arith.addi %mul3A_2068, %mul3A_2072 : i32
      %rem3A_2074 = arith.constant 4 : i32
      %rem3A_2075 = arith.remsi %rem3A_2042, %rem3A_2074 : i32
      %mul3A_2076 = arith.constant 8 : i32
      %mul3A_2077 = arith.muli %rem3A_2075, %mul3A_2076 : i32
      %mul3A_2078 = arith.constant 2048 : i32
      %mul3A_2079 = arith.muli %select_n3A_2066, %mul3A_2078 : i32
      %add3A_2080 = arith.addi %mul3A_2079, %mul3A_2 : i32
      %add3A_2081 = arith.addi %add3A_2080, %add3A_2073 : i32
      %dma_start3A_2082 = arith.constant 5 : i32
      %dma_start3A_2083 = arith.constant 5 : i32
      %dma_start3A_2084 = arith.constant 0 : i32
      %dma_start3A_2085 = arith.constant 0 : i32
      %dma_start3A_2086 = tpu.memref_slice %arg7[%dma_start3A_2082, %dma_start3A_2084, %dma_start3A_2085] : memref<8x8x1024xf32, #tpu.memory_space<vmem>> -> memref<1x8x1024xf32, #tpu.memory_space<vmem>>
      %dma_start3A_2087 = tpu.memref_squeeze %dma_start3A_2086 : memref<1x8x1024xf32, #tpu.memory_space<vmem>> -> memref<8x1024xf32, #tpu.memory_space<vmem>>
      %dma_start3A_2088 = arith.constant 0 : i32
      %dma_start3A_2089 = tpu.memref_slice %arg5[%add3A_2081, %dma_start3A_2088] : memref<8192x1024xf32, #tpu.memory_space<hbm>> -> memref<8x1024xf32, #tpu.memory_space<hbm>>
      %dma_start3A_2090 = tpu.memref_slice %arg10[%dma_start3A_2083] : memref<8x!tpu.dma_semaphore, #tpu.memory_space<semaphore_mem>> -> memref<1x!tpu.dma_semaphore, #tpu.memory_space<semaphore_mem>>
      %dma_start3A_2091 = tpu.memref_squeeze %dma_start3A_2090 : memref<1x!tpu.dma_semaphore, #tpu.memory_space<semaphore_mem>> -> memref<!tpu.dma_semaphore, #tpu.memory_space<semaphore_mem>>
      %dma_start3A_2092 = arith.constant 0 : i32
      %dma_start3A_2093 = tpu.memref_slice %arg5[%add3A_2081, %dma_start3A_2092] : memref<8192x1024xf32, #tpu.memory_space<hbm>> -> memref<8x1024xf32, #tpu.memory_space<hbm>>
      %dma_start3A_2094 = arith.constant 0 : i32
      %dma_start3A_2095 = arith.constant 0 : i32
      %dma_start3A_2096 = tpu.memref_slice %arg7[%dma_start3A_2082, %dma_start3A_2094, %dma_start3A_2095] : memref<8x8x1024xf32, #tpu.memory_space<vmem>> -> memref<1x8x1024xf32, #tpu.memory_space<vmem>>
      %dma_start3A_2097 = tpu.memref_squeeze %dma_start3A_2096 : memref<1x8x1024xf32, #tpu.memory_space<vmem>> -> memref<8x1024xf32, #tpu.memory_space<vmem>>
      tpu.enqueue_dma source(%dma_start3A_2097 : memref<8x1024xf32, #tpu.memory_space<vmem>>) target(%dma_start3A_2093 : memref<8x1024xf32, #tpu.memory_space<hbm>>) target_semaphore(%dma_start3A_2091 : memref<!tpu.dma_semaphore, #tpu.memory_space<semaphore_mem>>)
      %add3A_2098 = arith.constant 5 : i32
      %add3A_2099 = arith.addi %add3A_1876, %add3A_2098 : i32
      %lt3A_2100 = arith.constant 32 : i32
      %lt3A_2101 = arith.cmpi slt, %add3A_2099, %lt3A_2100 : i32
      %convert_element_type3A_2102 = arith.extui %lt3A_2101 : i1 to i32
      %cond3A_2103 = arith.constant 0 : i32
      %cond3A_2104 = arith.cmpi ne, %convert_element_type3A_2102, %cond3A_2103 : i32
      scf.if %cond3A_2104 {
        %ge3A = arith.constant 8 : i32
        %ge3A_2565 = arith.cmpi sge, %add3A_2099, %ge3A : i32
        %convert_element_type3A_2566 = arith.extui %ge3A_2565 : i1 to i32
        %cond3A_2567 = arith.constant 0 : i32
        %cond3A_2568 = arith.cmpi ne, %convert_element_type3A_2566, %cond3A_2567 : i32
        scf.if %cond3A_2568 {
          %sub3A_2645 = arith.constant 8 : i32
          %sub3A_2646 = arith.subi %add3A_2099, %sub3A_2645 : i32
          %jit3A_2647 = arith.constant 16 : i32
          %div3A_2648 = arith.divsi %sub3A_2646, %jit3A_2647 : i32
          %sign3A_2649 = arith.constant 0 : i32
          %sign3A_2650 = arith.cmpi sgt, %sub3A_2646, %sign3A_2649 : i32
          %sign3A_2651 = arith.extui %sign3A_2650 : i1 to i32
          %sign3A_2652 = arith.constant 0 : i32
          %sign3A_2653 = arith.cmpi slt, %sub3A_2646, %sign3A_2652 : i32
          %sign3A_2654 = arith.extui %sign3A_2653 : i1 to i32
          %sign3A_2655 = arith.subi %sign3A_2651, %sign3A_2654 : i32
          %sign3A_2656 = arith.constant 0 : i32
          %sign3A_2657 = arith.cmpi sgt, %jit3A_2647, %sign3A_2656 : i32
          %sign3A_2658 = arith.extui %sign3A_2657 : i1 to i32
          %sign3A_2659 = arith.constant 0 : i32
          %sign3A_2660 = arith.cmpi slt, %jit3A_2647, %sign3A_2659 : i32
          %sign3A_2661 = arith.extui %sign3A_2660 : i1 to i32
          %sign3A_2662 = arith.subi %sign3A_2658, %sign3A_2661 : i32
          %ne3A_2663 = arith.cmpi ne, %sign3A_2655, %sign3A_2662 : i32
          %rem3A_2664 = arith.remsi %sub3A_2646, %jit3A_2647 : i32
          %ne3A_2665 = arith.constant 0 : i32
          %ne3A_2666 = arith.cmpi ne, %rem3A_2664, %ne3A_2665 : i32
          %and3A_2667 = arith.andi %ne3A_2663, %ne3A_2666 : i1
          %sub3A_2668 = arith.constant 1 : i32
          %sub3A_2669 = arith.subi %div3A_2648, %sub3A_2668 : i32
          %select_n3A_2670 = arith.select %and3A_2667, %sub3A_2669, %div3A_2648 : i32
          %rem3A_2671 = arith.constant 16 : i32
          %rem3A_2672 = arith.remsi %sub3A_2646, %rem3A_2671 : i32
          %jit3A_2673 = arith.constant 4 : i32
          %div3A_2674 = arith.divsi %rem3A_2672, %jit3A_2673 : i32
          %sign3A_2675 = arith.constant 0 : i32
          %sign3A_2676 = arith.cmpi sgt, %rem3A_2672, %sign3A_2675 : i32
          %sign3A_2677 = arith.extui %sign3A_2676 : i1 to i32
          %sign3A_2678 = arith.constant 0 : i32
          %sign3A_2679 = arith.cmpi slt, %rem3A_2672, %sign3A_2678 : i32
          %sign3A_2680 = arith.extui %sign3A_2679 : i1 to i32
          %sign3A_2681 = arith.subi %sign3A_2677, %sign3A_2680 : i32
          %sign3A_2682 = arith.constant 0 : i32
          %sign3A_2683 = arith.cmpi sgt, %jit3A_2673, %sign3A_2682 : i32
          %sign3A_2684 = arith.extui %sign3A_2683 : i1 to i32
          %sign3A_2685 = arith.constant 0 : i32
          %sign3A_2686 = arith.cmpi slt, %jit3A_2673, %sign3A_2685 : i32
          %sign3A_2687 = arith.extui %sign3A_2686 : i1 to i32
          %sign3A_2688 = arith.subi %sign3A_2684, %sign3A_2687 : i32
          %ne3A_2689 = arith.cmpi ne, %sign3A_2681, %sign3A_2688 : i32
          %rem3A_2690 = arith.remsi %rem3A_2672, %jit3A_2673 : i32
          %ne3A_2691 = arith.constant 0 : i32
          %ne3A_2692 = arith.cmpi ne, %rem3A_2690, %ne3A_2691 : i32
          %and3A_2693 = arith.andi %ne3A_2689, %ne3A_2692 : i1
          %sub3A_2694 = arith.constant 1 : i32
          %sub3A_2695 = arith.subi %div3A_2674, %sub3A_2694 : i32
          %select_n3A_2696 = arith.select %and3A_2693, %sub3A_2695, %div3A_2674 : i32
          %mul3A_2697 = arith.constant 32 : i32
          %mul3A_2698 = arith.muli %select_n3A_2670, %mul3A_2697 : i32
          %rem3A_2699 = arith.constant 4 : i32
          %rem3A_2700 = arith.remsi %rem3A_2672, %rem3A_2699 : i32
          %mul3A_2701 = arith.constant 8 : i32
          %mul3A_2702 = arith.muli %rem3A_2700, %mul3A_2701 : i32
          %add3A_2703 = arith.addi %mul3A_2698, %mul3A_2702 : i32
          %rem3A_2704 = arith.constant 4 : i32
          %rem3A_2705 = arith.remsi %rem3A_2672, %rem3A_2704 : i32
          %mul3A_2706 = arith.constant 8 : i32
          %mul3A_2707 = arith.muli %rem3A_2705, %mul3A_2706 : i32
          %mul3A_2708 = arith.constant 2048 : i32
          %mul3A_2709 = arith.muli %select_n3A_2696, %mul3A_2708 : i32
          %add3A_2710 = arith.addi %mul3A_2709, %mul3A_2 : i32
          %add3A_2711 = arith.addi %add3A_2710, %add3A_2703 : i32
          %dma_wait3A_2712 = arith.constant 2 : i32
          %dma_wait3A_2713 = arith.constant 2 : i32
          %dma_wait3A_2714 = arith.constant 0 : i32
          %dma_wait3A_2715 = arith.constant 0 : i32
          %dma_wait3A_2716 = tpu.memref_slice %arg7[%dma_wait3A_2712, %dma_wait3A_2714, %dma_wait3A_2715] : memref<8x8x1024xf32, #tpu.memory_space<vmem>> -> memref<1x8x1024xf32, #tpu.memory_space<vmem>>
          %dma_wait3A_2717 = tpu.memref_squeeze %dma_wait3A_2716 : memref<1x8x1024xf32, #tpu.memory_space<vmem>> -> memref<8x1024xf32, #tpu.memory_space<vmem>>
          %dma_wait3A_2718 = arith.constant 0 : i32
          %dma_wait3A_2719 = tpu.memref_slice %arg5[%add3A_2711, %dma_wait3A_2718] : memref<8192x1024xf32, #tpu.memory_space<hbm>> -> memref<8x1024xf32, #tpu.memory_space<hbm>>
          %dma_wait3A_2720 = tpu.memref_slice %arg10[%dma_wait3A_2713] : memref<8x!tpu.dma_semaphore, #tpu.memory_space<semaphore_mem>> -> memref<1x!tpu.dma_semaphore, #tpu.memory_space<semaphore_mem>>
          %dma_wait3A_2721 = tpu.memref_squeeze %dma_wait3A_2720 : memref<1x!tpu.dma_semaphore, #tpu.memory_space<semaphore_mem>> -> memref<!tpu.dma_semaphore, #tpu.memory_space<semaphore_mem>>
          %dma_wait3A_2722 = arith.constant 0 : i32
          %dma_wait3A_2723 = tpu.memref_slice %arg5[%add3A_2711, %dma_wait3A_2722] : memref<8192x1024xf32, #tpu.memory_space<hbm>> -> memref<8x1024xf32, #tpu.memory_space<hbm>>
          %dma_wait3A_2724 = arith.constant 0 : i32
          %dma_wait3A_2725 = arith.constant 0 : i32
          %dma_wait3A_2726 = tpu.memref_slice %arg7[%dma_wait3A_2712, %dma_wait3A_2724, %dma_wait3A_2725] : memref<8x8x1024xf32, #tpu.memory_space<vmem>> -> memref<1x8x1024xf32, #tpu.memory_space<vmem>>
          %dma_wait3A_2727 = tpu.memref_squeeze %dma_wait3A_2726 : memref<1x8x1024xf32, #tpu.memory_space<vmem>> -> memref<8x1024xf32, #tpu.memory_space<vmem>>
          tpu.wait_dma2 semaphore(%dma_wait3A_2721 : memref<!tpu.dma_semaphore, #tpu.memory_space<semaphore_mem>>) src(%dma_wait3A_2727 : memref<8x1024xf32, #tpu.memory_space<vmem>>) dst(%dma_wait3A_2723 : memref<8x1024xf32, #tpu.memory_space<hbm>>)
        } else {
        }
        %jit3A_2569 = arith.constant 16 : i32
        %div3A_2570 = arith.divsi %add3A_2099, %jit3A_2569 : i32
        %sign3A_2571 = arith.constant 0 : i32
        %sign3A_2572 = arith.cmpi sgt, %add3A_2099, %sign3A_2571 : i32
        %sign3A_2573 = arith.extui %sign3A_2572 : i1 to i32
        %sign3A_2574 = arith.constant 0 : i32
        %sign3A_2575 = arith.cmpi slt, %add3A_2099, %sign3A_2574 : i32
        %sign3A_2576 = arith.extui %sign3A_2575 : i1 to i32
        %sign3A_2577 = arith.subi %sign3A_2573, %sign3A_2576 : i32
        %sign3A_2578 = arith.constant 0 : i32
        %sign3A_2579 = arith.cmpi sgt, %jit3A_2569, %sign3A_2578 : i32
        %sign3A_2580 = arith.extui %sign3A_2579 : i1 to i32
        %sign3A_2581 = arith.constant 0 : i32
        %sign3A_2582 = arith.cmpi slt, %jit3A_2569, %sign3A_2581 : i32
        %sign3A_2583 = arith.extui %sign3A_2582 : i1 to i32
        %sign3A_2584 = arith.subi %sign3A_2580, %sign3A_2583 : i32
        %ne3A_2585 = arith.cmpi ne, %sign3A_2577, %sign3A_2584 : i32
        %rem3A_2586 = arith.remsi %add3A_2099, %jit3A_2569 : i32
        %ne3A_2587 = arith.constant 0 : i32
        %ne3A_2588 = arith.cmpi ne, %rem3A_2586, %ne3A_2587 : i32
        %and3A_2589 = arith.andi %ne3A_2585, %ne3A_2588 : i1
        %sub3A_2590 = arith.constant 1 : i32
        %sub3A_2591 = arith.subi %div3A_2570, %sub3A_2590 : i32
        %select_n3A_2592 = arith.select %and3A_2589, %sub3A_2591, %div3A_2570 : i32
        %rem3A_2593 = arith.constant 16 : i32
        %rem3A_2594 = arith.remsi %add3A_2099, %rem3A_2593 : i32
        %jit3A_2595 = arith.constant 4 : i32
        %div3A_2596 = arith.divsi %rem3A_2594, %jit3A_2595 : i32
        %sign3A_2597 = arith.constant 0 : i32
        %sign3A_2598 = arith.cmpi sgt, %rem3A_2594, %sign3A_2597 : i32
        %sign3A_2599 = arith.extui %sign3A_2598 : i1 to i32
        %sign3A_2600 = arith.constant 0 : i32
        %sign3A_2601 = arith.cmpi slt, %rem3A_2594, %sign3A_2600 : i32
        %sign3A_2602 = arith.extui %sign3A_2601 : i1 to i32
        %sign3A_2603 = arith.subi %sign3A_2599, %sign3A_2602 : i32
        %sign3A_2604 = arith.constant 0 : i32
        %sign3A_2605 = arith.cmpi sgt, %jit3A_2595, %sign3A_2604 : i32
        %sign3A_2606 = arith.extui %sign3A_2605 : i1 to i32
        %sign3A_2607 = arith.constant 0 : i32
        %sign3A_2608 = arith.cmpi slt, %jit3A_2595, %sign3A_2607 : i32
        %sign3A_2609 = arith.extui %sign3A_2608 : i1 to i32
        %sign3A_2610 = arith.subi %sign3A_2606, %sign3A_2609 : i32
        %ne3A_2611 = arith.cmpi ne, %sign3A_2603, %sign3A_2610 : i32
        %rem3A_2612 = arith.remsi %rem3A_2594, %jit3A_2595 : i32
        %ne3A_2613 = arith.constant 0 : i32
        %ne3A_2614 = arith.cmpi ne, %rem3A_2612, %ne3A_2613 : i32
        %and3A_2615 = arith.andi %ne3A_2611, %ne3A_2614 : i1
        %sub3A_2616 = arith.constant 1 : i32
        %sub3A_2617 = arith.subi %div3A_2596, %sub3A_2616 : i32
        %select_n3A_2618 = arith.select %and3A_2615, %sub3A_2617, %div3A_2596 : i32
        %mul3A_2619 = arith.constant 32 : i32
        %mul3A_2620 = arith.muli %select_n3A_2592, %mul3A_2619 : i32
        %rem3A_2621 = arith.constant 4 : i32
        %rem3A_2622 = arith.remsi %rem3A_2594, %rem3A_2621 : i32
        %mul3A_2623 = arith.constant 8 : i32
        %mul3A_2624 = arith.muli %rem3A_2622, %mul3A_2623 : i32
        %add3A_2625 = arith.addi %mul3A_2620, %mul3A_2624 : i32
        %rem3A_2626 = arith.constant 4 : i32
        %rem3A_2627 = arith.remsi %rem3A_2594, %rem3A_2626 : i32
        %mul3A_2628 = arith.constant 8 : i32
        %mul3A_2629 = arith.muli %rem3A_2627, %mul3A_2628 : i32
        %dma_start3A_2630 = arith.constant 2 : i32
        %dma_start3A_2631 = arith.constant 2 : i32
        %dma_start3A_2632 = arith.constant 0 : i32
        %dma_start3A_2633 = arith.constant 0 : i32
        %dma_start3A_2634 = tpu.memref_slice %arg7[%dma_start3A_2630, %dma_start3A_2632, %dma_start3A_2633] : memref<8x8x1024xf32, #tpu.memory_space<vmem>> -> memref<1x8x1024xf32, #tpu.memory_space<vmem>>
        %dma_start3A_2635 = tpu.memref_squeeze %dma_start3A_2634 : memref<1x8x1024xf32, #tpu.memory_space<vmem>> -> memref<8x1024xf32, #tpu.memory_space<vmem>>
        %dma_start3A_2636 = arith.constant 0 : i32
        %dma_start3A_2637 = tpu.memref_slice %arg6[%select_n3A_2618, %dma_start3A_2636] : memref<4x64xi32, #tpu.memory_space<vmem>> -> memref<1x64xi32, #tpu.memory_space<vmem>>
        %dma_start3A_2638 = tpu.memref_squeeze %dma_start3A_2637 : memref<1x64xi32, #tpu.memory_space<vmem>> -> memref<64xi32, #tpu.memory_space<vmem>>
        %dma_start3A_2639 = tpu.memref_slice %dma_start3A_2638[%add3A_2625] : memref<64xi32, #tpu.memory_space<vmem>> -> memref<8xi32, #tpu.memory_space<vmem>>
        %dma_start3A_2640 = arith.constant 0 : i32
        %dma_start3A_2641 = arith.constant 0 : i32
        %dma_start3A_2642 = tpu.memref_slice %arg3[%dma_start3A_2640, %dma_start3A_2641] : memref<100000x1024xf32, #tpu.memory_space<hbm>> -> memref<100000x1024xf32, #tpu.memory_space<hbm>>
        %dma_start3A_2643 = tpu.memref_slice %arg9[%dma_start3A_2631] : memref<8x!tpu.dma_semaphore, #tpu.memory_space<semaphore_mem>> -> memref<1x!tpu.dma_semaphore, #tpu.memory_space<semaphore_mem>>
        %dma_start3A_2644 = tpu.memref_squeeze %dma_start3A_2643 : memref<1x!tpu.dma_semaphore, #tpu.memory_space<semaphore_mem>> -> memref<!tpu.dma_semaphore, #tpu.memory_space<semaphore_mem>>
        tpu.enqueue_indirect_dma source(%dma_start3A_2642 : memref<100000x1024xf32, #tpu.memory_space<hbm>>) target(%dma_start3A_2635 : memref<8x1024xf32, #tpu.memory_space<vmem>>) offsets(%dma_start3A_2639 : memref<8xi32, #tpu.memory_space<vmem>>) semaphore(%dma_start3A_2644 : memref<!tpu.dma_semaphore, #tpu.memory_space<semaphore_mem>>)
      } else {
      }
      %add3A_2105 = arith.constant 6 : i32
      %add3A_2106 = arith.addi %add3A_724, %add3A_2105 : i32
      %jit3A_2107 = arith.constant 16 : i32
      %div3A_2108 = arith.divsi %add3A_2106, %jit3A_2107 : i32
      %sign3A_2109 = arith.constant 0 : i32
      %sign3A_2110 = arith.cmpi sgt, %add3A_2106, %sign3A_2109 : i32
      %sign3A_2111 = arith.extui %sign3A_2110 : i1 to i32
      %sign3A_2112 = arith.constant 0 : i32
      %sign3A_2113 = arith.cmpi slt, %add3A_2106, %sign3A_2112 : i32
      %sign3A_2114 = arith.extui %sign3A_2113 : i1 to i32
      %sign3A_2115 = arith.subi %sign3A_2111, %sign3A_2114 : i32
      %sign3A_2116 = arith.constant 0 : i32
      %sign3A_2117 = arith.cmpi sgt, %jit3A_2107, %sign3A_2116 : i32
      %sign3A_2118 = arith.extui %sign3A_2117 : i1 to i32
      %sign3A_2119 = arith.constant 0 : i32
      %sign3A_2120 = arith.cmpi slt, %jit3A_2107, %sign3A_2119 : i32
      %sign3A_2121 = arith.extui %sign3A_2120 : i1 to i32
      %sign3A_2122 = arith.subi %sign3A_2118, %sign3A_2121 : i32
      %ne3A_2123 = arith.cmpi ne, %sign3A_2115, %sign3A_2122 : i32
      %rem3A_2124 = arith.remsi %add3A_2106, %jit3A_2107 : i32
      %ne3A_2125 = arith.constant 0 : i32
      %ne3A_2126 = arith.cmpi ne, %rem3A_2124, %ne3A_2125 : i32
      %and3A_2127 = arith.andi %ne3A_2123, %ne3A_2126 : i1
      %sub3A_2128 = arith.constant 1 : i32
      %sub3A_2129 = arith.subi %div3A_2108, %sub3A_2128 : i32
      %select_n3A_2130 = arith.select %and3A_2127, %sub3A_2129, %div3A_2108 : i32
      %rem3A_2131 = arith.constant 16 : i32
      %rem3A_2132 = arith.remsi %add3A_2106, %rem3A_2131 : i32
      %jit3A_2133 = arith.constant 4 : i32
      %div3A_2134 = arith.divsi %rem3A_2132, %jit3A_2133 : i32
      %sign3A_2135 = arith.constant 0 : i32
      %sign3A_2136 = arith.cmpi sgt, %rem3A_2132, %sign3A_2135 : i32
      %sign3A_2137 = arith.extui %sign3A_2136 : i1 to i32
      %sign3A_2138 = arith.constant 0 : i32
      %sign3A_2139 = arith.cmpi slt, %rem3A_2132, %sign3A_2138 : i32
      %sign3A_2140 = arith.extui %sign3A_2139 : i1 to i32
      %sign3A_2141 = arith.subi %sign3A_2137, %sign3A_2140 : i32
      %sign3A_2142 = arith.constant 0 : i32
      %sign3A_2143 = arith.cmpi sgt, %jit3A_2133, %sign3A_2142 : i32
      %sign3A_2144 = arith.extui %sign3A_2143 : i1 to i32
      %sign3A_2145 = arith.constant 0 : i32
      %sign3A_2146 = arith.cmpi slt, %jit3A_2133, %sign3A_2145 : i32
      %sign3A_2147 = arith.extui %sign3A_2146 : i1 to i32
      %sign3A_2148 = arith.subi %sign3A_2144, %sign3A_2147 : i32
      %ne3A_2149 = arith.cmpi ne, %sign3A_2141, %sign3A_2148 : i32
      %rem3A_2150 = arith.remsi %rem3A_2132, %jit3A_2133 : i32
      %ne3A_2151 = arith.constant 0 : i32
      %ne3A_2152 = arith.cmpi ne, %rem3A_2150, %ne3A_2151 : i32
      %and3A_2153 = arith.andi %ne3A_2149, %ne3A_2152 : i1
      %sub3A_2154 = arith.constant 1 : i32
      %sub3A_2155 = arith.subi %div3A_2134, %sub3A_2154 : i32
      %select_n3A_2156 = arith.select %and3A_2153, %sub3A_2155, %div3A_2134 : i32
      %mul3A_2157 = arith.constant 32 : i32
      %mul3A_2158 = arith.muli %select_n3A_2130, %mul3A_2157 : i32
      %rem3A_2159 = arith.constant 4 : i32
      %rem3A_2160 = arith.remsi %rem3A_2132, %rem3A_2159 : i32
      %mul3A_2161 = arith.constant 8 : i32
      %mul3A_2162 = arith.muli %rem3A_2160, %mul3A_2161 : i32
      %add3A_2163 = arith.addi %mul3A_2158, %mul3A_2162 : i32
      %rem3A_2164 = arith.constant 4 : i32
      %rem3A_2165 = arith.remsi %rem3A_2132, %rem3A_2164 : i32
      %mul3A_2166 = arith.constant 8 : i32
      %mul3A_2167 = arith.muli %rem3A_2165, %mul3A_2166 : i32
      %dma_wait3A_2168 = arith.constant 6 : i32
      %dma_wait3A_2169 = arith.constant 6 : i32
      %dma_wait3A_2170 = arith.constant 0 : i32
      %dma_wait3A_2171 = arith.constant 0 : i32
      %dma_wait3A_2172 = tpu.memref_slice %arg7[%dma_wait3A_2168, %dma_wait3A_2170, %dma_wait3A_2171] : memref<8x8x1024xf32, #tpu.memory_space<vmem>> -> memref<1x8x1024xf32, #tpu.memory_space<vmem>>
      %dma_wait3A_2173 = tpu.memref_squeeze %dma_wait3A_2172 : memref<1x8x1024xf32, #tpu.memory_space<vmem>> -> memref<8x1024xf32, #tpu.memory_space<vmem>>
      %dma_wait3A_2174 = arith.constant 0 : i32
      %dma_wait3A_2175 = tpu.memref_slice %arg6[%select_n3A_2156, %dma_wait3A_2174] : memref<4x64xi32, #tpu.memory_space<vmem>> -> memref<1x64xi32, #tpu.memory_space<vmem>>
      %dma_wait3A_2176 = tpu.memref_squeeze %dma_wait3A_2175 : memref<1x64xi32, #tpu.memory_space<vmem>> -> memref<64xi32, #tpu.memory_space<vmem>>
      %dma_wait3A_2177 = tpu.memref_slice %dma_wait3A_2176[%add3A_2163] : memref<64xi32, #tpu.memory_space<vmem>> -> memref<8xi32, #tpu.memory_space<vmem>>
      %dma_wait3A_2178 = arith.constant 0 : i32
      %dma_wait3A_2179 = arith.constant 0 : i32
      %dma_wait3A_2180 = tpu.memref_slice %arg3[%dma_wait3A_2178, %dma_wait3A_2179] : memref<100000x1024xf32, #tpu.memory_space<hbm>> -> memref<100000x1024xf32, #tpu.memory_space<hbm>>
      %dma_wait3A_2181 = tpu.memref_slice %arg9[%dma_wait3A_2169] : memref<8x!tpu.dma_semaphore, #tpu.memory_space<semaphore_mem>> -> memref<1x!tpu.dma_semaphore, #tpu.memory_space<semaphore_mem>>
      %dma_wait3A_2182 = tpu.memref_squeeze %dma_wait3A_2181 : memref<1x!tpu.dma_semaphore, #tpu.memory_space<semaphore_mem>> -> memref<!tpu.dma_semaphore, #tpu.memory_space<semaphore_mem>>
      tpu.wait_indirect_dma semaphore(%dma_wait3A_2182 : memref<!tpu.dma_semaphore, #tpu.memory_space<semaphore_mem>>) src(%dma_wait3A_2180 : memref<100000x1024xf32, #tpu.memory_space<hbm>>) dst(%dma_wait3A_2173 : memref<8x1024xf32, #tpu.memory_space<vmem>>)
      %jit3A_2183 = arith.constant 16 : i32
      %div3A_2184 = arith.divsi %add3A_2106, %jit3A_2183 : i32
      %sign3A_2185 = arith.constant 0 : i32
      %sign3A_2186 = arith.cmpi sgt, %add3A_2106, %sign3A_2185 : i32
      %sign3A_2187 = arith.extui %sign3A_2186 : i1 to i32
      %sign3A_2188 = arith.constant 0 : i32
      %sign3A_2189 = arith.cmpi slt, %add3A_2106, %sign3A_2188 : i32
      %sign3A_2190 = arith.extui %sign3A_2189 : i1 to i32
      %sign3A_2191 = arith.subi %sign3A_2187, %sign3A_2190 : i32
      %sign3A_2192 = arith.constant 0 : i32
      %sign3A_2193 = arith.cmpi sgt, %jit3A_2183, %sign3A_2192 : i32
      %sign3A_2194 = arith.extui %sign3A_2193 : i1 to i32
      %sign3A_2195 = arith.constant 0 : i32
      %sign3A_2196 = arith.cmpi slt, %jit3A_2183, %sign3A_2195 : i32
      %sign3A_2197 = arith.extui %sign3A_2196 : i1 to i32
      %sign3A_2198 = arith.subi %sign3A_2194, %sign3A_2197 : i32
      %ne3A_2199 = arith.cmpi ne, %sign3A_2191, %sign3A_2198 : i32
      %rem3A_2200 = arith.remsi %add3A_2106, %jit3A_2183 : i32
      %ne3A_2201 = arith.constant 0 : i32
      %ne3A_2202 = arith.cmpi ne, %rem3A_2200, %ne3A_2201 : i32
      %and3A_2203 = arith.andi %ne3A_2199, %ne3A_2202 : i1
      %sub3A_2204 = arith.constant 1 : i32
      %sub3A_2205 = arith.subi %div3A_2184, %sub3A_2204 : i32
      %select_n3A_2206 = arith.select %and3A_2203, %sub3A_2205, %div3A_2184 : i32
      %rem3A_2207 = arith.constant 16 : i32
      %rem3A_2208 = arith.remsi %add3A_2106, %rem3A_2207 : i32
      %jit3A_2209 = arith.constant 4 : i32
      %div3A_2210 = arith.divsi %rem3A_2208, %jit3A_2209 : i32
      %sign3A_2211 = arith.constant 0 : i32
      %sign3A_2212 = arith.cmpi sgt, %rem3A_2208, %sign3A_2211 : i32
      %sign3A_2213 = arith.extui %sign3A_2212 : i1 to i32
      %sign3A_2214 = arith.constant 0 : i32
      %sign3A_2215 = arith.cmpi slt, %rem3A_2208, %sign3A_2214 : i32
      %sign3A_2216 = arith.extui %sign3A_2215 : i1 to i32
      %sign3A_2217 = arith.subi %sign3A_2213, %sign3A_2216 : i32
      %sign3A_2218 = arith.constant 0 : i32
      %sign3A_2219 = arith.cmpi sgt, %jit3A_2209, %sign3A_2218 : i32
      %sign3A_2220 = arith.extui %sign3A_2219 : i1 to i32
      %sign3A_2221 = arith.constant 0 : i32
      %sign3A_2222 = arith.cmpi slt, %jit3A_2209, %sign3A_2221 : i32
      %sign3A_2223 = arith.extui %sign3A_2222 : i1 to i32
      %sign3A_2224 = arith.subi %sign3A_2220, %sign3A_2223 : i32
      %ne3A_2225 = arith.cmpi ne, %sign3A_2217, %sign3A_2224 : i32
      %rem3A_2226 = arith.remsi %rem3A_2208, %jit3A_2209 : i32
      %ne3A_2227 = arith.constant 0 : i32
      %ne3A_2228 = arith.cmpi ne, %rem3A_2226, %ne3A_2227 : i32
      %and3A_2229 = arith.andi %ne3A_2225, %ne3A_2228 : i1
      %sub3A_2230 = arith.constant 1 : i32
      %sub3A_2231 = arith.subi %div3A_2210, %sub3A_2230 : i32
      %select_n3A_2232 = arith.select %and3A_2229, %sub3A_2231, %div3A_2210 : i32
      %mul3A_2233 = arith.constant 32 : i32
      %mul3A_2234 = arith.muli %select_n3A_2206, %mul3A_2233 : i32
      %rem3A_2235 = arith.constant 4 : i32
      %rem3A_2236 = arith.remsi %rem3A_2208, %rem3A_2235 : i32
      %mul3A_2237 = arith.constant 8 : i32
      %mul3A_2238 = arith.muli %rem3A_2236, %mul3A_2237 : i32
      %add3A_2239 = arith.addi %mul3A_2234, %mul3A_2238 : i32
      %rem3A_2240 = arith.constant 4 : i32
      %rem3A_2241 = arith.remsi %rem3A_2208, %rem3A_2240 : i32
      %mul3A_2242 = arith.constant 8 : i32
      %mul3A_2243 = arith.muli %rem3A_2241, %mul3A_2242 : i32
      %parallel_loop3A_2244 = arith.constant 0 : i32
      %parallel_loop3A_2245 = arith.constant 8192 : i32
      %parallel_loop3A_2246 = arith.constant 16 : i32
      scf.for %parallel_loop3A_2565 = %parallel_loop3A_2244 to %parallel_loop3A_2245 step %parallel_loop3A_2246  : i32 {
        %parallel_loop3A_2566 = arith.constant 10 : i32
        %parallel_loop3A_2567 = arith.shrsi %parallel_loop3A_2565, %parallel_loop3A_2566 : i32
        %parallel_loop3A_2568 = arith.constant 1023 : i32
        %parallel_loop3A_2569 = arith.andi %parallel_loop3A_2565, %parallel_loop3A_2568 : i32
        %parallel_loop3A_2570 = tpu.assume_multiple %parallel_loop3A_2569, 16 : i32
        %parallel_loop3A_2571 = arith.addi %mul3A_2243, %parallel_loop3A_2567 : i32
        %parallel_loop3A_2572 = arith.index_cast %parallel_loop3A_2571 : i32 to index
        %parallel_loop3A_2573 = arith.index_cast %parallel_loop3A_2570 : i32 to index
        %parallel_loop3A_2574 = tpu.vector_load %arg8[%parallel_loop3A_2572, %parallel_loop3A_2573] {strides = array<i32>} : memref<32x1024xf32, #tpu.memory_space<vmem>>, vector<1x16xf32>,
        %parallel_loop3A_2575 = vector.shape_cast %parallel_loop3A_2574 : vector<1x16xf32> to vector<16xf32>
        %parallel_loop3A_2576 = arith.constant 6 : i32
        %parallel_loop3A_2577 = arith.constant 0 : i32
        %parallel_loop3A_2578 = arith.constant 0 : i32
        %parallel_loop3A_2579 = tpu.memref_slice %arg7[%parallel_loop3A_2576, %parallel_loop3A_2577, %parallel_loop3A_2578] : memref<8x8x1024xf32, #tpu.memory_space<vmem>> -> memref<1x8x1024xf32, #tpu.memory_space<vmem>>
        %parallel_loop3A_2580 = tpu.memref_squeeze %parallel_loop3A_2579 : memref<1x8x1024xf32, #tpu.memory_space<vmem>> -> memref<8x1024xf32, #tpu.memory_space<vmem>>
        %parallel_loop3A_2581 = arith.index_cast %parallel_loop3A_2567 : i32 to index
        %parallel_loop3A_2582 = arith.index_cast %parallel_loop3A_2570 : i32 to index
        %parallel_loop3A_2583 = tpu.vector_load %parallel_loop3A_2580[%parallel_loop3A_2581, %parallel_loop3A_2582] {strides = array<i32>} : memref<8x1024xf32, #tpu.memory_space<vmem>>, vector<1x16xf32>,
        %parallel_loop3A_2584 = vector.shape_cast %parallel_loop3A_2583 : vector<1x16xf32> to vector<16xf32>
        %parallel_loop3A_2585 = vector.shape_cast %parallel_loop3A_2575 : vector<16xf32> to vector<1x16xf32>
        tpu.vector_store %parallel_loop3A_2580[%parallel_loop3A_2581, %parallel_loop3A_2582], %parallel_loop3A_2585 {add = true, strides = array<i32>} : memref<8x1024xf32, #tpu.memory_space<vmem>>, vector<1x16xf32>,
      } {sc.loop_unroll_factor = 8 : i64, sc.parallel_access}
      %jit3A_2247 = arith.constant 16 : i32
      %div3A_2248 = arith.divsi %add3A_2106, %jit3A_2247 : i32
      %sign3A_2249 = arith.constant 0 : i32
      %sign3A_2250 = arith.cmpi sgt, %add3A_2106, %sign3A_2249 : i32
      %sign3A_2251 = arith.extui %sign3A_2250 : i1 to i32
      %sign3A_2252 = arith.constant 0 : i32
      %sign3A_2253 = arith.cmpi slt, %add3A_2106, %sign3A_2252 : i32
      %sign3A_2254 = arith.extui %sign3A_2253 : i1 to i32
      %sign3A_2255 = arith.subi %sign3A_2251, %sign3A_2254 : i32
      %sign3A_2256 = arith.constant 0 : i32
      %sign3A_2257 = arith.cmpi sgt, %jit3A_2247, %sign3A_2256 : i32
      %sign3A_2258 = arith.extui %sign3A_2257 : i1 to i32
      %sign3A_2259 = arith.constant 0 : i32
      %sign3A_2260 = arith.cmpi slt, %jit3A_2247, %sign3A_2259 : i32
      %sign3A_2261 = arith.extui %sign3A_2260 : i1 to i32
      %sign3A_2262 = arith.subi %sign3A_2258, %sign3A_2261 : i32
      %ne3A_2263 = arith.cmpi ne, %sign3A_2255, %sign3A_2262 : i32
      %rem3A_2264 = arith.remsi %add3A_2106, %jit3A_2247 : i32
      %ne3A_2265 = arith.constant 0 : i32
      %ne3A_2266 = arith.cmpi ne, %rem3A_2264, %ne3A_2265 : i32
      %and3A_2267 = arith.andi %ne3A_2263, %ne3A_2266 : i1
      %sub3A_2268 = arith.constant 1 : i32
      %sub3A_2269 = arith.subi %div3A_2248, %sub3A_2268 : i32
      %select_n3A_2270 = arith.select %and3A_2267, %sub3A_2269, %div3A_2248 : i32
      %rem3A_2271 = arith.constant 16 : i32
      %rem3A_2272 = arith.remsi %add3A_2106, %rem3A_2271 : i32
      %jit3A_2273 = arith.constant 4 : i32
      %div3A_2274 = arith.divsi %rem3A_2272, %jit3A_2273 : i32
      %sign3A_2275 = arith.constant 0 : i32
      %sign3A_2276 = arith.cmpi sgt, %rem3A_2272, %sign3A_2275 : i32
      %sign3A_2277 = arith.extui %sign3A_2276 : i1 to i32
      %sign3A_2278 = arith.constant 0 : i32
      %sign3A_2279 = arith.cmpi slt, %rem3A_2272, %sign3A_2278 : i32
      %sign3A_2280 = arith.extui %sign3A_2279 : i1 to i32
      %sign3A_2281 = arith.subi %sign3A_2277, %sign3A_2280 : i32
      %sign3A_2282 = arith.constant 0 : i32
      %sign3A_2283 = arith.cmpi sgt, %jit3A_2273, %sign3A_2282 : i32
      %sign3A_2284 = arith.extui %sign3A_2283 : i1 to i32
      %sign3A_2285 = arith.constant 0 : i32
      %sign3A_2286 = arith.cmpi slt, %jit3A_2273, %sign3A_2285 : i32
      %sign3A_2287 = arith.extui %sign3A_2286 : i1 to i32
      %sign3A_2288 = arith.subi %sign3A_2284, %sign3A_2287 : i32
      %ne3A_2289 = arith.cmpi ne, %sign3A_2281, %sign3A_2288 : i32
      %rem3A_2290 = arith.remsi %rem3A_2272, %jit3A_2273 : i32
      %ne3A_2291 = arith.constant 0 : i32
      %ne3A_2292 = arith.cmpi ne, %rem3A_2290, %ne3A_2291 : i32
      %and3A_2293 = arith.andi %ne3A_2289, %ne3A_2292 : i1
      %sub3A_2294 = arith.constant 1 : i32
      %sub3A_2295 = arith.subi %div3A_2274, %sub3A_2294 : i32
      %select_n3A_2296 = arith.select %and3A_2293, %sub3A_2295, %div3A_2274 : i32
      %mul3A_2297 = arith.constant 32 : i32
      %mul3A_2298 = arith.muli %select_n3A_2270, %mul3A_2297 : i32
      %rem3A_2299 = arith.constant 4 : i32
      %rem3A_2300 = arith.remsi %rem3A_2272, %rem3A_2299 : i32
      %mul3A_2301 = arith.constant 8 : i32
      %mul3A_2302 = arith.muli %rem3A_2300, %mul3A_2301 : i32
      %add3A_2303 = arith.addi %mul3A_2298, %mul3A_2302 : i32
      %rem3A_2304 = arith.constant 4 : i32
      %rem3A_2305 = arith.remsi %rem3A_2272, %rem3A_2304 : i32
      %mul3A_2306 = arith.constant 8 : i32
      %mul3A_2307 = arith.muli %rem3A_2305, %mul3A_2306 : i32
      %mul3A_2308 = arith.constant 2048 : i32
      %mul3A_2309 = arith.muli %select_n3A_2296, %mul3A_2308 : i32
      %add3A_2310 = arith.addi %mul3A_2309, %mul3A_2 : i32
      %add3A_2311 = arith.addi %add3A_2310, %add3A_2303 : i32
      %dma_start3A_2312 = arith.constant 6 : i32
      %dma_start3A_2313 = arith.constant 6 : i32
      %dma_start3A_2314 = arith.constant 0 : i32
      %dma_start3A_2315 = arith.constant 0 : i32
      %dma_start3A_2316 = tpu.memref_slice %arg7[%dma_start3A_2312, %dma_start3A_2314, %dma_start3A_2315] : memref<8x8x1024xf32, #tpu.memory_space<vmem>> -> memref<1x8x1024xf32, #tpu.memory_space<vmem>>
      %dma_start3A_2317 = tpu.memref_squeeze %dma_start3A_2316 : memref<1x8x1024xf32, #tpu.memory_space<vmem>> -> memref<8x1024xf32, #tpu.memory_space<vmem>>
      %dma_start3A_2318 = arith.constant 0 : i32
      %dma_start3A_2319 = tpu.memref_slice %arg5[%add3A_2311, %dma_start3A_2318] : memref<8192x1024xf32, #tpu.memory_space<hbm>> -> memref<8x1024xf32, #tpu.memory_space<hbm>>
      %dma_start3A_2320 = tpu.memref_slice %arg10[%dma_start3A_2313] : memref<8x!tpu.dma_semaphore, #tpu.memory_space<semaphore_mem>> -> memref<1x!tpu.dma_semaphore, #tpu.memory_space<semaphore_mem>>
      %dma_start3A_2321 = tpu.memref_squeeze %dma_start3A_2320 : memref<1x!tpu.dma_semaphore, #tpu.memory_space<semaphore_mem>> -> memref<!tpu.dma_semaphore, #tpu.memory_space<semaphore_mem>>
      %dma_start3A_2322 = arith.constant 0 : i32
      %dma_start3A_2323 = tpu.memref_slice %arg5[%add3A_2311, %dma_start3A_2322] : memref<8192x1024xf32, #tpu.memory_space<hbm>> -> memref<8x1024xf32, #tpu.memory_space<hbm>>
      %dma_start3A_2324 = arith.constant 0 : i32
      %dma_start3A_2325 = arith.constant 0 : i32
      %dma_start3A_2326 = tpu.memref_slice %arg7[%dma_start3A_2312, %dma_start3A_2324, %dma_start3A_2325] : memref<8x8x1024xf32, #tpu.memory_space<vmem>> -> memref<1x8x1024xf32, #tpu.memory_space<vmem>>
      %dma_start3A_2327 = tpu.memref_squeeze %dma_start3A_2326 : memref<1x8x1024xf32, #tpu.memory_space<vmem>> -> memref<8x1024xf32, #tpu.memory_space<vmem>>
      tpu.enqueue_dma source(%dma_start3A_2327 : memref<8x1024xf32, #tpu.memory_space<vmem>>) target(%dma_start3A_2323 : memref<8x1024xf32, #tpu.memory_space<hbm>>) target_semaphore(%dma_start3A_2321 : memref<!tpu.dma_semaphore, #tpu.memory_space<semaphore_mem>>)
      %add3A_2328 = arith.constant 5 : i32
      %add3A_2329 = arith.addi %add3A_2106, %add3A_2328 : i32
      %lt3A_2330 = arith.constant 32 : i32
      %lt3A_2331 = arith.cmpi slt, %add3A_2329, %lt3A_2330 : i32
      %convert_element_type3A_2332 = arith.extui %lt3A_2331 : i1 to i32
      %cond3A_2333 = arith.constant 0 : i32
      %cond3A_2334 = arith.cmpi ne, %convert_element_type3A_2332, %cond3A_2333 : i32
      scf.if %cond3A_2334 {
        %ge3A = arith.constant 8 : i32
        %ge3A_2565 = arith.cmpi sge, %add3A_2329, %ge3A : i32
        %convert_element_type3A_2566 = arith.extui %ge3A_2565 : i1 to i32
        %cond3A_2567 = arith.constant 0 : i32
        %cond3A_2568 = arith.cmpi ne, %convert_element_type3A_2566, %cond3A_2567 : i32
        scf.if %cond3A_2568 {
          %sub3A_2645 = arith.constant 8 : i32
          %sub3A_2646 = arith.subi %add3A_2329, %sub3A_2645 : i32
          %jit3A_2647 = arith.constant 16 : i32
          %div3A_2648 = arith.divsi %sub3A_2646, %jit3A_2647 : i32
          %sign3A_2649 = arith.constant 0 : i32
          %sign3A_2650 = arith.cmpi sgt, %sub3A_2646, %sign3A_2649 : i32
          %sign3A_2651 = arith.extui %sign3A_2650 : i1 to i32
          %sign3A_2652 = arith.constant 0 : i32
          %sign3A_2653 = arith.cmpi slt, %sub3A_2646, %sign3A_2652 : i32
          %sign3A_2654 = arith.extui %sign3A_2653 : i1 to i32
          %sign3A_2655 = arith.subi %sign3A_2651, %sign3A_2654 : i32
          %sign3A_2656 = arith.constant 0 : i32
          %sign3A_2657 = arith.cmpi sgt, %jit3A_2647, %sign3A_2656 : i32
          %sign3A_2658 = arith.extui %sign3A_2657 : i1 to i32
          %sign3A_2659 = arith.constant 0 : i32
          %sign3A_2660 = arith.cmpi slt, %jit3A_2647, %sign3A_2659 : i32
          %sign3A_2661 = arith.extui %sign3A_2660 : i1 to i32
          %sign3A_2662 = arith.subi %sign3A_2658, %sign3A_2661 : i32
          %ne3A_2663 = arith.cmpi ne, %sign3A_2655, %sign3A_2662 : i32
          %rem3A_2664 = arith.remsi %sub3A_2646, %jit3A_2647 : i32
          %ne3A_2665 = arith.constant 0 : i32
          %ne3A_2666 = arith.cmpi ne, %rem3A_2664, %ne3A_2665 : i32
          %and3A_2667 = arith.andi %ne3A_2663, %ne3A_2666 : i1
          %sub3A_2668 = arith.constant 1 : i32
          %sub3A_2669 = arith.subi %div3A_2648, %sub3A_2668 : i32
          %select_n3A_2670 = arith.select %and3A_2667, %sub3A_2669, %div3A_2648 : i32
          %rem3A_2671 = arith.constant 16 : i32
          %rem3A_2672 = arith.remsi %sub3A_2646, %rem3A_2671 : i32
          %jit3A_2673 = arith.constant 4 : i32
          %div3A_2674 = arith.divsi %rem3A_2672, %jit3A_2673 : i32
          %sign3A_2675 = arith.constant 0 : i32
          %sign3A_2676 = arith.cmpi sgt, %rem3A_2672, %sign3A_2675 : i32
          %sign3A_2677 = arith.extui %sign3A_2676 : i1 to i32
          %sign3A_2678 = arith.constant 0 : i32
          %sign3A_2679 = arith.cmpi slt, %rem3A_2672, %sign3A_2678 : i32
          %sign3A_2680 = arith.extui %sign3A_2679 : i1 to i32
          %sign3A_2681 = arith.subi %sign3A_2677, %sign3A_2680 : i32
          %sign3A_2682 = arith.constant 0 : i32
          %sign3A_2683 = arith.cmpi sgt, %jit3A_2673, %sign3A_2682 : i32
          %sign3A_2684 = arith.extui %sign3A_2683 : i1 to i32
          %sign3A_2685 = arith.constant 0 : i32
          %sign3A_2686 = arith.cmpi slt, %jit3A_2673, %sign3A_2685 : i32
          %sign3A_2687 = arith.extui %sign3A_2686 : i1 to i32
          %sign3A_2688 = arith.subi %sign3A_2684, %sign3A_2687 : i32
          %ne3A_2689 = arith.cmpi ne, %sign3A_2681, %sign3A_2688 : i32
          %rem3A_2690 = arith.remsi %rem3A_2672, %jit3A_2673 : i32
          %ne3A_2691 = arith.constant 0 : i32
          %ne3A_2692 = arith.cmpi ne, %rem3A_2690, %ne3A_2691 : i32
          %and3A_2693 = arith.andi %ne3A_2689, %ne3A_2692 : i1
          %sub3A_2694 = arith.constant 1 : i32
          %sub3A_2695 = arith.subi %div3A_2674, %sub3A_2694 : i32
          %select_n3A_2696 = arith.select %and3A_2693, %sub3A_2695, %div3A_2674 : i32
          %mul3A_2697 = arith.constant 32 : i32
          %mul3A_2698 = arith.muli %select_n3A_2670, %mul3A_2697 : i32
          %rem3A_2699 = arith.constant 4 : i32
          %rem3A_2700 = arith.remsi %rem3A_2672, %rem3A_2699 : i32
          %mul3A_2701 = arith.constant 8 : i32
          %mul3A_2702 = arith.muli %rem3A_2700, %mul3A_2701 : i32
          %add3A_2703 = arith.addi %mul3A_2698, %mul3A_2702 : i32
          %rem3A_2704 = arith.constant 4 : i32
          %rem3A_2705 = arith.remsi %rem3A_2672, %rem3A_2704 : i32
          %mul3A_2706 = arith.constant 8 : i32
          %mul3A_2707 = arith.muli %rem3A_2705, %mul3A_2706 : i32
          %mul3A_2708 = arith.constant 2048 : i32
          %mul3A_2709 = arith.muli %select_n3A_2696, %mul3A_2708 : i32
          %add3A_2710 = arith.addi %mul3A_2709, %mul3A_2 : i32
          %add3A_2711 = arith.addi %add3A_2710, %add3A_2703 : i32
          %dma_wait3A_2712 = arith.constant 3 : i32
          %dma_wait3A_2713 = arith.constant 3 : i32
          %dma_wait3A_2714 = arith.constant 0 : i32
          %dma_wait3A_2715 = arith.constant 0 : i32
          %dma_wait3A_2716 = tpu.memref_slice %arg7[%dma_wait3A_2712, %dma_wait3A_2714, %dma_wait3A_2715] : memref<8x8x1024xf32, #tpu.memory_space<vmem>> -> memref<1x8x1024xf32, #tpu.memory_space<vmem>>
          %dma_wait3A_2717 = tpu.memref_squeeze %dma_wait3A_2716 : memref<1x8x1024xf32, #tpu.memory_space<vmem>> -> memref<8x1024xf32, #tpu.memory_space<vmem>>
          %dma_wait3A_2718 = arith.constant 0 : i32
          %dma_wait3A_2719 = tpu.memref_slice %arg5[%add3A_2711, %dma_wait3A_2718] : memref<8192x1024xf32, #tpu.memory_space<hbm>> -> memref<8x1024xf32, #tpu.memory_space<hbm>>
          %dma_wait3A_2720 = tpu.memref_slice %arg10[%dma_wait3A_2713] : memref<8x!tpu.dma_semaphore, #tpu.memory_space<semaphore_mem>> -> memref<1x!tpu.dma_semaphore, #tpu.memory_space<semaphore_mem>>
          %dma_wait3A_2721 = tpu.memref_squeeze %dma_wait3A_2720 : memref<1x!tpu.dma_semaphore, #tpu.memory_space<semaphore_mem>> -> memref<!tpu.dma_semaphore, #tpu.memory_space<semaphore_mem>>
          %dma_wait3A_2722 = arith.constant 0 : i32
          %dma_wait3A_2723 = tpu.memref_slice %arg5[%add3A_2711, %dma_wait3A_2722] : memref<8192x1024xf32, #tpu.memory_space<hbm>> -> memref<8x1024xf32, #tpu.memory_space<hbm>>
          %dma_wait3A_2724 = arith.constant 0 : i32
          %dma_wait3A_2725 = arith.constant 0 : i32
          %dma_wait3A_2726 = tpu.memref_slice %arg7[%dma_wait3A_2712, %dma_wait3A_2724, %dma_wait3A_2725] : memref<8x8x1024xf32, #tpu.memory_space<vmem>> -> memref<1x8x1024xf32, #tpu.memory_space<vmem>>
          %dma_wait3A_2727 = tpu.memref_squeeze %dma_wait3A_2726 : memref<1x8x1024xf32, #tpu.memory_space<vmem>> -> memref<8x1024xf32, #tpu.memory_space<vmem>>
          tpu.wait_dma2 semaphore(%dma_wait3A_2721 : memref<!tpu.dma_semaphore, #tpu.memory_space<semaphore_mem>>) src(%dma_wait3A_2727 : memref<8x1024xf32, #tpu.memory_space<vmem>>) dst(%dma_wait3A_2723 : memref<8x1024xf32, #tpu.memory_space<hbm>>)
        } else {
        }
        %jit3A_2569 = arith.constant 16 : i32
        %div3A_2570 = arith.divsi %add3A_2329, %jit3A_2569 : i32
        %sign3A_2571 = arith.constant 0 : i32
        %sign3A_2572 = arith.cmpi sgt, %add3A_2329, %sign3A_2571 : i32
        %sign3A_2573 = arith.extui %sign3A_2572 : i1 to i32
        %sign3A_2574 = arith.constant 0 : i32
        %sign3A_2575 = arith.cmpi slt, %add3A_2329, %sign3A_2574 : i32
        %sign3A_2576 = arith.extui %sign3A_2575 : i1 to i32
        %sign3A_2577 = arith.subi %sign3A_2573, %sign3A_2576 : i32
        %sign3A_2578 = arith.constant 0 : i32
        %sign3A_2579 = arith.cmpi sgt, %jit3A_2569, %sign3A_2578 : i32
        %sign3A_2580 = arith.extui %sign3A_2579 : i1 to i32
        %sign3A_2581 = arith.constant 0 : i32
        %sign3A_2582 = arith.cmpi slt, %jit3A_2569, %sign3A_2581 : i32
        %sign3A_2583 = arith.extui %sign3A_2582 : i1 to i32
        %sign3A_2584 = arith.subi %sign3A_2580, %sign3A_2583 : i32
        %ne3A_2585 = arith.cmpi ne, %sign3A_2577, %sign3A_2584 : i32
        %rem3A_2586 = arith.remsi %add3A_2329, %jit3A_2569 : i32
        %ne3A_2587 = arith.constant 0 : i32
        %ne3A_2588 = arith.cmpi ne, %rem3A_2586, %ne3A_2587 : i32
        %and3A_2589 = arith.andi %ne3A_2585, %ne3A_2588 : i1
        %sub3A_2590 = arith.constant 1 : i32
        %sub3A_2591 = arith.subi %div3A_2570, %sub3A_2590 : i32
        %select_n3A_2592 = arith.select %and3A_2589, %sub3A_2591, %div3A_2570 : i32
        %rem3A_2593 = arith.constant 16 : i32
        %rem3A_2594 = arith.remsi %add3A_2329, %rem3A_2593 : i32
        %jit3A_2595 = arith.constant 4 : i32
        %div3A_2596 = arith.divsi %rem3A_2594, %jit3A_2595 : i32
        %sign3A_2597 = arith.constant 0 : i32
        %sign3A_2598 = arith.cmpi sgt, %rem3A_2594, %sign3A_2597 : i32
        %sign3A_2599 = arith.extui %sign3A_2598 : i1 to i32
        %sign3A_2600 = arith.constant 0 : i32
        %sign3A_2601 = arith.cmpi slt, %rem3A_2594, %sign3A_2600 : i32
        %sign3A_2602 = arith.extui %sign3A_2601 : i1 to i32
        %sign3A_2603 = arith.subi %sign3A_2599, %sign3A_2602 : i32
        %sign3A_2604 = arith.constant 0 : i32
        %sign3A_2605 = arith.cmpi sgt, %jit3A_2595, %sign3A_2604 : i32
        %sign3A_2606 = arith.extui %sign3A_2605 : i1 to i32
        %sign3A_2607 = arith.constant 0 : i32
        %sign3A_2608 = arith.cmpi slt, %jit3A_2595, %sign3A_2607 : i32
        %sign3A_2609 = arith.extui %sign3A_2608 : i1 to i32
        %sign3A_2610 = arith.subi %sign3A_2606, %sign3A_2609 : i32
        %ne3A_2611 = arith.cmpi ne, %sign3A_2603, %sign3A_2610 : i32
        %rem3A_2612 = arith.remsi %rem3A_2594, %jit3A_2595 : i32
        %ne3A_2613 = arith.constant 0 : i32
        %ne3A_2614 = arith.cmpi ne, %rem3A_2612, %ne3A_2613 : i32
        %and3A_2615 = arith.andi %ne3A_2611, %ne3A_2614 : i1
        %sub3A_2616 = arith.constant 1 : i32
        %sub3A_2617 = arith.subi %div3A_2596, %sub3A_2616 : i32
        %select_n3A_2618 = arith.select %and3A_2615, %sub3A_2617, %div3A_2596 : i32
        %mul3A_2619 = arith.constant 32 : i32
        %mul3A_2620 = arith.muli %select_n3A_2592, %mul3A_2619 : i32
        %rem3A_2621 = arith.constant 4 : i32
        %rem3A_2622 = arith.remsi %rem3A_2594, %rem3A_2621 : i32
        %mul3A_2623 = arith.constant 8 : i32
        %mul3A_2624 = arith.muli %rem3A_2622, %mul3A_2623 : i32
        %add3A_2625 = arith.addi %mul3A_2620, %mul3A_2624 : i32
        %rem3A_2626 = arith.constant 4 : i32
        %rem3A_2627 = arith.remsi %rem3A_2594, %rem3A_2626 : i32
        %mul3A_2628 = arith.constant 8 : i32
        %mul3A_2629 = arith.muli %rem3A_2627, %mul3A_2628 : i32
        %dma_start3A_2630 = arith.constant 3 : i32
        %dma_start3A_2631 = arith.constant 3 : i32
        %dma_start3A_2632 = arith.constant 0 : i32
        %dma_start3A_2633 = arith.constant 0 : i32
        %dma_start3A_2634 = tpu.memref_slice %arg7[%dma_start3A_2630, %dma_start3A_2632, %dma_start3A_2633] : memref<8x8x1024xf32, #tpu.memory_space<vmem>> -> memref<1x8x1024xf32, #tpu.memory_space<vmem>>
        %dma_start3A_2635 = tpu.memref_squeeze %dma_start3A_2634 : memref<1x8x1024xf32, #tpu.memory_space<vmem>> -> memref<8x1024xf32, #tpu.memory_space<vmem>>
        %dma_start3A_2636 = arith.constant 0 : i32
        %dma_start3A_2637 = tpu.memref_slice %arg6[%select_n3A_2618, %dma_start3A_2636] : memref<4x64xi32, #tpu.memory_space<vmem>> -> memref<1x64xi32, #tpu.memory_space<vmem>>
        %dma_start3A_2638 = tpu.memref_squeeze %dma_start3A_2637 : memref<1x64xi32, #tpu.memory_space<vmem>> -> memref<64xi32, #tpu.memory_space<vmem>>
        %dma_start3A_2639 = tpu.memref_slice %dma_start3A_2638[%add3A_2625] : memref<64xi32, #tpu.memory_space<vmem>> -> memref<8xi32, #tpu.memory_space<vmem>>
        %dma_start3A_2640 = arith.constant 0 : i32
        %dma_start3A_2641 = arith.constant 0 : i32
        %dma_start3A_2642 = tpu.memref_slice %arg3[%dma_start3A_2640, %dma_start3A_2641] : memref<100000x1024xf32, #tpu.memory_space<hbm>> -> memref<100000x1024xf32, #tpu.memory_space<hbm>>
        %dma_start3A_2643 = tpu.memref_slice %arg9[%dma_start3A_2631] : memref<8x!tpu.dma_semaphore, #tpu.memory_space<semaphore_mem>> -> memref<1x!tpu.dma_semaphore, #tpu.memory_space<semaphore_mem>>
        %dma_start3A_2644 = tpu.memref_squeeze %dma_start3A_2643 : memref<1x!tpu.dma_semaphore, #tpu.memory_space<semaphore_mem>> -> memref<!tpu.dma_semaphore, #tpu.memory_space<semaphore_mem>>
        tpu.enqueue_indirect_dma source(%dma_start3A_2642 : memref<100000x1024xf32, #tpu.memory_space<hbm>>) target(%dma_start3A_2635 : memref<8x1024xf32, #tpu.memory_space<vmem>>) offsets(%dma_start3A_2639 : memref<8xi32, #tpu.memory_space<vmem>>) semaphore(%dma_start3A_2644 : memref<!tpu.dma_semaphore, #tpu.memory_space<semaphore_mem>>)
      } else {
      }
      %add3A_2335 = arith.constant 7 : i32
      %add3A_2336 = arith.addi %add3A_724, %add3A_2335 : i32
      %jit3A_2337 = arith.constant 16 : i32
      %div3A_2338 = arith.divsi %add3A_2336, %jit3A_2337 : i32
      %sign3A_2339 = arith.constant 0 : i32
      %sign3A_2340 = arith.cmpi sgt, %add3A_2336, %sign3A_2339 : i32
      %sign3A_2341 = arith.extui %sign3A_2340 : i1 to i32
      %sign3A_2342 = arith.constant 0 : i32
      %sign3A_2343 = arith.cmpi slt, %add3A_2336, %sign3A_2342 : i32
      %sign3A_2344 = arith.extui %sign3A_2343 : i1 to i32
      %sign3A_2345 = arith.subi %sign3A_2341, %sign3A_2344 : i32
      %sign3A_2346 = arith.constant 0 : i32
      %sign3A_2347 = arith.cmpi sgt, %jit3A_2337, %sign3A_2346 : i32
      %sign3A_2348 = arith.extui %sign3A_2347 : i1 to i32
      %sign3A_2349 = arith.constant 0 : i32
      %sign3A_2350 = arith.cmpi slt, %jit3A_2337, %sign3A_2349 : i32
      %sign3A_2351 = arith.extui %sign3A_2350 : i1 to i32
      %sign3A_2352 = arith.subi %sign3A_2348, %sign3A_2351 : i32
      %ne3A_2353 = arith.cmpi ne, %sign3A_2345, %sign3A_2352 : i32
      %rem3A_2354 = arith.remsi %add3A_2336, %jit3A_2337 : i32
      %ne3A_2355 = arith.constant 0 : i32
      %ne3A_2356 = arith.cmpi ne, %rem3A_2354, %ne3A_2355 : i32
      %and3A_2357 = arith.andi %ne3A_2353, %ne3A_2356 : i1
      %sub3A_2358 = arith.constant 1 : i32
      %sub3A_2359 = arith.subi %div3A_2338, %sub3A_2358 : i32
      %select_n3A_2360 = arith.select %and3A_2357, %sub3A_2359, %div3A_2338 : i32
      %rem3A_2361 = arith.constant 16 : i32
      %rem3A_2362 = arith.remsi %add3A_2336, %rem3A_2361 : i32
      %jit3A_2363 = arith.constant 4 : i32
      %div3A_2364 = arith.divsi %rem3A_2362, %jit3A_2363 : i32
      %sign3A_2365 = arith.constant 0 : i32
      %sign3A_2366 = arith.cmpi sgt, %rem3A_2362, %sign3A_2365 : i32
      %sign3A_2367 = arith.extui %sign3A_2366 : i1 to i32
      %sign3A_2368 = arith.constant 0 : i32
      %sign3A_2369 = arith.cmpi slt, %rem3A_2362, %sign3A_2368 : i32
      %sign3A_2370 = arith.extui %sign3A_2369 : i1 to i32
      %sign3A_2371 = arith.subi %sign3A_2367, %sign3A_2370 : i32
      %sign3A_2372 = arith.constant 0 : i32
      %sign3A_2373 = arith.cmpi sgt, %jit3A_2363, %sign3A_2372 : i32
      %sign3A_2374 = arith.extui %sign3A_2373 : i1 to i32
      %sign3A_2375 = arith.constant 0 : i32
      %sign3A_2376 = arith.cmpi slt, %jit3A_2363, %sign3A_2375 : i32
      %sign3A_2377 = arith.extui %sign3A_2376 : i1 to i32
      %sign3A_2378 = arith.subi %sign3A_2374, %sign3A_2377 : i32
      %ne3A_2379 = arith.cmpi ne, %sign3A_2371, %sign3A_2378 : i32
      %rem3A_2380 = arith.remsi %rem3A_2362, %jit3A_2363 : i32
      %ne3A_2381 = arith.constant 0 : i32
      %ne3A_2382 = arith.cmpi ne, %rem3A_2380, %ne3A_2381 : i32
      %and3A_2383 = arith.andi %ne3A_2379, %ne3A_2382 : i1
      %sub3A_2384 = arith.constant 1 : i32
      %sub3A_2385 = arith.subi %div3A_2364, %sub3A_2384 : i32
      %select_n3A_2386 = arith.select %and3A_2383, %sub3A_2385, %div3A_2364 : i32
      %mul3A_2387 = arith.constant 32 : i32
      %mul3A_2388 = arith.muli %select_n3A_2360, %mul3A_2387 : i32
      %rem3A_2389 = arith.constant 4 : i32
      %rem3A_2390 = arith.remsi %rem3A_2362, %rem3A_2389 : i32
      %mul3A_2391 = arith.constant 8 : i32
      %mul3A_2392 = arith.muli %rem3A_2390, %mul3A_2391 : i32
      %add3A_2393 = arith.addi %mul3A_2388, %mul3A_2392 : i32
      %rem3A_2394 = arith.constant 4 : i32
      %rem3A_2395 = arith.remsi %rem3A_2362, %rem3A_2394 : i32
      %mul3A_2396 = arith.constant 8 : i32
      %mul3A_2397 = arith.muli %rem3A_2395, %mul3A_2396 : i32
      %dma_wait3A_2398 = arith.constant 7 : i32
      %dma_wait3A_2399 = arith.constant 7 : i32
      %dma_wait3A_2400 = arith.constant 0 : i32
      %dma_wait3A_2401 = arith.constant 0 : i32
      %dma_wait3A_2402 = tpu.memref_slice %arg7[%dma_wait3A_2398, %dma_wait3A_2400, %dma_wait3A_2401] : memref<8x8x1024xf32, #tpu.memory_space<vmem>> -> memref<1x8x1024xf32, #tpu.memory_space<vmem>>
      %dma_wait3A_2403 = tpu.memref_squeeze %dma_wait3A_2402 : memref<1x8x1024xf32, #tpu.memory_space<vmem>> -> memref<8x1024xf32, #tpu.memory_space<vmem>>
      %dma_wait3A_2404 = arith.constant 0 : i32
      %dma_wait3A_2405 = tpu.memref_slice %arg6[%select_n3A_2386, %dma_wait3A_2404] : memref<4x64xi32, #tpu.memory_space<vmem>> -> memref<1x64xi32, #tpu.memory_space<vmem>>
      %dma_wait3A_2406 = tpu.memref_squeeze %dma_wait3A_2405 : memref<1x64xi32, #tpu.memory_space<vmem>> -> memref<64xi32, #tpu.memory_space<vmem>>
      %dma_wait3A_2407 = tpu.memref_slice %dma_wait3A_2406[%add3A_2393] : memref<64xi32, #tpu.memory_space<vmem>> -> memref<8xi32, #tpu.memory_space<vmem>>
      %dma_wait3A_2408 = arith.constant 0 : i32
      %dma_wait3A_2409 = arith.constant 0 : i32
      %dma_wait3A_2410 = tpu.memref_slice %arg3[%dma_wait3A_2408, %dma_wait3A_2409] : memref<100000x1024xf32, #tpu.memory_space<hbm>> -> memref<100000x1024xf32, #tpu.memory_space<hbm>>
      %dma_wait3A_2411 = tpu.memref_slice %arg9[%dma_wait3A_2399] : memref<8x!tpu.dma_semaphore, #tpu.memory_space<semaphore_mem>> -> memref<1x!tpu.dma_semaphore, #tpu.memory_space<semaphore_mem>>
      %dma_wait3A_2412 = tpu.memref_squeeze %dma_wait3A_2411 : memref<1x!tpu.dma_semaphore, #tpu.memory_space<semaphore_mem>> -> memref<!tpu.dma_semaphore, #tpu.memory_space<semaphore_mem>>
      tpu.wait_indirect_dma semaphore(%dma_wait3A_2412 : memref<!tpu.dma_semaphore, #tpu.memory_space<semaphore_mem>>) src(%dma_wait3A_2410 : memref<100000x1024xf32, #tpu.memory_space<hbm>>) dst(%dma_wait3A_2403 : memref<8x1024xf32, #tpu.memory_space<vmem>>)
      %jit3A_2413 = arith.constant 16 : i32
      %div3A_2414 = arith.divsi %add3A_2336, %jit3A_2413 : i32
      %sign3A_2415 = arith.constant 0 : i32
      %sign3A_2416 = arith.cmpi sgt, %add3A_2336, %sign3A_2415 : i32
      %sign3A_2417 = arith.extui %sign3A_2416 : i1 to i32
      %sign3A_2418 = arith.constant 0 : i32
      %sign3A_2419 = arith.cmpi slt, %add3A_2336, %sign3A_2418 : i32
      %sign3A_2420 = arith.extui %sign3A_2419 : i1 to i32
      %sign3A_2421 = arith.subi %sign3A_2417, %sign3A_2420 : i32
      %sign3A_2422 = arith.constant 0 : i32
      %sign3A_2423 = arith.cmpi sgt, %jit3A_2413, %sign3A_2422 : i32
      %sign3A_2424 = arith.extui %sign3A_2423 : i1 to i32
      %sign3A_2425 = arith.constant 0 : i32
      %sign3A_2426 = arith.cmpi slt, %jit3A_2413, %sign3A_2425 : i32
      %sign3A_2427 = arith.extui %sign3A_2426 : i1 to i32
      %sign3A_2428 = arith.subi %sign3A_2424, %sign3A_2427 : i32
      %ne3A_2429 = arith.cmpi ne, %sign3A_2421, %sign3A_2428 : i32
      %rem3A_2430 = arith.remsi %add3A_2336, %jit3A_2413 : i32
      %ne3A_2431 = arith.constant 0 : i32
      %ne3A_2432 = arith.cmpi ne, %rem3A_2430, %ne3A_2431 : i32
      %and3A_2433 = arith.andi %ne3A_2429, %ne3A_2432 : i1
      %sub3A_2434 = arith.constant 1 : i32
      %sub3A_2435 = arith.subi %div3A_2414, %sub3A_2434 : i32
      %select_n3A_2436 = arith.select %and3A_2433, %sub3A_2435, %div3A_2414 : i32
      %rem3A_2437 = arith.constant 16 : i32
      %rem3A_2438 = arith.remsi %add3A_2336, %rem3A_2437 : i32
      %jit3A_2439 = arith.constant 4 : i32
      %div3A_2440 = arith.divsi %rem3A_2438, %jit3A_2439 : i32
      %sign3A_2441 = arith.constant 0 : i32
      %sign3A_2442 = arith.cmpi sgt, %rem3A_2438, %sign3A_2441 : i32
      %sign3A_2443 = arith.extui %sign3A_2442 : i1 to i32
      %sign3A_2444 = arith.constant 0 : i32
      %sign3A_2445 = arith.cmpi slt, %rem3A_2438, %sign3A_2444 : i32
      %sign3A_2446 = arith.extui %sign3A_2445 : i1 to i32
      %sign3A_2447 = arith.subi %sign3A_2443, %sign3A_2446 : i32
      %sign3A_2448 = arith.constant 0 : i32
      %sign3A_2449 = arith.cmpi sgt, %jit3A_2439, %sign3A_2448 : i32
      %sign3A_2450 = arith.extui %sign3A_2449 : i1 to i32
      %sign3A_2451 = arith.constant 0 : i32
      %sign3A_2452 = arith.cmpi slt, %jit3A_2439, %sign3A_2451 : i32
      %sign3A_2453 = arith.extui %sign3A_2452 : i1 to i32
      %sign3A_2454 = arith.subi %sign3A_2450, %sign3A_2453 : i32
      %ne3A_2455 = arith.cmpi ne, %sign3A_2447, %sign3A_2454 : i32
      %rem3A_2456 = arith.remsi %rem3A_2438, %jit3A_2439 : i32
      %ne3A_2457 = arith.constant 0 : i32
      %ne3A_2458 = arith.cmpi ne, %rem3A_2456, %ne3A_2457 : i32
      %and3A_2459 = arith.andi %ne3A_2455, %ne3A_2458 : i1
      %sub3A_2460 = arith.constant 1 : i32
      %sub3A_2461 = arith.subi %div3A_2440, %sub3A_2460 : i32
      %select_n3A_2462 = arith.select %and3A_2459, %sub3A_2461, %div3A_2440 : i32
      %mul3A_2463 = arith.constant 32 : i32
      %mul3A_2464 = arith.muli %select_n3A_2436, %mul3A_2463 : i32
      %rem3A_2465 = arith.constant 4 : i32
      %rem3A_2466 = arith.remsi %rem3A_2438, %rem3A_2465 : i32
      %mul3A_2467 = arith.constant 8 : i32
      %mul3A_2468 = arith.muli %rem3A_2466, %mul3A_2467 : i32
      %add3A_2469 = arith.addi %mul3A_2464, %mul3A_2468 : i32
      %rem3A_2470 = arith.constant 4 : i32
      %rem3A_2471 = arith.remsi %rem3A_2438, %rem3A_2470 : i32
      %mul3A_2472 = arith.constant 8 : i32
      %mul3A_2473 = arith.muli %rem3A_2471, %mul3A_2472 : i32
      %parallel_loop3A_2474 = arith.constant 0 : i32
      %parallel_loop3A_2475 = arith.constant 8192 : i32
      %parallel_loop3A_2476 = arith.constant 16 : i32
      scf.for %parallel_loop3A_2565 = %parallel_loop3A_2474 to %parallel_loop3A_2475 step %parallel_loop3A_2476  : i32 {
        %parallel_loop3A_2566 = arith.constant 10 : i32
        %parallel_loop3A_2567 = arith.shrsi %parallel_loop3A_2565, %parallel_loop3A_2566 : i32
        %parallel_loop3A_2568 = arith.constant 1023 : i32
        %parallel_loop3A_2569 = arith.andi %parallel_loop3A_2565, %parallel_loop3A_2568 : i32
        %parallel_loop3A_2570 = tpu.assume_multiple %parallel_loop3A_2569, 16 : i32
        %parallel_loop3A_2571 = arith.addi %mul3A_2473, %parallel_loop3A_2567 : i32
        %parallel_loop3A_2572 = arith.index_cast %parallel_loop3A_2571 : i32 to index
        %parallel_loop3A_2573 = arith.index_cast %parallel_loop3A_2570 : i32 to index
        %parallel_loop3A_2574 = tpu.vector_load %arg8[%parallel_loop3A_2572, %parallel_loop3A_2573] {strides = array<i32>} : memref<32x1024xf32, #tpu.memory_space<vmem>>, vector<1x16xf32>,
        %parallel_loop3A_2575 = vector.shape_cast %parallel_loop3A_2574 : vector<1x16xf32> to vector<16xf32>
        %parallel_loop3A_2576 = arith.constant 7 : i32
        %parallel_loop3A_2577 = arith.constant 0 : i32
        %parallel_loop3A_2578 = arith.constant 0 : i32
        %parallel_loop3A_2579 = tpu.memref_slice %arg7[%parallel_loop3A_2576, %parallel_loop3A_2577, %parallel_loop3A_2578] : memref<8x8x1024xf32, #tpu.memory_space<vmem>> -> memref<1x8x1024xf32, #tpu.memory_space<vmem>>
        %parallel_loop3A_2580 = tpu.memref_squeeze %parallel_loop3A_2579 : memref<1x8x1024xf32, #tpu.memory_space<vmem>> -> memref<8x1024xf32, #tpu.memory_space<vmem>>
        %parallel_loop3A_2581 = arith.index_cast %parallel_loop3A_2567 : i32 to index
        %parallel_loop3A_2582 = arith.index_cast %parallel_loop3A_2570 : i32 to index
        %parallel_loop3A_2583 = tpu.vector_load %parallel_loop3A_2580[%parallel_loop3A_2581, %parallel_loop3A_2582] {strides = array<i32>} : memref<8x1024xf32, #tpu.memory_space<vmem>>, vector<1x16xf32>,
        %parallel_loop3A_2584 = vector.shape_cast %parallel_loop3A_2583 : vector<1x16xf32> to vector<16xf32>
        %parallel_loop3A_2585 = vector.shape_cast %parallel_loop3A_2575 : vector<16xf32> to vector<1x16xf32>
        tpu.vector_store %parallel_loop3A_2580[%parallel_loop3A_2581, %parallel_loop3A_2582], %parallel_loop3A_2585 {add = true, strides = array<i32>} : memref<8x1024xf32, #tpu.memory_space<vmem>>, vector<1x16xf32>,
      } {sc.loop_unroll_factor = 8 : i64, sc.parallel_access}
      %jit3A_2477 = arith.constant 16 : i32
      %div3A_2478 = arith.divsi %add3A_2336, %jit3A_2477 : i32
      %sign3A_2479 = arith.constant 0 : i32
      %sign3A_2480 = arith.cmpi sgt, %add3A_2336, %sign3A_2479 : i32
      %sign3A_2481 = arith.extui %sign3A_2480 : i1 to i32
      %sign3A_2482 = arith.constant 0 : i32
      %sign3A_2483 = arith.cmpi slt, %add3A_2336, %sign3A_2482 : i32
      %sign3A_2484 = arith.extui %sign3A_2483 : i1 to i32
      %sign3A_2485 = arith.subi %sign3A_2481, %sign3A_2484 : i32
      %sign3A_2486 = arith.constant 0 : i32
      %sign3A_2487 = arith.cmpi sgt, %jit3A_2477, %sign3A_2486 : i32
      %sign3A_2488 = arith.extui %sign3A_2487 : i1 to i32
      %sign3A_2489 = arith.constant 0 : i32
      %sign3A_2490 = arith.cmpi slt, %jit3A_2477, %sign3A_2489 : i32
      %sign3A_2491 = arith.extui %sign3A_2490 : i1 to i32
      %sign3A_2492 = arith.subi %sign3A_2488, %sign3A_2491 : i32
      %ne3A_2493 = arith.cmpi ne, %sign3A_2485, %sign3A_2492 : i32
      %rem3A_2494 = arith.remsi %add3A_2336, %jit3A_2477 : i32
      %ne3A_2495 = arith.constant 0 : i32
      %ne3A_2496 = arith.cmpi ne, %rem3A_2494, %ne3A_2495 : i32
      %and3A_2497 = arith.andi %ne3A_2493, %ne3A_2496 : i1
      %sub3A_2498 = arith.constant 1 : i32
      %sub3A_2499 = arith.subi %div3A_2478, %sub3A_2498 : i32
      %select_n3A_2500 = arith.select %and3A_2497, %sub3A_2499, %div3A_2478 : i32
      %rem3A_2501 = arith.constant 16 : i32
      %rem3A_2502 = arith.remsi %add3A_2336, %rem3A_2501 : i32
      %jit3A_2503 = arith.constant 4 : i32
      %div3A_2504 = arith.divsi %rem3A_2502, %jit3A_2503 : i32
      %sign3A_2505 = arith.constant 0 : i32
      %sign3A_2506 = arith.cmpi sgt, %rem3A_2502, %sign3A_2505 : i32
      %sign3A_2507 = arith.extui %sign3A_2506 : i1 to i32
      %sign3A_2508 = arith.constant 0 : i32
      %sign3A_2509 = arith.cmpi slt, %rem3A_2502, %sign3A_2508 : i32
      %sign3A_2510 = arith.extui %sign3A_2509 : i1 to i32
      %sign3A_2511 = arith.subi %sign3A_2507, %sign3A_2510 : i32
      %sign3A_2512 = arith.constant 0 : i32
      %sign3A_2513 = arith.cmpi sgt, %jit3A_2503, %sign3A_2512 : i32
      %sign3A_2514 = arith.extui %sign3A_2513 : i1 to i32
      %sign3A_2515 = arith.constant 0 : i32
      %sign3A_2516 = arith.cmpi slt, %jit3A_2503, %sign3A_2515 : i32
      %sign3A_2517 = arith.extui %sign3A_2516 : i1 to i32
      %sign3A_2518 = arith.subi %sign3A_2514, %sign3A_2517 : i32
      %ne3A_2519 = arith.cmpi ne, %sign3A_2511, %sign3A_2518 : i32
      %rem3A_2520 = arith.remsi %rem3A_2502, %jit3A_2503 : i32
      %ne3A_2521 = arith.constant 0 : i32
      %ne3A_2522 = arith.cmpi ne, %rem3A_2520, %ne3A_2521 : i32
      %and3A_2523 = arith.andi %ne3A_2519, %ne3A_2522 : i1
      %sub3A_2524 = arith.constant 1 : i32
      %sub3A_2525 = arith.subi %div3A_2504, %sub3A_2524 : i32
      %select_n3A_2526 = arith.select %and3A_2523, %sub3A_2525, %div3A_2504 : i32
      %mul3A_2527 = arith.constant 32 : i32
      %mul3A_2528 = arith.muli %select_n3A_2500, %mul3A_2527 : i32
      %rem3A_2529 = arith.constant 4 : i32
      %rem3A_2530 = arith.remsi %rem3A_2502, %rem3A_2529 : i32
      %mul3A_2531 = arith.constant 8 : i32
      %mul3A_2532 = arith.muli %rem3A_2530, %mul3A_2531 : i32
      %add3A_2533 = arith.addi %mul3A_2528, %mul3A_2532 : i32
      %rem3A_2534 = arith.constant 4 : i32
      %rem3A_2535 = arith.remsi %rem3A_2502, %rem3A_2534 : i32
      %mul3A_2536 = arith.constant 8 : i32
      %mul3A_2537 = arith.muli %rem3A_2535, %mul3A_2536 : i32
      %mul3A_2538 = arith.constant 2048 : i32
      %mul3A_2539 = arith.muli %select_n3A_2526, %mul3A_2538 : i32
      %add3A_2540 = arith.addi %mul3A_2539, %mul3A_2 : i32
      %add3A_2541 = arith.addi %add3A_2540, %add3A_2533 : i32
      %dma_start3A_2542 = arith.constant 7 : i32
      %dma_start3A_2543 = arith.constant 7 : i32
      %dma_start3A_2544 = arith.constant 0 : i32
      %dma_start3A_2545 = arith.constant 0 : i32
      %dma_start3A_2546 = tpu.memref_slice %arg7[%dma_start3A_2542, %dma_start3A_2544, %dma_start3A_2545] : memref<8x8x1024xf32, #tpu.memory_space<vmem>> -> memref<1x8x1024xf32, #tpu.memory_space<vmem>>
      %dma_start3A_2547 = tpu.memref_squeeze %dma_start3A_2546 : memref<1x8x1024xf32, #tpu.memory_space<vmem>> -> memref<8x1024xf32, #tpu.memory_space<vmem>>
      %dma_start3A_2548 = arith.constant 0 : i32
      %dma_start3A_2549 = tpu.memref_slice %arg5[%add3A_2541, %dma_start3A_2548] : memref<8192x1024xf32, #tpu.memory_space<hbm>> -> memref<8x1024xf32, #tpu.memory_space<hbm>>
      %dma_start3A_2550 = tpu.memref_slice %arg10[%dma_start3A_2543] : memref<8x!tpu.dma_semaphore, #tpu.memory_space<semaphore_mem>> -> memref<1x!tpu.dma_semaphore, #tpu.memory_space<semaphore_mem>>
      %dma_start3A_2551 = tpu.memref_squeeze %dma_start3A_2550 : memref<1x!tpu.dma_semaphore, #tpu.memory_space<semaphore_mem>> -> memref<!tpu.dma_semaphore, #tpu.memory_space<semaphore_mem>>
      %dma_start3A_2552 = arith.constant 0 : i32
      %dma_start3A_2553 = tpu.memref_slice %arg5[%add3A_2541, %dma_start3A_2552] : memref<8192x1024xf32, #tpu.memory_space<hbm>> -> memref<8x1024xf32, #tpu.memory_space<hbm>>
      %dma_start3A_2554 = arith.constant 0 : i32
      %dma_start3A_2555 = arith.constant 0 : i32
      %dma_start3A_2556 = tpu.memref_slice %arg7[%dma_start3A_2542, %dma_start3A_2554, %dma_start3A_2555] : memref<8x8x1024xf32, #tpu.memory_space<vmem>> -> memref<1x8x1024xf32, #tpu.memory_space<vmem>>
      %dma_start3A_2557 = tpu.memref_squeeze %dma_start3A_2556 : memref<1x8x1024xf32, #tpu.memory_space<vmem>> -> memref<8x1024xf32, #tpu.memory_space<vmem>>
      tpu.enqueue_dma source(%dma_start3A_2557 : memref<8x1024xf32, #tpu.memory_space<vmem>>) target(%dma_start3A_2553 : memref<8x1024xf32, #tpu.memory_space<hbm>>) target_semaphore(%dma_start3A_2551 : memref<!tpu.dma_semaphore, #tpu.memory_space<semaphore_mem>>)
      %add3A_2558 = arith.constant 5 : i32
      %add3A_2559 = arith.addi %add3A_2336, %add3A_2558 : i32
      %lt3A_2560 = arith.constant 32 : i32
      %lt3A_2561 = arith.cmpi slt, %add3A_2559, %lt3A_2560 : i32
      %convert_element_type3A_2562 = arith.extui %lt3A_2561 : i1 to i32
      %cond3A_2563 = arith.constant 0 : i32
      %cond3A_2564 = arith.cmpi ne, %convert_element_type3A_2562, %cond3A_2563 : i32
      scf.if %cond3A_2564 {
        %ge3A = arith.constant 8 : i32
        %ge3A_2565 = arith.cmpi sge, %add3A_2559, %ge3A : i32
        %convert_element_type3A_2566 = arith.extui %ge3A_2565 : i1 to i32
        %cond3A_2567 = arith.constant 0 : i32
        %cond3A_2568 = arith.cmpi ne, %convert_element_type3A_2566, %cond3A_2567 : i32
        scf.if %cond3A_2568 {
          %sub3A_2645 = arith.constant 8 : i32
          %sub3A_2646 = arith.subi %add3A_2559, %sub3A_2645 : i32
          %jit3A_2647 = arith.constant 16 : i32
          %div3A_2648 = arith.divsi %sub3A_2646, %jit3A_2647 : i32
          %sign3A_2649 = arith.constant 0 : i32
          %sign3A_2650 = arith.cmpi sgt, %sub3A_2646, %sign3A_2649 : i32
          %sign3A_2651 = arith.extui %sign3A_2650 : i1 to i32
          %sign3A_2652 = arith.constant 0 : i32
          %sign3A_2653 = arith.cmpi slt, %sub3A_2646, %sign3A_2652 : i32
          %sign3A_2654 = arith.extui %sign3A_2653 : i1 to i32
          %sign3A_2655 = arith.subi %sign3A_2651, %sign3A_2654 : i32
          %sign3A_2656 = arith.constant 0 : i32
          %sign3A_2657 = arith.cmpi sgt, %jit3A_2647, %sign3A_2656 : i32
          %sign3A_2658 = arith.extui %sign3A_2657 : i1 to i32
          %sign3A_2659 = arith.constant 0 : i32
          %sign3A_2660 = arith.cmpi slt, %jit3A_2647, %sign3A_2659 : i32
          %sign3A_2661 = arith.extui %sign3A_2660 : i1 to i32
          %sign3A_2662 = arith.subi %sign3A_2658, %sign3A_2661 : i32
          %ne3A_2663 = arith.cmpi ne, %sign3A_2655, %sign3A_2662 : i32
          %rem3A_2664 = arith.remsi %sub3A_2646, %jit3A_2647 : i32
          %ne3A_2665 = arith.constant 0 : i32
          %ne3A_2666 = arith.cmpi ne, %rem3A_2664, %ne3A_2665 : i32
          %and3A_2667 = arith.andi %ne3A_2663, %ne3A_2666 : i1
          %sub3A_2668 = arith.constant 1 : i32
          %sub3A_2669 = arith.subi %div3A_2648, %sub3A_2668 : i32
          %select_n3A_2670 = arith.select %and3A_2667, %sub3A_2669, %div3A_2648 : i32
          %rem3A_2671 = arith.constant 16 : i32
          %rem3A_2672 = arith.remsi %sub3A_2646, %rem3A_2671 : i32
          %jit3A_2673 = arith.constant 4 : i32
          %div3A_2674 = arith.divsi %rem3A_2672, %jit3A_2673 : i32
          %sign3A_2675 = arith.constant 0 : i32
          %sign3A_2676 = arith.cmpi sgt, %rem3A_2672, %sign3A_2675 : i32
          %sign3A_2677 = arith.extui %sign3A_2676 : i1 to i32
          %sign3A_2678 = arith.constant 0 : i32
          %sign3A_2679 = arith.cmpi slt, %rem3A_2672, %sign3A_2678 : i32
          %sign3A_2680 = arith.extui %sign3A_2679 : i1 to i32
          %sign3A_2681 = arith.subi %sign3A_2677, %sign3A_2680 : i32
          %sign3A_2682 = arith.constant 0 : i32
          %sign3A_2683 = arith.cmpi sgt, %jit3A_2673, %sign3A_2682 : i32
          %sign3A_2684 = arith.extui %sign3A_2683 : i1 to i32
          %sign3A_2685 = arith.constant 0 : i32
          %sign3A_2686 = arith.cmpi slt, %jit3A_2673, %sign3A_2685 : i32
          %sign3A_2687 = arith.extui %sign3A_2686 : i1 to i32
          %sign3A_2688 = arith.subi %sign3A_2684, %sign3A_2687 : i32
          %ne3A_2689 = arith.cmpi ne, %sign3A_2681, %sign3A_2688 : i32
          %rem3A_2690 = arith.remsi %rem3A_2672, %jit3A_2673 : i32
          %ne3A_2691 = arith.constant 0 : i32
          %ne3A_2692 = arith.cmpi ne, %rem3A_2690, %ne3A_2691 : i32
          %and3A_2693 = arith.andi %ne3A_2689, %ne3A_2692 : i1
          %sub3A_2694 = arith.constant 1 : i32
          %sub3A_2695 = arith.subi %div3A_2674, %sub3A_2694 : i32
          %select_n3A_2696 = arith.select %and3A_2693, %sub3A_2695, %div3A_2674 : i32
          %mul3A_2697 = arith.constant 32 : i32
          %mul3A_2698 = arith.muli %select_n3A_2670, %mul3A_2697 : i32
          %rem3A_2699 = arith.constant 4 : i32
          %rem3A_2700 = arith.remsi %rem3A_2672, %rem3A_2699 : i32
          %mul3A_2701 = arith.constant 8 : i32
          %mul3A_2702 = arith.muli %rem3A_2700, %mul3A_2701 : i32
          %add3A_2703 = arith.addi %mul3A_2698, %mul3A_2702 : i32
          %rem3A_2704 = arith.constant 4 : i32
          %rem3A_2705 = arith.remsi %rem3A_2672, %rem3A_2704 : i32
          %mul3A_2706 = arith.constant 8 : i32
          %mul3A_2707 = arith.muli %rem3A_2705, %mul3A_2706 : i32
          %mul3A_2708 = arith.constant 2048 : i32
          %mul3A_2709 = arith.muli %select_n3A_2696, %mul3A_2708 : i32
          %add3A_2710 = arith.addi %mul3A_2709, %mul3A_2 : i32
          %add3A_2711 = arith.addi %add3A_2710, %add3A_2703 : i32
          %dma_wait3A_2712 = arith.constant 4 : i32
          %dma_wait3A_2713 = arith.constant 4 : i32
          %dma_wait3A_2714 = arith.constant 0 : i32
          %dma_wait3A_2715 = arith.constant 0 : i32
          %dma_wait3A_2716 = tpu.memref_slice %arg7[%dma_wait3A_2712, %dma_wait3A_2714, %dma_wait3A_2715] : memref<8x8x1024xf32, #tpu.memory_space<vmem>> -> memref<1x8x1024xf32, #tpu.memory_space<vmem>>
          %dma_wait3A_2717 = tpu.memref_squeeze %dma_wait3A_2716 : memref<1x8x1024xf32, #tpu.memory_space<vmem>> -> memref<8x1024xf32, #tpu.memory_space<vmem>>
          %dma_wait3A_2718 = arith.constant 0 : i32
          %dma_wait3A_2719 = tpu.memref_slice %arg5[%add3A_2711, %dma_wait3A_2718] : memref<8192x1024xf32, #tpu.memory_space<hbm>> -> memref<8x1024xf32, #tpu.memory_space<hbm>>
          %dma_wait3A_2720 = tpu.memref_slice %arg10[%dma_wait3A_2713] : memref<8x!tpu.dma_semaphore, #tpu.memory_space<semaphore_mem>> -> memref<1x!tpu.dma_semaphore, #tpu.memory_space<semaphore_mem>>
          %dma_wait3A_2721 = tpu.memref_squeeze %dma_wait3A_2720 : memref<1x!tpu.dma_semaphore, #tpu.memory_space<semaphore_mem>> -> memref<!tpu.dma_semaphore, #tpu.memory_space<semaphore_mem>>
          %dma_wait3A_2722 = arith.constant 0 : i32
          %dma_wait3A_2723 = tpu.memref_slice %arg5[%add3A_2711, %dma_wait3A_2722] : memref<8192x1024xf32, #tpu.memory_space<hbm>> -> memref<8x1024xf32, #tpu.memory_space<hbm>>
          %dma_wait3A_2724 = arith.constant 0 : i32
          %dma_wait3A_2725 = arith.constant 0 : i32
          %dma_wait3A_2726 = tpu.memref_slice %arg7[%dma_wait3A_2712, %dma_wait3A_2724, %dma_wait3A_2725] : memref<8x8x1024xf32, #tpu.memory_space<vmem>> -> memref<1x8x1024xf32, #tpu.memory_space<vmem>>
          %dma_wait3A_2727 = tpu.memref_squeeze %dma_wait3A_2726 : memref<1x8x1024xf32, #tpu.memory_space<vmem>> -> memref<8x1024xf32, #tpu.memory_space<vmem>>
          tpu.wait_dma2 semaphore(%dma_wait3A_2721 : memref<!tpu.dma_semaphore, #tpu.memory_space<semaphore_mem>>) src(%dma_wait3A_2727 : memref<8x1024xf32, #tpu.memory_space<vmem>>) dst(%dma_wait3A_2723 : memref<8x1024xf32, #tpu.memory_space<hbm>>)
        } else {
        }
        %jit3A_2569 = arith.constant 16 : i32
        %div3A_2570 = arith.divsi %add3A_2559, %jit3A_2569 : i32
        %sign3A_2571 = arith.constant 0 : i32
        %sign3A_2572 = arith.cmpi sgt, %add3A_2559, %sign3A_2571 : i32
        %sign3A_2573 = arith.extui %sign3A_2572 : i1 to i32
        %sign3A_2574 = arith.constant 0 : i32
        %sign3A_2575 = arith.cmpi slt, %add3A_2559, %sign3A_2574 : i32
        %sign3A_2576 = arith.extui %sign3A_2575 : i1 to i32
        %sign3A_2577 = arith.subi %sign3A_2573, %sign3A_2576 : i32
        %sign3A_2578 = arith.constant 0 : i32
        %sign3A_2579 = arith.cmpi sgt, %jit3A_2569, %sign3A_2578 : i32
        %sign3A_2580 = arith.extui %sign3A_2579 : i1 to i32
        %sign3A_2581 = arith.constant 0 : i32
        %sign3A_2582 = arith.cmpi slt, %jit3A_2569, %sign3A_2581 : i32
        %sign3A_2583 = arith.extui %sign3A_2582 : i1 to i32
        %sign3A_2584 = arith.subi %sign3A_2580, %sign3A_2583 : i32
        %ne3A_2585 = arith.cmpi ne, %sign3A_2577, %sign3A_2584 : i32
        %rem3A_2586 = arith.remsi %add3A_2559, %jit3A_2569 : i32
        %ne3A_2587 = arith.constant 0 : i32
        %ne3A_2588 = arith.cmpi ne, %rem3A_2586, %ne3A_2587 : i32
        %and3A_2589 = arith.andi %ne3A_2585, %ne3A_2588 : i1
        %sub3A_2590 = arith.constant 1 : i32
        %sub3A_2591 = arith.subi %div3A_2570, %sub3A_2590 : i32
        %select_n3A_2592 = arith.select %and3A_2589, %sub3A_2591, %div3A_2570 : i32
        %rem3A_2593 = arith.constant 16 : i32
        %rem3A_2594 = arith.remsi %add3A_2559, %rem3A_2593 : i32
        %jit3A_2595 = arith.constant 4 : i32
        %div3A_2596 = arith.divsi %rem3A_2594, %jit3A_2595 : i32
        %sign3A_2597 = arith.constant 0 : i32
        %sign3A_2598 = arith.cmpi sgt, %rem3A_2594, %sign3A_2597 : i32
        %sign3A_2599 = arith.extui %sign3A_2598 : i1 to i32
        %sign3A_2600 = arith.constant 0 : i32
        %sign3A_2601 = arith.cmpi slt, %rem3A_2594, %sign3A_2600 : i32
        %sign3A_2602 = arith.extui %sign3A_2601 : i1 to i32
        %sign3A_2603 = arith.subi %sign3A_2599, %sign3A_2602 : i32
        %sign3A_2604 = arith.constant 0 : i32
        %sign3A_2605 = arith.cmpi sgt, %jit3A_2595, %sign3A_2604 : i32
        %sign3A_2606 = arith.extui %sign3A_2605 : i1 to i32
        %sign3A_2607 = arith.constant 0 : i32
        %sign3A_2608 = arith.cmpi slt, %jit3A_2595, %sign3A_2607 : i32
        %sign3A_2609 = arith.extui %sign3A_2608 : i1 to i32
        %sign3A_2610 = arith.subi %sign3A_2606, %sign3A_2609 : i32
        %ne3A_2611 = arith.cmpi ne, %sign3A_2603, %sign3A_2610 : i32
        %rem3A_2612 = arith.remsi %rem3A_2594, %jit3A_2595 : i32
        %ne3A_2613 = arith.constant 0 : i32
        %ne3A_2614 = arith.cmpi ne, %rem3A_2612, %ne3A_2613 : i32
        %and3A_2615 = arith.andi %ne3A_2611, %ne3A_2614 : i1
        %sub3A_2616 = arith.constant 1 : i32
        %sub3A_2617 = arith.subi %div3A_2596, %sub3A_2616 : i32
        %select_n3A_2618 = arith.select %and3A_2615, %sub3A_2617, %div3A_2596 : i32
        %mul3A_2619 = arith.constant 32 : i32
        %mul3A_2620 = arith.muli %select_n3A_2592, %mul3A_2619 : i32
        %rem3A_2621 = arith.constant 4 : i32
        %rem3A_2622 = arith.remsi %rem3A_2594, %rem3A_2621 : i32
        %mul3A_2623 = arith.constant 8 : i32
        %mul3A_2624 = arith.muli %rem3A_2622, %mul3A_2623 : i32
        %add3A_2625 = arith.addi %mul3A_2620, %mul3A_2624 : i32
        %rem3A_2626 = arith.constant 4 : i32
        %rem3A_2627 = arith.remsi %rem3A_2594, %rem3A_2626 : i32
        %mul3A_2628 = arith.constant 8 : i32
        %mul3A_2629 = arith.muli %rem3A_2627, %mul3A_2628 : i32
        %dma_start3A_2630 = arith.constant 4 : i32
        %dma_start3A_2631 = arith.constant 4 : i32
        %dma_start3A_2632 = arith.constant 0 : i32
        %dma_start3A_2633 = arith.constant 0 : i32
        %dma_start3A_2634 = tpu.memref_slice %arg7[%dma_start3A_2630, %dma_start3A_2632, %dma_start3A_2633] : memref<8x8x1024xf32, #tpu.memory_space<vmem>> -> memref<1x8x1024xf32, #tpu.memory_space<vmem>>
        %dma_start3A_2635 = tpu.memref_squeeze %dma_start3A_2634 : memref<1x8x1024xf32, #tpu.memory_space<vmem>> -> memref<8x1024xf32, #tpu.memory_space<vmem>>
        %dma_start3A_2636 = arith.constant 0 : i32
        %dma_start3A_2637 = tpu.memref_slice %arg6[%select_n3A_2618, %dma_start3A_2636] : memref<4x64xi32, #tpu.memory_space<vmem>> -> memref<1x64xi32, #tpu.memory_space<vmem>>
        %dma_start3A_2638 = tpu.memref_squeeze %dma_start3A_2637 : memref<1x64xi32, #tpu.memory_space<vmem>> -> memref<64xi32, #tpu.memory_space<vmem>>
        %dma_start3A_2639 = tpu.memref_slice %dma_start3A_2638[%add3A_2625] : memref<64xi32, #tpu.memory_space<vmem>> -> memref<8xi32, #tpu.memory_space<vmem>>
        %dma_start3A_2640 = arith.constant 0 : i32
        %dma_start3A_2641 = arith.constant 0 : i32
        %dma_start3A_2642 = tpu.memref_slice %arg3[%dma_start3A_2640, %dma_start3A_2641] : memref<100000x1024xf32, #tpu.memory_space<hbm>> -> memref<100000x1024xf32, #tpu.memory_space<hbm>>
        %dma_start3A_2643 = tpu.memref_slice %arg9[%dma_start3A_2631] : memref<8x!tpu.dma_semaphore, #tpu.memory_space<semaphore_mem>> -> memref<1x!tpu.dma_semaphore, #tpu.memory_space<semaphore_mem>>
        %dma_start3A_2644 = tpu.memref_squeeze %dma_start3A_2643 : memref<1x!tpu.dma_semaphore, #tpu.memory_space<semaphore_mem>> -> memref<!tpu.dma_semaphore, #tpu.memory_space<semaphore_mem>>
        tpu.enqueue_indirect_dma source(%dma_start3A_2642 : memref<100000x1024xf32, #tpu.memory_space<hbm>>) target(%dma_start3A_2635 : memref<8x1024xf32, #tpu.memory_space<vmem>>) offsets(%dma_start3A_2639 : memref<8xi32, #tpu.memory_space<vmem>>) semaphore(%dma_start3A_2644 : memref<!tpu.dma_semaphore, #tpu.memory_space<semaphore_mem>>)
      } else {
      }
    }
    %scan3A_264 = arith.constant 4 : i32
    %rem3A_265 = arith.constant 24 : i32
    %rem3A_266 = arith.constant 16 : i32
    %rem3A_267 = arith.remsi %rem3A_265, %rem3A_266 : i32
    %jit3A_268 = arith.constant 4 : i32
    %div3A_269 = arith.divsi %rem3A_267, %jit3A_268 : i32
    %sign3A_270 = arith.constant 0 : i32
    %sign3A_271 = arith.cmpi sgt, %rem3A_267, %sign3A_270 : i32
    %sign3A_272 = arith.extui %sign3A_271 : i1 to i32
    %sign3A_273 = arith.constant 0 : i32
    %sign3A_274 = arith.cmpi slt, %rem3A_267, %sign3A_273 : i32
    %sign3A_275 = arith.extui %sign3A_274 : i1 to i32
    %sign3A_276 = arith.subi %sign3A_272, %sign3A_275 : i32
    %sign3A_277 = arith.constant 0 : i32
    %sign3A_278 = arith.cmpi sgt, %jit3A_268, %sign3A_277 : i32
    %sign3A_279 = arith.extui %sign3A_278 : i1 to i32
    %sign3A_280 = arith.constant 0 : i32
    %sign3A_281 = arith.cmpi slt, %jit3A_268, %sign3A_280 : i32
    %sign3A_282 = arith.extui %sign3A_281 : i1 to i32
    %sign3A_283 = arith.subi %sign3A_279, %sign3A_282 : i32
    %ne3A_284 = arith.cmpi ne, %sign3A_276, %sign3A_283 : i32
    %rem3A_285 = arith.remsi %rem3A_267, %jit3A_268 : i32
    %ne3A_286 = arith.constant 0 : i32
    %ne3A_287 = arith.cmpi ne, %rem3A_285, %ne3A_286 : i32
    %and3A_288 = arith.andi %ne3A_284, %ne3A_287 : i1
    %sub3A_289 = arith.constant 1 : i32
    %sub3A_290 = arith.subi %div3A_269, %sub3A_289 : i32
    %select_n3A_291 = arith.select %and3A_288, %sub3A_290, %div3A_269 : i32
    %rem3A_292 = arith.constant 4 : i32
    %rem3A_293 = arith.remsi %rem3A_267, %rem3A_292 : i32
    %mul3A_294 = arith.constant 8 : i32
    %mul3A_295 = arith.muli %rem3A_293, %mul3A_294 : i32
    %add3A_296 = arith.constant 32 : i32
    %add3A_297 = arith.addi %add3A_296, %mul3A_295 : i32
    %rem3A_298 = arith.constant 4 : i32
    %rem3A_299 = arith.remsi %rem3A_267, %rem3A_298 : i32
    %mul3A_300 = arith.constant 8 : i32
    %mul3A_301 = arith.muli %rem3A_299, %mul3A_300 : i32
    %mul3A_302 = arith.constant 2048 : i32
    %mul3A_303 = arith.muli %select_n3A_291, %mul3A_302 : i32
    %add3A_304 = arith.addi %mul3A_303, %mul3A_2 : i32
    %add3A_305 = arith.addi %add3A_304, %add3A_297 : i32
    %dma_wait3A = arith.constant 0 : i32
    %dma_wait3A_306 = arith.constant 0 : i32
    %dma_wait3A_307 = arith.constant 0 : i32
    %dma_wait3A_308 = arith.constant 0 : i32
    %dma_wait3A_309 = tpu.memref_slice %arg7[%dma_wait3A, %dma_wait3A_307, %dma_wait3A_308] : memref<8x8x1024xf32, #tpu.memory_space<vmem>> -> memref<1x8x1024xf32, #tpu.memory_space<vmem>>
    %dma_wait3A_310 = tpu.memref_squeeze %dma_wait3A_309 : memref<1x8x1024xf32, #tpu.memory_space<vmem>> -> memref<8x1024xf32, #tpu.memory_space<vmem>>
    %dma_wait3A_311 = arith.constant 0 : i32
    %dma_wait3A_312 = tpu.memref_slice %arg5[%add3A_305, %dma_wait3A_311] : memref<8192x1024xf32, #tpu.memory_space<hbm>> -> memref<8x1024xf32, #tpu.memory_space<hbm>>
    %dma_wait3A_313 = tpu.memref_slice %arg10[%dma_wait3A_306] : memref<8x!tpu.dma_semaphore, #tpu.memory_space<semaphore_mem>> -> memref<1x!tpu.dma_semaphore, #tpu.memory_space<semaphore_mem>>
    %dma_wait3A_314 = tpu.memref_squeeze %dma_wait3A_313 : memref<1x!tpu.dma_semaphore, #tpu.memory_space<semaphore_mem>> -> memref<!tpu.dma_semaphore, #tpu.memory_space<semaphore_mem>>
    %dma_wait3A_315 = arith.constant 0 : i32
    %dma_wait3A_316 = tpu.memref_slice %arg5[%add3A_305, %dma_wait3A_315] : memref<8192x1024xf32, #tpu.memory_space<hbm>> -> memref<8x1024xf32, #tpu.memory_space<hbm>>
    %dma_wait3A_317 = arith.constant 0 : i32
    %dma_wait3A_318 = arith.constant 0 : i32
    %dma_wait3A_319 = tpu.memref_slice %arg7[%dma_wait3A, %dma_wait3A_317, %dma_wait3A_318] : memref<8x8x1024xf32, #tpu.memory_space<vmem>> -> memref<1x8x1024xf32, #tpu.memory_space<vmem>>
    %dma_wait3A_320 = tpu.memref_squeeze %dma_wait3A_319 : memref<1x8x1024xf32, #tpu.memory_space<vmem>> -> memref<8x1024xf32, #tpu.memory_space<vmem>>
    tpu.wait_dma2 semaphore(%dma_wait3A_314 : memref<!tpu.dma_semaphore, #tpu.memory_space<semaphore_mem>>) src(%dma_wait3A_320 : memref<8x1024xf32, #tpu.memory_space<vmem>>) dst(%dma_wait3A_316 : memref<8x1024xf32, #tpu.memory_space<hbm>>)
    %rem3A_321 = arith.constant 25 : i32
    %rem3A_322 = arith.constant 16 : i32
    %rem3A_323 = arith.remsi %rem3A_321, %rem3A_322 : i32
    %jit3A_324 = arith.constant 4 : i32
    %div3A_325 = arith.divsi %rem3A_323, %jit3A_324 : i32
    %sign3A_326 = arith.constant 0 : i32
    %sign3A_327 = arith.cmpi sgt, %rem3A_323, %sign3A_326 : i32
    %sign3A_328 = arith.extui %sign3A_327 : i1 to i32
    %sign3A_329 = arith.constant 0 : i32
    %sign3A_330 = arith.cmpi slt, %rem3A_323, %sign3A_329 : i32
    %sign3A_331 = arith.extui %sign3A_330 : i1 to i32
    %sign3A_332 = arith.subi %sign3A_328, %sign3A_331 : i32
    %sign3A_333 = arith.constant 0 : i32
    %sign3A_334 = arith.cmpi sgt, %jit3A_324, %sign3A_333 : i32
    %sign3A_335 = arith.extui %sign3A_334 : i1 to i32
    %sign3A_336 = arith.constant 0 : i32
    %sign3A_337 = arith.cmpi slt, %jit3A_324, %sign3A_336 : i32
    %sign3A_338 = arith.extui %sign3A_337 : i1 to i32
    %sign3A_339 = arith.subi %sign3A_335, %sign3A_338 : i32
    %ne3A_340 = arith.cmpi ne, %sign3A_332, %sign3A_339 : i32
    %rem3A_341 = arith.remsi %rem3A_323, %jit3A_324 : i32
    %ne3A_342 = arith.constant 0 : i32
    %ne3A_343 = arith.cmpi ne, %rem3A_341, %ne3A_342 : i32
    %and3A_344 = arith.andi %ne3A_340, %ne3A_343 : i1
    %sub3A_345 = arith.constant 1 : i32
    %sub3A_346 = arith.subi %div3A_325, %sub3A_345 : i32
    %select_n3A_347 = arith.select %and3A_344, %sub3A_346, %div3A_325 : i32
    %rem3A_348 = arith.constant 4 : i32
    %rem3A_349 = arith.remsi %rem3A_323, %rem3A_348 : i32
    %mul3A_350 = arith.constant 8 : i32
    %mul3A_351 = arith.muli %rem3A_349, %mul3A_350 : i32
    %add3A_352 = arith.constant 32 : i32
    %add3A_353 = arith.addi %add3A_352, %mul3A_351 : i32
    %rem3A_354 = arith.constant 4 : i32
    %rem3A_355 = arith.remsi %rem3A_323, %rem3A_354 : i32
    %mul3A_356 = arith.constant 8 : i32
    %mul3A_357 = arith.muli %rem3A_355, %mul3A_356 : i32
    %mul3A_358 = arith.constant 2048 : i32
    %mul3A_359 = arith.muli %select_n3A_347, %mul3A_358 : i32
    %add3A_360 = arith.addi %mul3A_359, %mul3A_2 : i32
    %add3A_361 = arith.addi %add3A_360, %add3A_353 : i32
    %dma_wait3A_362 = arith.constant 1 : i32
    %dma_wait3A_363 = arith.constant 1 : i32
    %dma_wait3A_364 = arith.constant 0 : i32
    %dma_wait3A_365 = arith.constant 0 : i32
    %dma_wait3A_366 = tpu.memref_slice %arg7[%dma_wait3A_362, %dma_wait3A_364, %dma_wait3A_365] : memref<8x8x1024xf32, #tpu.memory_space<vmem>> -> memref<1x8x1024xf32, #tpu.memory_space<vmem>>
    %dma_wait3A_367 = tpu.memref_squeeze %dma_wait3A_366 : memref<1x8x1024xf32, #tpu.memory_space<vmem>> -> memref<8x1024xf32, #tpu.memory_space<vmem>>
    %dma_wait3A_368 = arith.constant 0 : i32
    %dma_wait3A_369 = tpu.memref_slice %arg5[%add3A_361, %dma_wait3A_368] : memref<8192x1024xf32, #tpu.memory_space<hbm>> -> memref<8x1024xf32, #tpu.memory_space<hbm>>
    %dma_wait3A_370 = tpu.memref_slice %arg10[%dma_wait3A_363] : memref<8x!tpu.dma_semaphore, #tpu.memory_space<semaphore_mem>> -> memref<1x!tpu.dma_semaphore, #tpu.memory_space<semaphore_mem>>
    %dma_wait3A_371 = tpu.memref_squeeze %dma_wait3A_370 : memref<1x!tpu.dma_semaphore, #tpu.memory_space<semaphore_mem>> -> memref<!tpu.dma_semaphore, #tpu.memory_space<semaphore_mem>>
    %dma_wait3A_372 = arith.constant 0 : i32
    %dma_wait3A_373 = tpu.memref_slice %arg5[%add3A_361, %dma_wait3A_372] : memref<8192x1024xf32, #tpu.memory_space<hbm>> -> memref<8x1024xf32, #tpu.memory_space<hbm>>
    %dma_wait3A_374 = arith.constant 0 : i32
    %dma_wait3A_375 = arith.constant 0 : i32
    %dma_wait3A_376 = tpu.memref_slice %arg7[%dma_wait3A_362, %dma_wait3A_374, %dma_wait3A_375] : memref<8x8x1024xf32, #tpu.memory_space<vmem>> -> memref<1x8x1024xf32, #tpu.memory_space<vmem>>
    %dma_wait3A_377 = tpu.memref_squeeze %dma_wait3A_376 : memref<1x8x1024xf32, #tpu.memory_space<vmem>> -> memref<8x1024xf32, #tpu.memory_space<vmem>>
    tpu.wait_dma2 semaphore(%dma_wait3A_371 : memref<!tpu.dma_semaphore, #tpu.memory_space<semaphore_mem>>) src(%dma_wait3A_377 : memref<8x1024xf32, #tpu.memory_space<vmem>>) dst(%dma_wait3A_373 : memref<8x1024xf32, #tpu.memory_space<hbm>>)
    %rem3A_378 = arith.constant 26 : i32
    %rem3A_379 = arith.constant 16 : i32
    %rem3A_380 = arith.remsi %rem3A_378, %rem3A_379 : i32
    %jit3A_381 = arith.constant 4 : i32
    %div3A_382 = arith.divsi %rem3A_380, %jit3A_381 : i32
    %sign3A_383 = arith.constant 0 : i32
    %sign3A_384 = arith.cmpi sgt, %rem3A_380, %sign3A_383 : i32
    %sign3A_385 = arith.extui %sign3A_384 : i1 to i32
    %sign3A_386 = arith.constant 0 : i32
    %sign3A_387 = arith.cmpi slt, %rem3A_380, %sign3A_386 : i32
    %sign3A_388 = arith.extui %sign3A_387 : i1 to i32
    %sign3A_389 = arith.subi %sign3A_385, %sign3A_388 : i32
    %sign3A_390 = arith.constant 0 : i32
    %sign3A_391 = arith.cmpi sgt, %jit3A_381, %sign3A_390 : i32
    %sign3A_392 = arith.extui %sign3A_391 : i1 to i32
    %sign3A_393 = arith.constant 0 : i32
    %sign3A_394 = arith.cmpi slt, %jit3A_381, %sign3A_393 : i32
    %sign3A_395 = arith.extui %sign3A_394 : i1 to i32
    %sign3A_396 = arith.subi %sign3A_392, %sign3A_395 : i32
    %ne3A_397 = arith.cmpi ne, %sign3A_389, %sign3A_396 : i32
    %rem3A_398 = arith.remsi %rem3A_380, %jit3A_381 : i32
    %ne3A_399 = arith.constant 0 : i32
    %ne3A_400 = arith.cmpi ne, %rem3A_398, %ne3A_399 : i32
    %and3A_401 = arith.andi %ne3A_397, %ne3A_400 : i1
    %sub3A_402 = arith.constant 1 : i32
    %sub3A_403 = arith.subi %div3A_382, %sub3A_402 : i32
    %select_n3A_404 = arith.select %and3A_401, %sub3A_403, %div3A_382 : i32
    %rem3A_405 = arith.constant 4 : i32
    %rem3A_406 = arith.remsi %rem3A_380, %rem3A_405 : i32
    %mul3A_407 = arith.constant 8 : i32
    %mul3A_408 = arith.muli %rem3A_406, %mul3A_407 : i32
    %add3A_409 = arith.constant 32 : i32
    %add3A_410 = arith.addi %add3A_409, %mul3A_408 : i32
    %rem3A_411 = arith.constant 4 : i32
    %rem3A_412 = arith.remsi %rem3A_380, %rem3A_411 : i32
    %mul3A_413 = arith.constant 8 : i32
    %mul3A_414 = arith.muli %rem3A_412, %mul3A_413 : i32
    %mul3A_415 = arith.constant 2048 : i32
    %mul3A_416 = arith.muli %select_n3A_404, %mul3A_415 : i32
    %add3A_417 = arith.addi %mul3A_416, %mul3A_2 : i32
    %add3A_418 = arith.addi %add3A_417, %add3A_410 : i32
    %dma_wait3A_419 = arith.constant 2 : i32
    %dma_wait3A_420 = arith.constant 2 : i32
    %dma_wait3A_421 = arith.constant 0 : i32
    %dma_wait3A_422 = arith.constant 0 : i32
    %dma_wait3A_423 = tpu.memref_slice %arg7[%dma_wait3A_419, %dma_wait3A_421, %dma_wait3A_422] : memref<8x8x1024xf32, #tpu.memory_space<vmem>> -> memref<1x8x1024xf32, #tpu.memory_space<vmem>>
    %dma_wait3A_424 = tpu.memref_squeeze %dma_wait3A_423 : memref<1x8x1024xf32, #tpu.memory_space<vmem>> -> memref<8x1024xf32, #tpu.memory_space<vmem>>
    %dma_wait3A_425 = arith.constant 0 : i32
    %dma_wait3A_426 = tpu.memref_slice %arg5[%add3A_418, %dma_wait3A_425] : memref<8192x1024xf32, #tpu.memory_space<hbm>> -> memref<8x1024xf32, #tpu.memory_space<hbm>>
    %dma_wait3A_427 = tpu.memref_slice %arg10[%dma_wait3A_420] : memref<8x!tpu.dma_semaphore, #tpu.memory_space<semaphore_mem>> -> memref<1x!tpu.dma_semaphore, #tpu.memory_space<semaphore_mem>>
    %dma_wait3A_428 = tpu.memref_squeeze %dma_wait3A_427 : memref<1x!tpu.dma_semaphore, #tpu.memory_space<semaphore_mem>> -> memref<!tpu.dma_semaphore, #tpu.memory_space<semaphore_mem>>
    %dma_wait3A_429 = arith.constant 0 : i32
    %dma_wait3A_430 = tpu.memref_slice %arg5[%add3A_418, %dma_wait3A_429] : memref<8192x1024xf32, #tpu.memory_space<hbm>> -> memref<8x1024xf32, #tpu.memory_space<hbm>>
    %dma_wait3A_431 = arith.constant 0 : i32
    %dma_wait3A_432 = arith.constant 0 : i32
    %dma_wait3A_433 = tpu.memref_slice %arg7[%dma_wait3A_419, %dma_wait3A_431, %dma_wait3A_432] : memref<8x8x1024xf32, #tpu.memory_space<vmem>> -> memref<1x8x1024xf32, #tpu.memory_space<vmem>>
    %dma_wait3A_434 = tpu.memref_squeeze %dma_wait3A_433 : memref<1x8x1024xf32, #tpu.memory_space<vmem>> -> memref<8x1024xf32, #tpu.memory_space<vmem>>
    tpu.wait_dma2 semaphore(%dma_wait3A_428 : memref<!tpu.dma_semaphore, #tpu.memory_space<semaphore_mem>>) src(%dma_wait3A_434 : memref<8x1024xf32, #tpu.memory_space<vmem>>) dst(%dma_wait3A_430 : memref<8x1024xf32, #tpu.memory_space<hbm>>)
    %rem3A_435 = arith.constant 27 : i32
    %rem3A_436 = arith.constant 16 : i32
    %rem3A_437 = arith.remsi %rem3A_435, %rem3A_436 : i32
    %jit3A_438 = arith.constant 4 : i32
    %div3A_439 = arith.divsi %rem3A_437, %jit3A_438 : i32
    %sign3A_440 = arith.constant 0 : i32
    %sign3A_441 = arith.cmpi sgt, %rem3A_437, %sign3A_440 : i32
    %sign3A_442 = arith.extui %sign3A_441 : i1 to i32
    %sign3A_443 = arith.constant 0 : i32
    %sign3A_444 = arith.cmpi slt, %rem3A_437, %sign3A_443 : i32
    %sign3A_445 = arith.extui %sign3A_444 : i1 to i32
    %sign3A_446 = arith.subi %sign3A_442, %sign3A_445 : i32
    %sign3A_447 = arith.constant 0 : i32
    %sign3A_448 = arith.cmpi sgt, %jit3A_438, %sign3A_447 : i32
    %sign3A_449 = arith.extui %sign3A_448 : i1 to i32
    %sign3A_450 = arith.constant 0 : i32
    %sign3A_451 = arith.cmpi slt, %jit3A_438, %sign3A_450 : i32
    %sign3A_452 = arith.extui %sign3A_451 : i1 to i32
    %sign3A_453 = arith.subi %sign3A_449, %sign3A_452 : i32
    %ne3A_454 = arith.cmpi ne, %sign3A_446, %sign3A_453 : i32
    %rem3A_455 = arith.remsi %rem3A_437, %jit3A_438 : i32
    %ne3A_456 = arith.constant 0 : i32
    %ne3A_457 = arith.cmpi ne, %rem3A_455, %ne3A_456 : i32
    %and3A_458 = arith.andi %ne3A_454, %ne3A_457 : i1
    %sub3A_459 = arith.constant 1 : i32
    %sub3A_460 = arith.subi %div3A_439, %sub3A_459 : i32
    %select_n3A_461 = arith.select %and3A_458, %sub3A_460, %div3A_439 : i32
    %rem3A_462 = arith.constant 4 : i32
    %rem3A_463 = arith.remsi %rem3A_437, %rem3A_462 : i32
    %mul3A_464 = arith.constant 8 : i32
    %mul3A_465 = arith.muli %rem3A_463, %mul3A_464 : i32
    %add3A_466 = arith.constant 32 : i32
    %add3A_467 = arith.addi %add3A_466, %mul3A_465 : i32
    %rem3A_468 = arith.constant 4 : i32
    %rem3A_469 = arith.remsi %rem3A_437, %rem3A_468 : i32
    %mul3A_470 = arith.constant 8 : i32
    %mul3A_471 = arith.muli %rem3A_469, %mul3A_470 : i32
    %mul3A_472 = arith.constant 2048 : i32
    %mul3A_473 = arith.muli %select_n3A_461, %mul3A_472 : i32
    %add3A_474 = arith.addi %mul3A_473, %mul3A_2 : i32
    %add3A_475 = arith.addi %add3A_474, %add3A_467 : i32
    %dma_wait3A_476 = arith.constant 3 : i32
    %dma_wait3A_477 = arith.constant 3 : i32
    %dma_wait3A_478 = arith.constant 0 : i32
    %dma_wait3A_479 = arith.constant 0 : i32
    %dma_wait3A_480 = tpu.memref_slice %arg7[%dma_wait3A_476, %dma_wait3A_478, %dma_wait3A_479] : memref<8x8x1024xf32, #tpu.memory_space<vmem>> -> memref<1x8x1024xf32, #tpu.memory_space<vmem>>
    %dma_wait3A_481 = tpu.memref_squeeze %dma_wait3A_480 : memref<1x8x1024xf32, #tpu.memory_space<vmem>> -> memref<8x1024xf32, #tpu.memory_space<vmem>>
    %dma_wait3A_482 = arith.constant 0 : i32
    %dma_wait3A_483 = tpu.memref_slice %arg5[%add3A_475, %dma_wait3A_482] : memref<8192x1024xf32, #tpu.memory_space<hbm>> -> memref<8x1024xf32, #tpu.memory_space<hbm>>
    %dma_wait3A_484 = tpu.memref_slice %arg10[%dma_wait3A_477] : memref<8x!tpu.dma_semaphore, #tpu.memory_space<semaphore_mem>> -> memref<1x!tpu.dma_semaphore, #tpu.memory_space<semaphore_mem>>
    %dma_wait3A_485 = tpu.memref_squeeze %dma_wait3A_484 : memref<1x!tpu.dma_semaphore, #tpu.memory_space<semaphore_mem>> -> memref<!tpu.dma_semaphore, #tpu.memory_space<semaphore_mem>>
    %dma_wait3A_486 = arith.constant 0 : i32
    %dma_wait3A_487 = tpu.memref_slice %arg5[%add3A_475, %dma_wait3A_486] : memref<8192x1024xf32, #tpu.memory_space<hbm>> -> memref<8x1024xf32, #tpu.memory_space<hbm>>
    %dma_wait3A_488 = arith.constant 0 : i32
    %dma_wait3A_489 = arith.constant 0 : i32
    %dma_wait3A_490 = tpu.memref_slice %arg7[%dma_wait3A_476, %dma_wait3A_488, %dma_wait3A_489] : memref<8x8x1024xf32, #tpu.memory_space<vmem>> -> memref<1x8x1024xf32, #tpu.memory_space<vmem>>
    %dma_wait3A_491 = tpu.memref_squeeze %dma_wait3A_490 : memref<1x8x1024xf32, #tpu.memory_space<vmem>> -> memref<8x1024xf32, #tpu.memory_space<vmem>>
    tpu.wait_dma2 semaphore(%dma_wait3A_485 : memref<!tpu.dma_semaphore, #tpu.memory_space<semaphore_mem>>) src(%dma_wait3A_491 : memref<8x1024xf32, #tpu.memory_space<vmem>>) dst(%dma_wait3A_487 : memref<8x1024xf32, #tpu.memory_space<hbm>>)
    %rem3A_492 = arith.constant 28 : i32
    %rem3A_493 = arith.constant 16 : i32
    %rem3A_494 = arith.remsi %rem3A_492, %rem3A_493 : i32
    %jit3A_495 = arith.constant 4 : i32
    %div3A_496 = arith.divsi %rem3A_494, %jit3A_495 : i32
    %sign3A_497 = arith.constant 0 : i32
    %sign3A_498 = arith.cmpi sgt, %rem3A_494, %sign3A_497 : i32
    %sign3A_499 = arith.extui %sign3A_498 : i1 to i32
    %sign3A_500 = arith.constant 0 : i32
    %sign3A_501 = arith.cmpi slt, %rem3A_494, %sign3A_500 : i32
    %sign3A_502 = arith.extui %sign3A_501 : i1 to i32
    %sign3A_503 = arith.subi %sign3A_499, %sign3A_502 : i32
    %sign3A_504 = arith.constant 0 : i32
    %sign3A_505 = arith.cmpi sgt, %jit3A_495, %sign3A_504 : i32
    %sign3A_506 = arith.extui %sign3A_505 : i1 to i32
    %sign3A_507 = arith.constant 0 : i32
    %sign3A_508 = arith.cmpi slt, %jit3A_495, %sign3A_507 : i32
    %sign3A_509 = arith.extui %sign3A_508 : i1 to i32
    %sign3A_510 = arith.subi %sign3A_506, %sign3A_509 : i32
    %ne3A_511 = arith.cmpi ne, %sign3A_503, %sign3A_510 : i32
    %rem3A_512 = arith.remsi %rem3A_494, %jit3A_495 : i32
    %ne3A_513 = arith.constant 0 : i32
    %ne3A_514 = arith.cmpi ne, %rem3A_512, %ne3A_513 : i32
    %and3A_515 = arith.andi %ne3A_511, %ne3A_514 : i1
    %sub3A_516 = arith.constant 1 : i32
    %sub3A_517 = arith.subi %div3A_496, %sub3A_516 : i32
    %select_n3A_518 = arith.select %and3A_515, %sub3A_517, %div3A_496 : i32
    %rem3A_519 = arith.constant 4 : i32
    %rem3A_520 = arith.remsi %rem3A_494, %rem3A_519 : i32
    %mul3A_521 = arith.constant 8 : i32
    %mul3A_522 = arith.muli %rem3A_520, %mul3A_521 : i32
    %add3A_523 = arith.constant 32 : i32
    %add3A_524 = arith.addi %add3A_523, %mul3A_522 : i32
    %rem3A_525 = arith.constant 4 : i32
    %rem3A_526 = arith.remsi %rem3A_494, %rem3A_525 : i32
    %mul3A_527 = arith.constant 8 : i32
    %mul3A_528 = arith.muli %rem3A_526, %mul3A_527 : i32
    %mul3A_529 = arith.constant 2048 : i32
    %mul3A_530 = arith.muli %select_n3A_518, %mul3A_529 : i32
    %add3A_531 = arith.addi %mul3A_530, %mul3A_2 : i32
    %add3A_532 = arith.addi %add3A_531, %add3A_524 : i32
    %dma_wait3A_533 = arith.constant 4 : i32
    %dma_wait3A_534 = arith.constant 4 : i32
    %dma_wait3A_535 = arith.constant 0 : i32
    %dma_wait3A_536 = arith.constant 0 : i32
    %dma_wait3A_537 = tpu.memref_slice %arg7[%dma_wait3A_533, %dma_wait3A_535, %dma_wait3A_536] : memref<8x8x1024xf32, #tpu.memory_space<vmem>> -> memref<1x8x1024xf32, #tpu.memory_space<vmem>>
    %dma_wait3A_538 = tpu.memref_squeeze %dma_wait3A_537 : memref<1x8x1024xf32, #tpu.memory_space<vmem>> -> memref<8x1024xf32, #tpu.memory_space<vmem>>
    %dma_wait3A_539 = arith.constant 0 : i32
    %dma_wait3A_540 = tpu.memref_slice %arg5[%add3A_532, %dma_wait3A_539] : memref<8192x1024xf32, #tpu.memory_space<hbm>> -> memref<8x1024xf32, #tpu.memory_space<hbm>>
    %dma_wait3A_541 = tpu.memref_slice %arg10[%dma_wait3A_534] : memref<8x!tpu.dma_semaphore, #tpu.memory_space<semaphore_mem>> -> memref<1x!tpu.dma_semaphore, #tpu.memory_space<semaphore_mem>>
    %dma_wait3A_542 = tpu.memref_squeeze %dma_wait3A_541 : memref<1x!tpu.dma_semaphore, #tpu.memory_space<semaphore_mem>> -> memref<!tpu.dma_semaphore, #tpu.memory_space<semaphore_mem>>
    %dma_wait3A_543 = arith.constant 0 : i32
    %dma_wait3A_544 = tpu.memref_slice %arg5[%add3A_532, %dma_wait3A_543] : memref<8192x1024xf32, #tpu.memory_space<hbm>> -> memref<8x1024xf32, #tpu.memory_space<hbm>>
    %dma_wait3A_545 = arith.constant 0 : i32
    %dma_wait3A_546 = arith.constant 0 : i32
    %dma_wait3A_547 = tpu.memref_slice %arg7[%dma_wait3A_533, %dma_wait3A_545, %dma_wait3A_546] : memref<8x8x1024xf32, #tpu.memory_space<vmem>> -> memref<1x8x1024xf32, #tpu.memory_space<vmem>>
    %dma_wait3A_548 = tpu.memref_squeeze %dma_wait3A_547 : memref<1x8x1024xf32, #tpu.memory_space<vmem>> -> memref<8x1024xf32, #tpu.memory_space<vmem>>
    tpu.wait_dma2 semaphore(%dma_wait3A_542 : memref<!tpu.dma_semaphore, #tpu.memory_space<semaphore_mem>>) src(%dma_wait3A_548 : memref<8x1024xf32, #tpu.memory_space<vmem>>) dst(%dma_wait3A_544 : memref<8x1024xf32, #tpu.memory_space<hbm>>)
    %rem3A_549 = arith.constant 29 : i32
    %rem3A_550 = arith.constant 16 : i32
    %rem3A_551 = arith.remsi %rem3A_549, %rem3A_550 : i32
    %jit3A_552 = arith.constant 4 : i32
    %div3A_553 = arith.divsi %rem3A_551, %jit3A_552 : i32
    %sign3A_554 = arith.constant 0 : i32
    %sign3A_555 = arith.cmpi sgt, %rem3A_551, %sign3A_554 : i32
    %sign3A_556 = arith.extui %sign3A_555 : i1 to i32
    %sign3A_557 = arith.constant 0 : i32
    %sign3A_558 = arith.cmpi slt, %rem3A_551, %sign3A_557 : i32
    %sign3A_559 = arith.extui %sign3A_558 : i1 to i32
    %sign3A_560 = arith.subi %sign3A_556, %sign3A_559 : i32
    %sign3A_561 = arith.constant 0 : i32
    %sign3A_562 = arith.cmpi sgt, %jit3A_552, %sign3A_561 : i32
    %sign3A_563 = arith.extui %sign3A_562 : i1 to i32
    %sign3A_564 = arith.constant 0 : i32
    %sign3A_565 = arith.cmpi slt, %jit3A_552, %sign3A_564 : i32
    %sign3A_566 = arith.extui %sign3A_565 : i1 to i32
    %sign3A_567 = arith.subi %sign3A_563, %sign3A_566 : i32
    %ne3A_568 = arith.cmpi ne, %sign3A_560, %sign3A_567 : i32
    %rem3A_569 = arith.remsi %rem3A_551, %jit3A_552 : i32
    %ne3A_570 = arith.constant 0 : i32
    %ne3A_571 = arith.cmpi ne, %rem3A_569, %ne3A_570 : i32
    %and3A_572 = arith.andi %ne3A_568, %ne3A_571 : i1
    %sub3A_573 = arith.constant 1 : i32
    %sub3A_574 = arith.subi %div3A_553, %sub3A_573 : i32
    %select_n3A_575 = arith.select %and3A_572, %sub3A_574, %div3A_553 : i32
    %rem3A_576 = arith.constant 4 : i32
    %rem3A_577 = arith.remsi %rem3A_551, %rem3A_576 : i32
    %mul3A_578 = arith.constant 8 : i32
    %mul3A_579 = arith.muli %rem3A_577, %mul3A_578 : i32
    %add3A_580 = arith.constant 32 : i32
    %add3A_581 = arith.addi %add3A_580, %mul3A_579 : i32
    %rem3A_582 = arith.constant 4 : i32
    %rem3A_583 = arith.remsi %rem3A_551, %rem3A_582 : i32
    %mul3A_584 = arith.constant 8 : i32
    %mul3A_585 = arith.muli %rem3A_583, %mul3A_584 : i32
    %mul3A_586 = arith.constant 2048 : i32
    %mul3A_587 = arith.muli %select_n3A_575, %mul3A_586 : i32
    %add3A_588 = arith.addi %mul3A_587, %mul3A_2 : i32
    %add3A_589 = arith.addi %add3A_588, %add3A_581 : i32
    %dma_wait3A_590 = arith.constant 5 : i32
    %dma_wait3A_591 = arith.constant 5 : i32
    %dma_wait3A_592 = arith.constant 0 : i32
    %dma_wait3A_593 = arith.constant 0 : i32
    %dma_wait3A_594 = tpu.memref_slice %arg7[%dma_wait3A_590, %dma_wait3A_592, %dma_wait3A_593] : memref<8x8x1024xf32, #tpu.memory_space<vmem>> -> memref<1x8x1024xf32, #tpu.memory_space<vmem>>
    %dma_wait3A_595 = tpu.memref_squeeze %dma_wait3A_594 : memref<1x8x1024xf32, #tpu.memory_space<vmem>> -> memref<8x1024xf32, #tpu.memory_space<vmem>>
    %dma_wait3A_596 = arith.constant 0 : i32
    %dma_wait3A_597 = tpu.memref_slice %arg5[%add3A_589, %dma_wait3A_596] : memref<8192x1024xf32, #tpu.memory_space<hbm>> -> memref<8x1024xf32, #tpu.memory_space<hbm>>
    %dma_wait3A_598 = tpu.memref_slice %arg10[%dma_wait3A_591] : memref<8x!tpu.dma_semaphore, #tpu.memory_space<semaphore_mem>> -> memref<1x!tpu.dma_semaphore, #tpu.memory_space<semaphore_mem>>
    %dma_wait3A_599 = tpu.memref_squeeze %dma_wait3A_598 : memref<1x!tpu.dma_semaphore, #tpu.memory_space<semaphore_mem>> -> memref<!tpu.dma_semaphore, #tpu.memory_space<semaphore_mem>>
    %dma_wait3A_600 = arith.constant 0 : i32
    %dma_wait3A_601 = tpu.memref_slice %arg5[%add3A_589, %dma_wait3A_600] : memref<8192x1024xf32, #tpu.memory_space<hbm>> -> memref<8x1024xf32, #tpu.memory_space<hbm>>
    %dma_wait3A_602 = arith.constant 0 : i32
    %dma_wait3A_603 = arith.constant 0 : i32
    %dma_wait3A_604 = tpu.memref_slice %arg7[%dma_wait3A_590, %dma_wait3A_602, %dma_wait3A_603] : memref<8x8x1024xf32, #tpu.memory_space<vmem>> -> memref<1x8x1024xf32, #tpu.memory_space<vmem>>
    %dma_wait3A_605 = tpu.memref_squeeze %dma_wait3A_604 : memref<1x8x1024xf32, #tpu.memory_space<vmem>> -> memref<8x1024xf32, #tpu.memory_space<vmem>>
    tpu.wait_dma2 semaphore(%dma_wait3A_599 : memref<!tpu.dma_semaphore, #tpu.memory_space<semaphore_mem>>) src(%dma_wait3A_605 : memref<8x1024xf32, #tpu.memory_space<vmem>>) dst(%dma_wait3A_601 : memref<8x1024xf32, #tpu.memory_space<hbm>>)
    %rem3A_606 = arith.constant 30 : i32
    %rem3A_607 = arith.constant 16 : i32
    %rem3A_608 = arith.remsi %rem3A_606, %rem3A_607 : i32
    %jit3A_609 = arith.constant 4 : i32
    %div3A_610 = arith.divsi %rem3A_608, %jit3A_609 : i32
    %sign3A_611 = arith.constant 0 : i32
    %sign3A_612 = arith.cmpi sgt, %rem3A_608, %sign3A_611 : i32
    %sign3A_613 = arith.extui %sign3A_612 : i1 to i32
    %sign3A_614 = arith.constant 0 : i32
    %sign3A_615 = arith.cmpi slt, %rem3A_608, %sign3A_614 : i32
    %sign3A_616 = arith.extui %sign3A_615 : i1 to i32
    %sign3A_617 = arith.subi %sign3A_613, %sign3A_616 : i32
    %sign3A_618 = arith.constant 0 : i32
    %sign3A_619 = arith.cmpi sgt, %jit3A_609, %sign3A_618 : i32
    %sign3A_620 = arith.extui %sign3A_619 : i1 to i32
    %sign3A_621 = arith.constant 0 : i32
    %sign3A_622 = arith.cmpi slt, %jit3A_609, %sign3A_621 : i32
    %sign3A_623 = arith.extui %sign3A_622 : i1 to i32
    %sign3A_624 = arith.subi %sign3A_620, %sign3A_623 : i32
    %ne3A_625 = arith.cmpi ne, %sign3A_617, %sign3A_624 : i32
    %rem3A_626 = arith.remsi %rem3A_608, %jit3A_609 : i32
    %ne3A_627 = arith.constant 0 : i32
    %ne3A_628 = arith.cmpi ne, %rem3A_626, %ne3A_627 : i32
    %and3A_629 = arith.andi %ne3A_625, %ne3A_628 : i1
    %sub3A_630 = arith.constant 1 : i32
    %sub3A_631 = arith.subi %div3A_610, %sub3A_630 : i32
    %select_n3A_632 = arith.select %and3A_629, %sub3A_631, %div3A_610 : i32
    %rem3A_633 = arith.constant 4 : i32
    %rem3A_634 = arith.remsi %rem3A_608, %rem3A_633 : i32
    %mul3A_635 = arith.constant 8 : i32
    %mul3A_636 = arith.muli %rem3A_634, %mul3A_635 : i32
    %add3A_637 = arith.constant 32 : i32
    %add3A_638 = arith.addi %add3A_637, %mul3A_636 : i32
    %rem3A_639 = arith.constant 4 : i32
    %rem3A_640 = arith.remsi %rem3A_608, %rem3A_639 : i32
    %mul3A_641 = arith.constant 8 : i32
    %mul3A_642 = arith.muli %rem3A_640, %mul3A_641 : i32
    %mul3A_643 = arith.constant 2048 : i32
    %mul3A_644 = arith.muli %select_n3A_632, %mul3A_643 : i32
    %add3A_645 = arith.addi %mul3A_644, %mul3A_2 : i32
    %add3A_646 = arith.addi %add3A_645, %add3A_638 : i32
    %dma_wait3A_647 = arith.constant 6 : i32
    %dma_wait3A_648 = arith.constant 6 : i32
    %dma_wait3A_649 = arith.constant 0 : i32
    %dma_wait3A_650 = arith.constant 0 : i32
    %dma_wait3A_651 = tpu.memref_slice %arg7[%dma_wait3A_647, %dma_wait3A_649, %dma_wait3A_650] : memref<8x8x1024xf32, #tpu.memory_space<vmem>> -> memref<1x8x1024xf32, #tpu.memory_space<vmem>>
    %dma_wait3A_652 = tpu.memref_squeeze %dma_wait3A_651 : memref<1x8x1024xf32, #tpu.memory_space<vmem>> -> memref<8x1024xf32, #tpu.memory_space<vmem>>
    %dma_wait3A_653 = arith.constant 0 : i32
    %dma_wait3A_654 = tpu.memref_slice %arg5[%add3A_646, %dma_wait3A_653] : memref<8192x1024xf32, #tpu.memory_space<hbm>> -> memref<8x1024xf32, #tpu.memory_space<hbm>>
    %dma_wait3A_655 = tpu.memref_slice %arg10[%dma_wait3A_648] : memref<8x!tpu.dma_semaphore, #tpu.memory_space<semaphore_mem>> -> memref<1x!tpu.dma_semaphore, #tpu.memory_space<semaphore_mem>>
    %dma_wait3A_656 = tpu.memref_squeeze %dma_wait3A_655 : memref<1x!tpu.dma_semaphore, #tpu.memory_space<semaphore_mem>> -> memref<!tpu.dma_semaphore, #tpu.memory_space<semaphore_mem>>
    %dma_wait3A_657 = arith.constant 0 : i32
    %dma_wait3A_658 = tpu.memref_slice %arg5[%add3A_646, %dma_wait3A_657] : memref<8192x1024xf32, #tpu.memory_space<hbm>> -> memref<8x1024xf32, #tpu.memory_space<hbm>>
    %dma_wait3A_659 = arith.constant 0 : i32
    %dma_wait3A_660 = arith.constant 0 : i32
    %dma_wait3A_661 = tpu.memref_slice %arg7[%dma_wait3A_647, %dma_wait3A_659, %dma_wait3A_660] : memref<8x8x1024xf32, #tpu.memory_space<vmem>> -> memref<1x8x1024xf32, #tpu.memory_space<vmem>>
    %dma_wait3A_662 = tpu.memref_squeeze %dma_wait3A_661 : memref<1x8x1024xf32, #tpu.memory_space<vmem>> -> memref<8x1024xf32, #tpu.memory_space<vmem>>
    tpu.wait_dma2 semaphore(%dma_wait3A_656 : memref<!tpu.dma_semaphore, #tpu.memory_space<semaphore_mem>>) src(%dma_wait3A_662 : memref<8x1024xf32, #tpu.memory_space<vmem>>) dst(%dma_wait3A_658 : memref<8x1024xf32, #tpu.memory_space<hbm>>)
    %rem3A_663 = arith.constant 31 : i32
    %rem3A_664 = arith.constant 16 : i32
    %rem3A_665 = arith.remsi %rem3A_663, %rem3A_664 : i32
    %jit3A_666 = arith.constant 4 : i32
    %div3A_667 = arith.divsi %rem3A_665, %jit3A_666 : i32
    %sign3A_668 = arith.constant 0 : i32
    %sign3A_669 = arith.cmpi sgt, %rem3A_665, %sign3A_668 : i32
    %sign3A_670 = arith.extui %sign3A_669 : i1 to i32
    %sign3A_671 = arith.constant 0 : i32
    %sign3A_672 = arith.cmpi slt, %rem3A_665, %sign3A_671 : i32
    %sign3A_673 = arith.extui %sign3A_672 : i1 to i32
    %sign3A_674 = arith.subi %sign3A_670, %sign3A_673 : i32
    %sign3A_675 = arith.constant 0 : i32
    %sign3A_676 = arith.cmpi sgt, %jit3A_666, %sign3A_675 : i32
    %sign3A_677 = arith.extui %sign3A_676 : i1 to i32
    %sign3A_678 = arith.constant 0 : i32
    %sign3A_679 = arith.cmpi slt, %jit3A_666, %sign3A_678 : i32
    %sign3A_680 = arith.extui %sign3A_679 : i1 to i32
    %sign3A_681 = arith.subi %sign3A_677, %sign3A_680 : i32
    %ne3A_682 = arith.cmpi ne, %sign3A_674, %sign3A_681 : i32
    %rem3A_683 = arith.remsi %rem3A_665, %jit3A_666 : i32
    %ne3A_684 = arith.constant 0 : i32
    %ne3A_685 = arith.cmpi ne, %rem3A_683, %ne3A_684 : i32
    %and3A_686 = arith.andi %ne3A_682, %ne3A_685 : i1
    %sub3A_687 = arith.constant 1 : i32
    %sub3A_688 = arith.subi %div3A_667, %sub3A_687 : i32
    %select_n3A_689 = arith.select %and3A_686, %sub3A_688, %div3A_667 : i32
    %rem3A_690 = arith.constant 4 : i32
    %rem3A_691 = arith.remsi %rem3A_665, %rem3A_690 : i32
    %mul3A_692 = arith.constant 8 : i32
    %mul3A_693 = arith.muli %rem3A_691, %mul3A_692 : i32
    %add3A_694 = arith.constant 32 : i32
    %add3A_695 = arith.addi %add3A_694, %mul3A_693 : i32
    %rem3A_696 = arith.constant 4 : i32
    %rem3A_697 = arith.remsi %rem3A_665, %rem3A_696 : i32
    %mul3A_698 = arith.constant 8 : i32
    %mul3A_699 = arith.muli %rem3A_697, %mul3A_698 : i32
    %mul3A_700 = arith.constant 2048 : i32
    %mul3A_701 = arith.muli %select_n3A_689, %mul3A_700 : i32
    %add3A_702 = arith.addi %mul3A_701, %mul3A_2 : i32
    %add3A_703 = arith.addi %add3A_702, %add3A_695 : i32
    %dma_wait3A_704 = arith.constant 7 : i32
    %dma_wait3A_705 = arith.constant 7 : i32
    %dma_wait3A_706 = arith.constant 0 : i32
    %dma_wait3A_707 = arith.constant 0 : i32
    %dma_wait3A_708 = tpu.memref_slice %arg7[%dma_wait3A_704, %dma_wait3A_706, %dma_wait3A_707] : memref<8x8x1024xf32, #tpu.memory_space<vmem>> -> memref<1x8x1024xf32, #tpu.memory_space<vmem>>
    %dma_wait3A_709 = tpu.memref_squeeze %dma_wait3A_708 : memref<1x8x1024xf32, #tpu.memory_space<vmem>> -> memref<8x1024xf32, #tpu.memory_space<vmem>>
    %dma_wait3A_710 = arith.constant 0 : i32
    %dma_wait3A_711 = tpu.memref_slice %arg5[%add3A_703, %dma_wait3A_710] : memref<8192x1024xf32, #tpu.memory_space<hbm>> -> memref<8x1024xf32, #tpu.memory_space<hbm>>
    %dma_wait3A_712 = tpu.memref_slice %arg10[%dma_wait3A_705] : memref<8x!tpu.dma_semaphore, #tpu.memory_space<semaphore_mem>> -> memref<1x!tpu.dma_semaphore, #tpu.memory_space<semaphore_mem>>
    %dma_wait3A_713 = tpu.memref_squeeze %dma_wait3A_712 : memref<1x!tpu.dma_semaphore, #tpu.memory_space<semaphore_mem>> -> memref<!tpu.dma_semaphore, #tpu.memory_space<semaphore_mem>>
    %dma_wait3A_714 = arith.constant 0 : i32
    %dma_wait3A_715 = tpu.memref_slice %arg5[%add3A_703, %dma_wait3A_714] : memref<8192x1024xf32, #tpu.memory_space<hbm>> -> memref<8x1024xf32, #tpu.memory_space<hbm>>
    %dma_wait3A_716 = arith.constant 0 : i32
    %dma_wait3A_717 = arith.constant 0 : i32
    %dma_wait3A_718 = tpu.memref_slice %arg7[%dma_wait3A_704, %dma_wait3A_716, %dma_wait3A_717] : memref<8x8x1024xf32, #tpu.memory_space<vmem>> -> memref<1x8x1024xf32, #tpu.memory_space<vmem>>
    %dma_wait3A_719 = tpu.memref_squeeze %dma_wait3A_718 : memref<1x8x1024xf32, #tpu.memory_space<vmem>> -> memref<8x1024xf32, #tpu.memory_space<vmem>>
    tpu.wait_dma2 semaphore(%dma_wait3A_713 : memref<!tpu.dma_semaphore, #tpu.memory_space<semaphore_mem>>) src(%dma_wait3A_719 : memref<8x1024xf32, #tpu.memory_space<vmem>>) dst(%dma_wait3A_715 : memref<8x1024xf32, #tpu.memory_space<hbm>>)
    return
  }
}

</mosaic_0001>

<sc_bundles>
// kernel: _sc_embed.3.cloned.1.call-start
scs
__scs_entry_jumppad:
0x0: {  	(pc) =	sbr.rel $0x88, $3  }
0x1: {  	(tag) =	ssettag $0x0;
	lr =	simm.s32 $0x1  }
0x2: {  	[smem:$0x3F9E] =	sst lr;
	_ =	strace $0xD0000000  }
0x3: {  	_ = 	snop  }
0x4: {  	_ = 	snop  }
0x5: {  	_ = 	snop  }
0x6: {  	_ = 	snop  }
0x7: {  	_ = 	snop  }
__scs_overlays_trampoline_lowered:
0x8: {  	[smem:$0x3FAD] =	sst s0  }
0x9: {  	[smem:$0x3FAE] =	sst s1  }
0xa: {  	[smem:$0x3FAF] =	sst s2  }
0xb: {  	[smem:$0x3FB0] =	sst s3  }
0xc: {  	[smem:$0x3FB1] =	sst s4  }
0xd: {  	[smem:$0x3FB2] =	sst s5  }
0xe: {  	[smem:$0x3FB3] =	sst s6  }
0xf: {  	[smem:$0x3FB4] =	sst s7  }
0x10: {  	[smem:$0x3FB5] =	sst s8  }
0x11: {  	[smem:$0x3FB6] =	sst s9;
	s0 =	simm.s32 @!p0 $0x0  }
0x12: {  	s1 =	sld [smem:$0x3F9C];
	s0 =	simm.s32 @p0 $0x1  }
0x13: {  	[smem:$0x3FB7] =	sst s0;
	s0 =	simm.s32 @!p1 $0x0  }
0x14: {  	s2 =	sld [smem:$0x3F9B];
	s0 =	simm.s32 @p1 $0x1  }
0x15: {  	[smem:$0x3FB8] =	sst s0;
	s0 =	simm.s32 @!p2 $0x0  }
0x16: {  	s3 =	sld [smem:$0x3FDB];
	s0 =	simm.s32 @p2 $0x1  }
0x17: {  	s4 =	simm.s32 $0x1BF5;
	[smem:$0x3FBA] =	sst s0  }
0x18: {  	s0 =	sld [smem:$0x3F9D];
	_ =	swait.ge [sflag:s4], $0x0  }
0x19: {  	s7 =	sld [smem:$0x3F9E]  }
0x1a: {  	s8 =	sadd.s32 $0xFFFFE003, lr  }
0x1b: {  	s9 =	sadd.s32 $0xFFFFFEF7, lr;
	s5 =	simm.s32 $0xFFFFFFFF;
	p2 =	slt.u32 s8, $0xFFFFF086  }
0x1c: {  	p1 =	slt.u32 s9, $0xF7A;
	s5 =	simm.s32 @!p2 $0x0  }
0x1d: {  	s5 =	simm.s32 @p1 $0x1;
	p0 =	seq.s32 s7, s2  }
0x1e: {  	s7 =	smul.u32 @!p0 $0xF7A, s2;
	p2 =	seq.s32 @!p0 s5, $0x0  }
0x1f: {  	s9 =	smul.u32 $0xF7A, s1;
	s8 =	simm.s32 @!p0 $0x1BF5;
	p2 =	por !p2, p0  }
0x20: {  	[sflag:s8] =	ssyncset.s32 @!p0 $0xFFFFF086;
	s6 =	sadd.s32 @!p0 s3, s7;
	s7 =	simm.s32 @!p0 $0x108  }
0x21: {  	s3 =	sadd.s32 s3, s9;
	s6 =	sadd.s32 @!p0 $0x88, s6;
	s7 =	simm.s32 @p2 $0x1082  }
0x22: {  	[simem:s7], [sflag:s8] =	dma.local @!p0 [hbm:s6], $0xF7A  }
0x23: {  	s9 =	sor.u32 $0xD0000000, s2;
	s6 =	simm.s32 $0x108;
	_ =	swait.ge @!p0 [sflag:s8], $0x0  }
0x24: {  	s3 =	sadd.s32 $0x88, s3;
	s6 =	simm.s32 @!p1 $0x1082;
	[sflag:s4] =	ssyncset.s32 $0xFFFFF086  }
0x25: {  	[simem:s6], [sflag:s4] =	dma.local [hbm:s3], $0xF7A  }
0x26: {  	[smem:$0x3F9E] =	sst s1;
	(tag) =	ssettag s2;
	_ =	strace s9  }
0x27: {  	s1 =	sld [smem:$0x3FAE]  }
0x28: {  	s2 =	sld [smem:$0x3FAF]  }
0x29: {  	s4 =	sld [smem:$0x3FB1]  }
0x2a: {  	p0 =	seq.s32 s5, $0x0;
	s5 =	sld [smem:$0x3FB2]  }
0x2b: {  	s6 =	sld [smem:$0x3FB3]  }
0x2c: {  	s7 =	sld [smem:$0x3FB4]  }
0x2d: {  	s3 =	simm.s32 $0x108;
	s8 =	sld [smem:$0x3FB5]  }
0x2e: {  	s3 =	simm.s32 @!p0 $0x1082;
	s9 =	sld [smem:$0x3FB6]  }
0x2f: {  	lr =	sadd.s32 s0, s3;
	s0 =	sld [smem:$0x3FAD]  }
0x30: {  	s3 =	sld [smem:$0x3FB0]  }
0x31: {  	[smem:$0x3FB9] =	sst s10  }
0x32: {  	s10 =	sld [smem:$0x3FB7];
	_ =	sdelay $0x3  }
0x33: {  	p0 =	seq.s32 s10, $0x1;
	s10 =	sld [smem:$0x3FB9];
	_ =	sdelay $0x3  }
0x34: {  	[smem:$0x3FB9] =	sst s10  }
0x35: {  	s10 =	sld [smem:$0x3FB8];
	_ =	sdelay $0x3  }
0x36: {  	p1 =	seq.s32 s10, $0x1;
	s10 =	sld [smem:$0x3FB9];
	_ =	sdelay $0x3  }
0x37: {  	[smem:$0x3FB9] =	sst s10  }
0x38: {  	s10 =	sld [smem:$0x3FBA]  }
0x39: {  	_ = 	snop;
	(pc) =	sbr.ind lr, $3  }
0x3a: {  	_ = 	snop  }
0x3b: {  	_ = 	snop  }
0x3c: {  	p2 =	seq.s32 s10, $0x1;
	s10 =	sld [smem:$0x3FB9]  }
0x3d: {  	_ =	shalt  }
0x3e: {  	_ =	shalt  }
0x3f: {  	_ =	shalt  }
0x40: {  	_ =	shalt  }
0x41: {  	_ =	shalt  }
0x42: {  	_ =	shalt  }
0x43: {  	_ =	shalt  }
0x44: {  	_ =	shalt  }
0x45: {  	_ =	shalt  }
0x46: {  	_ =	shalt  }
0x47: {  	_ =	shalt  }
0x48: {  	_ =	shalt  }
0x49: {  	_ =	shalt  }
0x4a: {  	_ =	shalt  }
0x4b: {  	_ =	shalt  }
0x4c: {  	_ =	shalt  }
0x4d: {  	_ =	shalt  }
0x4e: {  	_ =	shalt  }
0x4f: {  	_ =	shalt  }
0x50: {  	_ =	shalt  }
0x51: {  	_ =	shalt  }
0x52: {  	_ =	shalt  }
0x53: {  	_ =	shalt  }
0x54: {  	_ =	shalt  }
0x55: {  	_ =	shalt  }
0x56: {  	_ =	shalt  }
0x57: {  	_ =	shalt  }
0x58: {  	_ =	shalt  }
0x59: {  	_ =	shalt  }
0x5a: {  	_ =	shalt  }
0x5b: {  	_ =	shalt  }
0x5c: {  	_ =	shalt  }
0x5d: {  	_ =	shalt  }
0x5e: {  	_ =	shalt  }
0x5f: {  	_ =	shalt  }
0x60: {  	_ =	shalt  }
0x61: {  	_ =	shalt  }
0x62: {  	_ =	shalt  }
0x63: {  	_ =	shalt  }
0x64: {  	_ =	shalt  }
0x65: {  	_ =	shalt  }
0x66: {  	_ =	shalt  }
0x67: {  	_ =	shalt  }
0x68: {  	_ =	shalt  }
0x69: {  	_ =	shalt  }
0x6a: {  	_ =	shalt  }
0x6b: {  	_ =	shalt  }
0x6c: {  	_ =	shalt  }
0x6d: {  	_ =	shalt  }
0x6e: {  	_ =	shalt  }
0x6f: {  	_ =	shalt  }
0x70: {  	_ =	shalt  }
0x71: {  	_ =	shalt  }
0x72: {  	_ =	shalt  }
0x73: {  	_ =	shalt  }
0x74: {  	_ =	shalt  }
0x75: {  	_ =	shalt  }
0x76: {  	_ =	shalt  }
0x77: {  	_ =	shalt  }
0x78: {  	_ =	shalt  }
0x79: {  	_ =	shalt  }
0x7a: {  	_ =	shalt  }
0x7b: {  	_ =	shalt  }
0x7c: {  	_ =	shalt  }
0x7d: {  	_ =	shalt  }
0x7e: {  	_ =	shalt  }
0x7f: {  	_ =	shalt  }
0x80: {  	_ =	shalt  }
0x81: {  	_ =	shalt  }
0x82: {  	_ =	shalt  }
0x83: {  	_ =	shalt  }
0x84: {  	_ =	shalt  }
0x85: {  	_ =	shalt  }
0x86: {  	_ =	shalt  }
0x87: {  	_ =	shalt  }
.Lfunc_end0:
.L_simem_size_0:
called_computation_lowered:
.L_overlay_start_0:
0x88: {  	s2 =	sld [smem:$0x3FD9]  }
0x89: {  	s3 =	sld [smem:$0x3FFE];
	_ =	sdelay $0x1  }
0x8a: {  	s1 =	srdreg.scid  }
0x8b: {  	s0 =	sand.u32 $0x1, s1  }
0x8c: {  	s18 =	sshll.u32 s0, $0xA;
	s2 =	sadd.s32 s3, s2  }
0x8d: {  	s2 =	sadd.s32 s2, s18  }
0x8e: {  	[smem:$0x3FC5] =	sst s2  }
0x8f: {  	_ = 	snop  }
0x90: {  	s2 =	sld [smem:$0x3FC9]  }
0x91: {  	s19 =	sld [smem:$0x3FC8]  }
0x92: {  	s4 =	sld [smem:$0x3FC7]  }
0x93: {  	s5 =	sld [smem:$0x3FD0];
	(tm) =	ssettm $0x1  }
0x94: {  	s6 =	sld [smem:$0x3FFB];
	_ =	sdelay $0x3  }
0x95: {  	_ =	strace s6  }
0x96: {  	s6 =	sld [smem:$0x3FFC];
	_ =	sdelay $0x3  }
0x97: {  	_ =	strace s6  }
0x98: {  	s6 =	sld [smem:$0x3FFD];
	_ =	sdelay $0x3  }
0x99: {  	_ =	strace s6  }
0x9a: {  	_ =	strace $0x8FFFFFFF  }
0x9b: {  	s20 =	sld [smem:$0x3FDB];
	_ =	sdelay $0x1  }
0x9c: {  	s7 =	simm.s32 $_scs_section_size  }
0x9d: {  	s8 =	simm.s32 $_size__tile_overlayer_lowered;
	s9 =	simm.s32 $_tile_overlayer_lowered  }
0x9e: {  	s23 =	simm.s32 $0x1BFF;
	s22 =	sshll.u32 s9, $0x1;
	s6 =	sadd.s32 s7, s20  }
0x9f: {  	s10 =	simm.s32 $0x0;
	s21 =	sshll.u32 s8, $0x1;
	s8 =	sadd.s32 s22, s6  }
0xa0: {  	[timem:s10], [sflag:s23] =	dma.local [hbm:s8], s21  }
0xa1: {  	_ =	swait.ge [sflag:s23], s21  }
0xa2: {  	s7 =	ssub.s32 $0x0, s21;
	[sflag:s23] =	ssyncset.done $0x0  }
0xa3: {  	[sflag:s23] =	ssyncadd.s32 s7;
	_ =	sdelay $0x1  }
0xa4: {  	s24 =	simm.s32 $0x1B8B  }
0xa5: {  	_ =	swait.ge [sflag:s24], $0x1  }
0xa6: {  	[sflag:s24] =	ssyncset.done $0x0  }
0xa7: {  	s25 =	simm.s32 $0x1B8E;
	[sflag:s24] =	ssyncadd.s32 $0xFFFFFFFF  }
0xa8: {  	s26 =	simm.s32 $execute0_lowered;
	[smem:$0x3FD2] =	sst s25  }
0xa9: {  	s7 =	sshll.u32 s26, $0x1;
	_ =	strace $0x80000046;
	[dreg:$0x1] =	wrdreg $0xFFFFFFFF  }
0xaa: {  	s28 =	simm.s32 $_size_execute0_lowered;
	s6 =	sadd.s32 s6, s7;
	[dreg:$0x0] =	wrdreg $0x0  }
0xab: {  	s7 =	sshll.u32 s28, $0x1;
	[dreg:$0x2] =	wrdreg s6  }
0xac: {  	[dreg:$0x3] =	wrdreg s7  }
0xad: {  	[dreg:$0x4] =	wrdreg $0xC0  }
0xae: {  	_ =	task [dreg:s10], $0x5FFFF  }
0xaf: {  	[dreg:$0x1] =	wrdreg $0xFFFFFFFF  }
0xb0: {  	[dreg:$0x0] =	wrdreg $0x60  }
0xb1: {  	[dreg:$0x2] =	wrdreg s2  }
0xb2: {  	[dreg:$0x3] =	wrdreg s19  }
0xb3: {  	[dreg:$0x4] =	wrdreg s4  }
0xb4: {  	[dreg:$0x5] =	wrdreg s5  }
0xb5: {  	[dreg:$0x6] =	wrdreg $0x9  }
0xb6: {  	_ =	task.clear_ibuf [dreg:s10], $0x7FFFF;
	_ =	strace $0x90000046  }
0xb7: {  	s29 =	simm.s32 $0x9;
	_ =	strace $0x80000048  }
0xb8: {  	_ =	swait.ge [sflag:s29], $0x1  }
0xb9: {  	[sflag:s29] =	ssyncadd.s32 $0xFFFFFFFF  }
0xba: {  	_ =	strace $0x90000048  }
0xbb: {  	_ =	sfence  }
0xbc: {  	s30 =	sld [smem:$0x0];
	_ =	sdelay $0x2  }
0xbd: {  	s31 =	sshll.u32 s1, $0xD;
	s1 =	sshrl.u32 s1, $0x2  }
0xbe: {  	s3 =	sand.u32 $0x4000, s31;
	s1 =	sadd.s32 s1, s30  }
0xbf: {  	s0 =	sor.u32 s3, s0;
	s1 =	sshll.u32 s1, $0x11  }
0xc0: {  	s0 =	sor.u32 s1, s0  }
0xc1: {  	s0 =	sadd.s32 $0x8F2B, s0  }
0xc2: {  	[sflag:s0] =	ssyncadd.remote.s32 $0x1  }
0xc3: {  	_ =	sfence.sel $0xFFFF  }
0xc4: {  	[dreg:$0x0] =	wrdreg $0xFFFFFFFF;
	(pc) =	sbr.abs _section_cstart, $3  }
0xc5: {  	[dreg:$0x1] =	wrdreg $0xFFFFFFFF  }
0xc6: {  	_ =	task.clear_ibuf [dreg:s10], $0x2FFFF;
	_ =	strace $0x9FFFFFFF  }
0xc7: {  	(tm) =	ssettm $0x7FFFFFFF  }
tec
execute0_lowered:
.L_overlay_start_1:
0x0: {  	(tag) =	ssettag $0x1  }
0x1: {  	s0 =	rddreg [dreg:$0x0]  }
0x2: {  	s2 =	srdreg.scid;
	s1 =	rddreg [dreg:$0x1]  }
0x3: {  	s3 =	stileid.u32;
	s6 =	rddreg [dreg:$0x2];
	s5 =	simm.s32 $0x0  }
0x4: {  	s23 =	simm.s32 $0xA200;
	s21 =	simm.s32 $0x2;
	s16 =	simm.s32 $0x3  }
0x5: {  	s30 =	simm.s32 $0xE200;
	s28 =	simm.s32 $0x4;
	s29 =	simm.s32 $0x5  }
0x6: {  	s18 =	simm.s32 $0x7;
	s4 =	sshll.u32 s3, $0x7;
	s3 =	rddreg [dreg:$0x3]  }
0x7: {  	s20 =	simm.s32 $0x8;
	s2 =	sand.u32 $0x1, s2;
	[smem:$0x7FF] =	sst s5  }
0x8: {  	s12 =	sadd.s32 $0x100, s1;
	s13 =	sadd.s32 $0x200, s1;
	s7 =	sshll.u32 s2, $0x6  }
0x9: {  	s14 =	sadd.s32 $0x300, s1;
	s2 =	ssub.s32 $0x2, s2;
	s4 =	sor.u32 s7, s4  }
0xa: {  	_ =	strace $0x80000047;
	s10 =	sshrl.u32 s2, $0x1;
	s8 =	sshll.u32 s4, $0x2  }
0xb: {  	s2 =	ssub.s32 s2, s10;
	s26 =	sshll.u32 s4, $0x7;
	s9 =	sand.u32 $0x1E00, s8  }
0xc: {  	[dreg:$0x9] =	wrdreg s26;
	s9 =	sor.u32 s7, s9;
	s7 =	sor.u32 s7, s8  }
0xd: {  	s31 =	smax.u32 s2, $0x1;
	s9 =	sshrl.u32 s9, $0x3;
	s7 =	sshrl.u32 s7, $0x3  }
0xe: {  	[dreg:$0xc] =	wrdreg s31;
	s24 =	sadd.s32 s0, s9;
	s25 =	sor.u32 $0x20, s7  }
0xf: {  	s7 =	sor.u32 $0x30, s7;
	[dreg:$0x5] =	wrdreg s24;
	s8 =	sadd.s32 $0x10, s24  }
.Ltmp0:
0x10: {  	[dreg:$0x6] =	wrdreg s8;
	s8 =	sadd.s32 s0, s25;
	(pc) =	sbr.rel .LBB2_1-.Ltmp0, $4  }
0x11: {  	s24 =	simm.s32 $0x8200;
	s0 =	sadd.s32 s0, s7;
	[dreg:$0x7] =	wrdreg s8  }
0x12: {  	v0 =	vlaneseq.u32;
	s7 =	simm.s32 $0xD;
	[dreg:$0x8] =	wrdreg s0;
	s0 =	sadd.s32 s6, s26  }
0x13: {  	v1 =	vshrl.u32 v0, $0x3;
	s26 =	simm.s32 $0xC200;
	[dreg:$0xa] =	wrdreg s0;
	s0 =	sadd.s32 $0x1000, s0  }
0x14: {  	vm0 =	vmmov $0xffff;
	v0 =	vand.u32 $0x7, v0;
	v1 =	vmul.u32 $0x8, v1;
	s8 =	simm.s32 $0x0;
	[dreg:$0xb] =	wrdreg s0;
	s0 =	simm.s32 $0x6  }
.LBB2_20:
0x15: {  	s2 =	simm.s32 $0x9  }
0x16: {  	_ =	swait.ge [sflag:s2], $0x2000  }
0x17: {  	[sflag:s2] =	ssyncset.done $0x0  }
0x18: {  	s15 =	simm.s32 $0xA;
	[sflag:s2] =	ssyncadd.s32 $0xFFFFE000  }
0x19: {  	_ =	swait.ge [sflag:s15], $0x2000  }
0x1a: {  	[sflag:s15] =	ssyncset.done $0x0  }
0x1b: {  	s17 =	simm.s32 $0xB;
	[sflag:s15] =	ssyncadd.s32 $0xFFFFE000  }
0x1c: {  	_ =	swait.ge [sflag:s17], $0x2000  }
0x1d: {  	[sflag:s17] =	ssyncset.done $0x0  }
0x1e: {  	s19 =	simm.s32 $0xC;
	[sflag:s17] =	ssyncadd.s32 $0xFFFFE000  }
0x1f: {  	_ =	swait.ge [sflag:s19], $0x2000  }
0x20: {  	[sflag:s19] =	ssyncset.done $0x0  }
0x21: {  	[sflag:s19] =	ssyncadd.s32 $0xFFFFE000  }
0x22: {  	_ =	swait.ge [sflag:s7], $0x2000  }
0x23: {  	[sflag:s7] =	ssyncset.done $0x0  }
0x24: {  	s22 =	simm.s32 $0xE;
	[sflag:s7] =	ssyncadd.s32 $0xFFFFE000  }
0x25: {  	_ =	swait.ge [sflag:s22], $0x2000  }
0x26: {  	[sflag:s22] =	ssyncset.done $0x0  }
0x27: {  	s25 =	simm.s32 $0xF;
	[sflag:s22] =	ssyncadd.s32 $0xFFFFE000  }
0x28: {  	_ =	swait.ge [sflag:s25], $0x2000  }
0x29: {  	[sflag:s25] =	ssyncset.done $0x0  }
0x2a: {  	s6 =	simm.s32 $0x10;
	[sflag:s25] =	ssyncadd.s32 $0xFFFFE000  }
0x2b: {  	_ =	swait.ge [sflag:s6], $0x2000  }
0x2c: {  	s8 =	rddreg [dreg:$0xd]  }
0x2d: {  	s31 =	rddreg [dreg:$0xc];
	s8 =	sadd.s32 $0x1, s8  }
0x2e: {  	p0 =	sne.s32 s8, s31  }
.Ltmp1:
0x2f: {  	_ = 	snop;
	(pc) =	sbr.rel @!p0 .LBB2_21-.Ltmp1, $3  }
0x30: {  	_ =	sdelay $0x1  }
0x31: {  	[sflag:s6] =	ssyncset.done $0x0  }
0x32: {  	[sflag:s6] =	ssyncadd.s32 $0xFFFFE000  }
.LBB2_1:
0x33: {  	[dreg:$0xd] =	wrdreg s8  }
0x34: {  	s2 =	rddreg [dreg:$0x5];
	s6 =	simm.s32 $0x11  }
0x35: {  	[tilespmem:s5], [sflag:$0x11] =	stream.linear.gather [hbm4b:s2+s5], $0x40, $0x38;
	[tilespmem:$0x18200] =	vst v63  }
0x36: {  	_ =	swait.ge [sflag:s6], $0x40  }
0x37: {  	[sflag:s6] =	ssyncset.done $0x0  }
0x38: {  	s17 =	simm.s32 $0x80;
	s15 =	rddreg [dreg:$0x6];
	[sflag:s6] =	ssyncadd.s32 $0xFFFFFFC0  }
0x39: {  	[tilespmem:s17], [sflag:$0x11] =	stream.linear.gather [hbm4b:s15+s5], $0x40, $0x38;
	[tilespmem:$0x18200] =	vst v63  }
0x3a: {  	_ =	swait.ge [sflag:s6], $0x40  }
0x3b: {  	[sflag:s6] =	ssyncset.done $0x0  }
0x3c: {  	s22 =	simm.s32 $0x100;
	s19 =	rddreg [dreg:$0x7];
	[sflag:s6] =	ssyncadd.s32 $0xFFFFFFC0  }
0x3d: {  	[tilespmem:s22], [sflag:$0x11] =	stream.linear.gather [hbm4b:s19+s5], $0x40, $0x38;
	[tilespmem:$0x18200] =	vst v63  }
0x3e: {  	_ =	swait.ge [sflag:s6], $0x40  }
0x3f: {  	[sflag:s6] =	ssyncset.done $0x0  }
0x40: {  	s31 =	simm.s32 $0x180;
	s25 =	rddreg [dreg:$0x8];
	[sflag:s6] =	ssyncadd.s32 $0xFFFFFFC0  }
0x41: {  	[tilespmem:s31], [sflag:$0x11] =	stream.linear.gather [hbm4b:s25+s5], $0x40, $0x38;
	[tilespmem:$0x18200] =	vst v63  }
0x42: {  	_ =	swait.ge [sflag:s6], $0x40  }
0x43: {  	[sflag:s6] =	ssyncset.done $0x0  }
0x44: {  	s10 =	simm.s32 $0x10200;
	s9 =	rddreg [dreg:$0xa];
	[sflag:s6] =	ssyncadd.s32 $0xFFFFFFC0  }
0x45: {  	[tilespmem:s10], [sflag:$0x11] =	stream.linear.gather [hbm4b:s9+s5], $0x8000, $0x38;
	[tilespmem:$0x18200] =	vst v63  }
0x46: {  	_ =	swait.ge [sflag:s6], $0x8000  }
0x47: {  	[sflag:s6] =	ssyncset.done $0x0  }
0x48: {  	[sflag:s6] =	ssyncadd.s32 $0xFFFF8000  }
0x49: {  	v2 =	vld.msk [tilespmem:$0x0], $0xff;
	_ =	sdelay $0x4  }
0x4a: {  	v3 =	vshll.u32 v2, $0x3  }
0x4b: {  	v2 =	vand.u32 $0x7, v2;
	v3 =	vand.u32 $0xFFFFFFC0, v3  }
0x4c: {  	v2 =	vor.u32 v2, v3  }
0x4d: {  	v2 =	vperm.xlane v2, v0;
	_ =	sdelay $0x1  }
0x4e: {  	v2 =	vadd.s32 v1, v2;
	_ =	sdelay $0x3  }
0x4f: {  	s11 =	simm.s32 $0x200  }
0x50: {  	[tilespmem:s11], [sflag:$0x1] =	stream.indirect_vreg.gather [hbm4b:s1+s5], $0x80, v2, vm0, $0xb8;
	[tilespmem:$0x18200] =	vst v63  }
0x51: {  	s15 =	simm.s32 $0xA00  }
0x52: {  	[tilespmem:s15], [sflag:$0x1] =	stream.indirect_vreg.gather [hbm4b:s12+s5], $0x80, v2, vm0, $0xb8;
	[tilespmem:$0x18200] =	vst v63  }
0x53: {  	s17 =	simm.s32 $0x1200  }
0x54: {  	[tilespmem:s17], [sflag:$0x1] =	stream.indirect_vreg.gather [hbm4b:s13+s5], $0x80, v2, vm0, $0xb8;
	[tilespmem:$0x18200] =	vst v63  }
0x55: {  	s19 =	simm.s32 $0x1A00  }
0x56: {  	[tilespmem:s19], [sflag:$0x1] =	stream.indirect_vreg.gather [hbm4b:s14+s5], $0x80, v2, vm0, $0xb8;
	[tilespmem:$0x18200] =	vst v63  }
0x57: {  	v2 =	vld.msk [tilespmem:$0x8], $0xff;
	_ =	sdelay $0x4  }
0x58: {  	v3 =	vshll.u32 v2, $0x3  }
0x59: {  	v2 =	vand.u32 $0x7, v2;
	v3 =	vand.u32 $0xFFFFFFC0, v3  }
0x5a: {  	v2 =	vor.u32 v2, v3  }
0x5b: {  	v2 =	vperm.xlane v2, v0;
	_ =	sdelay $0x1  }
0x5c: {  	v2 =	vadd.s32 v1, v2;
	_ =	sdelay $0x3  }
0x5d: {  	s22 =	simm.s32 $0x2200  }
0x5e: {  	[tilespmem:s22], [sflag:$0x2] =	stream.indirect_vreg.gather [hbm4b:s1+s5], $0x80, v2, vm0, $0xb8;
	[tilespmem:$0x18200] =	vst v63  }
0x5f: {  	s25 =	simm.s32 $0x2A00  }
0x60: {  	[tilespmem:s25], [sflag:$0x2] =	stream.indirect_vreg.gather [hbm4b:s12+s5], $0x80, v2, vm0, $0xb8;
	[tilespmem:$0x18200] =	vst v63  }
0x61: {  	s31 =	simm.s32 $0x3200  }
0x62: {  	[tilespmem:s31], [sflag:$0x2] =	stream.indirect_vreg.gather [hbm4b:s13+s5], $0x80, v2, vm0, $0xb8;
	[tilespmem:$0x18200] =	vst v63  }
0x63: {  	s6 =	simm.s32 $0x3A00  }
0x64: {  	[tilespmem:s6], [sflag:$0x2] =	stream.indirect_vreg.gather [hbm4b:s14+s5], $0x80, v2, vm0, $0xb8;
	[tilespmem:$0x18200] =	vst v63  }
0x65: {  	v2 =	vld.msk [tilespmem:$0x10], $0xff;
	_ =	sdelay $0x4  }
0x66: {  	v3 =	vshll.u32 v2, $0x3  }
0x67: {  	v2 =	vand.u32 $0x7, v2;
	v3 =	vand.u32 $0xFFFFFFC0, v3  }
0x68: {  	v2 =	vor.u32 v2, v3  }
0x69: {  	v2 =	vperm.xlane v2, v0;
	_ =	sdelay $0x1  }
0x6a: {  	v2 =	vadd.s32 v1, v2;
	_ =	sdelay $0x3  }
0x6b: {  	s8 =	simm.s32 $0x4200  }
0x6c: {  	[tilespmem:s8], [sflag:$0x3] =	stream.indirect_vreg.gather [hbm4b:s1+s5], $0x80, v2, vm0, $0xb8;
	[tilespmem:$0x18200] =	vst v63  }
0x6d: {  	s9 =	simm.s32 $0x4A00  }
0x6e: {  	[tilespmem:s9], [sflag:$0x3] =	stream.indirect_vreg.gather [hbm4b:s12+s5], $0x80, v2, vm0, $0xb8;
	[tilespmem:$0x18200] =	vst v63  }
0x6f: {  	s10 =	simm.s32 $0x5200  }
0x70: {  	[tilespmem:s10], [sflag:$0x3] =	stream.indirect_vreg.gather [hbm4b:s13+s5], $0x80, v2, vm0, $0xb8;
	[tilespmem:$0x18200] =	vst v63  }
0x71: {  	s11 =	simm.s32 $0x5A00  }
0x72: {  	[tilespmem:s11], [sflag:$0x3] =	stream.indirect_vreg.gather [hbm4b:s14+s5], $0x80, v2, vm0, $0xb8;
	[tilespmem:$0x18200] =	vst v63  }
0x73: {  	v2 =	vld.msk [tilespmem:$0x18], $0xff;
	_ =	sdelay $0x4  }
0x74: {  	v3 =	vshll.u32 v2, $0x3  }
0x75: {  	v2 =	vand.u32 $0x7, v2;
	v3 =	vand.u32 $0xFFFFFFC0, v3  }
0x76: {  	v2 =	vor.u32 v2, v3  }
0x77: {  	v2 =	vperm.xlane v2, v0;
	_ =	sdelay $0x1  }
0x78: {  	v2 =	vadd.s32 v1, v2;
	_ =	sdelay $0x3  }
0x79: {  	s15 =	simm.s32 $0x6200  }
0x7a: {  	[tilespmem:s15], [sflag:$0x4] =	stream.indirect_vreg.gather [hbm4b:s1+s5], $0x80, v2, vm0, $0xb8;
	[tilespmem:$0x18200] =	vst v63  }
0x7b: {  	s17 =	simm.s32 $0x6A00  }
0x7c: {  	[tilespmem:s17], [sflag:$0x4] =	stream.indirect_vreg.gather [hbm4b:s12+s5], $0x80, v2, vm0, $0xb8;
	[tilespmem:$0x18200] =	vst v63  }
0x7d: {  	s19 =	simm.s32 $0x7200  }
0x7e: {  	[tilespmem:s19], [sflag:$0x4] =	stream.indirect_vreg.gather [hbm4b:s13+s5], $0x80, v2, vm0, $0xb8;
	[tilespmem:$0x18200] =	vst v63  }
0x7f: {  	s22 =	simm.s32 $0x7A00  }
0x80: {  	[tilespmem:s22], [sflag:$0x4] =	stream.indirect_vreg.gather [hbm4b:s14+s5], $0x80, v2, vm0, $0xb8;
	[tilespmem:$0x18200] =	vst v63  }
0x81: {  	v2 =	vld.msk [tilespmem:$0x80], $0xff;
	_ =	sdelay $0x4  }
0x82: {  	v3 =	vshll.u32 v2, $0x3  }
0x83: {  	v2 =	vand.u32 $0x7, v2;
	v3 =	vand.u32 $0xFFFFFFC0, v3  }
0x84: {  	v2 =	vor.u32 v2, v3  }
0x85: {  	v2 =	vperm.xlane v2, v0;
	_ =	sdelay $0x1  }
0x86: {  	v2 =	vadd.s32 v1, v2;
	_ =	sdelay $0x4  }
0x87: {  	[tilespmem:s24], [sflag:$0x5] =	stream.indirect_vreg.gather [hbm4b:s1+s5], $0x80, v2, vm0, $0xb8;
	[tilespmem:$0x18200] =	vst v63  }
0x88: {  	s24 =	simm.s32 $0x8A00  }
0x89: {  	[tilespmem:s24], [sflag:$0x5] =	stream.indirect_vreg.gather [hbm4b:s12+s5], $0x80, v2, vm0, $0xb8;
	[tilespmem:$0x18200] =	vst v63  }
0x8a: {  	s25 =	simm.s32 $0x9200  }
0x8b: {  	[tilespmem:s25], [sflag:$0x5] =	stream.indirect_vreg.gather [hbm4b:s13+s5], $0x80, v2, vm0, $0xb8;
	[tilespmem:$0x18200] =	vst v63  }
0x8c: {  	s31 =	simm.s32 $0x9A00;
	s8 =	simm.s32 $0x0  }
0x8d: {  	[tilespmem:s31], [sflag:$0x5] =	stream.indirect_vreg.gather [hbm4b:s14+s5], $0x80, v2, vm0, $0xb8;
	[tilespmem:$0x18200] =	vst v63  }
.LBB2_2:
0x8e: {  	p0 =	sne.s32 s8, $0x2  }
0x8f: {  	s6 =	rddreg [dreg:$0xb];
	s2 =	simm.s32 @!p0 $0x0;
	s9 =	simm.s32 @!p0 $0x10200  }
0x90: {  	[tilespmem:s9], [sflag:$0x11] =	stream.linear.gather @!p0 [hbm4b:s6+s2], $0x8000, $0x38;
	[tilespmem:$0x18200] =	vst v63  }
0x91: {  	s2 =	simm.s32 @!p0 $0x11  }
0x92: {  	_ =	swait.ge @!p0 [sflag:s2], $0x8000  }
0x93: {  	[sflag:s2] =	ssyncset.done @!p0 $0x0  }
0x94: {  	s24 =	simm.s32 $0x1;
	[sflag:s2] =	ssyncadd.s32 @!p0 $0xFFFF8000  }
0x95: {  	s11 =	simm.s32 $0x0;
	s25 =	simm.s32 $0x0;
	_ =	swait.ge [sflag:s24], $0x2000  }
0x96: {  	s31 =	sand.u32 $0x1C00, s11;
	s2 =	sand.u32 $0x380, s25;
	[sflag:s24] =	ssyncset.done $0x0  }
0x97: {  	s10 =	sor.u32 s31, s2;
	[sflag:s24] =	ssyncadd.s32 $0xFFFFE000  }
0x98: {  	s2 =	sadd.s32 $0x10200, s10;
	v2 =	vld [tilespmem:s10+$0x10200]  }
0x99: {  	v3 =	vld [tilespmem:s2+$0x70]  }
0x9a: {  	v5 =	vld [tilespmem:s2+$0x10]  }
0x9b: {  	v6 =	vld [tilespmem:s2+$0x20]  }
0x9c: {  	v7 =	vld [tilespmem:s2+$0x30]  }
0x9d: {  	v8 =	vld [tilespmem:s2+$0x40]  }
0x9e: {  	v4 =	vld [tilespmem:s2+$0x50]  }
0x9f: {  	[tilespmem:s10+$0x270] =	vst.add.f32.msk $0xffff, v3  }
0xa0: {  	v3 =	vld [tilespmem:s2+$0x60]  }
0xa1: {  	[tilespmem:s10+$0x210] =	vst.add.f32.msk $0xffff, v5  }
0xa2: {  	[tilespmem:s10+$0x220] =	vst.add.f32.msk $0xffff, v6  }
0xa3: {  	[tilespmem:s10+$0x230] =	vst.add.f32.msk $0xffff, v7  }
0xa4: {  	s15 =	simm.s32 $0x0;
	s9 =	sshll.u32 s8, $0x3;
	[tilespmem:s10+$0x240] =	vst.add.f32.msk $0xffff, v8;
	s2 =	simm.s32 $0x40  }
.LBB2_3:
0xa5: {  	s17 =	sshrl.u32 s2, $0x2;
	s15 =	sadd.s32 $0x80, s15;
	[tilespmem:s10+$0x250] =	vst.add.f32.msk $0xffff, v4;
	s11 =	sadd.s32 $0x400, s11  }
0xa6: {  	s19 =	sand.u32 $0x1C00, s11;
	s17 =	sand.u32 $0x380, s17;
	p0 =	slt.u32 s15, $0x1F80;
	[tilespmem:s10+$0x260] =	vst.add.f32.msk $0xffff, v3  }
0xa7: {  	[tilespmem:s10+$0x200] =	vst.add.f32.msk $0xffff, v2;
	s10 =	sor.u32 s19, s17  }
0xa8: {  	s17 =	sadd.s32 $0x10200, s10;
	v2 =	vld [tilespmem:s10+$0x10200]  }
0xa9: {  	v3 =	vld [tilespmem:s17+$0x70]  }
0xaa: {  	v5 =	vld [tilespmem:s17+$0x10]  }
0xab: {  	v6 =	vld [tilespmem:s17+$0x20]  }
0xac: {  	v7 =	vld [tilespmem:s17+$0x30]  }
0xad: {  	v8 =	vld [tilespmem:s17+$0x40]  }
0xae: {  	[tilespmem:s10+$0x270] =	vst.add.f32.msk $0xffff, v3  }
0xaf: {  	v4 =	vld [tilespmem:s17+$0x50]  }
.Ltmp2:
0xb0: {  	v3 =	vld [tilespmem:s17+$0x60];
	(pc) =	sbr.rel @p0 .LBB2_3-.Ltmp2, $4  }
0xb1: {  	[tilespmem:s10+$0x210] =	vst.add.f32.msk $0xffff, v5  }
0xb2: {  	[tilespmem:s10+$0x220] =	vst.add.f32.msk $0xffff, v6  }
0xb3: {  	[tilespmem:s10+$0x230] =	vst.add.f32.msk $0xffff, v7  }
0xb4: {  	s2 =	sadd.s32 $0x40, s2;
	[tilespmem:s10+$0x240] =	vst.add.f32.msk $0xffff, v8  }
0xb5: {  	s2 =	sshll.u32 s8, $0xB;
	s11 =	sshll.u32 s8, $0x13;
	[tilespmem:s10+$0x250] =	vst.add.f32.msk $0xffff, v4;
	s25 =	simm.s32 $0x200  }
0xb6: {  	[tilespmem:s10+$0x260] =	vst.add.f32.msk $0xffff, v3;
	s17 =	sor.u32 $0x5, s9;
	p0 =	seq.s32 s8, $0x0;
	s31 =	sshll.u32 s8, $0x6  }
0xb7: {  	s2 =	sand.u32 $0x1000, s2;
	s11 =	sand.u32 $0x80000, s11;
	s6 =	rddreg [dreg:$0x9]  }
0xb8: {  	[tilespmem:s10+$0x200] =	vst.add.f32.msk $0xffff, v2;
	s10 =	simm.s32 @!p0 $0xE;
	s11 =	sor.u32 s6, s11;
	s2 =	sadd.s32 s3, s2  }
0xb9: {  	s6 =	sshll.u32 s17, $0x5;
	s19 =	sadd.s32 s11, s2;
	s2 =	sand.u32 $0x80, s31  }
0xba: {  	[hbm4b:s19+s5] =	stream.linear.scatter [tilespmem:s25], [sflag:$0x9], $0x2000, $0x38;
	[tilespmem:$0x18200] =	vst v63  }
0xbb: {  	s11 =	sand.u32 $0x180, s6;
	s25 =	sshrl.u32 s2, $0x2;
	_ =	swait.ge @!p0 [sflag:s10], $0x2000  }
0xbc: {  	s2 =	sor.u32 s25, s11;
	[sflag:s10] =	ssyncset.done @!p0 $0x0  }
0xbd: {  	s2 =	sor.u32 $0x8, s2;
	[sflag:s10] =	ssyncadd.s32 @!p0 $0xFFFFE000  }
0xbe: {  	v2 =	vld.msk [tilespmem:s2+$0x0], $0xff;
	_ =	sdelay $0x4  }
0xbf: {  	v3 =	vshll.u32 v2, $0x3  }
0xc0: {  	v2 =	vand.u32 $0x7, v2;
	v3 =	vand.u32 $0xFFFFFFC0, v3  }
0xc1: {  	v2 =	vor.u32 v2, v3  }
0xc2: {  	v2 =	vperm.xlane v2, v0;
	_ =	sdelay $0x1  }
0xc3: {  	v2 =	vadd.s32 v1, v2;
	_ =	sdelay $0x3  }
0xc4: {  	s10 =	simm.s32 $0x0  }
0xc5: {  	[tilespmem:s23], [sflag:$0x6] =	stream.indirect_vreg.gather [hbm4b:s1+s10], $0x80, v2, vm0, $0xb8;
	[tilespmem:$0x18200] =	vst v63  }
0xc6: {  	s15 =	simm.s32 $0xAA00  }
0xc7: {  	[tilespmem:s15], [sflag:$0x6] =	stream.indirect_vreg.gather [hbm4b:s12+s10], $0x80, v2, vm0, $0xb8;
	[tilespmem:$0x18200] =	vst v63  }
0xc8: {  	s22 =	simm.s32 $0xB200  }
0xc9: {  	[tilespmem:s22], [sflag:$0x6] =	stream.indirect_vreg.gather [hbm4b:s13+s10], $0x80, v2, vm0, $0xb8;
	[tilespmem:$0x18200] =	vst v63  }
0xca: {  	s23 =	simm.s32 $0xBA00  }
0xcb: {  	[tilespmem:s23], [sflag:$0x6] =	stream.indirect_vreg.gather [hbm4b:s14+s10], $0x80, v2, vm0, $0xb8;
	[tilespmem:$0x18200] =	vst v63  }
0xcc: {  	s24 =	simm.s32 $0x0;
	_ =	swait.ge [sflag:s21], $0x2000  }
0xcd: {  	s31 =	sand.u32 $0x1C00, s10;
	s2 =	sand.u32 $0x380, s24;
	[sflag:s21] =	ssyncset.done $0x0  }
0xce: {  	s11 =	sor.u32 s31, s2;
	[sflag:s21] =	ssyncadd.s32 $0xFFFFE000  }
0xcf: {  	s2 =	sadd.s32 $0x10200, s11;
	v2 =	vld [tilespmem:s11+$0x12200]  }
0xd0: {  	v3 =	vld [tilespmem:s2+$0x2070]  }
0xd1: {  	v5 =	vld [tilespmem:s2+$0x2010]  }
0xd2: {  	v6 =	vld [tilespmem:s2+$0x2020]  }
0xd3: {  	v7 =	vld [tilespmem:s2+$0x2030]  }
0xd4: {  	v8 =	vld [tilespmem:s2+$0x2040]  }
0xd5: {  	v4 =	vld [tilespmem:s2+$0x2050]  }
0xd6: {  	[tilespmem:s11+$0x2270] =	vst.add.f32.msk $0xffff, v3  }
0xd7: {  	v3 =	vld [tilespmem:s2+$0x2060]  }
0xd8: {  	[tilespmem:s11+$0x2210] =	vst.add.f32.msk $0xffff, v5  }
0xd9: {  	[tilespmem:s11+$0x2220] =	vst.add.f32.msk $0xffff, v6  }
0xda: {  	[tilespmem:s11+$0x2230] =	vst.add.f32.msk $0xffff, v7  }
0xdb: {  	s15 =	simm.s32 $0x0;
	[tilespmem:s11+$0x2240] =	vst.add.f32.msk $0xffff, v8;
	s2 =	simm.s32 $0x40  }
.LBB2_5:
0xdc: {  	s22 =	sshrl.u32 s2, $0x2;
	s15 =	sadd.s32 $0x80, s15;
	[tilespmem:s11+$0x2250] =	vst.add.f32.msk $0xffff, v4;
	s10 =	sadd.s32 $0x400, s10  }
0xdd: {  	s23 =	sand.u32 $0x1C00, s10;
	s22 =	sand.u32 $0x380, s22;
	p1 =	slt.u32 s15, $0x1F80;
	[tilespmem:s11+$0x2260] =	vst.add.f32.msk $0xffff, v3  }
0xde: {  	[tilespmem:s11+$0x2200] =	vst.add.f32.msk $0xffff, v2;
	s11 =	sor.u32 s23, s22  }
0xdf: {  	v2 =	vld [tilespmem:s11+$0x12200];
	s22 =	sadd.s32 $0x10200, s11  }
0xe0: {  	v3 =	vld [tilespmem:s22+$0x2070]  }
0xe1: {  	v5 =	vld [tilespmem:s22+$0x2010]  }
0xe2: {  	v6 =	vld [tilespmem:s22+$0x2020]  }
0xe3: {  	v7 =	vld [tilespmem:s22+$0x2030]  }
0xe4: {  	v8 =	vld [tilespmem:s22+$0x2040]  }
0xe5: {  	[tilespmem:s11+$0x2270] =	vst.add.f32.msk $0xffff, v3  }
0xe6: {  	v4 =	vld [tilespmem:s22+$0x2050]  }
.Ltmp3:
0xe7: {  	v3 =	vld [tilespmem:s22+$0x2060];
	(pc) =	sbr.rel @p1 .LBB2_5-.Ltmp3, $4  }
0xe8: {  	[tilespmem:s11+$0x2210] =	vst.add.f32.msk $0xffff, v5  }
0xe9: {  	[tilespmem:s11+$0x2220] =	vst.add.f32.msk $0xffff, v6  }
0xea: {  	[tilespmem:s11+$0x2230] =	vst.add.f32.msk $0xffff, v7  }
0xeb: {  	s2 =	sadd.s32 $0x40, s2;
	[tilespmem:s11+$0x2240] =	vst.add.f32.msk $0xffff, v8  }
0xec: {  	s10 =	sshll.u32 s8, $0x4  }
0xed: {  	s15 =	sshll.u32 s8, $0xC;
	s2 =	sand.u32 $0x20, s10  }
0xee: {  	s15 =	sand.u32 $0x1000, s15;
	s31 =	sor.u32 $0x8, s2  }
0xef: {  	s2 =	sor.u32 s31, s15  }
0xf0: {  	[tilespmem:s11+$0x2250] =	vst.add.f32.msk $0xffff, v4;
	s2 =	sor.u32 s4, s2  }
0xf1: {  	[tilespmem:s11+$0x2260] =	vst.add.f32.msk $0xffff, v3;
	s2 =	sshll.u32 s2, $0x7  }
0xf2: {  	[tilespmem:s11+$0x2200] =	vst.add.f32.msk $0xffff, v2;
	s6 =	simm.s32 $0x2200;
	s2 =	sadd.s32 s3, s2  }
0xf3: {  	[hbm4b:s2+s5] =	stream.linear.scatter [tilespmem:s6], [sflag:$0xA], $0x2000, $0x38;
	[tilespmem:$0x18200] =	vst v63  }
0xf4: {  	s11 =	sor.u32 $0x6, s9;
	s2 =	simm.s32 @!p0 $0xF  }
0xf5: {  	s22 =	sshll.u32 s11, $0x5;
	_ =	swait.ge @!p0 [sflag:s2], $0x2000  }
0xf6: {  	s22 =	sand.u32 $0x180, s22;
	[sflag:s2] =	ssyncset.done @!p0 $0x0  }
0xf7: {  	s24 =	sor.u32 s25, s22;
	[sflag:s2] =	ssyncadd.s32 @!p0 $0xFFFFE000  }
0xf8: {  	v2 =	vld.msk [tilespmem:s24+$0x10], $0xff;
	_ =	sdelay $0x4  }
0xf9: {  	v3 =	vshll.u32 v2, $0x3  }
0xfa: {  	v2 =	vand.u32 $0x7, v2;
	v3 =	vand.u32 $0xFFFFFFC0, v3  }
0xfb: {  	v2 =	vor.u32 v2, v3  }
0xfc: {  	v2 =	vperm.xlane v2, v0;
	_ =	sdelay $0x1  }
0xfd: {  	v2 =	vadd.s32 v1, v2;
	_ =	sdelay $0x3  }
0xfe: {  	s22 =	simm.s32 $0x0  }
0xff: {  	[tilespmem:s26], [sflag:$0x7] =	stream.indirect_vreg.gather [hbm4b:s1+s22], $0x80, v2, vm0, $0xb8;
	[tilespmem:$0x18200] =	vst v63  }
0x100: {  	s6 =	simm.s32 $0xCA00  }
0x101: {  	[tilespmem:s6], [sflag:$0x7] =	stream.indirect_vreg.gather [hbm4b:s12+s22], $0x80, v2, vm0, $0xb8;
	[tilespmem:$0x18200] =	vst v63  }
0x102: {  	s23 =	simm.s32 $0xD200  }
0x103: {  	[tilespmem:s23], [sflag:$0x7] =	stream.indirect_vreg.gather [hbm4b:s13+s22], $0x80, v2, vm0, $0xb8;
	[tilespmem:$0x18200] =	vst v63  }
0x104: {  	s24 =	simm.s32 $0xDA00  }
0x105: {  	[tilespmem:s24], [sflag:$0x7] =	stream.indirect_vreg.gather [hbm4b:s14+s22], $0x80, v2, vm0, $0xb8;
	[tilespmem:$0x18200] =	vst v63  }
0x106: {  	s26 =	simm.s32 $0x0;
	_ =	swait.ge [sflag:s16], $0x2000  }
0x107: {  	s2 =	sand.u32 $0x380, s26;
	s23 =	sand.u32 $0x1C00, s22;
	[sflag:s16] =	ssyncset.done $0x0  }
0x108: {  	s24 =	sor.u32 s23, s2;
	[sflag:s16] =	ssyncadd.s32 $0xFFFFE000  }
0x109: {  	s2 =	sadd.s32 $0x10200, s24;
	v2 =	vld [tilespmem:s24+$0x14200]  }
0x10a: {  	v3 =	vld [tilespmem:s2+$0x4070]  }
0x10b: {  	v5 =	vld [tilespmem:s2+$0x4010]  }
0x10c: {  	v6 =	vld [tilespmem:s2+$0x4020]  }
0x10d: {  	v7 =	vld [tilespmem:s2+$0x4030]  }
0x10e: {  	v8 =	vld [tilespmem:s2+$0x4040]  }
0x10f: {  	v4 =	vld [tilespmem:s2+$0x4050]  }
0x110: {  	[tilespmem:s24+$0x4270] =	vst.add.f32.msk $0xffff, v3  }
0x111: {  	v3 =	vld [tilespmem:s2+$0x4060]  }
0x112: {  	[tilespmem:s24+$0x4210] =	vst.add.f32.msk $0xffff, v5  }
0x113: {  	[tilespmem:s24+$0x4220] =	vst.add.f32.msk $0xffff, v6  }
0x114: {  	[tilespmem:s24+$0x4230] =	vst.add.f32.msk $0xffff, v7  }
0x115: {  	s26 =	simm.s32 $0x0;
	[tilespmem:s24+$0x4240] =	vst.add.f32.msk $0xffff, v8;
	s2 =	simm.s32 $0x40  }
.LBB2_7:
0x116: {  	s23 =	sshrl.u32 s2, $0x2;
	s26 =	sadd.s32 $0x80, s26;
	[tilespmem:s24+$0x4250] =	vst.add.f32.msk $0xffff, v4;
	s22 =	sadd.s32 $0x400, s22  }
0x117: {  	s6 =	sand.u32 $0x1C00, s22;
	s23 =	sand.u32 $0x380, s23;
	p1 =	slt.u32 s26, $0x1F80;
	[tilespmem:s24+$0x4260] =	vst.add.f32.msk $0xffff, v3  }
0x118: {  	[tilespmem:s24+$0x4200] =	vst.add.f32.msk $0xffff, v2;
	s24 =	sor.u32 s6, s23  }
0x119: {  	v2 =	vld [tilespmem:s24+$0x14200];
	s6 =	sadd.s32 $0x10200, s24  }
0x11a: {  	v3 =	vld [tilespmem:s6+$0x4070]  }
0x11b: {  	v5 =	vld [tilespmem:s6+$0x4010]  }
0x11c: {  	v6 =	vld [tilespmem:s6+$0x4020]  }
0x11d: {  	v7 =	vld [tilespmem:s6+$0x4030]  }
0x11e: {  	v8 =	vld [tilespmem:s6+$0x4040]  }
0x11f: {  	[tilespmem:s24+$0x4270] =	vst.add.f32.msk $0xffff, v3  }
0x120: {  	v4 =	vld [tilespmem:s6+$0x4050]  }
.Ltmp4:
0x121: {  	v3 =	vld [tilespmem:s6+$0x4060];
	(pc) =	sbr.rel @p1 .LBB2_7-.Ltmp4, $4  }
0x122: {  	[tilespmem:s24+$0x4210] =	vst.add.f32.msk $0xffff, v5  }
0x123: {  	[tilespmem:s24+$0x4220] =	vst.add.f32.msk $0xffff, v6  }
0x124: {  	[tilespmem:s24+$0x4230] =	vst.add.f32.msk $0xffff, v7  }
0x125: {  	s2 =	sadd.s32 $0x40, s2;
	[tilespmem:s24+$0x4240] =	vst.add.f32.msk $0xffff, v8  }
0x126: {  	s26 =	sor.u32 $0x10, s10  }
0x127: {  	s2 =	sor.u32 s26, s15  }
0x128: {  	[tilespmem:s24+$0x4250] =	vst.add.f32.msk $0xffff, v4;
	s2 =	sadd.s32 s4, s2  }
0x129: {  	[tilespmem:s24+$0x4260] =	vst.add.f32.msk $0xffff, v3;
	s2 =	sshll.u32 s2, $0x7  }
0x12a: {  	[tilespmem:s24+$0x4200] =	vst.add.f32.msk $0xffff, v2;
	s6 =	simm.s32 $0x4200;
	s2 =	sadd.s32 s3, s2  }
0x12b: {  	[hbm4b:s2+s5] =	stream.linear.scatter [tilespmem:s6], [sflag:$0xB], $0x2000, $0x38;
	[tilespmem:$0x18200] =	vst v63  }
0x12c: {  	s22 =	sor.u32 $0x7, s9;
	s2 =	simm.s32 @!p0 $0x10  }
0x12d: {  	s24 =	sshll.u32 s22, $0x5;
	_ =	swait.ge @!p0 [sflag:s2], $0x2000  }
0x12e: {  	s6 =	sand.u32 $0x180, s24;
	[sflag:s2] =	ssyncset.done @!p0 $0x0  }
0x12f: {  	s25 =	sor.u32 s25, s6;
	[sflag:s2] =	ssyncadd.s32 @!p0 $0xFFFFE000  }
0x130: {  	v2 =	vld.msk [tilespmem:s25+$0x18], $0xff;
	_ =	sdelay $0x4  }
0x131: {  	v3 =	vshll.u32 v2, $0x3  }
0x132: {  	v2 =	vand.u32 $0x7, v2;
	v3 =	vand.u32 $0xFFFFFFC0, v3  }
0x133: {  	v2 =	vor.u32 v2, v3  }
0x134: {  	v2 =	vperm.xlane v2, v0;
	_ =	sdelay $0x1  }
0x135: {  	v2 =	vadd.s32 v1, v2;
	_ =	sdelay $0x3  }
0x136: {  	s25 =	simm.s32 $0x0  }
0x137: {  	[tilespmem:s30], [sflag:$0x8] =	stream.indirect_vreg.gather [hbm4b:s1+s25], $0x80, v2, vm0, $0xb8;
	[tilespmem:$0x18200] =	vst v63  }
0x138: {  	s30 =	simm.s32 $0xEA00  }
0x139: {  	[tilespmem:s30], [sflag:$0x8] =	stream.indirect_vreg.gather [hbm4b:s12+s25], $0x80, v2, vm0, $0xb8;
	[tilespmem:$0x18200] =	vst v63  }
0x13a: {  	s6 =	simm.s32 $0xF200  }
0x13b: {  	[tilespmem:s6], [sflag:$0x8] =	stream.indirect_vreg.gather [hbm4b:s13+s25], $0x80, v2, vm0, $0xb8;
	[tilespmem:$0x18200] =	vst v63  }
0x13c: {  	s23 =	simm.s32 $0xFA00  }
0x13d: {  	[tilespmem:s23], [sflag:$0x8] =	stream.indirect_vreg.gather [hbm4b:s14+s25], $0x80, v2, vm0, $0xb8;
	[tilespmem:$0x18200] =	vst v63  }
0x13e: {  	s24 =	simm.s32 $0x0;
	_ =	swait.ge [sflag:s28], $0x2000  }
0x13f: {  	s2 =	sand.u32 $0x380, s24;
	s30 =	sand.u32 $0x1C00, s25;
	[sflag:s28] =	ssyncset.done $0x0  }
0x140: {  	s24 =	sor.u32 s30, s2;
	[sflag:s28] =	ssyncadd.s32 $0xFFFFE000  }
0x141: {  	s2 =	sadd.s32 $0x10200, s24;
	v2 =	vld [tilespmem:s24+$0x16200]  }
0x142: {  	v3 =	vld [tilespmem:s2+$0x6070]  }
0x143: {  	v5 =	vld [tilespmem:s2+$0x6010]  }
0x144: {  	v6 =	vld [tilespmem:s2+$0x6020]  }
0x145: {  	v7 =	vld [tilespmem:s2+$0x6030]  }
0x146: {  	v8 =	vld [tilespmem:s2+$0x6040]  }
0x147: {  	v4 =	vld [tilespmem:s2+$0x6050]  }
0x148: {  	[tilespmem:s24+$0x6270] =	vst.add.f32.msk $0xffff, v3  }
0x149: {  	v3 =	vld [tilespmem:s2+$0x6060]  }
0x14a: {  	[tilespmem:s24+$0x6210] =	vst.add.f32.msk $0xffff, v5  }
0x14b: {  	[tilespmem:s24+$0x6220] =	vst.add.f32.msk $0xffff, v6  }
0x14c: {  	[tilespmem:s24+$0x6230] =	vst.add.f32.msk $0xffff, v7  }
0x14d: {  	s23 =	simm.s32 $0x40;
	s2 =	simm.s32 $0x0;
	[tilespmem:s24+$0x6240] =	vst.add.f32.msk $0xffff, v8  }
.LBB2_9:
0x14e: {  	s6 =	sshrl.u32 s23, $0x2;
	s2 =	sadd.s32 $0x80, s2;
	[tilespmem:s24+$0x6250] =	vst.add.f32.msk $0xffff, v4;
	s25 =	sadd.s32 $0x400, s25  }
0x14f: {  	s30 =	sand.u32 $0x1C00, s25;
	s6 =	sand.u32 $0x380, s6;
	p0 =	slt.u32 s2, $0x1F80;
	[tilespmem:s24+$0x6260] =	vst.add.f32.msk $0xffff, v3  }
0x150: {  	[tilespmem:s24+$0x6200] =	vst.add.f32.msk $0xffff, v2;
	s24 =	sor.u32 s30, s6  }
0x151: {  	v2 =	vld [tilespmem:s24+$0x16200];
	s6 =	sadd.s32 $0x10200, s24  }
0x152: {  	v3 =	vld [tilespmem:s6+$0x6070]  }
0x153: {  	v5 =	vld [tilespmem:s6+$0x6010]  }
0x154: {  	v6 =	vld [tilespmem:s6+$0x6020]  }
0x155: {  	v7 =	vld [tilespmem:s6+$0x6030]  }
0x156: {  	v8 =	vld [tilespmem:s6+$0x6040]  }
0x157: {  	[tilespmem:s24+$0x6270] =	vst.add.f32.msk $0xffff, v3  }
0x158: {  	v4 =	vld [tilespmem:s6+$0x6050]  }
.Ltmp5:
0x159: {  	v3 =	vld [tilespmem:s6+$0x6060];
	(pc) =	sbr.rel @p0 .LBB2_9-.Ltmp5, $4  }
0x15a: {  	[tilespmem:s24+$0x6210] =	vst.add.f32.msk $0xffff, v5  }
0x15b: {  	[tilespmem:s24+$0x6220] =	vst.add.f32.msk $0xffff, v6  }
0x15c: {  	[tilespmem:s24+$0x6230] =	vst.add.f32.msk $0xffff, v7  }
0x15d: {  	s23 =	sadd.s32 $0x40, s23;
	[tilespmem:s24+$0x6240] =	vst.add.f32.msk $0xffff, v8  }
0x15e: {  	s25 =	sor.u32 $0x18, s10  }
0x15f: {  	s2 =	sor.u32 s25, s15  }
0x160: {  	[tilespmem:s24+$0x6250] =	vst.add.f32.msk $0xffff, v4;
	s2 =	sadd.s32 s4, s2  }
0x161: {  	[tilespmem:s24+$0x6260] =	vst.add.f32.msk $0xffff, v3;
	s2 =	sshll.u32 s2, $0x7  }
0x162: {  	[tilespmem:s24+$0x6200] =	vst.add.f32.msk $0xffff, v2;
	s6 =	simm.s32 $0x6200;
	p0 =	seq.s32 s8, $0x3;
	s2 =	sadd.s32 s3, s2  }
0x163: {  	[hbm4b:s2+s5] =	stream.linear.scatter [tilespmem:s6], [sflag:$0xC], $0x2000, $0x38;
	[tilespmem:$0x18200] =	vst v63  }
0x164: {  	s2 =	sadd.s32 @!p0 $0x8, s9;
	s6 =	simm.s32 @!p0 $0x9  }
0x165: {  	_ =	swait.ge @!p0 [sflag:s6], $0x2000;
	s10 =	sshll.u32 @!p0 s2, $0x5;
	s2 =	sshll.u32 @!p0 s2, $0x1  }
0x166: {  	[sflag:s6] =	ssyncset.done @!p0 $0x0;
	s10 =	sand.u32 @!p0 $0x100, s10;
	s2 =	sand.u32 @!p0 $0x60, s2  }
0x167: {  	[sflag:s6] =	ssyncadd.s32 @!p0 $0xFFFFE000;
	s2 =	sor.u32 @!p0 s2, s10  }
0x168: {  	v2 =	vld.msk @!p0 [tilespmem:s2+$0x0], $0xff;
	_ =	sdelay $0x4  }
0x169: {  	v3 =	vshll.u32 @!p0 v2, $0x3  }
0x16a: {  	v4 =	vlaneseq.u32 @!p0;
	v2 =	vand.u32 @!p0 $0x7, v2;
	v3 =	vand.u32 @!p0 $0xFFFFFFC0, v3  }
0x16b: {  	v2 =	vor.u32 @!p0 v2, v3;
	v3 =	vand.u32 @!p0 $0x7, v4;
	v4 =	vshrl.u32 @!p0 v4, $0x3  }
0x16c: {  	v2 =	vperm.xlane @!p0 v2, v3;
	v3 =	vmul.u32 @!p0 $0x8, v4;
	_ =	sdelay $0x1  }
0x16d: {  	v2 =	vadd.s32 @!p0 v3, v2;
	_ =	sdelay $0x3  }
0x16e: {  	vm1 =	vmmov @!p0 $0xffff;
	s6 =	simm.s32 @!p0 $0x200;
	s2 =	simm.s32 @!p0 $0x0  }
0x16f: {  	[tilespmem:s6], [sflag:$0x1] =	stream.indirect_vreg.gather @!p0 [hbm4b:s1+s2], $0x80, v2, vm1, $0xb8;
	[tilespmem:$0x18200] =	vst v63  }
0x170: {  	s6 =	simm.s32 @!p0 $0xA00  }
0x171: {  	[tilespmem:s6], [sflag:$0x1] =	stream.indirect_vreg.gather @!p0 [hbm4b:s12+s2], $0x80, v2, vm1, $0xb8;
	[tilespmem:$0x18200] =	vst v63  }
0x172: {  	s6 =	simm.s32 @!p0 $0x1200  }
0x173: {  	[tilespmem:s6], [sflag:$0x1] =	stream.indirect_vreg.gather @!p0 [hbm4b:s13+s2], $0x80, v2, vm1, $0xb8;
	[tilespmem:$0x18200] =	vst v63  }
0x174: {  	s6 =	simm.s32 @!p0 $0x1A00  }
0x175: {  	[tilespmem:s6], [sflag:$0x1] =	stream.indirect_vreg.gather @!p0 [hbm4b:s14+s2], $0x80, v2, vm1, $0xb8;
	[tilespmem:$0x18200] =	vst v63  }
0x176: {  	s24 =	simm.s32 $0x0;
	s10 =	simm.s32 $0x0;
	_ =	swait.ge [sflag:s29], $0x2000  }
0x177: {  	s30 =	sand.u32 $0x1C00, s10;
	s2 =	sand.u32 $0x380, s24;
	[sflag:s29] =	ssyncset.done $0x0  }
0x178: {  	s15 =	sor.u32 s30, s2;
	[sflag:s29] =	ssyncadd.s32 $0xFFFFE000  }
0x179: {  	s2 =	sadd.s32 $0x10200, s15;
	v2 =	vld [tilespmem:s15+$0x10200]  }
0x17a: {  	v3 =	vld [tilespmem:s2+$0x70]  }
0x17b: {  	v5 =	vld [tilespmem:s2+$0x10]  }
0x17c: {  	v6 =	vld [tilespmem:s2+$0x20]  }
0x17d: {  	v7 =	vld [tilespmem:s2+$0x30]  }
0x17e: {  	v8 =	vld [tilespmem:s2+$0x40]  }
0x17f: {  	v4 =	vld [tilespmem:s2+$0x50]  }
0x180: {  	[tilespmem:s15+$0x8270] =	vst.add.f32.msk $0xffff, v3  }
0x181: {  	v3 =	vld [tilespmem:s2+$0x60]  }
0x182: {  	[tilespmem:s15+$0x8210] =	vst.add.f32.msk $0xffff, v5  }
0x183: {  	[tilespmem:s15+$0x8220] =	vst.add.f32.msk $0xffff, v6  }
0x184: {  	[tilespmem:s15+$0x8230] =	vst.add.f32.msk $0xffff, v7  }
0x185: {  	s23 =	simm.s32 $0x40;
	s2 =	simm.s32 $0x0;
	[tilespmem:s15+$0x8240] =	vst.add.f32.msk $0xffff, v8  }
.LBB2_11:
0x186: {  	s6 =	sshrl.u32 s23, $0x2;
	s2 =	sadd.s32 $0x80, s2;
	[tilespmem:s15+$0x8250] =	vst.add.f32.msk $0xffff, v4;
	s10 =	sadd.s32 $0x400, s10  }
0x187: {  	s24 =	sand.u32 $0x1C00, s10;
	s6 =	sand.u32 $0x380, s6;
	p1 =	slt.u32 s2, $0x1F80;
	[tilespmem:s15+$0x8260] =	vst.add.f32.msk $0xffff, v3  }
0x188: {  	[tilespmem:s15+$0x8200] =	vst.add.f32.msk $0xffff, v2;
	s15 =	sor.u32 s24, s6  }
0x189: {  	s6 =	sadd.s32 $0x10200, s15;
	v2 =	vld [tilespmem:s15+$0x10200]  }
0x18a: {  	v3 =	vld [tilespmem:s6+$0x70]  }
0x18b: {  	v5 =	vld [tilespmem:s6+$0x10]  }
0x18c: {  	v6 =	vld [tilespmem:s6+$0x20]  }
0x18d: {  	v7 =	vld [tilespmem:s6+$0x30]  }
0x18e: {  	v8 =	vld [tilespmem:s6+$0x40]  }
0x18f: {  	[tilespmem:s15+$0x8270] =	vst.add.f32.msk $0xffff, v3  }
0x190: {  	v4 =	vld [tilespmem:s6+$0x50]  }
.Ltmp6:
0x191: {  	v3 =	vld [tilespmem:s6+$0x60];
	(pc) =	sbr.rel @p1 .LBB2_11-.Ltmp6, $4  }
0x192: {  	[tilespmem:s15+$0x8210] =	vst.add.f32.msk $0xffff, v5  }
0x193: {  	[tilespmem:s15+$0x8220] =	vst.add.f32.msk $0xffff, v6  }
0x194: {  	[tilespmem:s15+$0x8230] =	vst.add.f32.msk $0xffff, v7  }
0x195: {  	s23 =	sadd.s32 $0x40, s23;
	[tilespmem:s15+$0x8240] =	vst.add.f32.msk $0xffff, v8  }
0x196: {  	[tilespmem:s15+$0x8250] =	vst.add.f32.msk $0xffff, v4  }
0x197: {  	[tilespmem:s15+$0x8260] =	vst.add.f32.msk $0xffff, v3  }
0x198: {  	[tilespmem:s15+$0x8200] =	vst.add.f32.msk $0xffff, v2;
	s2 =	sadd.s32 $0x40000, s19;
	s24 =	simm.s32 $0x8200  }
0x199: {  	[hbm4b:s2+s5] =	stream.linear.scatter [tilespmem:s24], [sflag:$0xD], $0x2000, $0x38;
	[tilespmem:$0x18200] =	vst v63  }
0x19a: {  	s2 =	sadd.s32 @!p0 $0x9, s9  }
0x19b: {  	s6 =	simm.s32 @!p0 $0xA;
	s10 =	sshll.u32 @!p0 s2, $0x5;
	s2 =	sshll.u32 @!p0 s2, $0x1  }
0x19c: {  	_ =	swait.ge @!p0 [sflag:s6], $0x2000;
	s10 =	sand.u32 @!p0 $0x100, s10;
	s2 =	sand.u32 @!p0 $0x60, s2  }
0x19d: {  	[sflag:s6] =	ssyncset.done @!p0 $0x0;
	s2 =	sor.u32 @!p0 s2, s10  }
0x19e: {  	[sflag:s6] =	ssyncadd.s32 @!p0 $0xFFFFE000;
	s2 =	sor.u32 @!p0 $0x8, s2  }
0x19f: {  	v2 =	vld.msk @!p0 [tilespmem:s2+$0x0], $0xff;
	_ =	sdelay $0x4  }
0x1a0: {  	v3 =	vshll.u32 @!p0 v2, $0x3  }
0x1a1: {  	v4 =	vlaneseq.u32 @!p0;
	v2 =	vand.u32 @!p0 $0x7, v2;
	v3 =	vand.u32 @!p0 $0xFFFFFFC0, v3  }
0x1a2: {  	v2 =	vor.u32 @!p0 v2, v3;
	v3 =	vand.u32 @!p0 $0x7, v4;
	v4 =	vshrl.u32 @!p0 v4, $0x3  }
0x1a3: {  	v2 =	vperm.xlane @!p0 v2, v3;
	v3 =	vmul.u32 @!p0 $0x8, v4;
	_ =	sdelay $0x1  }
0x1a4: {  	v2 =	vadd.s32 @!p0 v3, v2;
	_ =	sdelay $0x3  }
0x1a5: {  	s6 =	simm.s32 @!p0 $0x2200;
	s2 =	simm.s32 @!p0 $0x0  }
0x1a6: {  	[tilespmem:s6], [sflag:$0x2] =	stream.indirect_vreg.gather @!p0 [hbm4b:s1+s2], $0x80, v2, vm1, $0xb8;
	[tilespmem:$0x18200] =	vst v63  }
0x1a7: {  	s6 =	simm.s32 @!p0 $0x2A00  }
0x1a8: {  	[tilespmem:s6], [sflag:$0x2] =	stream.indirect_vreg.gather @!p0 [hbm4b:s12+s2], $0x80, v2, vm1, $0xb8;
	[tilespmem:$0x18200] =	vst v63  }
0x1a9: {  	s6 =	simm.s32 @!p0 $0x3200  }
0x1aa: {  	[tilespmem:s6], [sflag:$0x2] =	stream.indirect_vreg.gather @!p0 [hbm4b:s13+s2], $0x80, v2, vm1, $0xb8;
	[tilespmem:$0x18200] =	vst v63  }
0x1ab: {  	s6 =	simm.s32 @!p0 $0x3A00  }
0x1ac: {  	[tilespmem:s6], [sflag:$0x2] =	stream.indirect_vreg.gather @!p0 [hbm4b:s14+s2], $0x80, v2, vm1, $0xb8;
	[tilespmem:$0x18200] =	vst v63  }
0x1ad: {  	s15 =	simm.s32 $0x0;
	s23 =	simm.s32 $0x0;
	_ =	swait.ge [sflag:s0], $0x2000  }
0x1ae: {  	s30 =	sand.u32 $0x1C00, s15;
	s2 =	sand.u32 $0x380, s23;
	[sflag:s0] =	ssyncset.done $0x0  }
0x1af: {  	s10 =	sor.u32 s30, s2;
	[sflag:s0] =	ssyncadd.s32 $0xFFFFE000  }
0x1b0: {  	s2 =	sadd.s32 $0x10200, s10;
	v2 =	vld [tilespmem:s10+$0x12200]  }
0x1b1: {  	v3 =	vld [tilespmem:s2+$0x2070]  }
0x1b2: {  	v5 =	vld [tilespmem:s2+$0x2010]  }
0x1b3: {  	v6 =	vld [tilespmem:s2+$0x2020]  }
0x1b4: {  	v7 =	vld [tilespmem:s2+$0x2030]  }
0x1b5: {  	v8 =	vld [tilespmem:s2+$0x2040]  }
0x1b6: {  	v4 =	vld [tilespmem:s2+$0x2050]  }
0x1b7: {  	[tilespmem:s10+$0xA270] =	vst.add.f32.msk $0xffff, v3  }
0x1b8: {  	v3 =	vld [tilespmem:s2+$0x2060]  }
0x1b9: {  	[tilespmem:s10+$0xA210] =	vst.add.f32.msk $0xffff, v5  }
0x1ba: {  	[tilespmem:s10+$0xA220] =	vst.add.f32.msk $0xffff, v6  }
0x1bb: {  	[tilespmem:s10+$0xA230] =	vst.add.f32.msk $0xffff, v7  }
0x1bc: {  	s19 =	simm.s32 $0x40;
	s2 =	simm.s32 $0x0;
	[tilespmem:s10+$0xA240] =	vst.add.f32.msk $0xffff, v8  }
.LBB2_13:
0x1bd: {  	s6 =	sshrl.u32 s19, $0x2;
	s2 =	sadd.s32 $0x80, s2;
	[tilespmem:s10+$0xA250] =	vst.add.f32.msk $0xffff, v4;
	s15 =	sadd.s32 $0x400, s15  }
0x1be: {  	s23 =	sand.u32 $0x1C00, s15;
	s6 =	sand.u32 $0x380, s6;
	p1 =	slt.u32 s2, $0x1F80;
	[tilespmem:s10+$0xA260] =	vst.add.f32.msk $0xffff, v3  }
0x1bf: {  	[tilespmem:s10+$0xA200] =	vst.add.f32.msk $0xffff, v2;
	s10 =	sor.u32 s23, s6  }
0x1c0: {  	v2 =	vld [tilespmem:s10+$0x12200];
	s6 =	sadd.s32 $0x10200, s10  }
0x1c1: {  	v3 =	vld [tilespmem:s6+$0x2070]  }
0x1c2: {  	v5 =	vld [tilespmem:s6+$0x2010]  }
0x1c3: {  	v6 =	vld [tilespmem:s6+$0x2020]  }
0x1c4: {  	v7 =	vld [tilespmem:s6+$0x2030]  }
0x1c5: {  	v8 =	vld [tilespmem:s6+$0x2040]  }
0x1c6: {  	[tilespmem:s10+$0xA270] =	vst.add.f32.msk $0xffff, v3  }
0x1c7: {  	v4 =	vld [tilespmem:s6+$0x2050]  }
.Ltmp7:
0x1c8: {  	v3 =	vld [tilespmem:s6+$0x2060];
	(pc) =	sbr.rel @p1 .LBB2_13-.Ltmp7, $4  }
0x1c9: {  	[tilespmem:s10+$0xA210] =	vst.add.f32.msk $0xffff, v5  }
0x1ca: {  	[tilespmem:s10+$0xA220] =	vst.add.f32.msk $0xffff, v6  }
0x1cb: {  	[tilespmem:s10+$0xA230] =	vst.add.f32.msk $0xffff, v7  }
0x1cc: {  	s19 =	sadd.s32 $0x40, s19;
	[tilespmem:s10+$0xA240] =	vst.add.f32.msk $0xffff, v8  }
0x1cd: {  	s2 =	sshll.u32 s17, $0x9  }
0x1ce: {  	s2 =	sand.u32 $0x1800, s2  }
0x1cf: {  	s2 =	sor.u32 s2, s31  }
0x1d0: {  	[tilespmem:s10+$0xA250] =	vst.add.f32.msk $0xffff, v4;
	s2 =	sor.u32 s4, s2  }
0x1d1: {  	[tilespmem:s10+$0xA260] =	vst.add.f32.msk $0xffff, v3;
	s2 =	sshll.u32 s2, $0x7  }
0x1d2: {  	[tilespmem:s10+$0xA200] =	vst.add.f32.msk $0xffff, v2;
	s23 =	simm.s32 $0xA200;
	s2 =	sadd.s32 s3, s2  }
0x1d3: {  	[hbm4b:s2+s5] =	stream.linear.scatter [tilespmem:s23], [sflag:$0xE], $0x2000, $0x38;
	[tilespmem:$0x18200] =	vst v63  }
0x1d4: {  	s2 =	sadd.s32 @!p0 $0xA, s9  }
0x1d5: {  	s6 =	simm.s32 @!p0 $0xB;
	s10 =	sshll.u32 @!p0 s2, $0x5;
	s2 =	sshll.u32 @!p0 s2, $0x1  }
0x1d6: {  	_ =	swait.ge @!p0 [sflag:s6], $0x2000;
	s10 =	sand.u32 @!p0 $0x100, s10;
	s2 =	sand.u32 @!p0 $0x60, s2  }
0x1d7: {  	[sflag:s6] =	ssyncset.done @!p0 $0x0;
	s2 =	sor.u32 @!p0 s2, s10  }
0x1d8: {  	[sflag:s6] =	ssyncadd.s32 @!p0 $0xFFFFE000;
	s2 =	sor.u32 @!p0 $0x10, s2  }
0x1d9: {  	v2 =	vld.msk @!p0 [tilespmem:s2+$0x0], $0xff;
	_ =	sdelay $0x4  }
0x1da: {  	v3 =	vshll.u32 @!p0 v2, $0x3  }
0x1db: {  	v4 =	vlaneseq.u32 @!p0;
	v2 =	vand.u32 @!p0 $0x7, v2;
	v3 =	vand.u32 @!p0 $0xFFFFFFC0, v3  }
0x1dc: {  	v2 =	vor.u32 @!p0 v2, v3;
	v3 =	vand.u32 @!p0 $0x7, v4;
	v4 =	vshrl.u32 @!p0 v4, $0x3  }
0x1dd: {  	v2 =	vperm.xlane @!p0 v2, v3;
	v3 =	vmul.u32 @!p0 $0x8, v4;
	_ =	sdelay $0x1  }
0x1de: {  	v2 =	vadd.s32 @!p0 v3, v2;
	_ =	sdelay $0x3  }
0x1df: {  	s6 =	simm.s32 @!p0 $0x4200;
	s2 =	simm.s32 @!p0 $0x0  }
0x1e0: {  	[tilespmem:s6], [sflag:$0x3] =	stream.indirect_vreg.gather @!p0 [hbm4b:s1+s2], $0x80, v2, vm1, $0xb8;
	[tilespmem:$0x18200] =	vst v63  }
0x1e1: {  	s6 =	simm.s32 @!p0 $0x4A00  }
0x1e2: {  	[tilespmem:s6], [sflag:$0x3] =	stream.indirect_vreg.gather @!p0 [hbm4b:s12+s2], $0x80, v2, vm1, $0xb8;
	[tilespmem:$0x18200] =	vst v63  }
0x1e3: {  	s6 =	simm.s32 @!p0 $0x5200  }
0x1e4: {  	[tilespmem:s6], [sflag:$0x3] =	stream.indirect_vreg.gather @!p0 [hbm4b:s13+s2], $0x80, v2, vm1, $0xb8;
	[tilespmem:$0x18200] =	vst v63  }
0x1e5: {  	s6 =	simm.s32 @!p0 $0x5A00  }
0x1e6: {  	[tilespmem:s6], [sflag:$0x3] =	stream.indirect_vreg.gather @!p0 [hbm4b:s14+s2], $0x80, v2, vm1, $0xb8;
	[tilespmem:$0x18200] =	vst v63  }
0x1e7: {  	s15 =	simm.s32 $0x0;
	s19 =	simm.s32 $0x0;
	_ =	swait.ge [sflag:s18], $0x2000  }
0x1e8: {  	s31 =	sand.u32 $0x1C00, s15;
	s2 =	sand.u32 $0x380, s19;
	[sflag:s18] =	ssyncset.done $0x0  }
0x1e9: {  	s10 =	sor.u32 s31, s2;
	[sflag:s18] =	ssyncadd.s32 $0xFFFFE000  }
0x1ea: {  	s2 =	sadd.s32 $0x10200, s10;
	v2 =	vld [tilespmem:s10+$0x14200]  }
0x1eb: {  	v3 =	vld [tilespmem:s2+$0x4070]  }
0x1ec: {  	v5 =	vld [tilespmem:s2+$0x4010]  }
0x1ed: {  	v6 =	vld [tilespmem:s2+$0x4020]  }
0x1ee: {  	v7 =	vld [tilespmem:s2+$0x4030]  }
0x1ef: {  	v8 =	vld [tilespmem:s2+$0x4040]  }
0x1f0: {  	v4 =	vld [tilespmem:s2+$0x4050]  }
0x1f1: {  	[tilespmem:s10+$0xC270] =	vst.add.f32.msk $0xffff, v3  }
0x1f2: {  	v3 =	vld [tilespmem:s2+$0x4060]  }
0x1f3: {  	[tilespmem:s10+$0xC210] =	vst.add.f32.msk $0xffff, v5  }
0x1f4: {  	[tilespmem:s10+$0xC220] =	vst.add.f32.msk $0xffff, v6  }
0x1f5: {  	[tilespmem:s10+$0xC230] =	vst.add.f32.msk $0xffff, v7  }
0x1f6: {  	s17 =	simm.s32 $0x40;
	s30 =	simm.s32 $0xE200;
	s2 =	simm.s32 $0x0;
	[tilespmem:s10+$0xC240] =	vst.add.f32.msk $0xffff, v8  }
.LBB2_15:
0x1f7: {  	s6 =	sshrl.u32 s17, $0x2;
	s2 =	sadd.s32 $0x80, s2;
	[tilespmem:s10+$0xC250] =	vst.add.f32.msk $0xffff, v4;
	s15 =	sadd.s32 $0x400, s15  }
0x1f8: {  	s19 =	sand.u32 $0x1C00, s15;
	s6 =	sand.u32 $0x380, s6;
	p1 =	slt.u32 s2, $0x1F80;
	[tilespmem:s10+$0xC260] =	vst.add.f32.msk $0xffff, v3  }
0x1f9: {  	[tilespmem:s10+$0xC200] =	vst.add.f32.msk $0xffff, v2;
	s10 =	sor.u32 s19, s6  }
0x1fa: {  	v2 =	vld [tilespmem:s10+$0x14200];
	s6 =	sadd.s32 $0x10200, s10  }
0x1fb: {  	v3 =	vld [tilespmem:s6+$0x4070]  }
0x1fc: {  	v5 =	vld [tilespmem:s6+$0x4010]  }
0x1fd: {  	v6 =	vld [tilespmem:s6+$0x4020]  }
0x1fe: {  	v7 =	vld [tilespmem:s6+$0x4030]  }
0x1ff: {  	v8 =	vld [tilespmem:s6+$0x4040]  }
0x200: {  	[tilespmem:s10+$0xC270] =	vst.add.f32.msk $0xffff, v3  }
0x201: {  	v4 =	vld [tilespmem:s6+$0x4050]  }
.Ltmp8:
0x202: {  	v3 =	vld [tilespmem:s6+$0x4060];
	(pc) =	sbr.rel @p1 .LBB2_15-.Ltmp8, $4  }
0x203: {  	[tilespmem:s10+$0xC210] =	vst.add.f32.msk $0xffff, v5  }
0x204: {  	[tilespmem:s10+$0xC220] =	vst.add.f32.msk $0xffff, v6  }
0x205: {  	[tilespmem:s10+$0xC230] =	vst.add.f32.msk $0xffff, v7  }
0x206: {  	s17 =	sadd.s32 $0x40, s17;
	[tilespmem:s10+$0xC240] =	vst.add.f32.msk $0xffff, v8  }
0x207: {  	s2 =	sshll.u32 s11, $0x9  }
0x208: {  	s2 =	sand.u32 $0x1800, s2  }
0x209: {  	s2 =	sor.u32 s2, s26  }
0x20a: {  	[tilespmem:s10+$0xC250] =	vst.add.f32.msk $0xffff, v4;
	s2 =	sadd.s32 s4, s2  }
0x20b: {  	[tilespmem:s10+$0xC260] =	vst.add.f32.msk $0xffff, v3;
	s2 =	sshll.u32 s2, $0x7  }
0x20c: {  	[tilespmem:s10+$0xC200] =	vst.add.f32.msk $0xffff, v2;
	s26 =	simm.s32 $0xC200;
	s2 =	sadd.s32 s3, s2  }
0x20d: {  	[hbm4b:s2+s5] =	stream.linear.scatter [tilespmem:s26], [sflag:$0xF], $0x2000, $0x38;
	[tilespmem:$0x18200] =	vst v63  }
0x20e: {  	s2 =	sadd.s32 @!p0 $0xB, s9  }
0x20f: {  	s6 =	simm.s32 @!p0 $0xC;
	s10 =	sshll.u32 @!p0 s2, $0x5;
	s2 =	sshll.u32 @!p0 s2, $0x1  }
0x210: {  	_ =	swait.ge @!p0 [sflag:s6], $0x2000;
	s10 =	sand.u32 @!p0 $0x100, s10;
	s2 =	sand.u32 @!p0 $0x60, s2  }
0x211: {  	[sflag:s6] =	ssyncset.done @!p0 $0x0;
	s2 =	sor.u32 @!p0 s2, s10  }
0x212: {  	[sflag:s6] =	ssyncadd.s32 @!p0 $0xFFFFE000;
	s2 =	sor.u32 @!p0 $0x18, s2  }
0x213: {  	v2 =	vld.msk @!p0 [tilespmem:s2+$0x0], $0xff;
	_ =	sdelay $0x4  }
0x214: {  	v3 =	vshll.u32 @!p0 v2, $0x3  }
0x215: {  	v4 =	vlaneseq.u32 @!p0;
	v2 =	vand.u32 @!p0 $0x7, v2;
	v3 =	vand.u32 @!p0 $0xFFFFFFC0, v3  }
0x216: {  	v2 =	vor.u32 @!p0 v2, v3;
	v3 =	vand.u32 @!p0 $0x7, v4;
	v4 =	vshrl.u32 @!p0 v4, $0x3  }
0x217: {  	v2 =	vperm.xlane @!p0 v2, v3;
	v3 =	vmul.u32 @!p0 $0x8, v4;
	_ =	sdelay $0x1  }
0x218: {  	v2 =	vadd.s32 @!p0 v3, v2;
	_ =	sdelay $0x3  }
0x219: {  	s6 =	simm.s32 @!p0 $0x6200;
	s2 =	simm.s32 @!p0 $0x0  }
0x21a: {  	[tilespmem:s6], [sflag:$0x4] =	stream.indirect_vreg.gather @!p0 [hbm4b:s1+s2], $0x80, v2, vm1, $0xb8;
	[tilespmem:$0x18200] =	vst v63  }
0x21b: {  	s6 =	simm.s32 @!p0 $0x6A00  }
0x21c: {  	[tilespmem:s6], [sflag:$0x4] =	stream.indirect_vreg.gather @!p0 [hbm4b:s12+s2], $0x80, v2, vm1, $0xb8;
	[tilespmem:$0x18200] =	vst v63  }
0x21d: {  	s6 =	simm.s32 @!p0 $0x7200  }
0x21e: {  	[tilespmem:s6], [sflag:$0x4] =	stream.indirect_vreg.gather @!p0 [hbm4b:s13+s2], $0x80, v2, vm1, $0xb8;
	[tilespmem:$0x18200] =	vst v63  }
0x21f: {  	s6 =	simm.s32 @!p0 $0x7A00  }
0x220: {  	[tilespmem:s6], [sflag:$0x4] =	stream.indirect_vreg.gather @!p0 [hbm4b:s14+s2], $0x80, v2, vm1, $0xb8;
	[tilespmem:$0x18200] =	vst v63  }
0x221: {  	s11 =	simm.s32 $0x0;
	s19 =	simm.s32 $0x0;
	_ =	swait.ge [sflag:s20], $0x2000  }
0x222: {  	s31 =	sand.u32 $0x1C00, s11;
	s2 =	sand.u32 $0x380, s19;
	[sflag:s20] =	ssyncset.done $0x0  }
0x223: {  	s10 =	sor.u32 s31, s2;
	[sflag:s20] =	ssyncadd.s32 $0xFFFFE000  }
0x224: {  	s2 =	sadd.s32 $0x10200, s10;
	v2 =	vld [tilespmem:s10+$0x16200]  }
0x225: {  	v3 =	vld [tilespmem:s2+$0x6070]  }
0x226: {  	v5 =	vld [tilespmem:s2+$0x6010]  }
0x227: {  	v6 =	vld [tilespmem:s2+$0x6020]  }
0x228: {  	v7 =	vld [tilespmem:s2+$0x6030]  }
0x229: {  	v8 =	vld [tilespmem:s2+$0x6040]  }
0x22a: {  	v4 =	vld [tilespmem:s2+$0x6050]  }
0x22b: {  	[tilespmem:s10+$0xE270] =	vst.add.f32.msk $0xffff, v3  }
0x22c: {  	v3 =	vld [tilespmem:s2+$0x6060]  }
0x22d: {  	[tilespmem:s10+$0xE210] =	vst.add.f32.msk $0xffff, v5  }
0x22e: {  	[tilespmem:s10+$0xE220] =	vst.add.f32.msk $0xffff, v6  }
0x22f: {  	[tilespmem:s10+$0xE230] =	vst.add.f32.msk $0xffff, v7  }
0x230: {  	s15 =	simm.s32 $0x40;
	s2 =	simm.s32 $0x0;
	[tilespmem:s10+$0xE240] =	vst.add.f32.msk $0xffff, v8  }
.LBB2_17:
0x231: {  	s6 =	sshrl.u32 s15, $0x2;
	s2 =	sadd.s32 $0x80, s2;
	[tilespmem:s10+$0xE250] =	vst.add.f32.msk $0xffff, v4;
	s11 =	sadd.s32 $0x400, s11  }
0x232: {  	s17 =	sand.u32 $0x1C00, s11;
	s6 =	sand.u32 $0x380, s6;
	p1 =	slt.u32 s2, $0x1F80;
	[tilespmem:s10+$0xE260] =	vst.add.f32.msk $0xffff, v3  }
0x233: {  	[tilespmem:s10+$0xE200] =	vst.add.f32.msk $0xffff, v2;
	s10 =	sor.u32 s17, s6  }
0x234: {  	v2 =	vld [tilespmem:s10+$0x16200];
	s6 =	sadd.s32 $0x10200, s10  }
0x235: {  	v3 =	vld [tilespmem:s6+$0x6070]  }
0x236: {  	v5 =	vld [tilespmem:s6+$0x6010]  }
0x237: {  	v6 =	vld [tilespmem:s6+$0x6020]  }
0x238: {  	v7 =	vld [tilespmem:s6+$0x6030]  }
0x239: {  	v8 =	vld [tilespmem:s6+$0x6040]  }
0x23a: {  	[tilespmem:s10+$0xE270] =	vst.add.f32.msk $0xffff, v3  }
0x23b: {  	v4 =	vld [tilespmem:s6+$0x6050]  }
.Ltmp9:
0x23c: {  	v3 =	vld [tilespmem:s6+$0x6060];
	(pc) =	sbr.rel @p1 .LBB2_17-.Ltmp9, $4  }
0x23d: {  	[tilespmem:s10+$0xE210] =	vst.add.f32.msk $0xffff, v5  }
0x23e: {  	[tilespmem:s10+$0xE220] =	vst.add.f32.msk $0xffff, v6  }
0x23f: {  	[tilespmem:s10+$0xE230] =	vst.add.f32.msk $0xffff, v7  }
0x240: {  	s15 =	sadd.s32 $0x40, s15;
	[tilespmem:s10+$0xE240] =	vst.add.f32.msk $0xffff, v8  }
0x241: {  	s2 =	sshll.u32 s22, $0x9  }
0x242: {  	s2 =	sand.u32 $0x1800, s2  }
.Ltmp10:
0x243: {  	s2 =	sor.u32 s2, s25;
	(pc) =	sbr.rel @p0 .LBB2_20-.Ltmp10, $4  }
0x244: {  	[tilespmem:s10+$0xE250] =	vst.add.f32.msk $0xffff, v4;
	s2 =	sadd.s32 s4, s2  }
0x245: {  	[tilespmem:s10+$0xE260] =	vst.add.f32.msk $0xffff, v3;
	s2 =	sshll.u32 s2, $0x7  }
0x246: {  	[tilespmem:s10+$0xE200] =	vst.add.f32.msk $0xffff, v2;
	s2 =	sadd.s32 s3, s2  }
0x247: {  	[hbm4b:s2+s5] =	stream.linear.scatter [tilespmem:s30], [sflag:$0x10], $0x2000, $0x38;
	[tilespmem:$0x18200] =	vst v63  }
0x248: {  	s2 =	sadd.s32 $0xC, s9  }
0x249: {  	_ =	swait.ge [sflag:s7], $0x2000;
	s6 =	sshll.u32 s2, $0x5;
	s2 =	sshll.u32 s2, $0x1  }
0x24a: {  	[sflag:s7] =	ssyncset.done $0x0;
	s6 =	sand.u32 $0x180, s6;
	s2 =	sand.u32 $0x60, s2  }
0x24b: {  	[sflag:s7] =	ssyncadd.s32 $0xFFFFE000;
	s2 =	sor.u32 s2, s6  }
0x24c: {  	v2 =	vld.msk [tilespmem:s2+$0x0], $0xff;
	_ =	sdelay $0x4  }
0x24d: {  	v3 =	vshll.u32 v2, $0x3  }
0x24e: {  	v2 =	vand.u32 $0x7, v2;
	v3 =	vand.u32 $0xFFFFFFC0, v3  }
0x24f: {  	v2 =	vor.u32 v2, v3  }
0x250: {  	v2 =	vperm.xlane v2, v0;
	_ =	sdelay $0x1  }
0x251: {  	v2 =	vadd.s32 v1, v2;
	_ =	sdelay $0x4  }
0x252: {  	[tilespmem:s24], [sflag:$0x5] =	stream.indirect_vreg.gather [hbm4b:s1+s5], $0x80, v2, vm0, $0xb8;
	[tilespmem:$0x18200] =	vst v63  }
0x253: {  	s24 =	simm.s32 $0x8A00  }
0x254: {  	[tilespmem:s24], [sflag:$0x5] =	stream.indirect_vreg.gather [hbm4b:s12+s5], $0x80, v2, vm0, $0xb8;
	[tilespmem:$0x18200] =	vst v63  }
.Ltmp11:
0x255: {  	_ = 	snop;
	(pc) =	sbr.rel .LBB2_2-.Ltmp11, $4  }
0x256: {  	s25 =	simm.s32 $0x9200  }
0x257: {  	[tilespmem:s25], [sflag:$0x5] =	stream.indirect_vreg.gather [hbm4b:s13+s5], $0x80, v2, vm0, $0xb8;
	[tilespmem:$0x18200] =	vst v63  }
0x258: {  	s31 =	simm.s32 $0x9A00;
	s8 =	sadd.s32 $0x1, s8  }
0x259: {  	[tilespmem:s31], [sflag:$0x5] =	stream.indirect_vreg.gather [hbm4b:s14+s5], $0x80, v2, vm0, $0xb8;
	[tilespmem:$0x18200] =	vst v63  }
.LBB2_21:
0x25a: {  	_ =	sfence.sel $0x180000  }
0x25b: {  	[bflag:$0x0] =	sbarrier.arrive $0xFFFF  }
0x25c: {  	_ =	strace $0x90000047  }
0x25d: {  	s0 =	stileid.u32;
	[bflag:$0x2] =	sbarrier.arrive $0xFFFF  }
0x25e: {  	p0 =	sne.s32 s0, $0x0;
	s0 =	rddreg [dreg:$0x4]  }
0x25f: {  	s0 =	sadd.s32 @!p0 $0x100000, s0  }
0x260: {  	[sflag:s0] =	ssyncadd.tile.s32 @!p0 $0x1;
	_ =	shalt  }
.Lfunc_end2:
_tile_overlayer_lowered:
.L_overlay_start_2:
0x261: {  	(tag) =	ssettag $0x2  }
0x262: {  	s0 =	rddreg [dreg:$0x0];
	s2 =	stileid.u32  }
0x263: {  	s1 =	rddreg [dreg:$0x1];
	p0 =	sne.s32 s2, $0x0  }
0x264: {  	s3 =	rddreg [dreg:$0x2];
	[bflag:$0x3] =	sbarrier.arrive $0xFFFF;
	s2 =	simm.s32 @!p0 $0x1C11  }
0x265: {  	[timem:s3], [sflag:s2] =	dma.local @!p0 [hbm:s0], s1  }
0x266: {  	s0 =	simm.s32 @!p0 $0x11  }
0x267: {  	_ =	swait.ge @!p0 [sflag:s0], s1  }
0x268: {  	s1 =	ssub.s32 @!p0 $0x0, s1;
	[sflag:s0] =	ssyncset.done @!p0 $0x0  }
0x269: {  	[sflag:s0] =	ssyncadd.s32 @!p0 s1  }
0x26a: {  	[bflag:$0x3] =	sbarrier.arrive $0xFFFF  }
0x26b: {  	_ =	shalt  }

</sc_bundles>
